<compile_context>
chip_gen: v7x
topology: tpu7x:2x2x1
jax: 0.10.2.dev20260603
libtpu: 0.0.44.dev20260713+nightly
codegen_flags: <defaults>
</compile_context>

<pallas_src>
import functools

import jax
import jax.numpy as jnp
import numpy as np
from jax import lax
from jax.experimental import pallas as pl
from jax.experimental.pallas import tpu as pltpu
from jax.experimental.pallas import tpu_sc as plsc

_N_EXPERTS = 8
_N_ACTIVE = 5
_TEMP = float(np.e)
_N_TOK = 2048

_INFO = plsc.get_sparse_core_info()
_NC, _NS, _L = _INFO.num_cores, _INFO.num_subcores, _INFO.num_lanes
_NW = _NC * _NS
_TPW = _N_TOK // _NW


def _scores_body(x_ref, gw_ref, gb_ref, st_ref):
    st_ref[...] = (lax.dot_general(
        gw_ref[...], x_ref[...], (((0,), (1,)), ((), ())),
        preferred_element_type=jnp.float32)
        + gb_ref[...].reshape(_N_EXPERTS, 1)) / _TEMP


_gate_mesh = plsc.VectorSubcoreMesh(core_axis_name="c", subcore_axis_name="s")


@functools.partial(
    pl.kernel, mesh=_gate_mesh,
    out_type=jax.ShapeDtypeStruct((_N_EXPERTS, _N_TOK), jnp.float32),
    scratch_types=[
        pltpu.VMEM((_N_EXPERTS, _TPW), jnp.float32),
        pltpu.VMEM((_N_EXPERTS, _TPW), jnp.float32),
        pltpu.SemaphoreType.DMA,
    ],
)
def _gate_sc(st_hbm, w_hbm, sc_v, w_v, sem):
    wid = lax.axis_index("s") * _NC + lax.axis_index("c")
    base = wid * _TPW
    copies = [pltpu.make_async_copy(
        st_hbm.at[i, pl.ds(base, _TPW)], sc_v.at[i], sem)
        for i in range(_N_EXPERTS)]
    for cp in copies:
        cp.start()
    for cp in copies:
        cp.wait()
    for c in range(_TPW // _L):
        sl = pl.ds(c * _L, _L)
        p = [sc_v[i, sl] for i in range(_N_EXPERTS)]
        m = p[0]
        for i in range(1, _N_EXPERTS):
            m = jnp.maximum(m, p[i])
        ex = [jnp.exp(v - m) for v in p]
        tot = ex[0]
        for i in range(1, _N_EXPERTS):
            tot = tot + ex[i]
        pr = [v / tot for v in ex]
        w_cols = []
        wsum = None
        for i in range(_N_EXPERTS):
            beats = None
            for j in range(_N_EXPERTS):
                if j == i:
                    continue
                if j < i:
                    b = jnp.where(pr[j] >= pr[i], 1.0, 0.0)
                else:
                    b = jnp.where(pr[j] > pr[i], 1.0, 0.0)
                beats = b if beats is None else beats + b
            wi = jnp.where(beats < float(_N_ACTIVE), pr[i], 0.0)
            w_cols.append(wi)
            wsum = wi if wsum is None else wsum + wi
        inv = 1.0 / (wsum + 1e-8)
        for i in range(_N_EXPERTS):
            w_v[i, sl] = w_cols[i] * inv
    out_copies = [pltpu.make_async_copy(
        w_v.at[i], w_hbm.at[i, pl.ds(base, _TPW)], sem)
        for i in range(_N_EXPERTS)]
    for cp in out_copies:
        cp.start()
    for cp in out_copies:
        cp.wait()


def _experts_body(xb_ref, wts_ref, b3f_ref, w1_ref, b1_ref, w2_ref,
                  b2_ref, w3_ref, b3_ref, out_ref):
    e = pl.program_id(0)

    @pl.when(e == 0)
    def _init():
        out_ref[...] = jnp.dot(jnp.transpose(wts_ref[...]), b3f_ref[...],
                               preferred_element_type=jnp.float32)

    w_col = jnp.transpose(wts_ref[pl.ds(e, 1), :])

    h1 = jnp.maximum(
        jnp.dot(xb_ref[...], w1_ref[0], preferred_element_type=jnp.float32)
        + b1_ref[0], 0.0)
    h2 = jnp.maximum(
        jnp.dot(h1, w2_ref[0], preferred_element_type=jnp.float32)
        + b2_ref[0], 0.0)
    h2w = h2 * w_col
    out_ref[...] += jnp.dot(h2w, w3_ref[0], preferred_element_type=jnp.float32)


def kernel(x, gate_W, gate_b, W1, b1, W2, b2, W3, b3):
    n, d = x.shape
    st = pl.pallas_call(
        _scores_body,
        out_shape=jax.ShapeDtypeStruct((_N_EXPERTS, n), jnp.float32),
    )(x, gate_W, gate_b.reshape(1, -1))

    wts = _gate_sc(st)

    return pl.pallas_call(
        _experts_body,
        grid=(_N_EXPERTS,),
        in_specs=[
            pl.BlockSpec((_N_TOK, d), lambda e: (0, 0)),
            pl.BlockSpec((_N_EXPERTS, _N_TOK), lambda e: (0, 0)),
            pl.BlockSpec((_N_EXPERTS, b3.shape[1]), lambda e: (0, 0)),
            pl.BlockSpec((1, d, W1.shape[2]), lambda e: (e, 0, 0)),
            pl.BlockSpec((1, 1, b1.shape[1]), lambda e: (e, 0, 0)),
            pl.BlockSpec((1, W2.shape[1], W2.shape[2]), lambda e: (e, 0, 0)),
            pl.BlockSpec((1, 1, b2.shape[1]), lambda e: (e, 0, 0)),
            pl.BlockSpec((1, W3.shape[1], W3.shape[2]), lambda e: (e, 0, 0)),
            pl.BlockSpec((1, 1, b3.shape[1]), lambda e: (e, 0, 0)),
        ],
        out_specs=pl.BlockSpec((_N_TOK, W3.shape[2]), lambda e: (0, 0)),
        out_shape=jax.ShapeDtypeStruct((n, W3.shape[2]), jnp.float32),
        compiler_params=pltpu.CompilerParams(
            dimension_semantics=("arbitrary",),
            vmem_limit_bytes=100 * 1024 * 1024,
        ),
    )(x, wts, b3, W1, b1[:, None, :], W2, b2[:, None, :], W3,
      b3[:, None, :])

# --- scband reference (transcript-rebuilt; emitter-appended) ---
"""Pipeline reference for scband-mo-e-25005299597538 (READ-ONLY COPY).

The authoritative reference and input builder live on the scoring server;
editing this copy changes nothing except your own understanding.
"""

import jax, jax.numpy as jnp
import numpy as np

INPUT_DIM = 1024
HIDDEN_DIM = 1024
OUTPUT_DIM = 1024
N_EXPERTS = 8
TEMPERATURE = float(np.e)
ACTIVE_RATIO = 0.7
N_ACTIVE = max(1, int(N_EXPERTS * ACTIVE_RATIO))  # 5
N_TOKENS = 2048


def setup_inputs(seed: int = 0) -> dict:
    key = jax.random.key(seed)
    ks = jax.random.split(key, 10)
    x = jax.random.normal(ks[0], (N_TOKENS, INPUT_DIM), dtype=jnp.float32)
    s_in = 1.0 / np.sqrt(INPUT_DIM)
    s_h = 1.0 / np.sqrt(HIDDEN_DIM)
    gate_W = jax.random.normal(ks[1], (INPUT_DIM, N_EXPERTS), dtype=jnp.float32) * s_in
    gate_b = jnp.zeros((N_EXPERTS,), dtype=jnp.float32)
    W1 = jax.random.normal(ks[2], (N_EXPERTS, INPUT_DIM, HIDDEN_DIM), dtype=jnp.float32) * s_in
    b1 = jnp.zeros((N_EXPERTS, HIDDEN_DIM), dtype=jnp.float32)
    W2 = jax.random.normal(ks[3], (N_EXPERTS, HIDDEN_DIM, HIDDEN_DIM), dtype=jnp.float32) * s_h
    b2 = jnp.zeros((N_EXPERTS, HIDDEN_DIM), dtype=jnp.float32)
    W3 = jax.random.normal(ks[4], (N_EXPERTS, HIDDEN_DIM, OUTPUT_DIM), dtype=jnp.float32) * s_h
    b3 = jnp.zeros((N_EXPERTS, OUTPUT_DIM), dtype=jnp.float32)
    return {"x": x, "gate_W": gate_W, "gate_b": gate_b,
            "W1": W1, "b1": b1, "W2": W2, "b2": b2, "W3": W3, "b3": b3}


def reference(x, gate_W, gate_b, W1, b1, W2, b2, W3, b3):
    # BoltzmannGate
    scores = (x @ gate_W + gate_b) / TEMPERATURE
    probs = jax.nn.softmax(scores, axis=-1)
    _, topk_idx = jax.lax.top_k(probs, N_ACTIVE)
    rows = jnp.arange(probs.shape[0])[:, None]
    mask = jnp.zeros_like(probs).at[rows, topk_idx].set(1.0)
    weights = probs * mask
    weights = weights / (weights.sum(axis=-1, keepdims=True) + 1e-08)
    # Experts (dropout is identity in eval mode)
    h1 = jax.nn.relu(jnp.einsum('nd,edh->enh', x, W1) + b1[:, None, :])
    h2 = jax.nn.relu(jnp.einsum('enh,ehg->eng', h1, W2) + b2[:, None, :])
    out = jnp.einsum('eng,ego->eno', h2, W3) + b3[:, None, :]  # [E, N, O]
    out = jnp.transpose(out, (1, 0, 2))  # [N, E, O]
    return (weights[..., None] * out).sum(axis=1)

if __name__ == "__main__":
    import jax
    _d = setup_inputs()
    print(jax.jit(kernel)(*tuple(_d.values())))

</pallas_src>

<mosaic_0001>
#map = affine_map<(d0, d1) -> (0, 0)>
module attributes {stable_mosaic.version = 14 : i64} {
  func.func @_gate_sc(%arg0: i32, %arg1: i32, %arg2: memref<8x2048xf32, #tpu.memory_space<hbm>>, %arg3: memref<8x2048xf32, #tpu.memory_space<hbm>>, %arg4: memref<8x64xf32, #tpu.memory_space<vmem>>, %arg5: memref<8x64xf32, #tpu.memory_space<vmem>>, %arg6: memref<!tpu.dma_semaphore, #tpu.memory_space<semaphore_mem>>) attributes {dimension_semantics = [#tpu.dimension_semantics<core_parallel>, #tpu.dimension_semantics<subcore_parallel>], iteration_bounds = array<i64: 2, 16>, scalar_prefetch = 0 : i64, scratch_operands = 3 : i64, tpu.core_type = #tpu.core_type<sc_vector_subcore>, window_params = [{transform_indices = #map}, {transform_indices = #map}]} {
    %mul3A = arith.constant 2 : i32
    %mul3A_0 = arith.muli %arg1, %mul3A : i32
    %add3A = arith.addi %mul3A_0, %arg0 : i32
    %mul3A_1 = arith.constant 64 : i32
    %mul3A_2 = arith.muli %add3A, %mul3A_1 : i32
    %dma_start3A = arith.constant 0 : i32
    %dma_start3A_3 = arith.constant 0 : i32
    %dma_start3A_4 = arith.constant 0 : i32
    %dma_start3A_5 = tpu.memref_slice %arg4[%dma_start3A_3, %dma_start3A_4] : memref<8x64xf32, #tpu.memory_space<vmem>> -> memref<1x64xf32, #tpu.memory_space<vmem>>
    %dma_start3A_6 = tpu.memref_squeeze %dma_start3A_5 : memref<1x64xf32, #tpu.memory_space<vmem>> -> memref<64xf32, #tpu.memory_space<vmem>>
    %dma_start3A_7 = tpu.memref_slice %arg2[%dma_start3A, %mul3A_2] : memref<8x2048xf32, #tpu.memory_space<hbm>> -> memref<1x64xf32, #tpu.memory_space<hbm>>
    %dma_start3A_8 = tpu.memref_squeeze %dma_start3A_7 : memref<1x64xf32, #tpu.memory_space<hbm>> -> memref<64xf32, #tpu.memory_space<hbm>>
    %dma_start3A_9 = arith.constant 0 : i32
    %dma_start3A_10 = tpu.memref_slice %arg4[%dma_start3A_3, %dma_start3A_9] : memref<8x64xf32, #tpu.memory_space<vmem>> -> memref<1x64xf32, #tpu.memory_space<vmem>>
    %dma_start3A_11 = tpu.memref_squeeze %dma_start3A_10 : memref<1x64xf32, #tpu.memory_space<vmem>> -> memref<64xf32, #tpu.memory_space<vmem>>
    %dma_start3A_12 = tpu.memref_slice %arg2[%dma_start3A, %mul3A_2] : memref<8x2048xf32, #tpu.memory_space<hbm>> -> memref<1x64xf32, #tpu.memory_space<hbm>>
    %dma_start3A_13 = tpu.memref_squeeze %dma_start3A_12 : memref<1x64xf32, #tpu.memory_space<hbm>> -> memref<64xf32, #tpu.memory_space<hbm>>
    tpu.enqueue_dma source(%dma_start3A_13 : memref<64xf32, #tpu.memory_space<hbm>>) target(%dma_start3A_11 : memref<64xf32, #tpu.memory_space<vmem>>) target_semaphore(%arg6 : memref<!tpu.dma_semaphore, #tpu.memory_space<semaphore_mem>>)
    %dma_start3A_14 = arith.constant 1 : i32
    %dma_start3A_15 = arith.constant 1 : i32
    %dma_start3A_16 = arith.constant 0 : i32
    %dma_start3A_17 = tpu.memref_slice %arg4[%dma_start3A_15, %dma_start3A_16] : memref<8x64xf32, #tpu.memory_space<vmem>> -> memref<1x64xf32, #tpu.memory_space<vmem>>
    %dma_start3A_18 = tpu.memref_squeeze %dma_start3A_17 : memref<1x64xf32, #tpu.memory_space<vmem>> -> memref<64xf32, #tpu.memory_space<vmem>>
    %dma_start3A_19 = tpu.memref_slice %arg2[%dma_start3A_14, %mul3A_2] : memref<8x2048xf32, #tpu.memory_space<hbm>> -> memref<1x64xf32, #tpu.memory_space<hbm>>
    %dma_start3A_20 = tpu.memref_squeeze %dma_start3A_19 : memref<1x64xf32, #tpu.memory_space<hbm>> -> memref<64xf32, #tpu.memory_space<hbm>>
    %dma_start3A_21 = arith.constant 0 : i32
    %dma_start3A_22 = tpu.memref_slice %arg4[%dma_start3A_15, %dma_start3A_21] : memref<8x64xf32, #tpu.memory_space<vmem>> -> memref<1x64xf32, #tpu.memory_space<vmem>>
    %dma_start3A_23 = tpu.memref_squeeze %dma_start3A_22 : memref<1x64xf32, #tpu.memory_space<vmem>> -> memref<64xf32, #tpu.memory_space<vmem>>
    %dma_start3A_24 = tpu.memref_slice %arg2[%dma_start3A_14, %mul3A_2] : memref<8x2048xf32, #tpu.memory_space<hbm>> -> memref<1x64xf32, #tpu.memory_space<hbm>>
    %dma_start3A_25 = tpu.memref_squeeze %dma_start3A_24 : memref<1x64xf32, #tpu.memory_space<hbm>> -> memref<64xf32, #tpu.memory_space<hbm>>
    tpu.enqueue_dma source(%dma_start3A_25 : memref<64xf32, #tpu.memory_space<hbm>>) target(%dma_start3A_23 : memref<64xf32, #tpu.memory_space<vmem>>) target_semaphore(%arg6 : memref<!tpu.dma_semaphore, #tpu.memory_space<semaphore_mem>>)
    %dma_start3A_26 = arith.constant 2 : i32
    %dma_start3A_27 = arith.constant 2 : i32
    %dma_start3A_28 = arith.constant 0 : i32
    %dma_start3A_29 = tpu.memref_slice %arg4[%dma_start3A_27, %dma_start3A_28] : memref<8x64xf32, #tpu.memory_space<vmem>> -> memref<1x64xf32, #tpu.memory_space<vmem>>
    %dma_start3A_30 = tpu.memref_squeeze %dma_start3A_29 : memref<1x64xf32, #tpu.memory_space<vmem>> -> memref<64xf32, #tpu.memory_space<vmem>>
    %dma_start3A_31 = tpu.memref_slice %arg2[%dma_start3A_26, %mul3A_2] : memref<8x2048xf32, #tpu.memory_space<hbm>> -> memref<1x64xf32, #tpu.memory_space<hbm>>
    %dma_start3A_32 = tpu.memref_squeeze %dma_start3A_31 : memref<1x64xf32, #tpu.memory_space<hbm>> -> memref<64xf32, #tpu.memory_space<hbm>>
    %dma_start3A_33 = arith.constant 0 : i32
    %dma_start3A_34 = tpu.memref_slice %arg4[%dma_start3A_27, %dma_start3A_33] : memref<8x64xf32, #tpu.memory_space<vmem>> -> memref<1x64xf32, #tpu.memory_space<vmem>>
    %dma_start3A_35 = tpu.memref_squeeze %dma_start3A_34 : memref<1x64xf32, #tpu.memory_space<vmem>> -> memref<64xf32, #tpu.memory_space<vmem>>
    %dma_start3A_36 = tpu.memref_slice %arg2[%dma_start3A_26, %mul3A_2] : memref<8x2048xf32, #tpu.memory_space<hbm>> -> memref<1x64xf32, #tpu.memory_space<hbm>>
    %dma_start3A_37 = tpu.memref_squeeze %dma_start3A_36 : memref<1x64xf32, #tpu.memory_space<hbm>> -> memref<64xf32, #tpu.memory_space<hbm>>
    tpu.enqueue_dma source(%dma_start3A_37 : memref<64xf32, #tpu.memory_space<hbm>>) target(%dma_start3A_35 : memref<64xf32, #tpu.memory_space<vmem>>) target_semaphore(%arg6 : memref<!tpu.dma_semaphore, #tpu.memory_space<semaphore_mem>>)
    %dma_start3A_38 = arith.constant 3 : i32
    %dma_start3A_39 = arith.constant 3 : i32
    %dma_start3A_40 = arith.constant 0 : i32
    %dma_start3A_41 = tpu.memref_slice %arg4[%dma_start3A_39, %dma_start3A_40] : memref<8x64xf32, #tpu.memory_space<vmem>> -> memref<1x64xf32, #tpu.memory_space<vmem>>
    %dma_start3A_42 = tpu.memref_squeeze %dma_start3A_41 : memref<1x64xf32, #tpu.memory_space<vmem>> -> memref<64xf32, #tpu.memory_space<vmem>>
    %dma_start3A_43 = tpu.memref_slice %arg2[%dma_start3A_38, %mul3A_2] : memref<8x2048xf32, #tpu.memory_space<hbm>> -> memref<1x64xf32, #tpu.memory_space<hbm>>
    %dma_start3A_44 = tpu.memref_squeeze %dma_start3A_43 : memref<1x64xf32, #tpu.memory_space<hbm>> -> memref<64xf32, #tpu.memory_space<hbm>>
    %dma_start3A_45 = arith.constant 0 : i32
    %dma_start3A_46 = tpu.memref_slice %arg4[%dma_start3A_39, %dma_start3A_45] : memref<8x64xf32, #tpu.memory_space<vmem>> -> memref<1x64xf32, #tpu.memory_space<vmem>>
    %dma_start3A_47 = tpu.memref_squeeze %dma_start3A_46 : memref<1x64xf32, #tpu.memory_space<vmem>> -> memref<64xf32, #tpu.memory_space<vmem>>
    %dma_start3A_48 = tpu.memref_slice %arg2[%dma_start3A_38, %mul3A_2] : memref<8x2048xf32, #tpu.memory_space<hbm>> -> memref<1x64xf32, #tpu.memory_space<hbm>>
    %dma_start3A_49 = tpu.memref_squeeze %dma_start3A_48 : memref<1x64xf32, #tpu.memory_space<hbm>> -> memref<64xf32, #tpu.memory_space<hbm>>
    tpu.enqueue_dma source(%dma_start3A_49 : memref<64xf32, #tpu.memory_space<hbm>>) target(%dma_start3A_47 : memref<64xf32, #tpu.memory_space<vmem>>) target_semaphore(%arg6 : memref<!tpu.dma_semaphore, #tpu.memory_space<semaphore_mem>>)
    %dma_start3A_50 = arith.constant 4 : i32
    %dma_start3A_51 = arith.constant 4 : i32
    %dma_start3A_52 = arith.constant 0 : i32
    %dma_start3A_53 = tpu.memref_slice %arg4[%dma_start3A_51, %dma_start3A_52] : memref<8x64xf32, #tpu.memory_space<vmem>> -> memref<1x64xf32, #tpu.memory_space<vmem>>
    %dma_start3A_54 = tpu.memref_squeeze %dma_start3A_53 : memref<1x64xf32, #tpu.memory_space<vmem>> -> memref<64xf32, #tpu.memory_space<vmem>>
    %dma_start3A_55 = tpu.memref_slice %arg2[%dma_start3A_50, %mul3A_2] : memref<8x2048xf32, #tpu.memory_space<hbm>> -> memref<1x64xf32, #tpu.memory_space<hbm>>
    %dma_start3A_56 = tpu.memref_squeeze %dma_start3A_55 : memref<1x64xf32, #tpu.memory_space<hbm>> -> memref<64xf32, #tpu.memory_space<hbm>>
    %dma_start3A_57 = arith.constant 0 : i32
    %dma_start3A_58 = tpu.memref_slice %arg4[%dma_start3A_51, %dma_start3A_57] : memref<8x64xf32, #tpu.memory_space<vmem>> -> memref<1x64xf32, #tpu.memory_space<vmem>>
    %dma_start3A_59 = tpu.memref_squeeze %dma_start3A_58 : memref<1x64xf32, #tpu.memory_space<vmem>> -> memref<64xf32, #tpu.memory_space<vmem>>
    %dma_start3A_60 = tpu.memref_slice %arg2[%dma_start3A_50, %mul3A_2] : memref<8x2048xf32, #tpu.memory_space<hbm>> -> memref<1x64xf32, #tpu.memory_space<hbm>>
    %dma_start3A_61 = tpu.memref_squeeze %dma_start3A_60 : memref<1x64xf32, #tpu.memory_space<hbm>> -> memref<64xf32, #tpu.memory_space<hbm>>
    tpu.enqueue_dma source(%dma_start3A_61 : memref<64xf32, #tpu.memory_space<hbm>>) target(%dma_start3A_59 : memref<64xf32, #tpu.memory_space<vmem>>) target_semaphore(%arg6 : memref<!tpu.dma_semaphore, #tpu.memory_space<semaphore_mem>>)
    %dma_start3A_62 = arith.constant 5 : i32
    %dma_start3A_63 = arith.constant 5 : i32
    %dma_start3A_64 = arith.constant 0 : i32
    %dma_start3A_65 = tpu.memref_slice %arg4[%dma_start3A_63, %dma_start3A_64] : memref<8x64xf32, #tpu.memory_space<vmem>> -> memref<1x64xf32, #tpu.memory_space<vmem>>
    %dma_start3A_66 = tpu.memref_squeeze %dma_start3A_65 : memref<1x64xf32, #tpu.memory_space<vmem>> -> memref<64xf32, #tpu.memory_space<vmem>>
    %dma_start3A_67 = tpu.memref_slice %arg2[%dma_start3A_62, %mul3A_2] : memref<8x2048xf32, #tpu.memory_space<hbm>> -> memref<1x64xf32, #tpu.memory_space<hbm>>
    %dma_start3A_68 = tpu.memref_squeeze %dma_start3A_67 : memref<1x64xf32, #tpu.memory_space<hbm>> -> memref<64xf32, #tpu.memory_space<hbm>>
    %dma_start3A_69 = arith.constant 0 : i32
    %dma_start3A_70 = tpu.memref_slice %arg4[%dma_start3A_63, %dma_start3A_69] : memref<8x64xf32, #tpu.memory_space<vmem>> -> memref<1x64xf32, #tpu.memory_space<vmem>>
    %dma_start3A_71 = tpu.memref_squeeze %dma_start3A_70 : memref<1x64xf32, #tpu.memory_space<vmem>> -> memref<64xf32, #tpu.memory_space<vmem>>
    %dma_start3A_72 = tpu.memref_slice %arg2[%dma_start3A_62, %mul3A_2] : memref<8x2048xf32, #tpu.memory_space<hbm>> -> memref<1x64xf32, #tpu.memory_space<hbm>>
    %dma_start3A_73 = tpu.memref_squeeze %dma_start3A_72 : memref<1x64xf32, #tpu.memory_space<hbm>> -> memref<64xf32, #tpu.memory_space<hbm>>
    tpu.enqueue_dma source(%dma_start3A_73 : memref<64xf32, #tpu.memory_space<hbm>>) target(%dma_start3A_71 : memref<64xf32, #tpu.memory_space<vmem>>) target_semaphore(%arg6 : memref<!tpu.dma_semaphore, #tpu.memory_space<semaphore_mem>>)
    %dma_start3A_74 = arith.constant 6 : i32
    %dma_start3A_75 = arith.constant 6 : i32
    %dma_start3A_76 = arith.constant 0 : i32
    %dma_start3A_77 = tpu.memref_slice %arg4[%dma_start3A_75, %dma_start3A_76] : memref<8x64xf32, #tpu.memory_space<vmem>> -> memref<1x64xf32, #tpu.memory_space<vmem>>
    %dma_start3A_78 = tpu.memref_squeeze %dma_start3A_77 : memref<1x64xf32, #tpu.memory_space<vmem>> -> memref<64xf32, #tpu.memory_space<vmem>>
    %dma_start3A_79 = tpu.memref_slice %arg2[%dma_start3A_74, %mul3A_2] : memref<8x2048xf32, #tpu.memory_space<hbm>> -> memref<1x64xf32, #tpu.memory_space<hbm>>
    %dma_start3A_80 = tpu.memref_squeeze %dma_start3A_79 : memref<1x64xf32, #tpu.memory_space<hbm>> -> memref<64xf32, #tpu.memory_space<hbm>>
    %dma_start3A_81 = arith.constant 0 : i32
    %dma_start3A_82 = tpu.memref_slice %arg4[%dma_start3A_75, %dma_start3A_81] : memref<8x64xf32, #tpu.memory_space<vmem>> -> memref<1x64xf32, #tpu.memory_space<vmem>>
    %dma_start3A_83 = tpu.memref_squeeze %dma_start3A_82 : memref<1x64xf32, #tpu.memory_space<vmem>> -> memref<64xf32, #tpu.memory_space<vmem>>
    %dma_start3A_84 = tpu.memref_slice %arg2[%dma_start3A_74, %mul3A_2] : memref<8x2048xf32, #tpu.memory_space<hbm>> -> memref<1x64xf32, #tpu.memory_space<hbm>>
    %dma_start3A_85 = tpu.memref_squeeze %dma_start3A_84 : memref<1x64xf32, #tpu.memory_space<hbm>> -> memref<64xf32, #tpu.memory_space<hbm>>
    tpu.enqueue_dma source(%dma_start3A_85 : memref<64xf32, #tpu.memory_space<hbm>>) target(%dma_start3A_83 : memref<64xf32, #tpu.memory_space<vmem>>) target_semaphore(%arg6 : memref<!tpu.dma_semaphore, #tpu.memory_space<semaphore_mem>>)
    %dma_start3A_86 = arith.constant 7 : i32
    %dma_start3A_87 = arith.constant 7 : i32
    %dma_start3A_88 = arith.constant 0 : i32
    %dma_start3A_89 = tpu.memref_slice %arg4[%dma_start3A_87, %dma_start3A_88] : memref<8x64xf32, #tpu.memory_space<vmem>> -> memref<1x64xf32, #tpu.memory_space<vmem>>
    %dma_start3A_90 = tpu.memref_squeeze %dma_start3A_89 : memref<1x64xf32, #tpu.memory_space<vmem>> -> memref<64xf32, #tpu.memory_space<vmem>>
    %dma_start3A_91 = tpu.memref_slice %arg2[%dma_start3A_86, %mul3A_2] : memref<8x2048xf32, #tpu.memory_space<hbm>> -> memref<1x64xf32, #tpu.memory_space<hbm>>
    %dma_start3A_92 = tpu.memref_squeeze %dma_start3A_91 : memref<1x64xf32, #tpu.memory_space<hbm>> -> memref<64xf32, #tpu.memory_space<hbm>>
    %dma_start3A_93 = arith.constant 0 : i32
    %dma_start3A_94 = tpu.memref_slice %arg4[%dma_start3A_87, %dma_start3A_93] : memref<8x64xf32, #tpu.memory_space<vmem>> -> memref<1x64xf32, #tpu.memory_space<vmem>>
    %dma_start3A_95 = tpu.memref_squeeze %dma_start3A_94 : memref<1x64xf32, #tpu.memory_space<vmem>> -> memref<64xf32, #tpu.memory_space<vmem>>
    %dma_start3A_96 = tpu.memref_slice %arg2[%dma_start3A_86, %mul3A_2] : memref<8x2048xf32, #tpu.memory_space<hbm>> -> memref<1x64xf32, #tpu.memory_space<hbm>>
    %dma_start3A_97 = tpu.memref_squeeze %dma_start3A_96 : memref<1x64xf32, #tpu.memory_space<hbm>> -> memref<64xf32, #tpu.memory_space<hbm>>
    tpu.enqueue_dma source(%dma_start3A_97 : memref<64xf32, #tpu.memory_space<hbm>>) target(%dma_start3A_95 : memref<64xf32, #tpu.memory_space<vmem>>) target_semaphore(%arg6 : memref<!tpu.dma_semaphore, #tpu.memory_space<semaphore_mem>>)
    %dma_wait3A = arith.constant 0 : i32
    %dma_wait3A_98 = arith.constant 0 : i32
    %dma_wait3A_99 = arith.constant 0 : i32
    %dma_wait3A_100 = tpu.memref_slice %arg4[%dma_wait3A_98, %dma_wait3A_99] : memref<8x64xf32, #tpu.memory_space<vmem>> -> memref<1x64xf32, #tpu.memory_space<vmem>>
    %dma_wait3A_101 = tpu.memref_squeeze %dma_wait3A_100 : memref<1x64xf32, #tpu.memory_space<vmem>> -> memref<64xf32, #tpu.memory_space<vmem>>
    %dma_wait3A_102 = tpu.memref_slice %arg2[%dma_wait3A, %mul3A_2] : memref<8x2048xf32, #tpu.memory_space<hbm>> -> memref<1x64xf32, #tpu.memory_space<hbm>>
    %dma_wait3A_103 = tpu.memref_squeeze %dma_wait3A_102 : memref<1x64xf32, #tpu.memory_space<hbm>> -> memref<64xf32, #tpu.memory_space<hbm>>
    %dma_wait3A_104 = arith.constant 0 : i32
    %dma_wait3A_105 = tpu.memref_slice %arg4[%dma_wait3A_98, %dma_wait3A_104] : memref<8x64xf32, #tpu.memory_space<vmem>> -> memref<1x64xf32, #tpu.memory_space<vmem>>
    %dma_wait3A_106 = tpu.memref_squeeze %dma_wait3A_105 : memref<1x64xf32, #tpu.memory_space<vmem>> -> memref<64xf32, #tpu.memory_space<vmem>>
    %dma_wait3A_107 = tpu.memref_slice %arg2[%dma_wait3A, %mul3A_2] : memref<8x2048xf32, #tpu.memory_space<hbm>> -> memref<1x64xf32, #tpu.memory_space<hbm>>
    %dma_wait3A_108 = tpu.memref_squeeze %dma_wait3A_107 : memref<1x64xf32, #tpu.memory_space<hbm>> -> memref<64xf32, #tpu.memory_space<hbm>>
    tpu.wait_dma2 semaphore(%arg6 : memref<!tpu.dma_semaphore, #tpu.memory_space<semaphore_mem>>) src(%dma_wait3A_108 : memref<64xf32, #tpu.memory_space<hbm>>) dst(%dma_wait3A_106 : memref<64xf32, #tpu.memory_space<vmem>>)
    %dma_wait3A_109 = arith.constant 1 : i32
    %dma_wait3A_110 = arith.constant 1 : i32
    %dma_wait3A_111 = arith.constant 0 : i32
    %dma_wait3A_112 = tpu.memref_slice %arg4[%dma_wait3A_110, %dma_wait3A_111] : memref<8x64xf32, #tpu.memory_space<vmem>> -> memref<1x64xf32, #tpu.memory_space<vmem>>
    %dma_wait3A_113 = tpu.memref_squeeze %dma_wait3A_112 : memref<1x64xf32, #tpu.memory_space<vmem>> -> memref<64xf32, #tpu.memory_space<vmem>>
    %dma_wait3A_114 = tpu.memref_slice %arg2[%dma_wait3A_109, %mul3A_2] : memref<8x2048xf32, #tpu.memory_space<hbm>> -> memref<1x64xf32, #tpu.memory_space<hbm>>
    %dma_wait3A_115 = tpu.memref_squeeze %dma_wait3A_114 : memref<1x64xf32, #tpu.memory_space<hbm>> -> memref<64xf32, #tpu.memory_space<hbm>>
    %dma_wait3A_116 = arith.constant 0 : i32
    %dma_wait3A_117 = tpu.memref_slice %arg4[%dma_wait3A_110, %dma_wait3A_116] : memref<8x64xf32, #tpu.memory_space<vmem>> -> memref<1x64xf32, #tpu.memory_space<vmem>>
    %dma_wait3A_118 = tpu.memref_squeeze %dma_wait3A_117 : memref<1x64xf32, #tpu.memory_space<vmem>> -> memref<64xf32, #tpu.memory_space<vmem>>
    %dma_wait3A_119 = tpu.memref_slice %arg2[%dma_wait3A_109, %mul3A_2] : memref<8x2048xf32, #tpu.memory_space<hbm>> -> memref<1x64xf32, #tpu.memory_space<hbm>>
    %dma_wait3A_120 = tpu.memref_squeeze %dma_wait3A_119 : memref<1x64xf32, #tpu.memory_space<hbm>> -> memref<64xf32, #tpu.memory_space<hbm>>
    tpu.wait_dma2 semaphore(%arg6 : memref<!tpu.dma_semaphore, #tpu.memory_space<semaphore_mem>>) src(%dma_wait3A_120 : memref<64xf32, #tpu.memory_space<hbm>>) dst(%dma_wait3A_118 : memref<64xf32, #tpu.memory_space<vmem>>)
    %dma_wait3A_121 = arith.constant 2 : i32
    %dma_wait3A_122 = arith.constant 2 : i32
    %dma_wait3A_123 = arith.constant 0 : i32
    %dma_wait3A_124 = tpu.memref_slice %arg4[%dma_wait3A_122, %dma_wait3A_123] : memref<8x64xf32, #tpu.memory_space<vmem>> -> memref<1x64xf32, #tpu.memory_space<vmem>>
    %dma_wait3A_125 = tpu.memref_squeeze %dma_wait3A_124 : memref<1x64xf32, #tpu.memory_space<vmem>> -> memref<64xf32, #tpu.memory_space<vmem>>
    %dma_wait3A_126 = tpu.memref_slice %arg2[%dma_wait3A_121, %mul3A_2] : memref<8x2048xf32, #tpu.memory_space<hbm>> -> memref<1x64xf32, #tpu.memory_space<hbm>>
    %dma_wait3A_127 = tpu.memref_squeeze %dma_wait3A_126 : memref<1x64xf32, #tpu.memory_space<hbm>> -> memref<64xf32, #tpu.memory_space<hbm>>
    %dma_wait3A_128 = arith.constant 0 : i32
    %dma_wait3A_129 = tpu.memref_slice %arg4[%dma_wait3A_122, %dma_wait3A_128] : memref<8x64xf32, #tpu.memory_space<vmem>> -> memref<1x64xf32, #tpu.memory_space<vmem>>
    %dma_wait3A_130 = tpu.memref_squeeze %dma_wait3A_129 : memref<1x64xf32, #tpu.memory_space<vmem>> -> memref<64xf32, #tpu.memory_space<vmem>>
    %dma_wait3A_131 = tpu.memref_slice %arg2[%dma_wait3A_121, %mul3A_2] : memref<8x2048xf32, #tpu.memory_space<hbm>> -> memref<1x64xf32, #tpu.memory_space<hbm>>
    %dma_wait3A_132 = tpu.memref_squeeze %dma_wait3A_131 : memref<1x64xf32, #tpu.memory_space<hbm>> -> memref<64xf32, #tpu.memory_space<hbm>>
    tpu.wait_dma2 semaphore(%arg6 : memref<!tpu.dma_semaphore, #tpu.memory_space<semaphore_mem>>) src(%dma_wait3A_132 : memref<64xf32, #tpu.memory_space<hbm>>) dst(%dma_wait3A_130 : memref<64xf32, #tpu.memory_space<vmem>>)
    %dma_wait3A_133 = arith.constant 3 : i32
    %dma_wait3A_134 = arith.constant 3 : i32
    %dma_wait3A_135 = arith.constant 0 : i32
    %dma_wait3A_136 = tpu.memref_slice %arg4[%dma_wait3A_134, %dma_wait3A_135] : memref<8x64xf32, #tpu.memory_space<vmem>> -> memref<1x64xf32, #tpu.memory_space<vmem>>
    %dma_wait3A_137 = tpu.memref_squeeze %dma_wait3A_136 : memref<1x64xf32, #tpu.memory_space<vmem>> -> memref<64xf32, #tpu.memory_space<vmem>>
    %dma_wait3A_138 = tpu.memref_slice %arg2[%dma_wait3A_133, %mul3A_2] : memref<8x2048xf32, #tpu.memory_space<hbm>> -> memref<1x64xf32, #tpu.memory_space<hbm>>
    %dma_wait3A_139 = tpu.memref_squeeze %dma_wait3A_138 : memref<1x64xf32, #tpu.memory_space<hbm>> -> memref<64xf32, #tpu.memory_space<hbm>>
    %dma_wait3A_140 = arith.constant 0 : i32
    %dma_wait3A_141 = tpu.memref_slice %arg4[%dma_wait3A_134, %dma_wait3A_140] : memref<8x64xf32, #tpu.memory_space<vmem>> -> memref<1x64xf32, #tpu.memory_space<vmem>>
    %dma_wait3A_142 = tpu.memref_squeeze %dma_wait3A_141 : memref<1x64xf32, #tpu.memory_space<vmem>> -> memref<64xf32, #tpu.memory_space<vmem>>
    %dma_wait3A_143 = tpu.memref_slice %arg2[%dma_wait3A_133, %mul3A_2] : memref<8x2048xf32, #tpu.memory_space<hbm>> -> memref<1x64xf32, #tpu.memory_space<hbm>>
    %dma_wait3A_144 = tpu.memref_squeeze %dma_wait3A_143 : memref<1x64xf32, #tpu.memory_space<hbm>> -> memref<64xf32, #tpu.memory_space<hbm>>
    tpu.wait_dma2 semaphore(%arg6 : memref<!tpu.dma_semaphore, #tpu.memory_space<semaphore_mem>>) src(%dma_wait3A_144 : memref<64xf32, #tpu.memory_space<hbm>>) dst(%dma_wait3A_142 : memref<64xf32, #tpu.memory_space<vmem>>)
    %dma_wait3A_145 = arith.constant 4 : i32
    %dma_wait3A_146 = arith.constant 4 : i32
    %dma_wait3A_147 = arith.constant 0 : i32
    %dma_wait3A_148 = tpu.memref_slice %arg4[%dma_wait3A_146, %dma_wait3A_147] : memref<8x64xf32, #tpu.memory_space<vmem>> -> memref<1x64xf32, #tpu.memory_space<vmem>>
    %dma_wait3A_149 = tpu.memref_squeeze %dma_wait3A_148 : memref<1x64xf32, #tpu.memory_space<vmem>> -> memref<64xf32, #tpu.memory_space<vmem>>
    %dma_wait3A_150 = tpu.memref_slice %arg2[%dma_wait3A_145, %mul3A_2] : memref<8x2048xf32, #tpu.memory_space<hbm>> -> memref<1x64xf32, #tpu.memory_space<hbm>>
    %dma_wait3A_151 = tpu.memref_squeeze %dma_wait3A_150 : memref<1x64xf32, #tpu.memory_space<hbm>> -> memref<64xf32, #tpu.memory_space<hbm>>
    %dma_wait3A_152 = arith.constant 0 : i32
    %dma_wait3A_153 = tpu.memref_slice %arg4[%dma_wait3A_146, %dma_wait3A_152] : memref<8x64xf32, #tpu.memory_space<vmem>> -> memref<1x64xf32, #tpu.memory_space<vmem>>
    %dma_wait3A_154 = tpu.memref_squeeze %dma_wait3A_153 : memref<1x64xf32, #tpu.memory_space<vmem>> -> memref<64xf32, #tpu.memory_space<vmem>>
    %dma_wait3A_155 = tpu.memref_slice %arg2[%dma_wait3A_145, %mul3A_2] : memref<8x2048xf32, #tpu.memory_space<hbm>> -> memref<1x64xf32, #tpu.memory_space<hbm>>
    %dma_wait3A_156 = tpu.memref_squeeze %dma_wait3A_155 : memref<1x64xf32, #tpu.memory_space<hbm>> -> memref<64xf32, #tpu.memory_space<hbm>>
    tpu.wait_dma2 semaphore(%arg6 : memref<!tpu.dma_semaphore, #tpu.memory_space<semaphore_mem>>) src(%dma_wait3A_156 : memref<64xf32, #tpu.memory_space<hbm>>) dst(%dma_wait3A_154 : memref<64xf32, #tpu.memory_space<vmem>>)
    %dma_wait3A_157 = arith.constant 5 : i32
    %dma_wait3A_158 = arith.constant 5 : i32
    %dma_wait3A_159 = arith.constant 0 : i32
    %dma_wait3A_160 = tpu.memref_slice %arg4[%dma_wait3A_158, %dma_wait3A_159] : memref<8x64xf32, #tpu.memory_space<vmem>> -> memref<1x64xf32, #tpu.memory_space<vmem>>
    %dma_wait3A_161 = tpu.memref_squeeze %dma_wait3A_160 : memref<1x64xf32, #tpu.memory_space<vmem>> -> memref<64xf32, #tpu.memory_space<vmem>>
    %dma_wait3A_162 = tpu.memref_slice %arg2[%dma_wait3A_157, %mul3A_2] : memref<8x2048xf32, #tpu.memory_space<hbm>> -> memref<1x64xf32, #tpu.memory_space<hbm>>
    %dma_wait3A_163 = tpu.memref_squeeze %dma_wait3A_162 : memref<1x64xf32, #tpu.memory_space<hbm>> -> memref<64xf32, #tpu.memory_space<hbm>>
    %dma_wait3A_164 = arith.constant 0 : i32
    %dma_wait3A_165 = tpu.memref_slice %arg4[%dma_wait3A_158, %dma_wait3A_164] : memref<8x64xf32, #tpu.memory_space<vmem>> -> memref<1x64xf32, #tpu.memory_space<vmem>>
    %dma_wait3A_166 = tpu.memref_squeeze %dma_wait3A_165 : memref<1x64xf32, #tpu.memory_space<vmem>> -> memref<64xf32, #tpu.memory_space<vmem>>
    %dma_wait3A_167 = tpu.memref_slice %arg2[%dma_wait3A_157, %mul3A_2] : memref<8x2048xf32, #tpu.memory_space<hbm>> -> memref<1x64xf32, #tpu.memory_space<hbm>>
    %dma_wait3A_168 = tpu.memref_squeeze %dma_wait3A_167 : memref<1x64xf32, #tpu.memory_space<hbm>> -> memref<64xf32, #tpu.memory_space<hbm>>
    tpu.wait_dma2 semaphore(%arg6 : memref<!tpu.dma_semaphore, #tpu.memory_space<semaphore_mem>>) src(%dma_wait3A_168 : memref<64xf32, #tpu.memory_space<hbm>>) dst(%dma_wait3A_166 : memref<64xf32, #tpu.memory_space<vmem>>)
    %dma_wait3A_169 = arith.constant 6 : i32
    %dma_wait3A_170 = arith.constant 6 : i32
    %dma_wait3A_171 = arith.constant 0 : i32
    %dma_wait3A_172 = tpu.memref_slice %arg4[%dma_wait3A_170, %dma_wait3A_171] : memref<8x64xf32, #tpu.memory_space<vmem>> -> memref<1x64xf32, #tpu.memory_space<vmem>>
    %dma_wait3A_173 = tpu.memref_squeeze %dma_wait3A_172 : memref<1x64xf32, #tpu.memory_space<vmem>> -> memref<64xf32, #tpu.memory_space<vmem>>
    %dma_wait3A_174 = tpu.memref_slice %arg2[%dma_wait3A_169, %mul3A_2] : memref<8x2048xf32, #tpu.memory_space<hbm>> -> memref<1x64xf32, #tpu.memory_space<hbm>>
    %dma_wait3A_175 = tpu.memref_squeeze %dma_wait3A_174 : memref<1x64xf32, #tpu.memory_space<hbm>> -> memref<64xf32, #tpu.memory_space<hbm>>
    %dma_wait3A_176 = arith.constant 0 : i32
    %dma_wait3A_177 = tpu.memref_slice %arg4[%dma_wait3A_170, %dma_wait3A_176] : memref<8x64xf32, #tpu.memory_space<vmem>> -> memref<1x64xf32, #tpu.memory_space<vmem>>
    %dma_wait3A_178 = tpu.memref_squeeze %dma_wait3A_177 : memref<1x64xf32, #tpu.memory_space<vmem>> -> memref<64xf32, #tpu.memory_space<vmem>>
    %dma_wait3A_179 = tpu.memref_slice %arg2[%dma_wait3A_169, %mul3A_2] : memref<8x2048xf32, #tpu.memory_space<hbm>> -> memref<1x64xf32, #tpu.memory_space<hbm>>
    %dma_wait3A_180 = tpu.memref_squeeze %dma_wait3A_179 : memref<1x64xf32, #tpu.memory_space<hbm>> -> memref<64xf32, #tpu.memory_space<hbm>>
    tpu.wait_dma2 semaphore(%arg6 : memref<!tpu.dma_semaphore, #tpu.memory_space<semaphore_mem>>) src(%dma_wait3A_180 : memref<64xf32, #tpu.memory_space<hbm>>) dst(%dma_wait3A_178 : memref<64xf32, #tpu.memory_space<vmem>>)
    %dma_wait3A_181 = arith.constant 7 : i32
    %dma_wait3A_182 = arith.constant 7 : i32
    %dma_wait3A_183 = arith.constant 0 : i32
    %dma_wait3A_184 = tpu.memref_slice %arg4[%dma_wait3A_182, %dma_wait3A_183] : memref<8x64xf32, #tpu.memory_space<vmem>> -> memref<1x64xf32, #tpu.memory_space<vmem>>
    %dma_wait3A_185 = tpu.memref_squeeze %dma_wait3A_184 : memref<1x64xf32, #tpu.memory_space<vmem>> -> memref<64xf32, #tpu.memory_space<vmem>>
    %dma_wait3A_186 = tpu.memref_slice %arg2[%dma_wait3A_181, %mul3A_2] : memref<8x2048xf32, #tpu.memory_space<hbm>> -> memref<1x64xf32, #tpu.memory_space<hbm>>
    %dma_wait3A_187 = tpu.memref_squeeze %dma_wait3A_186 : memref<1x64xf32, #tpu.memory_space<hbm>> -> memref<64xf32, #tpu.memory_space<hbm>>
    %dma_wait3A_188 = arith.constant 0 : i32
    %dma_wait3A_189 = tpu.memref_slice %arg4[%dma_wait3A_182, %dma_wait3A_188] : memref<8x64xf32, #tpu.memory_space<vmem>> -> memref<1x64xf32, #tpu.memory_space<vmem>>
    %dma_wait3A_190 = tpu.memref_squeeze %dma_wait3A_189 : memref<1x64xf32, #tpu.memory_space<vmem>> -> memref<64xf32, #tpu.memory_space<vmem>>
    %dma_wait3A_191 = tpu.memref_slice %arg2[%dma_wait3A_181, %mul3A_2] : memref<8x2048xf32, #tpu.memory_space<hbm>> -> memref<1x64xf32, #tpu.memory_space<hbm>>
    %dma_wait3A_192 = tpu.memref_squeeze %dma_wait3A_191 : memref<1x64xf32, #tpu.memory_space<hbm>> -> memref<64xf32, #tpu.memory_space<hbm>>
    tpu.wait_dma2 semaphore(%arg6 : memref<!tpu.dma_semaphore, #tpu.memory_space<semaphore_mem>>) src(%dma_wait3A_192 : memref<64xf32, #tpu.memory_space<hbm>>) dst(%dma_wait3A_190 : memref<64xf32, #tpu.memory_space<vmem>>)
    %get3A = arith.constant 0 : i32
    %get3A_193 = arith.index_cast %get3A : i32 to index
    %get3A_194 = arith.constant 0 : index
    %get3A_195 = tpu.vector_load %arg4[%get3A_193, %get3A_194] {strides = array<i32>} : memref<8x64xf32, #tpu.memory_space<vmem>>, vector<1x16xf32>,
    %get3A_196 = vector.shape_cast %get3A_195 : vector<1x16xf32> to vector<16xf32>
    %get3A_197 = arith.constant 1 : i32
    %get3A_198 = arith.index_cast %get3A_197 : i32 to index
    %get3A_199 = arith.constant 0 : index
    %get3A_200 = tpu.vector_load %arg4[%get3A_198, %get3A_199] {strides = array<i32>} : memref<8x64xf32, #tpu.memory_space<vmem>>, vector<1x16xf32>,
    %get3A_201 = vector.shape_cast %get3A_200 : vector<1x16xf32> to vector<16xf32>
    %get3A_202 = arith.constant 2 : i32
    %get3A_203 = arith.index_cast %get3A_202 : i32 to index
    %get3A_204 = arith.constant 0 : index
    %get3A_205 = tpu.vector_load %arg4[%get3A_203, %get3A_204] {strides = array<i32>} : memref<8x64xf32, #tpu.memory_space<vmem>>, vector<1x16xf32>,
    %get3A_206 = vector.shape_cast %get3A_205 : vector<1x16xf32> to vector<16xf32>
    %get3A_207 = arith.constant 3 : i32
    %get3A_208 = arith.index_cast %get3A_207 : i32 to index
    %get3A_209 = arith.constant 0 : index
    %get3A_210 = tpu.vector_load %arg4[%get3A_208, %get3A_209] {strides = array<i32>} : memref<8x64xf32, #tpu.memory_space<vmem>>, vector<1x16xf32>,
    %get3A_211 = vector.shape_cast %get3A_210 : vector<1x16xf32> to vector<16xf32>
    %get3A_212 = arith.constant 4 : i32
    %get3A_213 = arith.index_cast %get3A_212 : i32 to index
    %get3A_214 = arith.constant 0 : index
    %get3A_215 = tpu.vector_load %arg4[%get3A_213, %get3A_214] {strides = array<i32>} : memref<8x64xf32, #tpu.memory_space<vmem>>, vector<1x16xf32>,
    %get3A_216 = vector.shape_cast %get3A_215 : vector<1x16xf32> to vector<16xf32>
    %get3A_217 = arith.constant 5 : i32
    %get3A_218 = arith.index_cast %get3A_217 : i32 to index
    %get3A_219 = arith.constant 0 : index
    %get3A_220 = tpu.vector_load %arg4[%get3A_218, %get3A_219] {strides = array<i32>} : memref<8x64xf32, #tpu.memory_space<vmem>>, vector<1x16xf32>,
    %get3A_221 = vector.shape_cast %get3A_220 : vector<1x16xf32> to vector<16xf32>
    %get3A_222 = arith.constant 6 : i32
    %get3A_223 = arith.index_cast %get3A_222 : i32 to index
    %get3A_224 = arith.constant 0 : index
    %get3A_225 = tpu.vector_load %arg4[%get3A_223, %get3A_224] {strides = array<i32>} : memref<8x64xf32, #tpu.memory_space<vmem>>, vector<1x16xf32>,
    %get3A_226 = vector.shape_cast %get3A_225 : vector<1x16xf32> to vector<16xf32>
    %get3A_227 = arith.constant 7 : i32
    %get3A_228 = arith.index_cast %get3A_227 : i32 to index
    %get3A_229 = arith.constant 0 : index
    %get3A_230 = tpu.vector_load %arg4[%get3A_228, %get3A_229] {strides = array<i32>} : memref<8x64xf32, #tpu.memory_space<vmem>>, vector<1x16xf32>,
    %get3A_231 = vector.shape_cast %get3A_230 : vector<1x16xf32> to vector<16xf32>
    %max3A = arith.maximumf %get3A_196, %get3A_201 : vector<16xf32>
    %max3A_232 = arith.maximumf %max3A, %get3A_206 : vector<16xf32>
    %max3A_233 = arith.maximumf %max3A_232, %get3A_211 : vector<16xf32>
    %max3A_234 = arith.maximumf %max3A_233, %get3A_216 : vector<16xf32>
    %max3A_235 = arith.maximumf %max3A_234, %get3A_221 : vector<16xf32>
    %max3A_236 = arith.maximumf %max3A_235, %get3A_226 : vector<16xf32>
    %max3A_237 = arith.maximumf %max3A_236, %get3A_231 : vector<16xf32>
    %sub3A = arith.subf %get3A_196, %max3A_237 : vector<16xf32>
    %exp3A = math.exp %sub3A : vector<16xf32>
    %sub3A_238 = arith.subf %get3A_201, %max3A_237 : vector<16xf32>
    %exp3A_239 = math.exp %sub3A_238 : vector<16xf32>
    %sub3A_240 = arith.subf %get3A_206, %max3A_237 : vector<16xf32>
    %exp3A_241 = math.exp %sub3A_240 : vector<16xf32>
    %sub3A_242 = arith.subf %get3A_211, %max3A_237 : vector<16xf32>
    %exp3A_243 = math.exp %sub3A_242 : vector<16xf32>
    %sub3A_244 = arith.subf %get3A_216, %max3A_237 : vector<16xf32>
    %exp3A_245 = math.exp %sub3A_244 : vector<16xf32>
    %sub3A_246 = arith.subf %get3A_221, %max3A_237 : vector<16xf32>
    %exp3A_247 = math.exp %sub3A_246 : vector<16xf32>
    %sub3A_248 = arith.subf %get3A_226, %max3A_237 : vector<16xf32>
    %exp3A_249 = math.exp %sub3A_248 : vector<16xf32>
    %sub3A_250 = arith.subf %get3A_231, %max3A_237 : vector<16xf32>
    %exp3A_251 = math.exp %sub3A_250 : vector<16xf32>
    %add3A_252 = arith.addf %exp3A, %exp3A_239 : vector<16xf32>
    %add3A_253 = arith.addf %add3A_252, %exp3A_241 : vector<16xf32>
    %add3A_254 = arith.addf %add3A_253, %exp3A_243 : vector<16xf32>
    %add3A_255 = arith.addf %add3A_254, %exp3A_245 : vector<16xf32>
    %add3A_256 = arith.addf %add3A_255, %exp3A_247 : vector<16xf32>
    %add3A_257 = arith.addf %add3A_256, %exp3A_249 : vector<16xf32>
    %add3A_258 = arith.addf %add3A_257, %exp3A_251 : vector<16xf32>
    %div3A = arith.divf %exp3A, %add3A_258 : vector<16xf32>
    %div3A_259 = arith.divf %exp3A_239, %add3A_258 : vector<16xf32>
    %div3A_260 = arith.divf %exp3A_241, %add3A_258 : vector<16xf32>
    %div3A_261 = arith.divf %exp3A_243, %add3A_258 : vector<16xf32>
    %div3A_262 = arith.divf %exp3A_245, %add3A_258 : vector<16xf32>
    %div3A_263 = arith.divf %exp3A_247, %add3A_258 : vector<16xf32>
    %div3A_264 = arith.divf %exp3A_249, %add3A_258 : vector<16xf32>
    %div3A_265 = arith.divf %exp3A_251, %add3A_258 : vector<16xf32>
    %gt3A = arith.cmpf ogt, %div3A_259, %div3A : vector<16xf32>
    %jit3A = arith.constant 1.000000e+00 : f32
    %jit3A_266 = arith.constant 0.000000e+00 : f32
    %broadcast_in_dim3A = vector.broadcast %jit3A : f32 to vector<16xf32>
    %broadcast_in_dim3A_267 = vector.broadcast %jit3A_266 : f32 to vector<16xf32>
    %select_n3A = arith.select %gt3A, %broadcast_in_dim3A, %broadcast_in_dim3A_267 : vector<16xi1>, vector<16xf32>
    %gt3A_268 = arith.cmpf ogt, %div3A_260, %div3A : vector<16xf32>
    %jit3A_269 = arith.constant 1.000000e+00 : f32
    %jit3A_270 = arith.constant 0.000000e+00 : f32
    %broadcast_in_dim3A_271 = vector.broadcast %jit3A_269 : f32 to vector<16xf32>
    %broadcast_in_dim3A_272 = vector.broadcast %jit3A_270 : f32 to vector<16xf32>
    %select_n3A_273 = arith.select %gt3A_268, %broadcast_in_dim3A_271, %broadcast_in_dim3A_272 : vector<16xi1>, vector<16xf32>
    %add3A_274 = arith.addf %select_n3A, %select_n3A_273 : vector<16xf32>
    %gt3A_275 = arith.cmpf ogt, %div3A_261, %div3A : vector<16xf32>
    %jit3A_276 = arith.constant 1.000000e+00 : f32
    %jit3A_277 = arith.constant 0.000000e+00 : f32
    %broadcast_in_dim3A_278 = vector.broadcast %jit3A_276 : f32 to vector<16xf32>
    %broadcast_in_dim3A_279 = vector.broadcast %jit3A_277 : f32 to vector<16xf32>
    %select_n3A_280 = arith.select %gt3A_275, %broadcast_in_dim3A_278, %broadcast_in_dim3A_279 : vector<16xi1>, vector<16xf32>
    %add3A_281 = arith.addf %add3A_274, %select_n3A_280 : vector<16xf32>
    %gt3A_282 = arith.cmpf ogt, %div3A_262, %div3A : vector<16xf32>
    %jit3A_283 = arith.constant 1.000000e+00 : f32
    %jit3A_284 = arith.constant 0.000000e+00 : f32
    %broadcast_in_dim3A_285 = vector.broadcast %jit3A_283 : f32 to vector<16xf32>
    %broadcast_in_dim3A_286 = vector.broadcast %jit3A_284 : f32 to vector<16xf32>
    %select_n3A_287 = arith.select %gt3A_282, %broadcast_in_dim3A_285, %broadcast_in_dim3A_286 : vector<16xi1>, vector<16xf32>
    %add3A_288 = arith.addf %add3A_281, %select_n3A_287 : vector<16xf32>
    %gt3A_289 = arith.cmpf ogt, %div3A_263, %div3A : vector<16xf32>
    %jit3A_290 = arith.constant 1.000000e+00 : f32
    %jit3A_291 = arith.constant 0.000000e+00 : f32
    %broadcast_in_dim3A_292 = vector.broadcast %jit3A_290 : f32 to vector<16xf32>
    %broadcast_in_dim3A_293 = vector.broadcast %jit3A_291 : f32 to vector<16xf32>
    %select_n3A_294 = arith.select %gt3A_289, %broadcast_in_dim3A_292, %broadcast_in_dim3A_293 : vector<16xi1>, vector<16xf32>
    %add3A_295 = arith.addf %add3A_288, %select_n3A_294 : vector<16xf32>
    %gt3A_296 = arith.cmpf ogt, %div3A_264, %div3A : vector<16xf32>
    %jit3A_297 = arith.constant 1.000000e+00 : f32
    %jit3A_298 = arith.constant 0.000000e+00 : f32
    %broadcast_in_dim3A_299 = vector.broadcast %jit3A_297 : f32 to vector<16xf32>
    %broadcast_in_dim3A_300 = vector.broadcast %jit3A_298 : f32 to vector<16xf32>
    %select_n3A_301 = arith.select %gt3A_296, %broadcast_in_dim3A_299, %broadcast_in_dim3A_300 : vector<16xi1>, vector<16xf32>
    %add3A_302 = arith.addf %add3A_295, %select_n3A_301 : vector<16xf32>
    %gt3A_303 = arith.cmpf ogt, %div3A_265, %div3A : vector<16xf32>
    %jit3A_304 = arith.constant 1.000000e+00 : f32
    %jit3A_305 = arith.constant 0.000000e+00 : f32
    %broadcast_in_dim3A_306 = vector.broadcast %jit3A_304 : f32 to vector<16xf32>
    %broadcast_in_dim3A_307 = vector.broadcast %jit3A_305 : f32 to vector<16xf32>
    %select_n3A_308 = arith.select %gt3A_303, %broadcast_in_dim3A_306, %broadcast_in_dim3A_307 : vector<16xi1>, vector<16xf32>
    %add3A_309 = arith.addf %add3A_302, %select_n3A_308 : vector<16xf32>
    %lt3A = arith.constant 5.000000e+00 : f32
    %lt3A_310 = vector.broadcast %lt3A : f32 to vector<16xf32>
    %lt3A_311 = arith.cmpf olt, %add3A_309, %lt3A_310 : vector<16xf32>
    %jit3A_312 = arith.constant 0.000000e+00 : f32
    %broadcast_in_dim3A_313 = vector.broadcast %jit3A_312 : f32 to vector<16xf32>
    %select_n3A_314 = arith.select %lt3A_311, %div3A, %broadcast_in_dim3A_313 : vector<16xi1>, vector<16xf32>
    %ge3A = arith.cmpf oge, %div3A, %div3A_259 : vector<16xf32>
    %jit3A_315 = arith.constant 1.000000e+00 : f32
    %jit3A_316 = arith.constant 0.000000e+00 : f32
    %broadcast_in_dim3A_317 = vector.broadcast %jit3A_315 : f32 to vector<16xf32>
    %broadcast_in_dim3A_318 = vector.broadcast %jit3A_316 : f32 to vector<16xf32>
    %select_n3A_319 = arith.select %ge3A, %broadcast_in_dim3A_317, %broadcast_in_dim3A_318 : vector<16xi1>, vector<16xf32>
    %gt3A_320 = arith.cmpf ogt, %div3A_260, %div3A_259 : vector<16xf32>
    %jit3A_321 = arith.constant 1.000000e+00 : f32
    %jit3A_322 = arith.constant 0.000000e+00 : f32
    %broadcast_in_dim3A_323 = vector.broadcast %jit3A_321 : f32 to vector<16xf32>
    %broadcast_in_dim3A_324 = vector.broadcast %jit3A_322 : f32 to vector<16xf32>
    %select_n3A_325 = arith.select %gt3A_320, %broadcast_in_dim3A_323, %broadcast_in_dim3A_324 : vector<16xi1>, vector<16xf32>
    %add3A_326 = arith.addf %select_n3A_319, %select_n3A_325 : vector<16xf32>
    %gt3A_327 = arith.cmpf ogt, %div3A_261, %div3A_259 : vector<16xf32>
    %jit3A_328 = arith.constant 1.000000e+00 : f32
    %jit3A_329 = arith.constant 0.000000e+00 : f32
    %broadcast_in_dim3A_330 = vector.broadcast %jit3A_328 : f32 to vector<16xf32>
    %broadcast_in_dim3A_331 = vector.broadcast %jit3A_329 : f32 to vector<16xf32>
    %select_n3A_332 = arith.select %gt3A_327, %broadcast_in_dim3A_330, %broadcast_in_dim3A_331 : vector<16xi1>, vector<16xf32>
    %add3A_333 = arith.addf %add3A_326, %select_n3A_332 : vector<16xf32>
    %gt3A_334 = arith.cmpf ogt, %div3A_262, %div3A_259 : vector<16xf32>
    %jit3A_335 = arith.constant 1.000000e+00 : f32
    %jit3A_336 = arith.constant 0.000000e+00 : f32
    %broadcast_in_dim3A_337 = vector.broadcast %jit3A_335 : f32 to vector<16xf32>
    %broadcast_in_dim3A_338 = vector.broadcast %jit3A_336 : f32 to vector<16xf32>
    %select_n3A_339 = arith.select %gt3A_334, %broadcast_in_dim3A_337, %broadcast_in_dim3A_338 : vector<16xi1>, vector<16xf32>
    %add3A_340 = arith.addf %add3A_333, %select_n3A_339 : vector<16xf32>
    %gt3A_341 = arith.cmpf ogt, %div3A_263, %div3A_259 : vector<16xf32>
    %jit3A_342 = arith.constant 1.000000e+00 : f32
    %jit3A_343 = arith.constant 0.000000e+00 : f32
    %broadcast_in_dim3A_344 = vector.broadcast %jit3A_342 : f32 to vector<16xf32>
    %broadcast_in_dim3A_345 = vector.broadcast %jit3A_343 : f32 to vector<16xf32>
    %select_n3A_346 = arith.select %gt3A_341, %broadcast_in_dim3A_344, %broadcast_in_dim3A_345 : vector<16xi1>, vector<16xf32>
    %add3A_347 = arith.addf %add3A_340, %select_n3A_346 : vector<16xf32>
    %gt3A_348 = arith.cmpf ogt, %div3A_264, %div3A_259 : vector<16xf32>
    %jit3A_349 = arith.constant 1.000000e+00 : f32
    %jit3A_350 = arith.constant 0.000000e+00 : f32
    %broadcast_in_dim3A_351 = vector.broadcast %jit3A_349 : f32 to vector<16xf32>
    %broadcast_in_dim3A_352 = vector.broadcast %jit3A_350 : f32 to vector<16xf32>
    %select_n3A_353 = arith.select %gt3A_348, %broadcast_in_dim3A_351, %broadcast_in_dim3A_352 : vector<16xi1>, vector<16xf32>
    %add3A_354 = arith.addf %add3A_347, %select_n3A_353 : vector<16xf32>
    %gt3A_355 = arith.cmpf ogt, %div3A_265, %div3A_259 : vector<16xf32>
    %jit3A_356 = arith.constant 1.000000e+00 : f32
    %jit3A_357 = arith.constant 0.000000e+00 : f32
    %broadcast_in_dim3A_358 = vector.broadcast %jit3A_356 : f32 to vector<16xf32>
    %broadcast_in_dim3A_359 = vector.broadcast %jit3A_357 : f32 to vector<16xf32>
    %select_n3A_360 = arith.select %gt3A_355, %broadcast_in_dim3A_358, %broadcast_in_dim3A_359 : vector<16xi1>, vector<16xf32>
    %add3A_361 = arith.addf %add3A_354, %select_n3A_360 : vector<16xf32>
    %lt3A_362 = arith.constant 5.000000e+00 : f32
    %lt3A_363 = vector.broadcast %lt3A_362 : f32 to vector<16xf32>
    %lt3A_364 = arith.cmpf olt, %add3A_361, %lt3A_363 : vector<16xf32>
    %jit3A_365 = arith.constant 0.000000e+00 : f32
    %broadcast_in_dim3A_366 = vector.broadcast %jit3A_365 : f32 to vector<16xf32>
    %select_n3A_367 = arith.select %lt3A_364, %div3A_259, %broadcast_in_dim3A_366 : vector<16xi1>, vector<16xf32>
    %add3A_368 = arith.addf %select_n3A_314, %select_n3A_367 : vector<16xf32>
    %ge3A_369 = arith.cmpf oge, %div3A, %div3A_260 : vector<16xf32>
    %jit3A_370 = arith.constant 1.000000e+00 : f32
    %jit3A_371 = arith.constant 0.000000e+00 : f32
    %broadcast_in_dim3A_372 = vector.broadcast %jit3A_370 : f32 to vector<16xf32>
    %broadcast_in_dim3A_373 = vector.broadcast %jit3A_371 : f32 to vector<16xf32>
    %select_n3A_374 = arith.select %ge3A_369, %broadcast_in_dim3A_372, %broadcast_in_dim3A_373 : vector<16xi1>, vector<16xf32>
    %ge3A_375 = arith.cmpf oge, %div3A_259, %div3A_260 : vector<16xf32>
    %jit3A_376 = arith.constant 1.000000e+00 : f32
    %jit3A_377 = arith.constant 0.000000e+00 : f32
    %broadcast_in_dim3A_378 = vector.broadcast %jit3A_376 : f32 to vector<16xf32>
    %broadcast_in_dim3A_379 = vector.broadcast %jit3A_377 : f32 to vector<16xf32>
    %select_n3A_380 = arith.select %ge3A_375, %broadcast_in_dim3A_378, %broadcast_in_dim3A_379 : vector<16xi1>, vector<16xf32>
    %add3A_381 = arith.addf %select_n3A_374, %select_n3A_380 : vector<16xf32>
    %gt3A_382 = arith.cmpf ogt, %div3A_261, %div3A_260 : vector<16xf32>
    %jit3A_383 = arith.constant 1.000000e+00 : f32
    %jit3A_384 = arith.constant 0.000000e+00 : f32
    %broadcast_in_dim3A_385 = vector.broadcast %jit3A_383 : f32 to vector<16xf32>
    %broadcast_in_dim3A_386 = vector.broadcast %jit3A_384 : f32 to vector<16xf32>
    %select_n3A_387 = arith.select %gt3A_382, %broadcast_in_dim3A_385, %broadcast_in_dim3A_386 : vector<16xi1>, vector<16xf32>
    %add3A_388 = arith.addf %add3A_381, %select_n3A_387 : vector<16xf32>
    %gt3A_389 = arith.cmpf ogt, %div3A_262, %div3A_260 : vector<16xf32>
    %jit3A_390 = arith.constant 1.000000e+00 : f32
    %jit3A_391 = arith.constant 0.000000e+00 : f32
    %broadcast_in_dim3A_392 = vector.broadcast %jit3A_390 : f32 to vector<16xf32>
    %broadcast_in_dim3A_393 = vector.broadcast %jit3A_391 : f32 to vector<16xf32>
    %select_n3A_394 = arith.select %gt3A_389, %broadcast_in_dim3A_392, %broadcast_in_dim3A_393 : vector<16xi1>, vector<16xf32>
    %add3A_395 = arith.addf %add3A_388, %select_n3A_394 : vector<16xf32>
    %gt3A_396 = arith.cmpf ogt, %div3A_263, %div3A_260 : vector<16xf32>
    %jit3A_397 = arith.constant 1.000000e+00 : f32
    %jit3A_398 = arith.constant 0.000000e+00 : f32
    %broadcast_in_dim3A_399 = vector.broadcast %jit3A_397 : f32 to vector<16xf32>
    %broadcast_in_dim3A_400 = vector.broadcast %jit3A_398 : f32 to vector<16xf32>
    %select_n3A_401 = arith.select %gt3A_396, %broadcast_in_dim3A_399, %broadcast_in_dim3A_400 : vector<16xi1>, vector<16xf32>
    %add3A_402 = arith.addf %add3A_395, %select_n3A_401 : vector<16xf32>
    %gt3A_403 = arith.cmpf ogt, %div3A_264, %div3A_260 : vector<16xf32>
    %jit3A_404 = arith.constant 1.000000e+00 : f32
    %jit3A_405 = arith.constant 0.000000e+00 : f32
    %broadcast_in_dim3A_406 = vector.broadcast %jit3A_404 : f32 to vector<16xf32>
    %broadcast_in_dim3A_407 = vector.broadcast %jit3A_405 : f32 to vector<16xf32>
    %select_n3A_408 = arith.select %gt3A_403, %broadcast_in_dim3A_406, %broadcast_in_dim3A_407 : vector<16xi1>, vector<16xf32>
    %add3A_409 = arith.addf %add3A_402, %select_n3A_408 : vector<16xf32>
    %gt3A_410 = arith.cmpf ogt, %div3A_265, %div3A_260 : vector<16xf32>
    %jit3A_411 = arith.constant 1.000000e+00 : f32
    %jit3A_412 = arith.constant 0.000000e+00 : f32
    %broadcast_in_dim3A_413 = vector.broadcast %jit3A_411 : f32 to vector<16xf32>
    %broadcast_in_dim3A_414 = vector.broadcast %jit3A_412 : f32 to vector<16xf32>
    %select_n3A_415 = arith.select %gt3A_410, %broadcast_in_dim3A_413, %broadcast_in_dim3A_414 : vector<16xi1>, vector<16xf32>
    %add3A_416 = arith.addf %add3A_409, %select_n3A_415 : vector<16xf32>
    %lt3A_417 = arith.constant 5.000000e+00 : f32
    %lt3A_418 = vector.broadcast %lt3A_417 : f32 to vector<16xf32>
    %lt3A_419 = arith.cmpf olt, %add3A_416, %lt3A_418 : vector<16xf32>
    %jit3A_420 = arith.constant 0.000000e+00 : f32
    %broadcast_in_dim3A_421 = vector.broadcast %jit3A_420 : f32 to vector<16xf32>
    %select_n3A_422 = arith.select %lt3A_419, %div3A_260, %broadcast_in_dim3A_421 : vector<16xi1>, vector<16xf32>
    %add3A_423 = arith.addf %add3A_368, %select_n3A_422 : vector<16xf32>
    %ge3A_424 = arith.cmpf oge, %div3A, %div3A_261 : vector<16xf32>
    %jit3A_425 = arith.constant 1.000000e+00 : f32
    %jit3A_426 = arith.constant 0.000000e+00 : f32
    %broadcast_in_dim3A_427 = vector.broadcast %jit3A_425 : f32 to vector<16xf32>
    %broadcast_in_dim3A_428 = vector.broadcast %jit3A_426 : f32 to vector<16xf32>
    %select_n3A_429 = arith.select %ge3A_424, %broadcast_in_dim3A_427, %broadcast_in_dim3A_428 : vector<16xi1>, vector<16xf32>
    %ge3A_430 = arith.cmpf oge, %div3A_259, %div3A_261 : vector<16xf32>
    %jit3A_431 = arith.constant 1.000000e+00 : f32
    %jit3A_432 = arith.constant 0.000000e+00 : f32
    %broadcast_in_dim3A_433 = vector.broadcast %jit3A_431 : f32 to vector<16xf32>
    %broadcast_in_dim3A_434 = vector.broadcast %jit3A_432 : f32 to vector<16xf32>
    %select_n3A_435 = arith.select %ge3A_430, %broadcast_in_dim3A_433, %broadcast_in_dim3A_434 : vector<16xi1>, vector<16xf32>
    %add3A_436 = arith.addf %select_n3A_429, %select_n3A_435 : vector<16xf32>
    %ge3A_437 = arith.cmpf oge, %div3A_260, %div3A_261 : vector<16xf32>
    %jit3A_438 = arith.constant 1.000000e+00 : f32
    %jit3A_439 = arith.constant 0.000000e+00 : f32
    %broadcast_in_dim3A_440 = vector.broadcast %jit3A_438 : f32 to vector<16xf32>
    %broadcast_in_dim3A_441 = vector.broadcast %jit3A_439 : f32 to vector<16xf32>
    %select_n3A_442 = arith.select %ge3A_437, %broadcast_in_dim3A_440, %broadcast_in_dim3A_441 : vector<16xi1>, vector<16xf32>
    %add3A_443 = arith.addf %add3A_436, %select_n3A_442 : vector<16xf32>
    %gt3A_444 = arith.cmpf ogt, %div3A_262, %div3A_261 : vector<16xf32>
    %jit3A_445 = arith.constant 1.000000e+00 : f32
    %jit3A_446 = arith.constant 0.000000e+00 : f32
    %broadcast_in_dim3A_447 = vector.broadcast %jit3A_445 : f32 to vector<16xf32>
    %broadcast_in_dim3A_448 = vector.broadcast %jit3A_446 : f32 to vector<16xf32>
    %select_n3A_449 = arith.select %gt3A_444, %broadcast_in_dim3A_447, %broadcast_in_dim3A_448 : vector<16xi1>, vector<16xf32>
    %add3A_450 = arith.addf %add3A_443, %select_n3A_449 : vector<16xf32>
    %gt3A_451 = arith.cmpf ogt, %div3A_263, %div3A_261 : vector<16xf32>
    %jit3A_452 = arith.constant 1.000000e+00 : f32
    %jit3A_453 = arith.constant 0.000000e+00 : f32
    %broadcast_in_dim3A_454 = vector.broadcast %jit3A_452 : f32 to vector<16xf32>
    %broadcast_in_dim3A_455 = vector.broadcast %jit3A_453 : f32 to vector<16xf32>
    %select_n3A_456 = arith.select %gt3A_451, %broadcast_in_dim3A_454, %broadcast_in_dim3A_455 : vector<16xi1>, vector<16xf32>
    %add3A_457 = arith.addf %add3A_450, %select_n3A_456 : vector<16xf32>
    %gt3A_458 = arith.cmpf ogt, %div3A_264, %div3A_261 : vector<16xf32>
    %jit3A_459 = arith.constant 1.000000e+00 : f32
    %jit3A_460 = arith.constant 0.000000e+00 : f32
    %broadcast_in_dim3A_461 = vector.broadcast %jit3A_459 : f32 to vector<16xf32>
    %broadcast_in_dim3A_462 = vector.broadcast %jit3A_460 : f32 to vector<16xf32>
    %select_n3A_463 = arith.select %gt3A_458, %broadcast_in_dim3A_461, %broadcast_in_dim3A_462 : vector<16xi1>, vector<16xf32>
    %add3A_464 = arith.addf %add3A_457, %select_n3A_463 : vector<16xf32>
    %gt3A_465 = arith.cmpf ogt, %div3A_265, %div3A_261 : vector<16xf32>
    %jit3A_466 = arith.constant 1.000000e+00 : f32
    %jit3A_467 = arith.constant 0.000000e+00 : f32
    %broadcast_in_dim3A_468 = vector.broadcast %jit3A_466 : f32 to vector<16xf32>
    %broadcast_in_dim3A_469 = vector.broadcast %jit3A_467 : f32 to vector<16xf32>
    %select_n3A_470 = arith.select %gt3A_465, %broadcast_in_dim3A_468, %broadcast_in_dim3A_469 : vector<16xi1>, vector<16xf32>
    %add3A_471 = arith.addf %add3A_464, %select_n3A_470 : vector<16xf32>
    %lt3A_472 = arith.constant 5.000000e+00 : f32
    %lt3A_473 = vector.broadcast %lt3A_472 : f32 to vector<16xf32>
    %lt3A_474 = arith.cmpf olt, %add3A_471, %lt3A_473 : vector<16xf32>
    %jit3A_475 = arith.constant 0.000000e+00 : f32
    %broadcast_in_dim3A_476 = vector.broadcast %jit3A_475 : f32 to vector<16xf32>
    %select_n3A_477 = arith.select %lt3A_474, %div3A_261, %broadcast_in_dim3A_476 : vector<16xi1>, vector<16xf32>
    %add3A_478 = arith.addf %add3A_423, %select_n3A_477 : vector<16xf32>
    %ge3A_479 = arith.cmpf oge, %div3A, %div3A_262 : vector<16xf32>
    %jit3A_480 = arith.constant 1.000000e+00 : f32
    %jit3A_481 = arith.constant 0.000000e+00 : f32
    %broadcast_in_dim3A_482 = vector.broadcast %jit3A_480 : f32 to vector<16xf32>
    %broadcast_in_dim3A_483 = vector.broadcast %jit3A_481 : f32 to vector<16xf32>
    %select_n3A_484 = arith.select %ge3A_479, %broadcast_in_dim3A_482, %broadcast_in_dim3A_483 : vector<16xi1>, vector<16xf32>
    %ge3A_485 = arith.cmpf oge, %div3A_259, %div3A_262 : vector<16xf32>
    %jit3A_486 = arith.constant 1.000000e+00 : f32
    %jit3A_487 = arith.constant 0.000000e+00 : f32
    %broadcast_in_dim3A_488 = vector.broadcast %jit3A_486 : f32 to vector<16xf32>
    %broadcast_in_dim3A_489 = vector.broadcast %jit3A_487 : f32 to vector<16xf32>
    %select_n3A_490 = arith.select %ge3A_485, %broadcast_in_dim3A_488, %broadcast_in_dim3A_489 : vector<16xi1>, vector<16xf32>
    %add3A_491 = arith.addf %select_n3A_484, %select_n3A_490 : vector<16xf32>
    %ge3A_492 = arith.cmpf oge, %div3A_260, %div3A_262 : vector<16xf32>
    %jit3A_493 = arith.constant 1.000000e+00 : f32
    %jit3A_494 = arith.constant 0.000000e+00 : f32
    %broadcast_in_dim3A_495 = vector.broadcast %jit3A_493 : f32 to vector<16xf32>
    %broadcast_in_dim3A_496 = vector.broadcast %jit3A_494 : f32 to vector<16xf32>
    %select_n3A_497 = arith.select %ge3A_492, %broadcast_in_dim3A_495, %broadcast_in_dim3A_496 : vector<16xi1>, vector<16xf32>
    %add3A_498 = arith.addf %add3A_491, %select_n3A_497 : vector<16xf32>
    %ge3A_499 = arith.cmpf oge, %div3A_261, %div3A_262 : vector<16xf32>
    %jit3A_500 = arith.constant 1.000000e+00 : f32
    %jit3A_501 = arith.constant 0.000000e+00 : f32
    %broadcast_in_dim3A_502 = vector.broadcast %jit3A_500 : f32 to vector<16xf32>
    %broadcast_in_dim3A_503 = vector.broadcast %jit3A_501 : f32 to vector<16xf32>
    %select_n3A_504 = arith.select %ge3A_499, %broadcast_in_dim3A_502, %broadcast_in_dim3A_503 : vector<16xi1>, vector<16xf32>
    %add3A_505 = arith.addf %add3A_498, %select_n3A_504 : vector<16xf32>
    %gt3A_506 = arith.cmpf ogt, %div3A_263, %div3A_262 : vector<16xf32>
    %jit3A_507 = arith.constant 1.000000e+00 : f32
    %jit3A_508 = arith.constant 0.000000e+00 : f32
    %broadcast_in_dim3A_509 = vector.broadcast %jit3A_507 : f32 to vector<16xf32>
    %broadcast_in_dim3A_510 = vector.broadcast %jit3A_508 : f32 to vector<16xf32>
    %select_n3A_511 = arith.select %gt3A_506, %broadcast_in_dim3A_509, %broadcast_in_dim3A_510 : vector<16xi1>, vector<16xf32>
    %add3A_512 = arith.addf %add3A_505, %select_n3A_511 : vector<16xf32>
    %gt3A_513 = arith.cmpf ogt, %div3A_264, %div3A_262 : vector<16xf32>
    %jit3A_514 = arith.constant 1.000000e+00 : f32
    %jit3A_515 = arith.constant 0.000000e+00 : f32
    %broadcast_in_dim3A_516 = vector.broadcast %jit3A_514 : f32 to vector<16xf32>
    %broadcast_in_dim3A_517 = vector.broadcast %jit3A_515 : f32 to vector<16xf32>
    %select_n3A_518 = arith.select %gt3A_513, %broadcast_in_dim3A_516, %broadcast_in_dim3A_517 : vector<16xi1>, vector<16xf32>
    %add3A_519 = arith.addf %add3A_512, %select_n3A_518 : vector<16xf32>
    %gt3A_520 = arith.cmpf ogt, %div3A_265, %div3A_262 : vector<16xf32>
    %jit3A_521 = arith.constant 1.000000e+00 : f32
    %jit3A_522 = arith.constant 0.000000e+00 : f32
    %broadcast_in_dim3A_523 = vector.broadcast %jit3A_521 : f32 to vector<16xf32>
    %broadcast_in_dim3A_524 = vector.broadcast %jit3A_522 : f32 to vector<16xf32>
    %select_n3A_525 = arith.select %gt3A_520, %broadcast_in_dim3A_523, %broadcast_in_dim3A_524 : vector<16xi1>, vector<16xf32>
    %add3A_526 = arith.addf %add3A_519, %select_n3A_525 : vector<16xf32>
    %lt3A_527 = arith.constant 5.000000e+00 : f32
    %lt3A_528 = vector.broadcast %lt3A_527 : f32 to vector<16xf32>
    %lt3A_529 = arith.cmpf olt, %add3A_526, %lt3A_528 : vector<16xf32>
    %jit3A_530 = arith.constant 0.000000e+00 : f32
    %broadcast_in_dim3A_531 = vector.broadcast %jit3A_530 : f32 to vector<16xf32>
    %select_n3A_532 = arith.select %lt3A_529, %div3A_262, %broadcast_in_dim3A_531 : vector<16xi1>, vector<16xf32>
    %add3A_533 = arith.addf %add3A_478, %select_n3A_532 : vector<16xf32>
    %ge3A_534 = arith.cmpf oge, %div3A, %div3A_263 : vector<16xf32>
    %jit3A_535 = arith.constant 1.000000e+00 : f32
    %jit3A_536 = arith.constant 0.000000e+00 : f32
    %broadcast_in_dim3A_537 = vector.broadcast %jit3A_535 : f32 to vector<16xf32>
    %broadcast_in_dim3A_538 = vector.broadcast %jit3A_536 : f32 to vector<16xf32>
    %select_n3A_539 = arith.select %ge3A_534, %broadcast_in_dim3A_537, %broadcast_in_dim3A_538 : vector<16xi1>, vector<16xf32>
    %ge3A_540 = arith.cmpf oge, %div3A_259, %div3A_263 : vector<16xf32>
    %jit3A_541 = arith.constant 1.000000e+00 : f32
    %jit3A_542 = arith.constant 0.000000e+00 : f32
    %broadcast_in_dim3A_543 = vector.broadcast %jit3A_541 : f32 to vector<16xf32>
    %broadcast_in_dim3A_544 = vector.broadcast %jit3A_542 : f32 to vector<16xf32>
    %select_n3A_545 = arith.select %ge3A_540, %broadcast_in_dim3A_543, %broadcast_in_dim3A_544 : vector<16xi1>, vector<16xf32>
    %add3A_546 = arith.addf %select_n3A_539, %select_n3A_545 : vector<16xf32>
    %ge3A_547 = arith.cmpf oge, %div3A_260, %div3A_263 : vector<16xf32>
    %jit3A_548 = arith.constant 1.000000e+00 : f32
    %jit3A_549 = arith.constant 0.000000e+00 : f32
    %broadcast_in_dim3A_550 = vector.broadcast %jit3A_548 : f32 to vector<16xf32>
    %broadcast_in_dim3A_551 = vector.broadcast %jit3A_549 : f32 to vector<16xf32>
    %select_n3A_552 = arith.select %ge3A_547, %broadcast_in_dim3A_550, %broadcast_in_dim3A_551 : vector<16xi1>, vector<16xf32>
    %add3A_553 = arith.addf %add3A_546, %select_n3A_552 : vector<16xf32>
    %ge3A_554 = arith.cmpf oge, %div3A_261, %div3A_263 : vector<16xf32>
    %jit3A_555 = arith.constant 1.000000e+00 : f32
    %jit3A_556 = arith.constant 0.000000e+00 : f32
    %broadcast_in_dim3A_557 = vector.broadcast %jit3A_555 : f32 to vector<16xf32>
    %broadcast_in_dim3A_558 = vector.broadcast %jit3A_556 : f32 to vector<16xf32>
    %select_n3A_559 = arith.select %ge3A_554, %broadcast_in_dim3A_557, %broadcast_in_dim3A_558 : vector<16xi1>, vector<16xf32>
    %add3A_560 = arith.addf %add3A_553, %select_n3A_559 : vector<16xf32>
    %ge3A_561 = arith.cmpf oge, %div3A_262, %div3A_263 : vector<16xf32>
    %jit3A_562 = arith.constant 1.000000e+00 : f32
    %jit3A_563 = arith.constant 0.000000e+00 : f32
    %broadcast_in_dim3A_564 = vector.broadcast %jit3A_562 : f32 to vector<16xf32>
    %broadcast_in_dim3A_565 = vector.broadcast %jit3A_563 : f32 to vector<16xf32>
    %select_n3A_566 = arith.select %ge3A_561, %broadcast_in_dim3A_564, %broadcast_in_dim3A_565 : vector<16xi1>, vector<16xf32>
    %add3A_567 = arith.addf %add3A_560, %select_n3A_566 : vector<16xf32>
    %gt3A_568 = arith.cmpf ogt, %div3A_264, %div3A_263 : vector<16xf32>
    %jit3A_569 = arith.constant 1.000000e+00 : f32
    %jit3A_570 = arith.constant 0.000000e+00 : f32
    %broadcast_in_dim3A_571 = vector.broadcast %jit3A_569 : f32 to vector<16xf32>
    %broadcast_in_dim3A_572 = vector.broadcast %jit3A_570 : f32 to vector<16xf32>
    %select_n3A_573 = arith.select %gt3A_568, %broadcast_in_dim3A_571, %broadcast_in_dim3A_572 : vector<16xi1>, vector<16xf32>
    %add3A_574 = arith.addf %add3A_567, %select_n3A_573 : vector<16xf32>
    %gt3A_575 = arith.cmpf ogt, %div3A_265, %div3A_263 : vector<16xf32>
    %jit3A_576 = arith.constant 1.000000e+00 : f32
    %jit3A_577 = arith.constant 0.000000e+00 : f32
    %broadcast_in_dim3A_578 = vector.broadcast %jit3A_576 : f32 to vector<16xf32>
    %broadcast_in_dim3A_579 = vector.broadcast %jit3A_577 : f32 to vector<16xf32>
    %select_n3A_580 = arith.select %gt3A_575, %broadcast_in_dim3A_578, %broadcast_in_dim3A_579 : vector<16xi1>, vector<16xf32>
    %add3A_581 = arith.addf %add3A_574, %select_n3A_580 : vector<16xf32>
    %lt3A_582 = arith.constant 5.000000e+00 : f32
    %lt3A_583 = vector.broadcast %lt3A_582 : f32 to vector<16xf32>
    %lt3A_584 = arith.cmpf olt, %add3A_581, %lt3A_583 : vector<16xf32>
    %jit3A_585 = arith.constant 0.000000e+00 : f32
    %broadcast_in_dim3A_586 = vector.broadcast %jit3A_585 : f32 to vector<16xf32>
    %select_n3A_587 = arith.select %lt3A_584, %div3A_263, %broadcast_in_dim3A_586 : vector<16xi1>, vector<16xf32>
    %add3A_588 = arith.addf %add3A_533, %select_n3A_587 : vector<16xf32>
    %ge3A_589 = arith.cmpf oge, %div3A, %div3A_264 : vector<16xf32>
    %jit3A_590 = arith.constant 1.000000e+00 : f32
    %jit3A_591 = arith.constant 0.000000e+00 : f32
    %broadcast_in_dim3A_592 = vector.broadcast %jit3A_590 : f32 to vector<16xf32>
    %broadcast_in_dim3A_593 = vector.broadcast %jit3A_591 : f32 to vector<16xf32>
    %select_n3A_594 = arith.select %ge3A_589, %broadcast_in_dim3A_592, %broadcast_in_dim3A_593 : vector<16xi1>, vector<16xf32>
    %ge3A_595 = arith.cmpf oge, %div3A_259, %div3A_264 : vector<16xf32>
    %jit3A_596 = arith.constant 1.000000e+00 : f32
    %jit3A_597 = arith.constant 0.000000e+00 : f32
    %broadcast_in_dim3A_598 = vector.broadcast %jit3A_596 : f32 to vector<16xf32>
    %broadcast_in_dim3A_599 = vector.broadcast %jit3A_597 : f32 to vector<16xf32>
    %select_n3A_600 = arith.select %ge3A_595, %broadcast_in_dim3A_598, %broadcast_in_dim3A_599 : vector<16xi1>, vector<16xf32>
    %add3A_601 = arith.addf %select_n3A_594, %select_n3A_600 : vector<16xf32>
    %ge3A_602 = arith.cmpf oge, %div3A_260, %div3A_264 : vector<16xf32>
    %jit3A_603 = arith.constant 1.000000e+00 : f32
    %jit3A_604 = arith.constant 0.000000e+00 : f32
    %broadcast_in_dim3A_605 = vector.broadcast %jit3A_603 : f32 to vector<16xf32>
    %broadcast_in_dim3A_606 = vector.broadcast %jit3A_604 : f32 to vector<16xf32>
    %select_n3A_607 = arith.select %ge3A_602, %broadcast_in_dim3A_605, %broadcast_in_dim3A_606 : vector<16xi1>, vector<16xf32>
    %add3A_608 = arith.addf %add3A_601, %select_n3A_607 : vector<16xf32>
    %ge3A_609 = arith.cmpf oge, %div3A_261, %div3A_264 : vector<16xf32>
    %jit3A_610 = arith.constant 1.000000e+00 : f32
    %jit3A_611 = arith.constant 0.000000e+00 : f32
    %broadcast_in_dim3A_612 = vector.broadcast %jit3A_610 : f32 to vector<16xf32>
    %broadcast_in_dim3A_613 = vector.broadcast %jit3A_611 : f32 to vector<16xf32>
    %select_n3A_614 = arith.select %ge3A_609, %broadcast_in_dim3A_612, %broadcast_in_dim3A_613 : vector<16xi1>, vector<16xf32>
    %add3A_615 = arith.addf %add3A_608, %select_n3A_614 : vector<16xf32>
    %ge3A_616 = arith.cmpf oge, %div3A_262, %div3A_264 : vector<16xf32>
    %jit3A_617 = arith.constant 1.000000e+00 : f32
    %jit3A_618 = arith.constant 0.000000e+00 : f32
    %broadcast_in_dim3A_619 = vector.broadcast %jit3A_617 : f32 to vector<16xf32>
    %broadcast_in_dim3A_620 = vector.broadcast %jit3A_618 : f32 to vector<16xf32>
    %select_n3A_621 = arith.select %ge3A_616, %broadcast_in_dim3A_619, %broadcast_in_dim3A_620 : vector<16xi1>, vector<16xf32>
    %add3A_622 = arith.addf %add3A_615, %select_n3A_621 : vector<16xf32>
    %ge3A_623 = arith.cmpf oge, %div3A_263, %div3A_264 : vector<16xf32>
    %jit3A_624 = arith.constant 1.000000e+00 : f32
    %jit3A_625 = arith.constant 0.000000e+00 : f32
    %broadcast_in_dim3A_626 = vector.broadcast %jit3A_624 : f32 to vector<16xf32>
    %broadcast_in_dim3A_627 = vector.broadcast %jit3A_625 : f32 to vector<16xf32>
    %select_n3A_628 = arith.select %ge3A_623, %broadcast_in_dim3A_626, %broadcast_in_dim3A_627 : vector<16xi1>, vector<16xf32>
    %add3A_629 = arith.addf %add3A_622, %select_n3A_628 : vector<16xf32>
    %gt3A_630 = arith.cmpf ogt, %div3A_265, %div3A_264 : vector<16xf32>
    %jit3A_631 = arith.constant 1.000000e+00 : f32
    %jit3A_632 = arith.constant 0.000000e+00 : f32
    %broadcast_in_dim3A_633 = vector.broadcast %jit3A_631 : f32 to vector<16xf32>
    %broadcast_in_dim3A_634 = vector.broadcast %jit3A_632 : f32 to vector<16xf32>
    %select_n3A_635 = arith.select %gt3A_630, %broadcast_in_dim3A_633, %broadcast_in_dim3A_634 : vector<16xi1>, vector<16xf32>
    %add3A_636 = arith.addf %add3A_629, %select_n3A_635 : vector<16xf32>
    %lt3A_637 = arith.constant 5.000000e+00 : f32
    %lt3A_638 = vector.broadcast %lt3A_637 : f32 to vector<16xf32>
    %lt3A_639 = arith.cmpf olt, %add3A_636, %lt3A_638 : vector<16xf32>
    %jit3A_640 = arith.constant 0.000000e+00 : f32
    %broadcast_in_dim3A_641 = vector.broadcast %jit3A_640 : f32 to vector<16xf32>
    %select_n3A_642 = arith.select %lt3A_639, %div3A_264, %broadcast_in_dim3A_641 : vector<16xi1>, vector<16xf32>
    %add3A_643 = arith.addf %add3A_588, %select_n3A_642 : vector<16xf32>
    %ge3A_644 = arith.cmpf oge, %div3A, %div3A_265 : vector<16xf32>
    %jit3A_645 = arith.constant 1.000000e+00 : f32
    %jit3A_646 = arith.constant 0.000000e+00 : f32
    %broadcast_in_dim3A_647 = vector.broadcast %jit3A_645 : f32 to vector<16xf32>
    %broadcast_in_dim3A_648 = vector.broadcast %jit3A_646 : f32 to vector<16xf32>
    %select_n3A_649 = arith.select %ge3A_644, %broadcast_in_dim3A_647, %broadcast_in_dim3A_648 : vector<16xi1>, vector<16xf32>
    %ge3A_650 = arith.cmpf oge, %div3A_259, %div3A_265 : vector<16xf32>
    %jit3A_651 = arith.constant 1.000000e+00 : f32
    %jit3A_652 = arith.constant 0.000000e+00 : f32
    %broadcast_in_dim3A_653 = vector.broadcast %jit3A_651 : f32 to vector<16xf32>
    %broadcast_in_dim3A_654 = vector.broadcast %jit3A_652 : f32 to vector<16xf32>
    %select_n3A_655 = arith.select %ge3A_650, %broadcast_in_dim3A_653, %broadcast_in_dim3A_654 : vector<16xi1>, vector<16xf32>
    %add3A_656 = arith.addf %select_n3A_649, %select_n3A_655 : vector<16xf32>
    %ge3A_657 = arith.cmpf oge, %div3A_260, %div3A_265 : vector<16xf32>
    %jit3A_658 = arith.constant 1.000000e+00 : f32
    %jit3A_659 = arith.constant 0.000000e+00 : f32
    %broadcast_in_dim3A_660 = vector.broadcast %jit3A_658 : f32 to vector<16xf32>
    %broadcast_in_dim3A_661 = vector.broadcast %jit3A_659 : f32 to vector<16xf32>
    %select_n3A_662 = arith.select %ge3A_657, %broadcast_in_dim3A_660, %broadcast_in_dim3A_661 : vector<16xi1>, vector<16xf32>
    %add3A_663 = arith.addf %add3A_656, %select_n3A_662 : vector<16xf32>
    %ge3A_664 = arith.cmpf oge, %div3A_261, %div3A_265 : vector<16xf32>
    %jit3A_665 = arith.constant 1.000000e+00 : f32
    %jit3A_666 = arith.constant 0.000000e+00 : f32
    %broadcast_in_dim3A_667 = vector.broadcast %jit3A_665 : f32 to vector<16xf32>
    %broadcast_in_dim3A_668 = vector.broadcast %jit3A_666 : f32 to vector<16xf32>
    %select_n3A_669 = arith.select %ge3A_664, %broadcast_in_dim3A_667, %broadcast_in_dim3A_668 : vector<16xi1>, vector<16xf32>
    %add3A_670 = arith.addf %add3A_663, %select_n3A_669 : vector<16xf32>
    %ge3A_671 = arith.cmpf oge, %div3A_262, %div3A_265 : vector<16xf32>
    %jit3A_672 = arith.constant 1.000000e+00 : f32
    %jit3A_673 = arith.constant 0.000000e+00 : f32
    %broadcast_in_dim3A_674 = vector.broadcast %jit3A_672 : f32 to vector<16xf32>
    %broadcast_in_dim3A_675 = vector.broadcast %jit3A_673 : f32 to vector<16xf32>
    %select_n3A_676 = arith.select %ge3A_671, %broadcast_in_dim3A_674, %broadcast_in_dim3A_675 : vector<16xi1>, vector<16xf32>
    %add3A_677 = arith.addf %add3A_670, %select_n3A_676 : vector<16xf32>
    %ge3A_678 = arith.cmpf oge, %div3A_263, %div3A_265 : vector<16xf32>
    %jit3A_679 = arith.constant 1.000000e+00 : f32
    %jit3A_680 = arith.constant 0.000000e+00 : f32
    %broadcast_in_dim3A_681 = vector.broadcast %jit3A_679 : f32 to vector<16xf32>
    %broadcast_in_dim3A_682 = vector.broadcast %jit3A_680 : f32 to vector<16xf32>
    %select_n3A_683 = arith.select %ge3A_678, %broadcast_in_dim3A_681, %broadcast_in_dim3A_682 : vector<16xi1>, vector<16xf32>
    %add3A_684 = arith.addf %add3A_677, %select_n3A_683 : vector<16xf32>
    %ge3A_685 = arith.cmpf oge, %div3A_264, %div3A_265 : vector<16xf32>
    %jit3A_686 = arith.constant 1.000000e+00 : f32
    %jit3A_687 = arith.constant 0.000000e+00 : f32
    %broadcast_in_dim3A_688 = vector.broadcast %jit3A_686 : f32 to vector<16xf32>
    %broadcast_in_dim3A_689 = vector.broadcast %jit3A_687 : f32 to vector<16xf32>
    %select_n3A_690 = arith.select %ge3A_685, %broadcast_in_dim3A_688, %broadcast_in_dim3A_689 : vector<16xi1>, vector<16xf32>
    %add3A_691 = arith.addf %add3A_684, %select_n3A_690 : vector<16xf32>
    %lt3A_692 = arith.constant 5.000000e+00 : f32
    %lt3A_693 = vector.broadcast %lt3A_692 : f32 to vector<16xf32>
    %lt3A_694 = arith.cmpf olt, %add3A_691, %lt3A_693 : vector<16xf32>
    %jit3A_695 = arith.constant 0.000000e+00 : f32
    %broadcast_in_dim3A_696 = vector.broadcast %jit3A_695 : f32 to vector<16xf32>
    %select_n3A_697 = arith.select %lt3A_694, %div3A_265, %broadcast_in_dim3A_696 : vector<16xi1>, vector<16xf32>
    %add3A_698 = arith.addf %add3A_643, %select_n3A_697 : vector<16xf32>
    %add3A_699 = arith.constant 9.99999993E-9 : f32
    %add3A_700 = vector.broadcast %add3A_699 : f32 to vector<16xf32>
    %add3A_701 = arith.addf %add3A_698, %add3A_700 : vector<16xf32>
    %div3A_702 = arith.constant 1.000000e+00 : f32
    %div3A_703 = vector.broadcast %div3A_702 : f32 to vector<16xf32>
    %div3A_704 = arith.divf %div3A_703, %add3A_701 : vector<16xf32>
    %mul3A_705 = arith.mulf %select_n3A_314, %div3A_704 : vector<16xf32>
    %swap3A = arith.constant 0 : i32
    %swap3A_706 = arith.index_cast %swap3A : i32 to index
    %swap3A_707 = arith.constant 0 : index
    %swap3A_708 = tpu.vector_load %arg5[%swap3A_706, %swap3A_707] {strides = array<i32>} : memref<8x64xf32, #tpu.memory_space<vmem>>, vector<1x16xf32>,
    %swap3A_709 = vector.shape_cast %swap3A_708 : vector<1x16xf32> to vector<16xf32>
    %swap3A_710 = vector.shape_cast %mul3A_705 : vector<16xf32> to vector<1x16xf32>
    tpu.vector_store %arg5[%swap3A_706, %swap3A_707], %swap3A_710 {strides = array<i32>} : memref<8x64xf32, #tpu.memory_space<vmem>>, vector<1x16xf32>,
    %mul3A_711 = arith.mulf %select_n3A_367, %div3A_704 : vector<16xf32>
    %swap3A_712 = arith.constant 1 : i32
    %swap3A_713 = arith.index_cast %swap3A_712 : i32 to index
    %swap3A_714 = arith.constant 0 : index
    %swap3A_715 = tpu.vector_load %arg5[%swap3A_713, %swap3A_714] {strides = array<i32>} : memref<8x64xf32, #tpu.memory_space<vmem>>, vector<1x16xf32>,
    %swap3A_716 = vector.shape_cast %swap3A_715 : vector<1x16xf32> to vector<16xf32>
    %swap3A_717 = vector.shape_cast %mul3A_711 : vector<16xf32> to vector<1x16xf32>
    tpu.vector_store %arg5[%swap3A_713, %swap3A_714], %swap3A_717 {strides = array<i32>} : memref<8x64xf32, #tpu.memory_space<vmem>>, vector<1x16xf32>,
    %mul3A_718 = arith.mulf %select_n3A_422, %div3A_704 : vector<16xf32>
    %swap3A_719 = arith.constant 2 : i32
    %swap3A_720 = arith.index_cast %swap3A_719 : i32 to index
    %swap3A_721 = arith.constant 0 : index
    %swap3A_722 = tpu.vector_load %arg5[%swap3A_720, %swap3A_721] {strides = array<i32>} : memref<8x64xf32, #tpu.memory_space<vmem>>, vector<1x16xf32>,
    %swap3A_723 = vector.shape_cast %swap3A_722 : vector<1x16xf32> to vector<16xf32>
    %swap3A_724 = vector.shape_cast %mul3A_718 : vector<16xf32> to vector<1x16xf32>
    tpu.vector_store %arg5[%swap3A_720, %swap3A_721], %swap3A_724 {strides = array<i32>} : memref<8x64xf32, #tpu.memory_space<vmem>>, vector<1x16xf32>,
    %mul3A_725 = arith.mulf %select_n3A_477, %div3A_704 : vector<16xf32>
    %swap3A_726 = arith.constant 3 : i32
    %swap3A_727 = arith.index_cast %swap3A_726 : i32 to index
    %swap3A_728 = arith.constant 0 : index
    %swap3A_729 = tpu.vector_load %arg5[%swap3A_727, %swap3A_728] {strides = array<i32>} : memref<8x64xf32, #tpu.memory_space<vmem>>, vector<1x16xf32>,
    %swap3A_730 = vector.shape_cast %swap3A_729 : vector<1x16xf32> to vector<16xf32>
    %swap3A_731 = vector.shape_cast %mul3A_725 : vector<16xf32> to vector<1x16xf32>
    tpu.vector_store %arg5[%swap3A_727, %swap3A_728], %swap3A_731 {strides = array<i32>} : memref<8x64xf32, #tpu.memory_space<vmem>>, vector<1x16xf32>,
    %mul3A_732 = arith.mulf %select_n3A_532, %div3A_704 : vector<16xf32>
    %swap3A_733 = arith.constant 4 : i32
    %swap3A_734 = arith.index_cast %swap3A_733 : i32 to index
    %swap3A_735 = arith.constant 0 : index
    %swap3A_736 = tpu.vector_load %arg5[%swap3A_734, %swap3A_735] {strides = array<i32>} : memref<8x64xf32, #tpu.memory_space<vmem>>, vector<1x16xf32>,
    %swap3A_737 = vector.shape_cast %swap3A_736 : vector<1x16xf32> to vector<16xf32>
    %swap3A_738 = vector.shape_cast %mul3A_732 : vector<16xf32> to vector<1x16xf32>
    tpu.vector_store %arg5[%swap3A_734, %swap3A_735], %swap3A_738 {strides = array<i32>} : memref<8x64xf32, #tpu.memory_space<vmem>>, vector<1x16xf32>,
    %mul3A_739 = arith.mulf %select_n3A_587, %div3A_704 : vector<16xf32>
    %swap3A_740 = arith.constant 5 : i32
    %swap3A_741 = arith.index_cast %swap3A_740 : i32 to index
    %swap3A_742 = arith.constant 0 : index
    %swap3A_743 = tpu.vector_load %arg5[%swap3A_741, %swap3A_742] {strides = array<i32>} : memref<8x64xf32, #tpu.memory_space<vmem>>, vector<1x16xf32>,
    %swap3A_744 = vector.shape_cast %swap3A_743 : vector<1x16xf32> to vector<16xf32>
    %swap3A_745 = vector.shape_cast %mul3A_739 : vector<16xf32> to vector<1x16xf32>
    tpu.vector_store %arg5[%swap3A_741, %swap3A_742], %swap3A_745 {strides = array<i32>} : memref<8x64xf32, #tpu.memory_space<vmem>>, vector<1x16xf32>,
    %mul3A_746 = arith.mulf %select_n3A_642, %div3A_704 : vector<16xf32>
    %swap3A_747 = arith.constant 6 : i32
    %swap3A_748 = arith.index_cast %swap3A_747 : i32 to index
    %swap3A_749 = arith.constant 0 : index
    %swap3A_750 = tpu.vector_load %arg5[%swap3A_748, %swap3A_749] {strides = array<i32>} : memref<8x64xf32, #tpu.memory_space<vmem>>, vector<1x16xf32>,
    %swap3A_751 = vector.shape_cast %swap3A_750 : vector<1x16xf32> to vector<16xf32>
    %swap3A_752 = vector.shape_cast %mul3A_746 : vector<16xf32> to vector<1x16xf32>
    tpu.vector_store %arg5[%swap3A_748, %swap3A_749], %swap3A_752 {strides = array<i32>} : memref<8x64xf32, #tpu.memory_space<vmem>>, vector<1x16xf32>,
    %mul3A_753 = arith.mulf %select_n3A_697, %div3A_704 : vector<16xf32>
    %swap3A_754 = arith.constant 7 : i32
    %swap3A_755 = arith.index_cast %swap3A_754 : i32 to index
    %swap3A_756 = arith.constant 0 : index
    %swap3A_757 = tpu.vector_load %arg5[%swap3A_755, %swap3A_756] {strides = array<i32>} : memref<8x64xf32, #tpu.memory_space<vmem>>, vector<1x16xf32>,
    %swap3A_758 = vector.shape_cast %swap3A_757 : vector<1x16xf32> to vector<16xf32>
    %swap3A_759 = vector.shape_cast %mul3A_753 : vector<16xf32> to vector<1x16xf32>
    tpu.vector_store %arg5[%swap3A_755, %swap3A_756], %swap3A_759 {strides = array<i32>} : memref<8x64xf32, #tpu.memory_space<vmem>>, vector<1x16xf32>,
    %get3A_760 = arith.constant 0 : i32
    %get3A_761 = arith.index_cast %get3A_760 : i32 to index
    %get3A_762 = arith.constant 16 : index
    %get3A_763 = tpu.vector_load %arg4[%get3A_761, %get3A_762] {strides = array<i32>} : memref<8x64xf32, #tpu.memory_space<vmem>>, vector<1x16xf32>,
    %get3A_764 = vector.shape_cast %get3A_763 : vector<1x16xf32> to vector<16xf32>
    %get3A_765 = arith.constant 1 : i32
    %get3A_766 = arith.index_cast %get3A_765 : i32 to index
    %get3A_767 = arith.constant 16 : index
    %get3A_768 = tpu.vector_load %arg4[%get3A_766, %get3A_767] {strides = array<i32>} : memref<8x64xf32, #tpu.memory_space<vmem>>, vector<1x16xf32>,
    %get3A_769 = vector.shape_cast %get3A_768 : vector<1x16xf32> to vector<16xf32>
    %get3A_770 = arith.constant 2 : i32
    %get3A_771 = arith.index_cast %get3A_770 : i32 to index
    %get3A_772 = arith.constant 16 : index
    %get3A_773 = tpu.vector_load %arg4[%get3A_771, %get3A_772] {strides = array<i32>} : memref<8x64xf32, #tpu.memory_space<vmem>>, vector<1x16xf32>,
    %get3A_774 = vector.shape_cast %get3A_773 : vector<1x16xf32> to vector<16xf32>
    %get3A_775 = arith.constant 3 : i32
    %get3A_776 = arith.index_cast %get3A_775 : i32 to index
    %get3A_777 = arith.constant 16 : index
    %get3A_778 = tpu.vector_load %arg4[%get3A_776, %get3A_777] {strides = array<i32>} : memref<8x64xf32, #tpu.memory_space<vmem>>, vector<1x16xf32>,
    %get3A_779 = vector.shape_cast %get3A_778 : vector<1x16xf32> to vector<16xf32>
    %get3A_780 = arith.constant 4 : i32
    %get3A_781 = arith.index_cast %get3A_780 : i32 to index
    %get3A_782 = arith.constant 16 : index
    %get3A_783 = tpu.vector_load %arg4[%get3A_781, %get3A_782] {strides = array<i32>} : memref<8x64xf32, #tpu.memory_space<vmem>>, vector<1x16xf32>,
    %get3A_784 = vector.shape_cast %get3A_783 : vector<1x16xf32> to vector<16xf32>
    %get3A_785 = arith.constant 5 : i32
    %get3A_786 = arith.index_cast %get3A_785 : i32 to index
    %get3A_787 = arith.constant 16 : index
    %get3A_788 = tpu.vector_load %arg4[%get3A_786, %get3A_787] {strides = array<i32>} : memref<8x64xf32, #tpu.memory_space<vmem>>, vector<1x16xf32>,
    %get3A_789 = vector.shape_cast %get3A_788 : vector<1x16xf32> to vector<16xf32>
    %get3A_790 = arith.constant 6 : i32
    %get3A_791 = arith.index_cast %get3A_790 : i32 to index
    %get3A_792 = arith.constant 16 : index
    %get3A_793 = tpu.vector_load %arg4[%get3A_791, %get3A_792] {strides = array<i32>} : memref<8x64xf32, #tpu.memory_space<vmem>>, vector<1x16xf32>,
    %get3A_794 = vector.shape_cast %get3A_793 : vector<1x16xf32> to vector<16xf32>
    %get3A_795 = arith.constant 7 : i32
    %get3A_796 = arith.index_cast %get3A_795 : i32 to index
    %get3A_797 = arith.constant 16 : index
    %get3A_798 = tpu.vector_load %arg4[%get3A_796, %get3A_797] {strides = array<i32>} : memref<8x64xf32, #tpu.memory_space<vmem>>, vector<1x16xf32>,
    %get3A_799 = vector.shape_cast %get3A_798 : vector<1x16xf32> to vector<16xf32>
    %max3A_800 = arith.maximumf %get3A_764, %get3A_769 : vector<16xf32>
    %max3A_801 = arith.maximumf %max3A_800, %get3A_774 : vector<16xf32>
    %max3A_802 = arith.maximumf %max3A_801, %get3A_779 : vector<16xf32>
    %max3A_803 = arith.maximumf %max3A_802, %get3A_784 : vector<16xf32>
    %max3A_804 = arith.maximumf %max3A_803, %get3A_789 : vector<16xf32>
    %max3A_805 = arith.maximumf %max3A_804, %get3A_794 : vector<16xf32>
    %max3A_806 = arith.maximumf %max3A_805, %get3A_799 : vector<16xf32>
    %sub3A_807 = arith.subf %get3A_764, %max3A_806 : vector<16xf32>
    %exp3A_808 = math.exp %sub3A_807 : vector<16xf32>
    %sub3A_809 = arith.subf %get3A_769, %max3A_806 : vector<16xf32>
    %exp3A_810 = math.exp %sub3A_809 : vector<16xf32>
    %sub3A_811 = arith.subf %get3A_774, %max3A_806 : vector<16xf32>
    %exp3A_812 = math.exp %sub3A_811 : vector<16xf32>
    %sub3A_813 = arith.subf %get3A_779, %max3A_806 : vector<16xf32>
    %exp3A_814 = math.exp %sub3A_813 : vector<16xf32>
    %sub3A_815 = arith.subf %get3A_784, %max3A_806 : vector<16xf32>
    %exp3A_816 = math.exp %sub3A_815 : vector<16xf32>
    %sub3A_817 = arith.subf %get3A_789, %max3A_806 : vector<16xf32>
    %exp3A_818 = math.exp %sub3A_817 : vector<16xf32>
    %sub3A_819 = arith.subf %get3A_794, %max3A_806 : vector<16xf32>
    %exp3A_820 = math.exp %sub3A_819 : vector<16xf32>
    %sub3A_821 = arith.subf %get3A_799, %max3A_806 : vector<16xf32>
    %exp3A_822 = math.exp %sub3A_821 : vector<16xf32>
    %add3A_823 = arith.addf %exp3A_808, %exp3A_810 : vector<16xf32>
    %add3A_824 = arith.addf %add3A_823, %exp3A_812 : vector<16xf32>
    %add3A_825 = arith.addf %add3A_824, %exp3A_814 : vector<16xf32>
    %add3A_826 = arith.addf %add3A_825, %exp3A_816 : vector<16xf32>
    %add3A_827 = arith.addf %add3A_826, %exp3A_818 : vector<16xf32>
    %add3A_828 = arith.addf %add3A_827, %exp3A_820 : vector<16xf32>
    %add3A_829 = arith.addf %add3A_828, %exp3A_822 : vector<16xf32>
    %div3A_830 = arith.divf %exp3A_808, %add3A_829 : vector<16xf32>
    %div3A_831 = arith.divf %exp3A_810, %add3A_829 : vector<16xf32>
    %div3A_832 = arith.divf %exp3A_812, %add3A_829 : vector<16xf32>
    %div3A_833 = arith.divf %exp3A_814, %add3A_829 : vector<16xf32>
    %div3A_834 = arith.divf %exp3A_816, %add3A_829 : vector<16xf32>
    %div3A_835 = arith.divf %exp3A_818, %add3A_829 : vector<16xf32>
    %div3A_836 = arith.divf %exp3A_820, %add3A_829 : vector<16xf32>
    %div3A_837 = arith.divf %exp3A_822, %add3A_829 : vector<16xf32>
    %gt3A_838 = arith.cmpf ogt, %div3A_831, %div3A_830 : vector<16xf32>
    %jit3A_839 = arith.constant 1.000000e+00 : f32
    %jit3A_840 = arith.constant 0.000000e+00 : f32
    %broadcast_in_dim3A_841 = vector.broadcast %jit3A_839 : f32 to vector<16xf32>
    %broadcast_in_dim3A_842 = vector.broadcast %jit3A_840 : f32 to vector<16xf32>
    %select_n3A_843 = arith.select %gt3A_838, %broadcast_in_dim3A_841, %broadcast_in_dim3A_842 : vector<16xi1>, vector<16xf32>
    %gt3A_844 = arith.cmpf ogt, %div3A_832, %div3A_830 : vector<16xf32>
    %jit3A_845 = arith.constant 1.000000e+00 : f32
    %jit3A_846 = arith.constant 0.000000e+00 : f32
    %broadcast_in_dim3A_847 = vector.broadcast %jit3A_845 : f32 to vector<16xf32>
    %broadcast_in_dim3A_848 = vector.broadcast %jit3A_846 : f32 to vector<16xf32>
    %select_n3A_849 = arith.select %gt3A_844, %broadcast_in_dim3A_847, %broadcast_in_dim3A_848 : vector<16xi1>, vector<16xf32>
    %add3A_850 = arith.addf %select_n3A_843, %select_n3A_849 : vector<16xf32>
    %gt3A_851 = arith.cmpf ogt, %div3A_833, %div3A_830 : vector<16xf32>
    %jit3A_852 = arith.constant 1.000000e+00 : f32
    %jit3A_853 = arith.constant 0.000000e+00 : f32
    %broadcast_in_dim3A_854 = vector.broadcast %jit3A_852 : f32 to vector<16xf32>
    %broadcast_in_dim3A_855 = vector.broadcast %jit3A_853 : f32 to vector<16xf32>
    %select_n3A_856 = arith.select %gt3A_851, %broadcast_in_dim3A_854, %broadcast_in_dim3A_855 : vector<16xi1>, vector<16xf32>
    %add3A_857 = arith.addf %add3A_850, %select_n3A_856 : vector<16xf32>
    %gt3A_858 = arith.cmpf ogt, %div3A_834, %div3A_830 : vector<16xf32>
    %jit3A_859 = arith.constant 1.000000e+00 : f32
    %jit3A_860 = arith.constant 0.000000e+00 : f32
    %broadcast_in_dim3A_861 = vector.broadcast %jit3A_859 : f32 to vector<16xf32>
    %broadcast_in_dim3A_862 = vector.broadcast %jit3A_860 : f32 to vector<16xf32>
    %select_n3A_863 = arith.select %gt3A_858, %broadcast_in_dim3A_861, %broadcast_in_dim3A_862 : vector<16xi1>, vector<16xf32>
    %add3A_864 = arith.addf %add3A_857, %select_n3A_863 : vector<16xf32>
    %gt3A_865 = arith.cmpf ogt, %div3A_835, %div3A_830 : vector<16xf32>
    %jit3A_866 = arith.constant 1.000000e+00 : f32
    %jit3A_867 = arith.constant 0.000000e+00 : f32
    %broadcast_in_dim3A_868 = vector.broadcast %jit3A_866 : f32 to vector<16xf32>
    %broadcast_in_dim3A_869 = vector.broadcast %jit3A_867 : f32 to vector<16xf32>
    %select_n3A_870 = arith.select %gt3A_865, %broadcast_in_dim3A_868, %broadcast_in_dim3A_869 : vector<16xi1>, vector<16xf32>
    %add3A_871 = arith.addf %add3A_864, %select_n3A_870 : vector<16xf32>
    %gt3A_872 = arith.cmpf ogt, %div3A_836, %div3A_830 : vector<16xf32>
    %jit3A_873 = arith.constant 1.000000e+00 : f32
    %jit3A_874 = arith.constant 0.000000e+00 : f32
    %broadcast_in_dim3A_875 = vector.broadcast %jit3A_873 : f32 to vector<16xf32>
    %broadcast_in_dim3A_876 = vector.broadcast %jit3A_874 : f32 to vector<16xf32>
    %select_n3A_877 = arith.select %gt3A_872, %broadcast_in_dim3A_875, %broadcast_in_dim3A_876 : vector<16xi1>, vector<16xf32>
    %add3A_878 = arith.addf %add3A_871, %select_n3A_877 : vector<16xf32>
    %gt3A_879 = arith.cmpf ogt, %div3A_837, %div3A_830 : vector<16xf32>
    %jit3A_880 = arith.constant 1.000000e+00 : f32
    %jit3A_881 = arith.constant 0.000000e+00 : f32
    %broadcast_in_dim3A_882 = vector.broadcast %jit3A_880 : f32 to vector<16xf32>
    %broadcast_in_dim3A_883 = vector.broadcast %jit3A_881 : f32 to vector<16xf32>
    %select_n3A_884 = arith.select %gt3A_879, %broadcast_in_dim3A_882, %broadcast_in_dim3A_883 : vector<16xi1>, vector<16xf32>
    %add3A_885 = arith.addf %add3A_878, %select_n3A_884 : vector<16xf32>
    %lt3A_886 = arith.constant 5.000000e+00 : f32
    %lt3A_887 = vector.broadcast %lt3A_886 : f32 to vector<16xf32>
    %lt3A_888 = arith.cmpf olt, %add3A_885, %lt3A_887 : vector<16xf32>
    %jit3A_889 = arith.constant 0.000000e+00 : f32
    %broadcast_in_dim3A_890 = vector.broadcast %jit3A_889 : f32 to vector<16xf32>
    %select_n3A_891 = arith.select %lt3A_888, %div3A_830, %broadcast_in_dim3A_890 : vector<16xi1>, vector<16xf32>
    %ge3A_892 = arith.cmpf oge, %div3A_830, %div3A_831 : vector<16xf32>
    %jit3A_893 = arith.constant 1.000000e+00 : f32
    %jit3A_894 = arith.constant 0.000000e+00 : f32
    %broadcast_in_dim3A_895 = vector.broadcast %jit3A_893 : f32 to vector<16xf32>
    %broadcast_in_dim3A_896 = vector.broadcast %jit3A_894 : f32 to vector<16xf32>
    %select_n3A_897 = arith.select %ge3A_892, %broadcast_in_dim3A_895, %broadcast_in_dim3A_896 : vector<16xi1>, vector<16xf32>
    %gt3A_898 = arith.cmpf ogt, %div3A_832, %div3A_831 : vector<16xf32>
    %jit3A_899 = arith.constant 1.000000e+00 : f32
    %jit3A_900 = arith.constant 0.000000e+00 : f32
    %broadcast_in_dim3A_901 = vector.broadcast %jit3A_899 : f32 to vector<16xf32>
    %broadcast_in_dim3A_902 = vector.broadcast %jit3A_900 : f32 to vector<16xf32>
    %select_n3A_903 = arith.select %gt3A_898, %broadcast_in_dim3A_901, %broadcast_in_dim3A_902 : vector<16xi1>, vector<16xf32>
    %add3A_904 = arith.addf %select_n3A_897, %select_n3A_903 : vector<16xf32>
    %gt3A_905 = arith.cmpf ogt, %div3A_833, %div3A_831 : vector<16xf32>
    %jit3A_906 = arith.constant 1.000000e+00 : f32
    %jit3A_907 = arith.constant 0.000000e+00 : f32
    %broadcast_in_dim3A_908 = vector.broadcast %jit3A_906 : f32 to vector<16xf32>
    %broadcast_in_dim3A_909 = vector.broadcast %jit3A_907 : f32 to vector<16xf32>
    %select_n3A_910 = arith.select %gt3A_905, %broadcast_in_dim3A_908, %broadcast_in_dim3A_909 : vector<16xi1>, vector<16xf32>
    %add3A_911 = arith.addf %add3A_904, %select_n3A_910 : vector<16xf32>
    %gt3A_912 = arith.cmpf ogt, %div3A_834, %div3A_831 : vector<16xf32>
    %jit3A_913 = arith.constant 1.000000e+00 : f32
    %jit3A_914 = arith.constant 0.000000e+00 : f32
    %broadcast_in_dim3A_915 = vector.broadcast %jit3A_913 : f32 to vector<16xf32>
    %broadcast_in_dim3A_916 = vector.broadcast %jit3A_914 : f32 to vector<16xf32>
    %select_n3A_917 = arith.select %gt3A_912, %broadcast_in_dim3A_915, %broadcast_in_dim3A_916 : vector<16xi1>, vector<16xf32>
    %add3A_918 = arith.addf %add3A_911, %select_n3A_917 : vector<16xf32>
    %gt3A_919 = arith.cmpf ogt, %div3A_835, %div3A_831 : vector<16xf32>
    %jit3A_920 = arith.constant 1.000000e+00 : f32
    %jit3A_921 = arith.constant 0.000000e+00 : f32
    %broadcast_in_dim3A_922 = vector.broadcast %jit3A_920 : f32 to vector<16xf32>
    %broadcast_in_dim3A_923 = vector.broadcast %jit3A_921 : f32 to vector<16xf32>
    %select_n3A_924 = arith.select %gt3A_919, %broadcast_in_dim3A_922, %broadcast_in_dim3A_923 : vector<16xi1>, vector<16xf32>
    %add3A_925 = arith.addf %add3A_918, %select_n3A_924 : vector<16xf32>
    %gt3A_926 = arith.cmpf ogt, %div3A_836, %div3A_831 : vector<16xf32>
    %jit3A_927 = arith.constant 1.000000e+00 : f32
    %jit3A_928 = arith.constant 0.000000e+00 : f32
    %broadcast_in_dim3A_929 = vector.broadcast %jit3A_927 : f32 to vector<16xf32>
    %broadcast_in_dim3A_930 = vector.broadcast %jit3A_928 : f32 to vector<16xf32>
    %select_n3A_931 = arith.select %gt3A_926, %broadcast_in_dim3A_929, %broadcast_in_dim3A_930 : vector<16xi1>, vector<16xf32>
    %add3A_932 = arith.addf %add3A_925, %select_n3A_931 : vector<16xf32>
    %gt3A_933 = arith.cmpf ogt, %div3A_837, %div3A_831 : vector<16xf32>
    %jit3A_934 = arith.constant 1.000000e+00 : f32
    %jit3A_935 = arith.constant 0.000000e+00 : f32
    %broadcast_in_dim3A_936 = vector.broadcast %jit3A_934 : f32 to vector<16xf32>
    %broadcast_in_dim3A_937 = vector.broadcast %jit3A_935 : f32 to vector<16xf32>
    %select_n3A_938 = arith.select %gt3A_933, %broadcast_in_dim3A_936, %broadcast_in_dim3A_937 : vector<16xi1>, vector<16xf32>
    %add3A_939 = arith.addf %add3A_932, %select_n3A_938 : vector<16xf32>
    %lt3A_940 = arith.constant 5.000000e+00 : f32
    %lt3A_941 = vector.broadcast %lt3A_940 : f32 to vector<16xf32>
    %lt3A_942 = arith.cmpf olt, %add3A_939, %lt3A_941 : vector<16xf32>
    %jit3A_943 = arith.constant 0.000000e+00 : f32
    %broadcast_in_dim3A_944 = vector.broadcast %jit3A_943 : f32 to vector<16xf32>
    %select_n3A_945 = arith.select %lt3A_942, %div3A_831, %broadcast_in_dim3A_944 : vector<16xi1>, vector<16xf32>
    %add3A_946 = arith.addf %select_n3A_891, %select_n3A_945 : vector<16xf32>
    %ge3A_947 = arith.cmpf oge, %div3A_830, %div3A_832 : vector<16xf32>
    %jit3A_948 = arith.constant 1.000000e+00 : f32
    %jit3A_949 = arith.constant 0.000000e+00 : f32
    %broadcast_in_dim3A_950 = vector.broadcast %jit3A_948 : f32 to vector<16xf32>
    %broadcast_in_dim3A_951 = vector.broadcast %jit3A_949 : f32 to vector<16xf32>
    %select_n3A_952 = arith.select %ge3A_947, %broadcast_in_dim3A_950, %broadcast_in_dim3A_951 : vector<16xi1>, vector<16xf32>
    %ge3A_953 = arith.cmpf oge, %div3A_831, %div3A_832 : vector<16xf32>
    %jit3A_954 = arith.constant 1.000000e+00 : f32
    %jit3A_955 = arith.constant 0.000000e+00 : f32
    %broadcast_in_dim3A_956 = vector.broadcast %jit3A_954 : f32 to vector<16xf32>
    %broadcast_in_dim3A_957 = vector.broadcast %jit3A_955 : f32 to vector<16xf32>
    %select_n3A_958 = arith.select %ge3A_953, %broadcast_in_dim3A_956, %broadcast_in_dim3A_957 : vector<16xi1>, vector<16xf32>
    %add3A_959 = arith.addf %select_n3A_952, %select_n3A_958 : vector<16xf32>
    %gt3A_960 = arith.cmpf ogt, %div3A_833, %div3A_832 : vector<16xf32>
    %jit3A_961 = arith.constant 1.000000e+00 : f32
    %jit3A_962 = arith.constant 0.000000e+00 : f32
    %broadcast_in_dim3A_963 = vector.broadcast %jit3A_961 : f32 to vector<16xf32>
    %broadcast_in_dim3A_964 = vector.broadcast %jit3A_962 : f32 to vector<16xf32>
    %select_n3A_965 = arith.select %gt3A_960, %broadcast_in_dim3A_963, %broadcast_in_dim3A_964 : vector<16xi1>, vector<16xf32>
    %add3A_966 = arith.addf %add3A_959, %select_n3A_965 : vector<16xf32>
    %gt3A_967 = arith.cmpf ogt, %div3A_834, %div3A_832 : vector<16xf32>
    %jit3A_968 = arith.constant 1.000000e+00 : f32
    %jit3A_969 = arith.constant 0.000000e+00 : f32
    %broadcast_in_dim3A_970 = vector.broadcast %jit3A_968 : f32 to vector<16xf32>
    %broadcast_in_dim3A_971 = vector.broadcast %jit3A_969 : f32 to vector<16xf32>
    %select_n3A_972 = arith.select %gt3A_967, %broadcast_in_dim3A_970, %broadcast_in_dim3A_971 : vector<16xi1>, vector<16xf32>
    %add3A_973 = arith.addf %add3A_966, %select_n3A_972 : vector<16xf32>
    %gt3A_974 = arith.cmpf ogt, %div3A_835, %div3A_832 : vector<16xf32>
    %jit3A_975 = arith.constant 1.000000e+00 : f32
    %jit3A_976 = arith.constant 0.000000e+00 : f32
    %broadcast_in_dim3A_977 = vector.broadcast %jit3A_975 : f32 to vector<16xf32>
    %broadcast_in_dim3A_978 = vector.broadcast %jit3A_976 : f32 to vector<16xf32>
    %select_n3A_979 = arith.select %gt3A_974, %broadcast_in_dim3A_977, %broadcast_in_dim3A_978 : vector<16xi1>, vector<16xf32>
    %add3A_980 = arith.addf %add3A_973, %select_n3A_979 : vector<16xf32>
    %gt3A_981 = arith.cmpf ogt, %div3A_836, %div3A_832 : vector<16xf32>
    %jit3A_982 = arith.constant 1.000000e+00 : f32
    %jit3A_983 = arith.constant 0.000000e+00 : f32
    %broadcast_in_dim3A_984 = vector.broadcast %jit3A_982 : f32 to vector<16xf32>
    %broadcast_in_dim3A_985 = vector.broadcast %jit3A_983 : f32 to vector<16xf32>
    %select_n3A_986 = arith.select %gt3A_981, %broadcast_in_dim3A_984, %broadcast_in_dim3A_985 : vector<16xi1>, vector<16xf32>
    %add3A_987 = arith.addf %add3A_980, %select_n3A_986 : vector<16xf32>
    %gt3A_988 = arith.cmpf ogt, %div3A_837, %div3A_832 : vector<16xf32>
    %jit3A_989 = arith.constant 1.000000e+00 : f32
    %jit3A_990 = arith.constant 0.000000e+00 : f32
    %broadcast_in_dim3A_991 = vector.broadcast %jit3A_989 : f32 to vector<16xf32>
    %broadcast_in_dim3A_992 = vector.broadcast %jit3A_990 : f32 to vector<16xf32>
    %select_n3A_993 = arith.select %gt3A_988, %broadcast_in_dim3A_991, %broadcast_in_dim3A_992 : vector<16xi1>, vector<16xf32>
    %add3A_994 = arith.addf %add3A_987, %select_n3A_993 : vector<16xf32>
    %lt3A_995 = arith.constant 5.000000e+00 : f32
    %lt3A_996 = vector.broadcast %lt3A_995 : f32 to vector<16xf32>
    %lt3A_997 = arith.cmpf olt, %add3A_994, %lt3A_996 : vector<16xf32>
    %jit3A_998 = arith.constant 0.000000e+00 : f32
    %broadcast_in_dim3A_999 = vector.broadcast %jit3A_998 : f32 to vector<16xf32>
    %select_n3A_1000 = arith.select %lt3A_997, %div3A_832, %broadcast_in_dim3A_999 : vector<16xi1>, vector<16xf32>
    %add3A_1001 = arith.addf %add3A_946, %select_n3A_1000 : vector<16xf32>
    %ge3A_1002 = arith.cmpf oge, %div3A_830, %div3A_833 : vector<16xf32>
    %jit3A_1003 = arith.constant 1.000000e+00 : f32
    %jit3A_1004 = arith.constant 0.000000e+00 : f32
    %broadcast_in_dim3A_1005 = vector.broadcast %jit3A_1003 : f32 to vector<16xf32>
    %broadcast_in_dim3A_1006 = vector.broadcast %jit3A_1004 : f32 to vector<16xf32>
    %select_n3A_1007 = arith.select %ge3A_1002, %broadcast_in_dim3A_1005, %broadcast_in_dim3A_1006 : vector<16xi1>, vector<16xf32>
    %ge3A_1008 = arith.cmpf oge, %div3A_831, %div3A_833 : vector<16xf32>
    %jit3A_1009 = arith.constant 1.000000e+00 : f32
    %jit3A_1010 = arith.constant 0.000000e+00 : f32
    %broadcast_in_dim3A_1011 = vector.broadcast %jit3A_1009 : f32 to vector<16xf32>
    %broadcast_in_dim3A_1012 = vector.broadcast %jit3A_1010 : f32 to vector<16xf32>
    %select_n3A_1013 = arith.select %ge3A_1008, %broadcast_in_dim3A_1011, %broadcast_in_dim3A_1012 : vector<16xi1>, vector<16xf32>
    %add3A_1014 = arith.addf %select_n3A_1007, %select_n3A_1013 : vector<16xf32>
    %ge3A_1015 = arith.cmpf oge, %div3A_832, %div3A_833 : vector<16xf32>
    %jit3A_1016 = arith.constant 1.000000e+00 : f32
    %jit3A_1017 = arith.constant 0.000000e+00 : f32
    %broadcast_in_dim3A_1018 = vector.broadcast %jit3A_1016 : f32 to vector<16xf32>
    %broadcast_in_dim3A_1019 = vector.broadcast %jit3A_1017 : f32 to vector<16xf32>
    %select_n3A_1020 = arith.select %ge3A_1015, %broadcast_in_dim3A_1018, %broadcast_in_dim3A_1019 : vector<16xi1>, vector<16xf32>
    %add3A_1021 = arith.addf %add3A_1014, %select_n3A_1020 : vector<16xf32>
    %gt3A_1022 = arith.cmpf ogt, %div3A_834, %div3A_833 : vector<16xf32>
    %jit3A_1023 = arith.constant 1.000000e+00 : f32
    %jit3A_1024 = arith.constant 0.000000e+00 : f32
    %broadcast_in_dim3A_1025 = vector.broadcast %jit3A_1023 : f32 to vector<16xf32>
    %broadcast_in_dim3A_1026 = vector.broadcast %jit3A_1024 : f32 to vector<16xf32>
    %select_n3A_1027 = arith.select %gt3A_1022, %broadcast_in_dim3A_1025, %broadcast_in_dim3A_1026 : vector<16xi1>, vector<16xf32>
    %add3A_1028 = arith.addf %add3A_1021, %select_n3A_1027 : vector<16xf32>
    %gt3A_1029 = arith.cmpf ogt, %div3A_835, %div3A_833 : vector<16xf32>
    %jit3A_1030 = arith.constant 1.000000e+00 : f32
    %jit3A_1031 = arith.constant 0.000000e+00 : f32
    %broadcast_in_dim3A_1032 = vector.broadcast %jit3A_1030 : f32 to vector<16xf32>
    %broadcast_in_dim3A_1033 = vector.broadcast %jit3A_1031 : f32 to vector<16xf32>
    %select_n3A_1034 = arith.select %gt3A_1029, %broadcast_in_dim3A_1032, %broadcast_in_dim3A_1033 : vector<16xi1>, vector<16xf32>
    %add3A_1035 = arith.addf %add3A_1028, %select_n3A_1034 : vector<16xf32>
    %gt3A_1036 = arith.cmpf ogt, %div3A_836, %div3A_833 : vector<16xf32>
    %jit3A_1037 = arith.constant 1.000000e+00 : f32
    %jit3A_1038 = arith.constant 0.000000e+00 : f32
    %broadcast_in_dim3A_1039 = vector.broadcast %jit3A_1037 : f32 to vector<16xf32>
    %broadcast_in_dim3A_1040 = vector.broadcast %jit3A_1038 : f32 to vector<16xf32>
    %select_n3A_1041 = arith.select %gt3A_1036, %broadcast_in_dim3A_1039, %broadcast_in_dim3A_1040 : vector<16xi1>, vector<16xf32>
    %add3A_1042 = arith.addf %add3A_1035, %select_n3A_1041 : vector<16xf32>
    %gt3A_1043 = arith.cmpf ogt, %div3A_837, %div3A_833 : vector<16xf32>
    %jit3A_1044 = arith.constant 1.000000e+00 : f32
    %jit3A_1045 = arith.constant 0.000000e+00 : f32
    %broadcast_in_dim3A_1046 = vector.broadcast %jit3A_1044 : f32 to vector<16xf32>
    %broadcast_in_dim3A_1047 = vector.broadcast %jit3A_1045 : f32 to vector<16xf32>
    %select_n3A_1048 = arith.select %gt3A_1043, %broadcast_in_dim3A_1046, %broadcast_in_dim3A_1047 : vector<16xi1>, vector<16xf32>
    %add3A_1049 = arith.addf %add3A_1042, %select_n3A_1048 : vector<16xf32>
    %lt3A_1050 = arith.constant 5.000000e+00 : f32
    %lt3A_1051 = vector.broadcast %lt3A_1050 : f32 to vector<16xf32>
    %lt3A_1052 = arith.cmpf olt, %add3A_1049, %lt3A_1051 : vector<16xf32>
    %jit3A_1053 = arith.constant 0.000000e+00 : f32
    %broadcast_in_dim3A_1054 = vector.broadcast %jit3A_1053 : f32 to vector<16xf32>
    %select_n3A_1055 = arith.select %lt3A_1052, %div3A_833, %broadcast_in_dim3A_1054 : vector<16xi1>, vector<16xf32>
    %add3A_1056 = arith.addf %add3A_1001, %select_n3A_1055 : vector<16xf32>
    %ge3A_1057 = arith.cmpf oge, %div3A_830, %div3A_834 : vector<16xf32>
    %jit3A_1058 = arith.constant 1.000000e+00 : f32
    %jit3A_1059 = arith.constant 0.000000e+00 : f32
    %broadcast_in_dim3A_1060 = vector.broadcast %jit3A_1058 : f32 to vector<16xf32>
    %broadcast_in_dim3A_1061 = vector.broadcast %jit3A_1059 : f32 to vector<16xf32>
    %select_n3A_1062 = arith.select %ge3A_1057, %broadcast_in_dim3A_1060, %broadcast_in_dim3A_1061 : vector<16xi1>, vector<16xf32>
    %ge3A_1063 = arith.cmpf oge, %div3A_831, %div3A_834 : vector<16xf32>
    %jit3A_1064 = arith.constant 1.000000e+00 : f32
    %jit3A_1065 = arith.constant 0.000000e+00 : f32
    %broadcast_in_dim3A_1066 = vector.broadcast %jit3A_1064 : f32 to vector<16xf32>
    %broadcast_in_dim3A_1067 = vector.broadcast %jit3A_1065 : f32 to vector<16xf32>
    %select_n3A_1068 = arith.select %ge3A_1063, %broadcast_in_dim3A_1066, %broadcast_in_dim3A_1067 : vector<16xi1>, vector<16xf32>
    %add3A_1069 = arith.addf %select_n3A_1062, %select_n3A_1068 : vector<16xf32>
    %ge3A_1070 = arith.cmpf oge, %div3A_832, %div3A_834 : vector<16xf32>
    %jit3A_1071 = arith.constant 1.000000e+00 : f32
    %jit3A_1072 = arith.constant 0.000000e+00 : f32
    %broadcast_in_dim3A_1073 = vector.broadcast %jit3A_1071 : f32 to vector<16xf32>
    %broadcast_in_dim3A_1074 = vector.broadcast %jit3A_1072 : f32 to vector<16xf32>
    %select_n3A_1075 = arith.select %ge3A_1070, %broadcast_in_dim3A_1073, %broadcast_in_dim3A_1074 : vector<16xi1>, vector<16xf32>
    %add3A_1076 = arith.addf %add3A_1069, %select_n3A_1075 : vector<16xf32>
    %ge3A_1077 = arith.cmpf oge, %div3A_833, %div3A_834 : vector<16xf32>
    %jit3A_1078 = arith.constant 1.000000e+00 : f32
    %jit3A_1079 = arith.constant 0.000000e+00 : f32
    %broadcast_in_dim3A_1080 = vector.broadcast %jit3A_1078 : f32 to vector<16xf32>
    %broadcast_in_dim3A_1081 = vector.broadcast %jit3A_1079 : f32 to vector<16xf32>
    %select_n3A_1082 = arith.select %ge3A_1077, %broadcast_in_dim3A_1080, %broadcast_in_dim3A_1081 : vector<16xi1>, vector<16xf32>
    %add3A_1083 = arith.addf %add3A_1076, %select_n3A_1082 : vector<16xf32>
    %gt3A_1084 = arith.cmpf ogt, %div3A_835, %div3A_834 : vector<16xf32>
    %jit3A_1085 = arith.constant 1.000000e+00 : f32
    %jit3A_1086 = arith.constant 0.000000e+00 : f32
    %broadcast_in_dim3A_1087 = vector.broadcast %jit3A_1085 : f32 to vector<16xf32>
    %broadcast_in_dim3A_1088 = vector.broadcast %jit3A_1086 : f32 to vector<16xf32>
    %select_n3A_1089 = arith.select %gt3A_1084, %broadcast_in_dim3A_1087, %broadcast_in_dim3A_1088 : vector<16xi1>, vector<16xf32>
    %add3A_1090 = arith.addf %add3A_1083, %select_n3A_1089 : vector<16xf32>
    %gt3A_1091 = arith.cmpf ogt, %div3A_836, %div3A_834 : vector<16xf32>
    %jit3A_1092 = arith.constant 1.000000e+00 : f32
    %jit3A_1093 = arith.constant 0.000000e+00 : f32
    %broadcast_in_dim3A_1094 = vector.broadcast %jit3A_1092 : f32 to vector<16xf32>
    %broadcast_in_dim3A_1095 = vector.broadcast %jit3A_1093 : f32 to vector<16xf32>
    %select_n3A_1096 = arith.select %gt3A_1091, %broadcast_in_dim3A_1094, %broadcast_in_dim3A_1095 : vector<16xi1>, vector<16xf32>
    %add3A_1097 = arith.addf %add3A_1090, %select_n3A_1096 : vector<16xf32>
    %gt3A_1098 = arith.cmpf ogt, %div3A_837, %div3A_834 : vector<16xf32>
    %jit3A_1099 = arith.constant 1.000000e+00 : f32
    %jit3A_1100 = arith.constant 0.000000e+00 : f32
    %broadcast_in_dim3A_1101 = vector.broadcast %jit3A_1099 : f32 to vector<16xf32>
    %broadcast_in_dim3A_1102 = vector.broadcast %jit3A_1100 : f32 to vector<16xf32>
    %select_n3A_1103 = arith.select %gt3A_1098, %broadcast_in_dim3A_1101, %broadcast_in_dim3A_1102 : vector<16xi1>, vector<16xf32>
    %add3A_1104 = arith.addf %add3A_1097, %select_n3A_1103 : vector<16xf32>
    %lt3A_1105 = arith.constant 5.000000e+00 : f32
    %lt3A_1106 = vector.broadcast %lt3A_1105 : f32 to vector<16xf32>
    %lt3A_1107 = arith.cmpf olt, %add3A_1104, %lt3A_1106 : vector<16xf32>
    %jit3A_1108 = arith.constant 0.000000e+00 : f32
    %broadcast_in_dim3A_1109 = vector.broadcast %jit3A_1108 : f32 to vector<16xf32>
    %select_n3A_1110 = arith.select %lt3A_1107, %div3A_834, %broadcast_in_dim3A_1109 : vector<16xi1>, vector<16xf32>
    %add3A_1111 = arith.addf %add3A_1056, %select_n3A_1110 : vector<16xf32>
    %ge3A_1112 = arith.cmpf oge, %div3A_830, %div3A_835 : vector<16xf32>
    %jit3A_1113 = arith.constant 1.000000e+00 : f32
    %jit3A_1114 = arith.constant 0.000000e+00 : f32
    %broadcast_in_dim3A_1115 = vector.broadcast %jit3A_1113 : f32 to vector<16xf32>
    %broadcast_in_dim3A_1116 = vector.broadcast %jit3A_1114 : f32 to vector<16xf32>
    %select_n3A_1117 = arith.select %ge3A_1112, %broadcast_in_dim3A_1115, %broadcast_in_dim3A_1116 : vector<16xi1>, vector<16xf32>
    %ge3A_1118 = arith.cmpf oge, %div3A_831, %div3A_835 : vector<16xf32>
    %jit3A_1119 = arith.constant 1.000000e+00 : f32
    %jit3A_1120 = arith.constant 0.000000e+00 : f32
    %broadcast_in_dim3A_1121 = vector.broadcast %jit3A_1119 : f32 to vector<16xf32>
    %broadcast_in_dim3A_1122 = vector.broadcast %jit3A_1120 : f32 to vector<16xf32>
    %select_n3A_1123 = arith.select %ge3A_1118, %broadcast_in_dim3A_1121, %broadcast_in_dim3A_1122 : vector<16xi1>, vector<16xf32>
    %add3A_1124 = arith.addf %select_n3A_1117, %select_n3A_1123 : vector<16xf32>
    %ge3A_1125 = arith.cmpf oge, %div3A_832, %div3A_835 : vector<16xf32>
    %jit3A_1126 = arith.constant 1.000000e+00 : f32
    %jit3A_1127 = arith.constant 0.000000e+00 : f32
    %broadcast_in_dim3A_1128 = vector.broadcast %jit3A_1126 : f32 to vector<16xf32>
    %broadcast_in_dim3A_1129 = vector.broadcast %jit3A_1127 : f32 to vector<16xf32>
    %select_n3A_1130 = arith.select %ge3A_1125, %broadcast_in_dim3A_1128, %broadcast_in_dim3A_1129 : vector<16xi1>, vector<16xf32>
    %add3A_1131 = arith.addf %add3A_1124, %select_n3A_1130 : vector<16xf32>
    %ge3A_1132 = arith.cmpf oge, %div3A_833, %div3A_835 : vector<16xf32>
    %jit3A_1133 = arith.constant 1.000000e+00 : f32
    %jit3A_1134 = arith.constant 0.000000e+00 : f32
    %broadcast_in_dim3A_1135 = vector.broadcast %jit3A_1133 : f32 to vector<16xf32>
    %broadcast_in_dim3A_1136 = vector.broadcast %jit3A_1134 : f32 to vector<16xf32>
    %select_n3A_1137 = arith.select %ge3A_1132, %broadcast_in_dim3A_1135, %broadcast_in_dim3A_1136 : vector<16xi1>, vector<16xf32>
    %add3A_1138 = arith.addf %add3A_1131, %select_n3A_1137 : vector<16xf32>
    %ge3A_1139 = arith.cmpf oge, %div3A_834, %div3A_835 : vector<16xf32>
    %jit3A_1140 = arith.constant 1.000000e+00 : f32
    %jit3A_1141 = arith.constant 0.000000e+00 : f32
    %broadcast_in_dim3A_1142 = vector.broadcast %jit3A_1140 : f32 to vector<16xf32>
    %broadcast_in_dim3A_1143 = vector.broadcast %jit3A_1141 : f32 to vector<16xf32>
    %select_n3A_1144 = arith.select %ge3A_1139, %broadcast_in_dim3A_1142, %broadcast_in_dim3A_1143 : vector<16xi1>, vector<16xf32>
    %add3A_1145 = arith.addf %add3A_1138, %select_n3A_1144 : vector<16xf32>
    %gt3A_1146 = arith.cmpf ogt, %div3A_836, %div3A_835 : vector<16xf32>
    %jit3A_1147 = arith.constant 1.000000e+00 : f32
    %jit3A_1148 = arith.constant 0.000000e+00 : f32
    %broadcast_in_dim3A_1149 = vector.broadcast %jit3A_1147 : f32 to vector<16xf32>
    %broadcast_in_dim3A_1150 = vector.broadcast %jit3A_1148 : f32 to vector<16xf32>
    %select_n3A_1151 = arith.select %gt3A_1146, %broadcast_in_dim3A_1149, %broadcast_in_dim3A_1150 : vector<16xi1>, vector<16xf32>
    %add3A_1152 = arith.addf %add3A_1145, %select_n3A_1151 : vector<16xf32>
    %gt3A_1153 = arith.cmpf ogt, %div3A_837, %div3A_835 : vector<16xf32>
    %jit3A_1154 = arith.constant 1.000000e+00 : f32
    %jit3A_1155 = arith.constant 0.000000e+00 : f32
    %broadcast_in_dim3A_1156 = vector.broadcast %jit3A_1154 : f32 to vector<16xf32>
    %broadcast_in_dim3A_1157 = vector.broadcast %jit3A_1155 : f32 to vector<16xf32>
    %select_n3A_1158 = arith.select %gt3A_1153, %broadcast_in_dim3A_1156, %broadcast_in_dim3A_1157 : vector<16xi1>, vector<16xf32>
    %add3A_1159 = arith.addf %add3A_1152, %select_n3A_1158 : vector<16xf32>
    %lt3A_1160 = arith.constant 5.000000e+00 : f32
    %lt3A_1161 = vector.broadcast %lt3A_1160 : f32 to vector<16xf32>
    %lt3A_1162 = arith.cmpf olt, %add3A_1159, %lt3A_1161 : vector<16xf32>
    %jit3A_1163 = arith.constant 0.000000e+00 : f32
    %broadcast_in_dim3A_1164 = vector.broadcast %jit3A_1163 : f32 to vector<16xf32>
    %select_n3A_1165 = arith.select %lt3A_1162, %div3A_835, %broadcast_in_dim3A_1164 : vector<16xi1>, vector<16xf32>
    %add3A_1166 = arith.addf %add3A_1111, %select_n3A_1165 : vector<16xf32>
    %ge3A_1167 = arith.cmpf oge, %div3A_830, %div3A_836 : vector<16xf32>
    %jit3A_1168 = arith.constant 1.000000e+00 : f32
    %jit3A_1169 = arith.constant 0.000000e+00 : f32
    %broadcast_in_dim3A_1170 = vector.broadcast %jit3A_1168 : f32 to vector<16xf32>
    %broadcast_in_dim3A_1171 = vector.broadcast %jit3A_1169 : f32 to vector<16xf32>
    %select_n3A_1172 = arith.select %ge3A_1167, %broadcast_in_dim3A_1170, %broadcast_in_dim3A_1171 : vector<16xi1>, vector<16xf32>
    %ge3A_1173 = arith.cmpf oge, %div3A_831, %div3A_836 : vector<16xf32>
    %jit3A_1174 = arith.constant 1.000000e+00 : f32
    %jit3A_1175 = arith.constant 0.000000e+00 : f32
    %broadcast_in_dim3A_1176 = vector.broadcast %jit3A_1174 : f32 to vector<16xf32>
    %broadcast_in_dim3A_1177 = vector.broadcast %jit3A_1175 : f32 to vector<16xf32>
    %select_n3A_1178 = arith.select %ge3A_1173, %broadcast_in_dim3A_1176, %broadcast_in_dim3A_1177 : vector<16xi1>, vector<16xf32>
    %add3A_1179 = arith.addf %select_n3A_1172, %select_n3A_1178 : vector<16xf32>
    %ge3A_1180 = arith.cmpf oge, %div3A_832, %div3A_836 : vector<16xf32>
    %jit3A_1181 = arith.constant 1.000000e+00 : f32
    %jit3A_1182 = arith.constant 0.000000e+00 : f32
    %broadcast_in_dim3A_1183 = vector.broadcast %jit3A_1181 : f32 to vector<16xf32>
    %broadcast_in_dim3A_1184 = vector.broadcast %jit3A_1182 : f32 to vector<16xf32>
    %select_n3A_1185 = arith.select %ge3A_1180, %broadcast_in_dim3A_1183, %broadcast_in_dim3A_1184 : vector<16xi1>, vector<16xf32>
    %add3A_1186 = arith.addf %add3A_1179, %select_n3A_1185 : vector<16xf32>
    %ge3A_1187 = arith.cmpf oge, %div3A_833, %div3A_836 : vector<16xf32>
    %jit3A_1188 = arith.constant 1.000000e+00 : f32
    %jit3A_1189 = arith.constant 0.000000e+00 : f32
    %broadcast_in_dim3A_1190 = vector.broadcast %jit3A_1188 : f32 to vector<16xf32>
    %broadcast_in_dim3A_1191 = vector.broadcast %jit3A_1189 : f32 to vector<16xf32>
    %select_n3A_1192 = arith.select %ge3A_1187, %broadcast_in_dim3A_1190, %broadcast_in_dim3A_1191 : vector<16xi1>, vector<16xf32>
    %add3A_1193 = arith.addf %add3A_1186, %select_n3A_1192 : vector<16xf32>
    %ge3A_1194 = arith.cmpf oge, %div3A_834, %div3A_836 : vector<16xf32>
    %jit3A_1195 = arith.constant 1.000000e+00 : f32
    %jit3A_1196 = arith.constant 0.000000e+00 : f32
    %broadcast_in_dim3A_1197 = vector.broadcast %jit3A_1195 : f32 to vector<16xf32>
    %broadcast_in_dim3A_1198 = vector.broadcast %jit3A_1196 : f32 to vector<16xf32>
    %select_n3A_1199 = arith.select %ge3A_1194, %broadcast_in_dim3A_1197, %broadcast_in_dim3A_1198 : vector<16xi1>, vector<16xf32>
    %add3A_1200 = arith.addf %add3A_1193, %select_n3A_1199 : vector<16xf32>
    %ge3A_1201 = arith.cmpf oge, %div3A_835, %div3A_836 : vector<16xf32>
    %jit3A_1202 = arith.constant 1.000000e+00 : f32
    %jit3A_1203 = arith.constant 0.000000e+00 : f32
    %broadcast_in_dim3A_1204 = vector.broadcast %jit3A_1202 : f32 to vector<16xf32>
    %broadcast_in_dim3A_1205 = vector.broadcast %jit3A_1203 : f32 to vector<16xf32>
    %select_n3A_1206 = arith.select %ge3A_1201, %broadcast_in_dim3A_1204, %broadcast_in_dim3A_1205 : vector<16xi1>, vector<16xf32>
    %add3A_1207 = arith.addf %add3A_1200, %select_n3A_1206 : vector<16xf32>
    %gt3A_1208 = arith.cmpf ogt, %div3A_837, %div3A_836 : vector<16xf32>
    %jit3A_1209 = arith.constant 1.000000e+00 : f32
    %jit3A_1210 = arith.constant 0.000000e+00 : f32
    %broadcast_in_dim3A_1211 = vector.broadcast %jit3A_1209 : f32 to vector<16xf32>
    %broadcast_in_dim3A_1212 = vector.broadcast %jit3A_1210 : f32 to vector<16xf32>
    %select_n3A_1213 = arith.select %gt3A_1208, %broadcast_in_dim3A_1211, %broadcast_in_dim3A_1212 : vector<16xi1>, vector<16xf32>
    %add3A_1214 = arith.addf %add3A_1207, %select_n3A_1213 : vector<16xf32>
    %lt3A_1215 = arith.constant 5.000000e+00 : f32
    %lt3A_1216 = vector.broadcast %lt3A_1215 : f32 to vector<16xf32>
    %lt3A_1217 = arith.cmpf olt, %add3A_1214, %lt3A_1216 : vector<16xf32>
    %jit3A_1218 = arith.constant 0.000000e+00 : f32
    %broadcast_in_dim3A_1219 = vector.broadcast %jit3A_1218 : f32 to vector<16xf32>
    %select_n3A_1220 = arith.select %lt3A_1217, %div3A_836, %broadcast_in_dim3A_1219 : vector<16xi1>, vector<16xf32>
    %add3A_1221 = arith.addf %add3A_1166, %select_n3A_1220 : vector<16xf32>
    %ge3A_1222 = arith.cmpf oge, %div3A_830, %div3A_837 : vector<16xf32>
    %jit3A_1223 = arith.constant 1.000000e+00 : f32
    %jit3A_1224 = arith.constant 0.000000e+00 : f32
    %broadcast_in_dim3A_1225 = vector.broadcast %jit3A_1223 : f32 to vector<16xf32>
    %broadcast_in_dim3A_1226 = vector.broadcast %jit3A_1224 : f32 to vector<16xf32>
    %select_n3A_1227 = arith.select %ge3A_1222, %broadcast_in_dim3A_1225, %broadcast_in_dim3A_1226 : vector<16xi1>, vector<16xf32>
    %ge3A_1228 = arith.cmpf oge, %div3A_831, %div3A_837 : vector<16xf32>
    %jit3A_1229 = arith.constant 1.000000e+00 : f32
    %jit3A_1230 = arith.constant 0.000000e+00 : f32
    %broadcast_in_dim3A_1231 = vector.broadcast %jit3A_1229 : f32 to vector<16xf32>
    %broadcast_in_dim3A_1232 = vector.broadcast %jit3A_1230 : f32 to vector<16xf32>
    %select_n3A_1233 = arith.select %ge3A_1228, %broadcast_in_dim3A_1231, %broadcast_in_dim3A_1232 : vector<16xi1>, vector<16xf32>
    %add3A_1234 = arith.addf %select_n3A_1227, %select_n3A_1233 : vector<16xf32>
    %ge3A_1235 = arith.cmpf oge, %div3A_832, %div3A_837 : vector<16xf32>
    %jit3A_1236 = arith.constant 1.000000e+00 : f32
    %jit3A_1237 = arith.constant 0.000000e+00 : f32
    %broadcast_in_dim3A_1238 = vector.broadcast %jit3A_1236 : f32 to vector<16xf32>
    %broadcast_in_dim3A_1239 = vector.broadcast %jit3A_1237 : f32 to vector<16xf32>
    %select_n3A_1240 = arith.select %ge3A_1235, %broadcast_in_dim3A_1238, %broadcast_in_dim3A_1239 : vector<16xi1>, vector<16xf32>
    %add3A_1241 = arith.addf %add3A_1234, %select_n3A_1240 : vector<16xf32>
    %ge3A_1242 = arith.cmpf oge, %div3A_833, %div3A_837 : vector<16xf32>
    %jit3A_1243 = arith.constant 1.000000e+00 : f32
    %jit3A_1244 = arith.constant 0.000000e+00 : f32
    %broadcast_in_dim3A_1245 = vector.broadcast %jit3A_1243 : f32 to vector<16xf32>
    %broadcast_in_dim3A_1246 = vector.broadcast %jit3A_1244 : f32 to vector<16xf32>
    %select_n3A_1247 = arith.select %ge3A_1242, %broadcast_in_dim3A_1245, %broadcast_in_dim3A_1246 : vector<16xi1>, vector<16xf32>
    %add3A_1248 = arith.addf %add3A_1241, %select_n3A_1247 : vector<16xf32>
    %ge3A_1249 = arith.cmpf oge, %div3A_834, %div3A_837 : vector<16xf32>
    %jit3A_1250 = arith.constant 1.000000e+00 : f32
    %jit3A_1251 = arith.constant 0.000000e+00 : f32
    %broadcast_in_dim3A_1252 = vector.broadcast %jit3A_1250 : f32 to vector<16xf32>
    %broadcast_in_dim3A_1253 = vector.broadcast %jit3A_1251 : f32 to vector<16xf32>
    %select_n3A_1254 = arith.select %ge3A_1249, %broadcast_in_dim3A_1252, %broadcast_in_dim3A_1253 : vector<16xi1>, vector<16xf32>
    %add3A_1255 = arith.addf %add3A_1248, %select_n3A_1254 : vector<16xf32>
    %ge3A_1256 = arith.cmpf oge, %div3A_835, %div3A_837 : vector<16xf32>
    %jit3A_1257 = arith.constant 1.000000e+00 : f32
    %jit3A_1258 = arith.constant 0.000000e+00 : f32
    %broadcast_in_dim3A_1259 = vector.broadcast %jit3A_1257 : f32 to vector<16xf32>
    %broadcast_in_dim3A_1260 = vector.broadcast %jit3A_1258 : f32 to vector<16xf32>
    %select_n3A_1261 = arith.select %ge3A_1256, %broadcast_in_dim3A_1259, %broadcast_in_dim3A_1260 : vector<16xi1>, vector<16xf32>
    %add3A_1262 = arith.addf %add3A_1255, %select_n3A_1261 : vector<16xf32>
    %ge3A_1263 = arith.cmpf oge, %div3A_836, %div3A_837 : vector<16xf32>
    %jit3A_1264 = arith.constant 1.000000e+00 : f32
    %jit3A_1265 = arith.constant 0.000000e+00 : f32
    %broadcast_in_dim3A_1266 = vector.broadcast %jit3A_1264 : f32 to vector<16xf32>
    %broadcast_in_dim3A_1267 = vector.broadcast %jit3A_1265 : f32 to vector<16xf32>
    %select_n3A_1268 = arith.select %ge3A_1263, %broadcast_in_dim3A_1266, %broadcast_in_dim3A_1267 : vector<16xi1>, vector<16xf32>
    %add3A_1269 = arith.addf %add3A_1262, %select_n3A_1268 : vector<16xf32>
    %lt3A_1270 = arith.constant 5.000000e+00 : f32
    %lt3A_1271 = vector.broadcast %lt3A_1270 : f32 to vector<16xf32>
    %lt3A_1272 = arith.cmpf olt, %add3A_1269, %lt3A_1271 : vector<16xf32>
    %jit3A_1273 = arith.constant 0.000000e+00 : f32
    %broadcast_in_dim3A_1274 = vector.broadcast %jit3A_1273 : f32 to vector<16xf32>
    %select_n3A_1275 = arith.select %lt3A_1272, %div3A_837, %broadcast_in_dim3A_1274 : vector<16xi1>, vector<16xf32>
    %add3A_1276 = arith.addf %add3A_1221, %select_n3A_1275 : vector<16xf32>
    %add3A_1277 = arith.constant 9.99999993E-9 : f32
    %add3A_1278 = vector.broadcast %add3A_1277 : f32 to vector<16xf32>
    %add3A_1279 = arith.addf %add3A_1276, %add3A_1278 : vector<16xf32>
    %div3A_1280 = arith.constant 1.000000e+00 : f32
    %div3A_1281 = vector.broadcast %div3A_1280 : f32 to vector<16xf32>
    %div3A_1282 = arith.divf %div3A_1281, %add3A_1279 : vector<16xf32>
    %mul3A_1283 = arith.mulf %select_n3A_891, %div3A_1282 : vector<16xf32>
    %swap3A_1284 = arith.constant 0 : i32
    %swap3A_1285 = arith.index_cast %swap3A_1284 : i32 to index
    %swap3A_1286 = arith.constant 16 : index
    %swap3A_1287 = tpu.vector_load %arg5[%swap3A_1285, %swap3A_1286] {strides = array<i32>} : memref<8x64xf32, #tpu.memory_space<vmem>>, vector<1x16xf32>,
    %swap3A_1288 = vector.shape_cast %swap3A_1287 : vector<1x16xf32> to vector<16xf32>
    %swap3A_1289 = vector.shape_cast %mul3A_1283 : vector<16xf32> to vector<1x16xf32>
    tpu.vector_store %arg5[%swap3A_1285, %swap3A_1286], %swap3A_1289 {strides = array<i32>} : memref<8x64xf32, #tpu.memory_space<vmem>>, vector<1x16xf32>,
    %mul3A_1290 = arith.mulf %select_n3A_945, %div3A_1282 : vector<16xf32>
    %swap3A_1291 = arith.constant 1 : i32
    %swap3A_1292 = arith.index_cast %swap3A_1291 : i32 to index
    %swap3A_1293 = arith.constant 16 : index
    %swap3A_1294 = tpu.vector_load %arg5[%swap3A_1292, %swap3A_1293] {strides = array<i32>} : memref<8x64xf32, #tpu.memory_space<vmem>>, vector<1x16xf32>,
    %swap3A_1295 = vector.shape_cast %swap3A_1294 : vector<1x16xf32> to vector<16xf32>
    %swap3A_1296 = vector.shape_cast %mul3A_1290 : vector<16xf32> to vector<1x16xf32>
    tpu.vector_store %arg5[%swap3A_1292, %swap3A_1293], %swap3A_1296 {strides = array<i32>} : memref<8x64xf32, #tpu.memory_space<vmem>>, vector<1x16xf32>,
    %mul3A_1297 = arith.mulf %select_n3A_1000, %div3A_1282 : vector<16xf32>
    %swap3A_1298 = arith.constant 2 : i32
    %swap3A_1299 = arith.index_cast %swap3A_1298 : i32 to index
    %swap3A_1300 = arith.constant 16 : index
    %swap3A_1301 = tpu.vector_load %arg5[%swap3A_1299, %swap3A_1300] {strides = array<i32>} : memref<8x64xf32, #tpu.memory_space<vmem>>, vector<1x16xf32>,
    %swap3A_1302 = vector.shape_cast %swap3A_1301 : vector<1x16xf32> to vector<16xf32>
    %swap3A_1303 = vector.shape_cast %mul3A_1297 : vector<16xf32> to vector<1x16xf32>
    tpu.vector_store %arg5[%swap3A_1299, %swap3A_1300], %swap3A_1303 {strides = array<i32>} : memref<8x64xf32, #tpu.memory_space<vmem>>, vector<1x16xf32>,
    %mul3A_1304 = arith.mulf %select_n3A_1055, %div3A_1282 : vector<16xf32>
    %swap3A_1305 = arith.constant 3 : i32
    %swap3A_1306 = arith.index_cast %swap3A_1305 : i32 to index
    %swap3A_1307 = arith.constant 16 : index
    %swap3A_1308 = tpu.vector_load %arg5[%swap3A_1306, %swap3A_1307] {strides = array<i32>} : memref<8x64xf32, #tpu.memory_space<vmem>>, vector<1x16xf32>,
    %swap3A_1309 = vector.shape_cast %swap3A_1308 : vector<1x16xf32> to vector<16xf32>
    %swap3A_1310 = vector.shape_cast %mul3A_1304 : vector<16xf32> to vector<1x16xf32>
    tpu.vector_store %arg5[%swap3A_1306, %swap3A_1307], %swap3A_1310 {strides = array<i32>} : memref<8x64xf32, #tpu.memory_space<vmem>>, vector<1x16xf32>,
    %mul3A_1311 = arith.mulf %select_n3A_1110, %div3A_1282 : vector<16xf32>
    %swap3A_1312 = arith.constant 4 : i32
    %swap3A_1313 = arith.index_cast %swap3A_1312 : i32 to index
    %swap3A_1314 = arith.constant 16 : index
    %swap3A_1315 = tpu.vector_load %arg5[%swap3A_1313, %swap3A_1314] {strides = array<i32>} : memref<8x64xf32, #tpu.memory_space<vmem>>, vector<1x16xf32>,
    %swap3A_1316 = vector.shape_cast %swap3A_1315 : vector<1x16xf32> to vector<16xf32>
    %swap3A_1317 = vector.shape_cast %mul3A_1311 : vector<16xf32> to vector<1x16xf32>
    tpu.vector_store %arg5[%swap3A_1313, %swap3A_1314], %swap3A_1317 {strides = array<i32>} : memref<8x64xf32, #tpu.memory_space<vmem>>, vector<1x16xf32>,
    %mul3A_1318 = arith.mulf %select_n3A_1165, %div3A_1282 : vector<16xf32>
    %swap3A_1319 = arith.constant 5 : i32
    %swap3A_1320 = arith.index_cast %swap3A_1319 : i32 to index
    %swap3A_1321 = arith.constant 16 : index
    %swap3A_1322 = tpu.vector_load %arg5[%swap3A_1320, %swap3A_1321] {strides = array<i32>} : memref<8x64xf32, #tpu.memory_space<vmem>>, vector<1x16xf32>,
    %swap3A_1323 = vector.shape_cast %swap3A_1322 : vector<1x16xf32> to vector<16xf32>
    %swap3A_1324 = vector.shape_cast %mul3A_1318 : vector<16xf32> to vector<1x16xf32>
    tpu.vector_store %arg5[%swap3A_1320, %swap3A_1321], %swap3A_1324 {strides = array<i32>} : memref<8x64xf32, #tpu.memory_space<vmem>>, vector<1x16xf32>,
    %mul3A_1325 = arith.mulf %select_n3A_1220, %div3A_1282 : vector<16xf32>
    %swap3A_1326 = arith.constant 6 : i32
    %swap3A_1327 = arith.index_cast %swap3A_1326 : i32 to index
    %swap3A_1328 = arith.constant 16 : index
    %swap3A_1329 = tpu.vector_load %arg5[%swap3A_1327, %swap3A_1328] {strides = array<i32>} : memref<8x64xf32, #tpu.memory_space<vmem>>, vector<1x16xf32>,
    %swap3A_1330 = vector.shape_cast %swap3A_1329 : vector<1x16xf32> to vector<16xf32>
    %swap3A_1331 = vector.shape_cast %mul3A_1325 : vector<16xf32> to vector<1x16xf32>
    tpu.vector_store %arg5[%swap3A_1327, %swap3A_1328], %swap3A_1331 {strides = array<i32>} : memref<8x64xf32, #tpu.memory_space<vmem>>, vector<1x16xf32>,
    %mul3A_1332 = arith.mulf %select_n3A_1275, %div3A_1282 : vector<16xf32>
    %swap3A_1333 = arith.constant 7 : i32
    %swap3A_1334 = arith.index_cast %swap3A_1333 : i32 to index
    %swap3A_1335 = arith.constant 16 : index
    %swap3A_1336 = tpu.vector_load %arg5[%swap3A_1334, %swap3A_1335] {strides = array<i32>} : memref<8x64xf32, #tpu.memory_space<vmem>>, vector<1x16xf32>,
    %swap3A_1337 = vector.shape_cast %swap3A_1336 : vector<1x16xf32> to vector<16xf32>
    %swap3A_1338 = vector.shape_cast %mul3A_1332 : vector<16xf32> to vector<1x16xf32>
    tpu.vector_store %arg5[%swap3A_1334, %swap3A_1335], %swap3A_1338 {strides = array<i32>} : memref<8x64xf32, #tpu.memory_space<vmem>>, vector<1x16xf32>,
    %get3A_1339 = arith.constant 0 : i32
    %get3A_1340 = arith.index_cast %get3A_1339 : i32 to index
    %get3A_1341 = arith.constant 32 : index
    %get3A_1342 = tpu.vector_load %arg4[%get3A_1340, %get3A_1341] {strides = array<i32>} : memref<8x64xf32, #tpu.memory_space<vmem>>, vector<1x16xf32>,
    %get3A_1343 = vector.shape_cast %get3A_1342 : vector<1x16xf32> to vector<16xf32>
    %get3A_1344 = arith.constant 1 : i32
    %get3A_1345 = arith.index_cast %get3A_1344 : i32 to index
    %get3A_1346 = arith.constant 32 : index
    %get3A_1347 = tpu.vector_load %arg4[%get3A_1345, %get3A_1346] {strides = array<i32>} : memref<8x64xf32, #tpu.memory_space<vmem>>, vector<1x16xf32>,
    %get3A_1348 = vector.shape_cast %get3A_1347 : vector<1x16xf32> to vector<16xf32>
    %get3A_1349 = arith.constant 2 : i32
    %get3A_1350 = arith.index_cast %get3A_1349 : i32 to index
    %get3A_1351 = arith.constant 32 : index
    %get3A_1352 = tpu.vector_load %arg4[%get3A_1350, %get3A_1351] {strides = array<i32>} : memref<8x64xf32, #tpu.memory_space<vmem>>, vector<1x16xf32>,
    %get3A_1353 = vector.shape_cast %get3A_1352 : vector<1x16xf32> to vector<16xf32>
    %get3A_1354 = arith.constant 3 : i32
    %get3A_1355 = arith.index_cast %get3A_1354 : i32 to index
    %get3A_1356 = arith.constant 32 : index
    %get3A_1357 = tpu.vector_load %arg4[%get3A_1355, %get3A_1356] {strides = array<i32>} : memref<8x64xf32, #tpu.memory_space<vmem>>, vector<1x16xf32>,
    %get3A_1358 = vector.shape_cast %get3A_1357 : vector<1x16xf32> to vector<16xf32>
    %get3A_1359 = arith.constant 4 : i32
    %get3A_1360 = arith.index_cast %get3A_1359 : i32 to index
    %get3A_1361 = arith.constant 32 : index
    %get3A_1362 = tpu.vector_load %arg4[%get3A_1360, %get3A_1361] {strides = array<i32>} : memref<8x64xf32, #tpu.memory_space<vmem>>, vector<1x16xf32>,
    %get3A_1363 = vector.shape_cast %get3A_1362 : vector<1x16xf32> to vector<16xf32>
    %get3A_1364 = arith.constant 5 : i32
    %get3A_1365 = arith.index_cast %get3A_1364 : i32 to index
    %get3A_1366 = arith.constant 32 : index
    %get3A_1367 = tpu.vector_load %arg4[%get3A_1365, %get3A_1366] {strides = array<i32>} : memref<8x64xf32, #tpu.memory_space<vmem>>, vector<1x16xf32>,
    %get3A_1368 = vector.shape_cast %get3A_1367 : vector<1x16xf32> to vector<16xf32>
    %get3A_1369 = arith.constant 6 : i32
    %get3A_1370 = arith.index_cast %get3A_1369 : i32 to index
    %get3A_1371 = arith.constant 32 : index
    %get3A_1372 = tpu.vector_load %arg4[%get3A_1370, %get3A_1371] {strides = array<i32>} : memref<8x64xf32, #tpu.memory_space<vmem>>, vector<1x16xf32>,
    %get3A_1373 = vector.shape_cast %get3A_1372 : vector<1x16xf32> to vector<16xf32>
    %get3A_1374 = arith.constant 7 : i32
    %get3A_1375 = arith.index_cast %get3A_1374 : i32 to index
    %get3A_1376 = arith.constant 32 : index
    %get3A_1377 = tpu.vector_load %arg4[%get3A_1375, %get3A_1376] {strides = array<i32>} : memref<8x64xf32, #tpu.memory_space<vmem>>, vector<1x16xf32>,
    %get3A_1378 = vector.shape_cast %get3A_1377 : vector<1x16xf32> to vector<16xf32>
    %max3A_1379 = arith.maximumf %get3A_1343, %get3A_1348 : vector<16xf32>
    %max3A_1380 = arith.maximumf %max3A_1379, %get3A_1353 : vector<16xf32>
    %max3A_1381 = arith.maximumf %max3A_1380, %get3A_1358 : vector<16xf32>
    %max3A_1382 = arith.maximumf %max3A_1381, %get3A_1363 : vector<16xf32>
    %max3A_1383 = arith.maximumf %max3A_1382, %get3A_1368 : vector<16xf32>
    %max3A_1384 = arith.maximumf %max3A_1383, %get3A_1373 : vector<16xf32>
    %max3A_1385 = arith.maximumf %max3A_1384, %get3A_1378 : vector<16xf32>
    %sub3A_1386 = arith.subf %get3A_1343, %max3A_1385 : vector<16xf32>
    %exp3A_1387 = math.exp %sub3A_1386 : vector<16xf32>
    %sub3A_1388 = arith.subf %get3A_1348, %max3A_1385 : vector<16xf32>
    %exp3A_1389 = math.exp %sub3A_1388 : vector<16xf32>
    %sub3A_1390 = arith.subf %get3A_1353, %max3A_1385 : vector<16xf32>
    %exp3A_1391 = math.exp %sub3A_1390 : vector<16xf32>
    %sub3A_1392 = arith.subf %get3A_1358, %max3A_1385 : vector<16xf32>
    %exp3A_1393 = math.exp %sub3A_1392 : vector<16xf32>
    %sub3A_1394 = arith.subf %get3A_1363, %max3A_1385 : vector<16xf32>
    %exp3A_1395 = math.exp %sub3A_1394 : vector<16xf32>
    %sub3A_1396 = arith.subf %get3A_1368, %max3A_1385 : vector<16xf32>
    %exp3A_1397 = math.exp %sub3A_1396 : vector<16xf32>
    %sub3A_1398 = arith.subf %get3A_1373, %max3A_1385 : vector<16xf32>
    %exp3A_1399 = math.exp %sub3A_1398 : vector<16xf32>
    %sub3A_1400 = arith.subf %get3A_1378, %max3A_1385 : vector<16xf32>
    %exp3A_1401 = math.exp %sub3A_1400 : vector<16xf32>
    %add3A_1402 = arith.addf %exp3A_1387, %exp3A_1389 : vector<16xf32>
    %add3A_1403 = arith.addf %add3A_1402, %exp3A_1391 : vector<16xf32>
    %add3A_1404 = arith.addf %add3A_1403, %exp3A_1393 : vector<16xf32>
    %add3A_1405 = arith.addf %add3A_1404, %exp3A_1395 : vector<16xf32>
    %add3A_1406 = arith.addf %add3A_1405, %exp3A_1397 : vector<16xf32>
    %add3A_1407 = arith.addf %add3A_1406, %exp3A_1399 : vector<16xf32>
    %add3A_1408 = arith.addf %add3A_1407, %exp3A_1401 : vector<16xf32>
    %div3A_1409 = arith.divf %exp3A_1387, %add3A_1408 : vector<16xf32>
    %div3A_1410 = arith.divf %exp3A_1389, %add3A_1408 : vector<16xf32>
    %div3A_1411 = arith.divf %exp3A_1391, %add3A_1408 : vector<16xf32>
    %div3A_1412 = arith.divf %exp3A_1393, %add3A_1408 : vector<16xf32>
    %div3A_1413 = arith.divf %exp3A_1395, %add3A_1408 : vector<16xf32>
    %div3A_1414 = arith.divf %exp3A_1397, %add3A_1408 : vector<16xf32>
    %div3A_1415 = arith.divf %exp3A_1399, %add3A_1408 : vector<16xf32>
    %div3A_1416 = arith.divf %exp3A_1401, %add3A_1408 : vector<16xf32>
    %gt3A_1417 = arith.cmpf ogt, %div3A_1410, %div3A_1409 : vector<16xf32>
    %jit3A_1418 = arith.constant 1.000000e+00 : f32
    %jit3A_1419 = arith.constant 0.000000e+00 : f32
    %broadcast_in_dim3A_1420 = vector.broadcast %jit3A_1418 : f32 to vector<16xf32>
    %broadcast_in_dim3A_1421 = vector.broadcast %jit3A_1419 : f32 to vector<16xf32>
    %select_n3A_1422 = arith.select %gt3A_1417, %broadcast_in_dim3A_1420, %broadcast_in_dim3A_1421 : vector<16xi1>, vector<16xf32>
    %gt3A_1423 = arith.cmpf ogt, %div3A_1411, %div3A_1409 : vector<16xf32>
    %jit3A_1424 = arith.constant 1.000000e+00 : f32
    %jit3A_1425 = arith.constant 0.000000e+00 : f32
    %broadcast_in_dim3A_1426 = vector.broadcast %jit3A_1424 : f32 to vector<16xf32>
    %broadcast_in_dim3A_1427 = vector.broadcast %jit3A_1425 : f32 to vector<16xf32>
    %select_n3A_1428 = arith.select %gt3A_1423, %broadcast_in_dim3A_1426, %broadcast_in_dim3A_1427 : vector<16xi1>, vector<16xf32>
    %add3A_1429 = arith.addf %select_n3A_1422, %select_n3A_1428 : vector<16xf32>
    %gt3A_1430 = arith.cmpf ogt, %div3A_1412, %div3A_1409 : vector<16xf32>
    %jit3A_1431 = arith.constant 1.000000e+00 : f32
    %jit3A_1432 = arith.constant 0.000000e+00 : f32
    %broadcast_in_dim3A_1433 = vector.broadcast %jit3A_1431 : f32 to vector<16xf32>
    %broadcast_in_dim3A_1434 = vector.broadcast %jit3A_1432 : f32 to vector<16xf32>
    %select_n3A_1435 = arith.select %gt3A_1430, %broadcast_in_dim3A_1433, %broadcast_in_dim3A_1434 : vector<16xi1>, vector<16xf32>
    %add3A_1436 = arith.addf %add3A_1429, %select_n3A_1435 : vector<16xf32>
    %gt3A_1437 = arith.cmpf ogt, %div3A_1413, %div3A_1409 : vector<16xf32>
    %jit3A_1438 = arith.constant 1.000000e+00 : f32
    %jit3A_1439 = arith.constant 0.000000e+00 : f32
    %broadcast_in_dim3A_1440 = vector.broadcast %jit3A_1438 : f32 to vector<16xf32>
    %broadcast_in_dim3A_1441 = vector.broadcast %jit3A_1439 : f32 to vector<16xf32>
    %select_n3A_1442 = arith.select %gt3A_1437, %broadcast_in_dim3A_1440, %broadcast_in_dim3A_1441 : vector<16xi1>, vector<16xf32>
    %add3A_1443 = arith.addf %add3A_1436, %select_n3A_1442 : vector<16xf32>
    %gt3A_1444 = arith.cmpf ogt, %div3A_1414, %div3A_1409 : vector<16xf32>
    %jit3A_1445 = arith.constant 1.000000e+00 : f32
    %jit3A_1446 = arith.constant 0.000000e+00 : f32
    %broadcast_in_dim3A_1447 = vector.broadcast %jit3A_1445 : f32 to vector<16xf32>
    %broadcast_in_dim3A_1448 = vector.broadcast %jit3A_1446 : f32 to vector<16xf32>
    %select_n3A_1449 = arith.select %gt3A_1444, %broadcast_in_dim3A_1447, %broadcast_in_dim3A_1448 : vector<16xi1>, vector<16xf32>
    %add3A_1450 = arith.addf %add3A_1443, %select_n3A_1449 : vector<16xf32>
    %gt3A_1451 = arith.cmpf ogt, %div3A_1415, %div3A_1409 : vector<16xf32>
    %jit3A_1452 = arith.constant 1.000000e+00 : f32
    %jit3A_1453 = arith.constant 0.000000e+00 : f32
    %broadcast_in_dim3A_1454 = vector.broadcast %jit3A_1452 : f32 to vector<16xf32>
    %broadcast_in_dim3A_1455 = vector.broadcast %jit3A_1453 : f32 to vector<16xf32>
    %select_n3A_1456 = arith.select %gt3A_1451, %broadcast_in_dim3A_1454, %broadcast_in_dim3A_1455 : vector<16xi1>, vector<16xf32>
    %add3A_1457 = arith.addf %add3A_1450, %select_n3A_1456 : vector<16xf32>
    %gt3A_1458 = arith.cmpf ogt, %div3A_1416, %div3A_1409 : vector<16xf32>
    %jit3A_1459 = arith.constant 1.000000e+00 : f32
    %jit3A_1460 = arith.constant 0.000000e+00 : f32
    %broadcast_in_dim3A_1461 = vector.broadcast %jit3A_1459 : f32 to vector<16xf32>
    %broadcast_in_dim3A_1462 = vector.broadcast %jit3A_1460 : f32 to vector<16xf32>
    %select_n3A_1463 = arith.select %gt3A_1458, %broadcast_in_dim3A_1461, %broadcast_in_dim3A_1462 : vector<16xi1>, vector<16xf32>
    %add3A_1464 = arith.addf %add3A_1457, %select_n3A_1463 : vector<16xf32>
    %lt3A_1465 = arith.constant 5.000000e+00 : f32
    %lt3A_1466 = vector.broadcast %lt3A_1465 : f32 to vector<16xf32>
    %lt3A_1467 = arith.cmpf olt, %add3A_1464, %lt3A_1466 : vector<16xf32>
    %jit3A_1468 = arith.constant 0.000000e+00 : f32
    %broadcast_in_dim3A_1469 = vector.broadcast %jit3A_1468 : f32 to vector<16xf32>
    %select_n3A_1470 = arith.select %lt3A_1467, %div3A_1409, %broadcast_in_dim3A_1469 : vector<16xi1>, vector<16xf32>
    %ge3A_1471 = arith.cmpf oge, %div3A_1409, %div3A_1410 : vector<16xf32>
    %jit3A_1472 = arith.constant 1.000000e+00 : f32
    %jit3A_1473 = arith.constant 0.000000e+00 : f32
    %broadcast_in_dim3A_1474 = vector.broadcast %jit3A_1472 : f32 to vector<16xf32>
    %broadcast_in_dim3A_1475 = vector.broadcast %jit3A_1473 : f32 to vector<16xf32>
    %select_n3A_1476 = arith.select %ge3A_1471, %broadcast_in_dim3A_1474, %broadcast_in_dim3A_1475 : vector<16xi1>, vector<16xf32>
    %gt3A_1477 = arith.cmpf ogt, %div3A_1411, %div3A_1410 : vector<16xf32>
    %jit3A_1478 = arith.constant 1.000000e+00 : f32
    %jit3A_1479 = arith.constant 0.000000e+00 : f32
    %broadcast_in_dim3A_1480 = vector.broadcast %jit3A_1478 : f32 to vector<16xf32>
    %broadcast_in_dim3A_1481 = vector.broadcast %jit3A_1479 : f32 to vector<16xf32>
    %select_n3A_1482 = arith.select %gt3A_1477, %broadcast_in_dim3A_1480, %broadcast_in_dim3A_1481 : vector<16xi1>, vector<16xf32>
    %add3A_1483 = arith.addf %select_n3A_1476, %select_n3A_1482 : vector<16xf32>
    %gt3A_1484 = arith.cmpf ogt, %div3A_1412, %div3A_1410 : vector<16xf32>
    %jit3A_1485 = arith.constant 1.000000e+00 : f32
    %jit3A_1486 = arith.constant 0.000000e+00 : f32
    %broadcast_in_dim3A_1487 = vector.broadcast %jit3A_1485 : f32 to vector<16xf32>
    %broadcast_in_dim3A_1488 = vector.broadcast %jit3A_1486 : f32 to vector<16xf32>
    %select_n3A_1489 = arith.select %gt3A_1484, %broadcast_in_dim3A_1487, %broadcast_in_dim3A_1488 : vector<16xi1>, vector<16xf32>
    %add3A_1490 = arith.addf %add3A_1483, %select_n3A_1489 : vector<16xf32>
    %gt3A_1491 = arith.cmpf ogt, %div3A_1413, %div3A_1410 : vector<16xf32>
    %jit3A_1492 = arith.constant 1.000000e+00 : f32
    %jit3A_1493 = arith.constant 0.000000e+00 : f32
    %broadcast_in_dim3A_1494 = vector.broadcast %jit3A_1492 : f32 to vector<16xf32>
    %broadcast_in_dim3A_1495 = vector.broadcast %jit3A_1493 : f32 to vector<16xf32>
    %select_n3A_1496 = arith.select %gt3A_1491, %broadcast_in_dim3A_1494, %broadcast_in_dim3A_1495 : vector<16xi1>, vector<16xf32>
    %add3A_1497 = arith.addf %add3A_1490, %select_n3A_1496 : vector<16xf32>
    %gt3A_1498 = arith.cmpf ogt, %div3A_1414, %div3A_1410 : vector<16xf32>
    %jit3A_1499 = arith.constant 1.000000e+00 : f32
    %jit3A_1500 = arith.constant 0.000000e+00 : f32
    %broadcast_in_dim3A_1501 = vector.broadcast %jit3A_1499 : f32 to vector<16xf32>
    %broadcast_in_dim3A_1502 = vector.broadcast %jit3A_1500 : f32 to vector<16xf32>
    %select_n3A_1503 = arith.select %gt3A_1498, %broadcast_in_dim3A_1501, %broadcast_in_dim3A_1502 : vector<16xi1>, vector<16xf32>
    %add3A_1504 = arith.addf %add3A_1497, %select_n3A_1503 : vector<16xf32>
    %gt3A_1505 = arith.cmpf ogt, %div3A_1415, %div3A_1410 : vector<16xf32>
    %jit3A_1506 = arith.constant 1.000000e+00 : f32
    %jit3A_1507 = arith.constant 0.000000e+00 : f32
    %broadcast_in_dim3A_1508 = vector.broadcast %jit3A_1506 : f32 to vector<16xf32>
    %broadcast_in_dim3A_1509 = vector.broadcast %jit3A_1507 : f32 to vector<16xf32>
    %select_n3A_1510 = arith.select %gt3A_1505, %broadcast_in_dim3A_1508, %broadcast_in_dim3A_1509 : vector<16xi1>, vector<16xf32>
    %add3A_1511 = arith.addf %add3A_1504, %select_n3A_1510 : vector<16xf32>
    %gt3A_1512 = arith.cmpf ogt, %div3A_1416, %div3A_1410 : vector<16xf32>
    %jit3A_1513 = arith.constant 1.000000e+00 : f32
    %jit3A_1514 = arith.constant 0.000000e+00 : f32
    %broadcast_in_dim3A_1515 = vector.broadcast %jit3A_1513 : f32 to vector<16xf32>
    %broadcast_in_dim3A_1516 = vector.broadcast %jit3A_1514 : f32 to vector<16xf32>
    %select_n3A_1517 = arith.select %gt3A_1512, %broadcast_in_dim3A_1515, %broadcast_in_dim3A_1516 : vector<16xi1>, vector<16xf32>
    %add3A_1518 = arith.addf %add3A_1511, %select_n3A_1517 : vector<16xf32>
    %lt3A_1519 = arith.constant 5.000000e+00 : f32
    %lt3A_1520 = vector.broadcast %lt3A_1519 : f32 to vector<16xf32>
    %lt3A_1521 = arith.cmpf olt, %add3A_1518, %lt3A_1520 : vector<16xf32>
    %jit3A_1522 = arith.constant 0.000000e+00 : f32
    %broadcast_in_dim3A_1523 = vector.broadcast %jit3A_1522 : f32 to vector<16xf32>
    %select_n3A_1524 = arith.select %lt3A_1521, %div3A_1410, %broadcast_in_dim3A_1523 : vector<16xi1>, vector<16xf32>
    %add3A_1525 = arith.addf %select_n3A_1470, %select_n3A_1524 : vector<16xf32>
    %ge3A_1526 = arith.cmpf oge, %div3A_1409, %div3A_1411 : vector<16xf32>
    %jit3A_1527 = arith.constant 1.000000e+00 : f32
    %jit3A_1528 = arith.constant 0.000000e+00 : f32
    %broadcast_in_dim3A_1529 = vector.broadcast %jit3A_1527 : f32 to vector<16xf32>
    %broadcast_in_dim3A_1530 = vector.broadcast %jit3A_1528 : f32 to vector<16xf32>
    %select_n3A_1531 = arith.select %ge3A_1526, %broadcast_in_dim3A_1529, %broadcast_in_dim3A_1530 : vector<16xi1>, vector<16xf32>
    %ge3A_1532 = arith.cmpf oge, %div3A_1410, %div3A_1411 : vector<16xf32>
    %jit3A_1533 = arith.constant 1.000000e+00 : f32
    %jit3A_1534 = arith.constant 0.000000e+00 : f32
    %broadcast_in_dim3A_1535 = vector.broadcast %jit3A_1533 : f32 to vector<16xf32>
    %broadcast_in_dim3A_1536 = vector.broadcast %jit3A_1534 : f32 to vector<16xf32>
    %select_n3A_1537 = arith.select %ge3A_1532, %broadcast_in_dim3A_1535, %broadcast_in_dim3A_1536 : vector<16xi1>, vector<16xf32>
    %add3A_1538 = arith.addf %select_n3A_1531, %select_n3A_1537 : vector<16xf32>
    %gt3A_1539 = arith.cmpf ogt, %div3A_1412, %div3A_1411 : vector<16xf32>
    %jit3A_1540 = arith.constant 1.000000e+00 : f32
    %jit3A_1541 = arith.constant 0.000000e+00 : f32
    %broadcast_in_dim3A_1542 = vector.broadcast %jit3A_1540 : f32 to vector<16xf32>
    %broadcast_in_dim3A_1543 = vector.broadcast %jit3A_1541 : f32 to vector<16xf32>
    %select_n3A_1544 = arith.select %gt3A_1539, %broadcast_in_dim3A_1542, %broadcast_in_dim3A_1543 : vector<16xi1>, vector<16xf32>
    %add3A_1545 = arith.addf %add3A_1538, %select_n3A_1544 : vector<16xf32>
    %gt3A_1546 = arith.cmpf ogt, %div3A_1413, %div3A_1411 : vector<16xf32>
    %jit3A_1547 = arith.constant 1.000000e+00 : f32
    %jit3A_1548 = arith.constant 0.000000e+00 : f32
    %broadcast_in_dim3A_1549 = vector.broadcast %jit3A_1547 : f32 to vector<16xf32>
    %broadcast_in_dim3A_1550 = vector.broadcast %jit3A_1548 : f32 to vector<16xf32>
    %select_n3A_1551 = arith.select %gt3A_1546, %broadcast_in_dim3A_1549, %broadcast_in_dim3A_1550 : vector<16xi1>, vector<16xf32>
    %add3A_1552 = arith.addf %add3A_1545, %select_n3A_1551 : vector<16xf32>
    %gt3A_1553 = arith.cmpf ogt, %div3A_1414, %div3A_1411 : vector<16xf32>
    %jit3A_1554 = arith.constant 1.000000e+00 : f32
    %jit3A_1555 = arith.constant 0.000000e+00 : f32
    %broadcast_in_dim3A_1556 = vector.broadcast %jit3A_1554 : f32 to vector<16xf32>
    %broadcast_in_dim3A_1557 = vector.broadcast %jit3A_1555 : f32 to vector<16xf32>
    %select_n3A_1558 = arith.select %gt3A_1553, %broadcast_in_dim3A_1556, %broadcast_in_dim3A_1557 : vector<16xi1>, vector<16xf32>
    %add3A_1559 = arith.addf %add3A_1552, %select_n3A_1558 : vector<16xf32>
    %gt3A_1560 = arith.cmpf ogt, %div3A_1415, %div3A_1411 : vector<16xf32>
    %jit3A_1561 = arith.constant 1.000000e+00 : f32
    %jit3A_1562 = arith.constant 0.000000e+00 : f32
    %broadcast_in_dim3A_1563 = vector.broadcast %jit3A_1561 : f32 to vector<16xf32>
    %broadcast_in_dim3A_1564 = vector.broadcast %jit3A_1562 : f32 to vector<16xf32>
    %select_n3A_1565 = arith.select %gt3A_1560, %broadcast_in_dim3A_1563, %broadcast_in_dim3A_1564 : vector<16xi1>, vector<16xf32>
    %add3A_1566 = arith.addf %add3A_1559, %select_n3A_1565 : vector<16xf32>
    %gt3A_1567 = arith.cmpf ogt, %div3A_1416, %div3A_1411 : vector<16xf32>
    %jit3A_1568 = arith.constant 1.000000e+00 : f32
    %jit3A_1569 = arith.constant 0.000000e+00 : f32
    %broadcast_in_dim3A_1570 = vector.broadcast %jit3A_1568 : f32 to vector<16xf32>
    %broadcast_in_dim3A_1571 = vector.broadcast %jit3A_1569 : f32 to vector<16xf32>
    %select_n3A_1572 = arith.select %gt3A_1567, %broadcast_in_dim3A_1570, %broadcast_in_dim3A_1571 : vector<16xi1>, vector<16xf32>
    %add3A_1573 = arith.addf %add3A_1566, %select_n3A_1572 : vector<16xf32>
    %lt3A_1574 = arith.constant 5.000000e+00 : f32
    %lt3A_1575 = vector.broadcast %lt3A_1574 : f32 to vector<16xf32>
    %lt3A_1576 = arith.cmpf olt, %add3A_1573, %lt3A_1575 : vector<16xf32>
    %jit3A_1577 = arith.constant 0.000000e+00 : f32
    %broadcast_in_dim3A_1578 = vector.broadcast %jit3A_1577 : f32 to vector<16xf32>
    %select_n3A_1579 = arith.select %lt3A_1576, %div3A_1411, %broadcast_in_dim3A_1578 : vector<16xi1>, vector<16xf32>
    %add3A_1580 = arith.addf %add3A_1525, %select_n3A_1579 : vector<16xf32>
    %ge3A_1581 = arith.cmpf oge, %div3A_1409, %div3A_1412 : vector<16xf32>
    %jit3A_1582 = arith.constant 1.000000e+00 : f32
    %jit3A_1583 = arith.constant 0.000000e+00 : f32
    %broadcast_in_dim3A_1584 = vector.broadcast %jit3A_1582 : f32 to vector<16xf32>
    %broadcast_in_dim3A_1585 = vector.broadcast %jit3A_1583 : f32 to vector<16xf32>
    %select_n3A_1586 = arith.select %ge3A_1581, %broadcast_in_dim3A_1584, %broadcast_in_dim3A_1585 : vector<16xi1>, vector<16xf32>
    %ge3A_1587 = arith.cmpf oge, %div3A_1410, %div3A_1412 : vector<16xf32>
    %jit3A_1588 = arith.constant 1.000000e+00 : f32
    %jit3A_1589 = arith.constant 0.000000e+00 : f32
    %broadcast_in_dim3A_1590 = vector.broadcast %jit3A_1588 : f32 to vector<16xf32>
    %broadcast_in_dim3A_1591 = vector.broadcast %jit3A_1589 : f32 to vector<16xf32>
    %select_n3A_1592 = arith.select %ge3A_1587, %broadcast_in_dim3A_1590, %broadcast_in_dim3A_1591 : vector<16xi1>, vector<16xf32>
    %add3A_1593 = arith.addf %select_n3A_1586, %select_n3A_1592 : vector<16xf32>
    %ge3A_1594 = arith.cmpf oge, %div3A_1411, %div3A_1412 : vector<16xf32>
    %jit3A_1595 = arith.constant 1.000000e+00 : f32
    %jit3A_1596 = arith.constant 0.000000e+00 : f32
    %broadcast_in_dim3A_1597 = vector.broadcast %jit3A_1595 : f32 to vector<16xf32>
    %broadcast_in_dim3A_1598 = vector.broadcast %jit3A_1596 : f32 to vector<16xf32>
    %select_n3A_1599 = arith.select %ge3A_1594, %broadcast_in_dim3A_1597, %broadcast_in_dim3A_1598 : vector<16xi1>, vector<16xf32>
    %add3A_1600 = arith.addf %add3A_1593, %select_n3A_1599 : vector<16xf32>
    %gt3A_1601 = arith.cmpf ogt, %div3A_1413, %div3A_1412 : vector<16xf32>
    %jit3A_1602 = arith.constant 1.000000e+00 : f32
    %jit3A_1603 = arith.constant 0.000000e+00 : f32
    %broadcast_in_dim3A_1604 = vector.broadcast %jit3A_1602 : f32 to vector<16xf32>
    %broadcast_in_dim3A_1605 = vector.broadcast %jit3A_1603 : f32 to vector<16xf32>
    %select_n3A_1606 = arith.select %gt3A_1601, %broadcast_in_dim3A_1604, %broadcast_in_dim3A_1605 : vector<16xi1>, vector<16xf32>
    %add3A_1607 = arith.addf %add3A_1600, %select_n3A_1606 : vector<16xf32>
    %gt3A_1608 = arith.cmpf ogt, %div3A_1414, %div3A_1412 : vector<16xf32>
    %jit3A_1609 = arith.constant 1.000000e+00 : f32
    %jit3A_1610 = arith.constant 0.000000e+00 : f32
    %broadcast_in_dim3A_1611 = vector.broadcast %jit3A_1609 : f32 to vector<16xf32>
    %broadcast_in_dim3A_1612 = vector.broadcast %jit3A_1610 : f32 to vector<16xf32>
    %select_n3A_1613 = arith.select %gt3A_1608, %broadcast_in_dim3A_1611, %broadcast_in_dim3A_1612 : vector<16xi1>, vector<16xf32>
    %add3A_1614 = arith.addf %add3A_1607, %select_n3A_1613 : vector<16xf32>
    %gt3A_1615 = arith.cmpf ogt, %div3A_1415, %div3A_1412 : vector<16xf32>
    %jit3A_1616 = arith.constant 1.000000e+00 : f32
    %jit3A_1617 = arith.constant 0.000000e+00 : f32
    %broadcast_in_dim3A_1618 = vector.broadcast %jit3A_1616 : f32 to vector<16xf32>
    %broadcast_in_dim3A_1619 = vector.broadcast %jit3A_1617 : f32 to vector<16xf32>
    %select_n3A_1620 = arith.select %gt3A_1615, %broadcast_in_dim3A_1618, %broadcast_in_dim3A_1619 : vector<16xi1>, vector<16xf32>
    %add3A_1621 = arith.addf %add3A_1614, %select_n3A_1620 : vector<16xf32>
    %gt3A_1622 = arith.cmpf ogt, %div3A_1416, %div3A_1412 : vector<16xf32>
    %jit3A_1623 = arith.constant 1.000000e+00 : f32
    %jit3A_1624 = arith.constant 0.000000e+00 : f32
    %broadcast_in_dim3A_1625 = vector.broadcast %jit3A_1623 : f32 to vector<16xf32>
    %broadcast_in_dim3A_1626 = vector.broadcast %jit3A_1624 : f32 to vector<16xf32>
    %select_n3A_1627 = arith.select %gt3A_1622, %broadcast_in_dim3A_1625, %broadcast_in_dim3A_1626 : vector<16xi1>, vector<16xf32>
    %add3A_1628 = arith.addf %add3A_1621, %select_n3A_1627 : vector<16xf32>
    %lt3A_1629 = arith.constant 5.000000e+00 : f32
    %lt3A_1630 = vector.broadcast %lt3A_1629 : f32 to vector<16xf32>
    %lt3A_1631 = arith.cmpf olt, %add3A_1628, %lt3A_1630 : vector<16xf32>
    %jit3A_1632 = arith.constant 0.000000e+00 : f32
    %broadcast_in_dim3A_1633 = vector.broadcast %jit3A_1632 : f32 to vector<16xf32>
    %select_n3A_1634 = arith.select %lt3A_1631, %div3A_1412, %broadcast_in_dim3A_1633 : vector<16xi1>, vector<16xf32>
    %add3A_1635 = arith.addf %add3A_1580, %select_n3A_1634 : vector<16xf32>
    %ge3A_1636 = arith.cmpf oge, %div3A_1409, %div3A_1413 : vector<16xf32>
    %jit3A_1637 = arith.constant 1.000000e+00 : f32
    %jit3A_1638 = arith.constant 0.000000e+00 : f32
    %broadcast_in_dim3A_1639 = vector.broadcast %jit3A_1637 : f32 to vector<16xf32>
    %broadcast_in_dim3A_1640 = vector.broadcast %jit3A_1638 : f32 to vector<16xf32>
    %select_n3A_1641 = arith.select %ge3A_1636, %broadcast_in_dim3A_1639, %broadcast_in_dim3A_1640 : vector<16xi1>, vector<16xf32>
    %ge3A_1642 = arith.cmpf oge, %div3A_1410, %div3A_1413 : vector<16xf32>
    %jit3A_1643 = arith.constant 1.000000e+00 : f32
    %jit3A_1644 = arith.constant 0.000000e+00 : f32
    %broadcast_in_dim3A_1645 = vector.broadcast %jit3A_1643 : f32 to vector<16xf32>
    %broadcast_in_dim3A_1646 = vector.broadcast %jit3A_1644 : f32 to vector<16xf32>
    %select_n3A_1647 = arith.select %ge3A_1642, %broadcast_in_dim3A_1645, %broadcast_in_dim3A_1646 : vector<16xi1>, vector<16xf32>
    %add3A_1648 = arith.addf %select_n3A_1641, %select_n3A_1647 : vector<16xf32>
    %ge3A_1649 = arith.cmpf oge, %div3A_1411, %div3A_1413 : vector<16xf32>
    %jit3A_1650 = arith.constant 1.000000e+00 : f32
    %jit3A_1651 = arith.constant 0.000000e+00 : f32
    %broadcast_in_dim3A_1652 = vector.broadcast %jit3A_1650 : f32 to vector<16xf32>
    %broadcast_in_dim3A_1653 = vector.broadcast %jit3A_1651 : f32 to vector<16xf32>
    %select_n3A_1654 = arith.select %ge3A_1649, %broadcast_in_dim3A_1652, %broadcast_in_dim3A_1653 : vector<16xi1>, vector<16xf32>
    %add3A_1655 = arith.addf %add3A_1648, %select_n3A_1654 : vector<16xf32>
    %ge3A_1656 = arith.cmpf oge, %div3A_1412, %div3A_1413 : vector<16xf32>
    %jit3A_1657 = arith.constant 1.000000e+00 : f32
    %jit3A_1658 = arith.constant 0.000000e+00 : f32
    %broadcast_in_dim3A_1659 = vector.broadcast %jit3A_1657 : f32 to vector<16xf32>
    %broadcast_in_dim3A_1660 = vector.broadcast %jit3A_1658 : f32 to vector<16xf32>
    %select_n3A_1661 = arith.select %ge3A_1656, %broadcast_in_dim3A_1659, %broadcast_in_dim3A_1660 : vector<16xi1>, vector<16xf32>
    %add3A_1662 = arith.addf %add3A_1655, %select_n3A_1661 : vector<16xf32>
    %gt3A_1663 = arith.cmpf ogt, %div3A_1414, %div3A_1413 : vector<16xf32>
    %jit3A_1664 = arith.constant 1.000000e+00 : f32
    %jit3A_1665 = arith.constant 0.000000e+00 : f32
    %broadcast_in_dim3A_1666 = vector.broadcast %jit3A_1664 : f32 to vector<16xf32>
    %broadcast_in_dim3A_1667 = vector.broadcast %jit3A_1665 : f32 to vector<16xf32>
    %select_n3A_1668 = arith.select %gt3A_1663, %broadcast_in_dim3A_1666, %broadcast_in_dim3A_1667 : vector<16xi1>, vector<16xf32>
    %add3A_1669 = arith.addf %add3A_1662, %select_n3A_1668 : vector<16xf32>
    %gt3A_1670 = arith.cmpf ogt, %div3A_1415, %div3A_1413 : vector<16xf32>
    %jit3A_1671 = arith.constant 1.000000e+00 : f32
    %jit3A_1672 = arith.constant 0.000000e+00 : f32
    %broadcast_in_dim3A_1673 = vector.broadcast %jit3A_1671 : f32 to vector<16xf32>
    %broadcast_in_dim3A_1674 = vector.broadcast %jit3A_1672 : f32 to vector<16xf32>
    %select_n3A_1675 = arith.select %gt3A_1670, %broadcast_in_dim3A_1673, %broadcast_in_dim3A_1674 : vector<16xi1>, vector<16xf32>
    %add3A_1676 = arith.addf %add3A_1669, %select_n3A_1675 : vector<16xf32>
    %gt3A_1677 = arith.cmpf ogt, %div3A_1416, %div3A_1413 : vector<16xf32>
    %jit3A_1678 = arith.constant 1.000000e+00 : f32
    %jit3A_1679 = arith.constant 0.000000e+00 : f32
    %broadcast_in_dim3A_1680 = vector.broadcast %jit3A_1678 : f32 to vector<16xf32>
    %broadcast_in_dim3A_1681 = vector.broadcast %jit3A_1679 : f32 to vector<16xf32>
    %select_n3A_1682 = arith.select %gt3A_1677, %broadcast_in_dim3A_1680, %broadcast_in_dim3A_1681 : vector<16xi1>, vector<16xf32>
    %add3A_1683 = arith.addf %add3A_1676, %select_n3A_1682 : vector<16xf32>
    %lt3A_1684 = arith.constant 5.000000e+00 : f32
    %lt3A_1685 = vector.broadcast %lt3A_1684 : f32 to vector<16xf32>
    %lt3A_1686 = arith.cmpf olt, %add3A_1683, %lt3A_1685 : vector<16xf32>
    %jit3A_1687 = arith.constant 0.000000e+00 : f32
    %broadcast_in_dim3A_1688 = vector.broadcast %jit3A_1687 : f32 to vector<16xf32>
    %select_n3A_1689 = arith.select %lt3A_1686, %div3A_1413, %broadcast_in_dim3A_1688 : vector<16xi1>, vector<16xf32>
    %add3A_1690 = arith.addf %add3A_1635, %select_n3A_1689 : vector<16xf32>
    %ge3A_1691 = arith.cmpf oge, %div3A_1409, %div3A_1414 : vector<16xf32>
    %jit3A_1692 = arith.constant 1.000000e+00 : f32
    %jit3A_1693 = arith.constant 0.000000e+00 : f32
    %broadcast_in_dim3A_1694 = vector.broadcast %jit3A_1692 : f32 to vector<16xf32>
    %broadcast_in_dim3A_1695 = vector.broadcast %jit3A_1693 : f32 to vector<16xf32>
    %select_n3A_1696 = arith.select %ge3A_1691, %broadcast_in_dim3A_1694, %broadcast_in_dim3A_1695 : vector<16xi1>, vector<16xf32>
    %ge3A_1697 = arith.cmpf oge, %div3A_1410, %div3A_1414 : vector<16xf32>
    %jit3A_1698 = arith.constant 1.000000e+00 : f32
    %jit3A_1699 = arith.constant 0.000000e+00 : f32
    %broadcast_in_dim3A_1700 = vector.broadcast %jit3A_1698 : f32 to vector<16xf32>
    %broadcast_in_dim3A_1701 = vector.broadcast %jit3A_1699 : f32 to vector<16xf32>
    %select_n3A_1702 = arith.select %ge3A_1697, %broadcast_in_dim3A_1700, %broadcast_in_dim3A_1701 : vector<16xi1>, vector<16xf32>
    %add3A_1703 = arith.addf %select_n3A_1696, %select_n3A_1702 : vector<16xf32>
    %ge3A_1704 = arith.cmpf oge, %div3A_1411, %div3A_1414 : vector<16xf32>
    %jit3A_1705 = arith.constant 1.000000e+00 : f32
    %jit3A_1706 = arith.constant 0.000000e+00 : f32
    %broadcast_in_dim3A_1707 = vector.broadcast %jit3A_1705 : f32 to vector<16xf32>
    %broadcast_in_dim3A_1708 = vector.broadcast %jit3A_1706 : f32 to vector<16xf32>
    %select_n3A_1709 = arith.select %ge3A_1704, %broadcast_in_dim3A_1707, %broadcast_in_dim3A_1708 : vector<16xi1>, vector<16xf32>
    %add3A_1710 = arith.addf %add3A_1703, %select_n3A_1709 : vector<16xf32>
    %ge3A_1711 = arith.cmpf oge, %div3A_1412, %div3A_1414 : vector<16xf32>
    %jit3A_1712 = arith.constant 1.000000e+00 : f32
    %jit3A_1713 = arith.constant 0.000000e+00 : f32
    %broadcast_in_dim3A_1714 = vector.broadcast %jit3A_1712 : f32 to vector<16xf32>
    %broadcast_in_dim3A_1715 = vector.broadcast %jit3A_1713 : f32 to vector<16xf32>
    %select_n3A_1716 = arith.select %ge3A_1711, %broadcast_in_dim3A_1714, %broadcast_in_dim3A_1715 : vector<16xi1>, vector<16xf32>
    %add3A_1717 = arith.addf %add3A_1710, %select_n3A_1716 : vector<16xf32>
    %ge3A_1718 = arith.cmpf oge, %div3A_1413, %div3A_1414 : vector<16xf32>
    %jit3A_1719 = arith.constant 1.000000e+00 : f32
    %jit3A_1720 = arith.constant 0.000000e+00 : f32
    %broadcast_in_dim3A_1721 = vector.broadcast %jit3A_1719 : f32 to vector<16xf32>
    %broadcast_in_dim3A_1722 = vector.broadcast %jit3A_1720 : f32 to vector<16xf32>
    %select_n3A_1723 = arith.select %ge3A_1718, %broadcast_in_dim3A_1721, %broadcast_in_dim3A_1722 : vector<16xi1>, vector<16xf32>
    %add3A_1724 = arith.addf %add3A_1717, %select_n3A_1723 : vector<16xf32>
    %gt3A_1725 = arith.cmpf ogt, %div3A_1415, %div3A_1414 : vector<16xf32>
    %jit3A_1726 = arith.constant 1.000000e+00 : f32
    %jit3A_1727 = arith.constant 0.000000e+00 : f32
    %broadcast_in_dim3A_1728 = vector.broadcast %jit3A_1726 : f32 to vector<16xf32>
    %broadcast_in_dim3A_1729 = vector.broadcast %jit3A_1727 : f32 to vector<16xf32>
    %select_n3A_1730 = arith.select %gt3A_1725, %broadcast_in_dim3A_1728, %broadcast_in_dim3A_1729 : vector<16xi1>, vector<16xf32>
    %add3A_1731 = arith.addf %add3A_1724, %select_n3A_1730 : vector<16xf32>
    %gt3A_1732 = arith.cmpf ogt, %div3A_1416, %div3A_1414 : vector<16xf32>
    %jit3A_1733 = arith.constant 1.000000e+00 : f32
    %jit3A_1734 = arith.constant 0.000000e+00 : f32
    %broadcast_in_dim3A_1735 = vector.broadcast %jit3A_1733 : f32 to vector<16xf32>
    %broadcast_in_dim3A_1736 = vector.broadcast %jit3A_1734 : f32 to vector<16xf32>
    %select_n3A_1737 = arith.select %gt3A_1732, %broadcast_in_dim3A_1735, %broadcast_in_dim3A_1736 : vector<16xi1>, vector<16xf32>
    %add3A_1738 = arith.addf %add3A_1731, %select_n3A_1737 : vector<16xf32>
    %lt3A_1739 = arith.constant 5.000000e+00 : f32
    %lt3A_1740 = vector.broadcast %lt3A_1739 : f32 to vector<16xf32>
    %lt3A_1741 = arith.cmpf olt, %add3A_1738, %lt3A_1740 : vector<16xf32>
    %jit3A_1742 = arith.constant 0.000000e+00 : f32
    %broadcast_in_dim3A_1743 = vector.broadcast %jit3A_1742 : f32 to vector<16xf32>
    %select_n3A_1744 = arith.select %lt3A_1741, %div3A_1414, %broadcast_in_dim3A_1743 : vector<16xi1>, vector<16xf32>
    %add3A_1745 = arith.addf %add3A_1690, %select_n3A_1744 : vector<16xf32>
    %ge3A_1746 = arith.cmpf oge, %div3A_1409, %div3A_1415 : vector<16xf32>
    %jit3A_1747 = arith.constant 1.000000e+00 : f32
    %jit3A_1748 = arith.constant 0.000000e+00 : f32
    %broadcast_in_dim3A_1749 = vector.broadcast %jit3A_1747 : f32 to vector<16xf32>
    %broadcast_in_dim3A_1750 = vector.broadcast %jit3A_1748 : f32 to vector<16xf32>
    %select_n3A_1751 = arith.select %ge3A_1746, %broadcast_in_dim3A_1749, %broadcast_in_dim3A_1750 : vector<16xi1>, vector<16xf32>
    %ge3A_1752 = arith.cmpf oge, %div3A_1410, %div3A_1415 : vector<16xf32>
    %jit3A_1753 = arith.constant 1.000000e+00 : f32
    %jit3A_1754 = arith.constant 0.000000e+00 : f32
    %broadcast_in_dim3A_1755 = vector.broadcast %jit3A_1753 : f32 to vector<16xf32>
    %broadcast_in_dim3A_1756 = vector.broadcast %jit3A_1754 : f32 to vector<16xf32>
    %select_n3A_1757 = arith.select %ge3A_1752, %broadcast_in_dim3A_1755, %broadcast_in_dim3A_1756 : vector<16xi1>, vector<16xf32>
    %add3A_1758 = arith.addf %select_n3A_1751, %select_n3A_1757 : vector<16xf32>
    %ge3A_1759 = arith.cmpf oge, %div3A_1411, %div3A_1415 : vector<16xf32>
    %jit3A_1760 = arith.constant 1.000000e+00 : f32
    %jit3A_1761 = arith.constant 0.000000e+00 : f32
    %broadcast_in_dim3A_1762 = vector.broadcast %jit3A_1760 : f32 to vector<16xf32>
    %broadcast_in_dim3A_1763 = vector.broadcast %jit3A_1761 : f32 to vector<16xf32>
    %select_n3A_1764 = arith.select %ge3A_1759, %broadcast_in_dim3A_1762, %broadcast_in_dim3A_1763 : vector<16xi1>, vector<16xf32>
    %add3A_1765 = arith.addf %add3A_1758, %select_n3A_1764 : vector<16xf32>
    %ge3A_1766 = arith.cmpf oge, %div3A_1412, %div3A_1415 : vector<16xf32>
    %jit3A_1767 = arith.constant 1.000000e+00 : f32
    %jit3A_1768 = arith.constant 0.000000e+00 : f32
    %broadcast_in_dim3A_1769 = vector.broadcast %jit3A_1767 : f32 to vector<16xf32>
    %broadcast_in_dim3A_1770 = vector.broadcast %jit3A_1768 : f32 to vector<16xf32>
    %select_n3A_1771 = arith.select %ge3A_1766, %broadcast_in_dim3A_1769, %broadcast_in_dim3A_1770 : vector<16xi1>, vector<16xf32>
    %add3A_1772 = arith.addf %add3A_1765, %select_n3A_1771 : vector<16xf32>
    %ge3A_1773 = arith.cmpf oge, %div3A_1413, %div3A_1415 : vector<16xf32>
    %jit3A_1774 = arith.constant 1.000000e+00 : f32
    %jit3A_1775 = arith.constant 0.000000e+00 : f32
    %broadcast_in_dim3A_1776 = vector.broadcast %jit3A_1774 : f32 to vector<16xf32>
    %broadcast_in_dim3A_1777 = vector.broadcast %jit3A_1775 : f32 to vector<16xf32>
    %select_n3A_1778 = arith.select %ge3A_1773, %broadcast_in_dim3A_1776, %broadcast_in_dim3A_1777 : vector<16xi1>, vector<16xf32>
    %add3A_1779 = arith.addf %add3A_1772, %select_n3A_1778 : vector<16xf32>
    %ge3A_1780 = arith.cmpf oge, %div3A_1414, %div3A_1415 : vector<16xf32>
    %jit3A_1781 = arith.constant 1.000000e+00 : f32
    %jit3A_1782 = arith.constant 0.000000e+00 : f32
    %broadcast_in_dim3A_1783 = vector.broadcast %jit3A_1781 : f32 to vector<16xf32>
    %broadcast_in_dim3A_1784 = vector.broadcast %jit3A_1782 : f32 to vector<16xf32>
    %select_n3A_1785 = arith.select %ge3A_1780, %broadcast_in_dim3A_1783, %broadcast_in_dim3A_1784 : vector<16xi1>, vector<16xf32>
    %add3A_1786 = arith.addf %add3A_1779, %select_n3A_1785 : vector<16xf32>
    %gt3A_1787 = arith.cmpf ogt, %div3A_1416, %div3A_1415 : vector<16xf32>
    %jit3A_1788 = arith.constant 1.000000e+00 : f32
    %jit3A_1789 = arith.constant 0.000000e+00 : f32
    %broadcast_in_dim3A_1790 = vector.broadcast %jit3A_1788 : f32 to vector<16xf32>
    %broadcast_in_dim3A_1791 = vector.broadcast %jit3A_1789 : f32 to vector<16xf32>
    %select_n3A_1792 = arith.select %gt3A_1787, %broadcast_in_dim3A_1790, %broadcast_in_dim3A_1791 : vector<16xi1>, vector<16xf32>
    %add3A_1793 = arith.addf %add3A_1786, %select_n3A_1792 : vector<16xf32>
    %lt3A_1794 = arith.constant 5.000000e+00 : f32
    %lt3A_1795 = vector.broadcast %lt3A_1794 : f32 to vector<16xf32>
    %lt3A_1796 = arith.cmpf olt, %add3A_1793, %lt3A_1795 : vector<16xf32>
    %jit3A_1797 = arith.constant 0.000000e+00 : f32
    %broadcast_in_dim3A_1798 = vector.broadcast %jit3A_1797 : f32 to vector<16xf32>
    %select_n3A_1799 = arith.select %lt3A_1796, %div3A_1415, %broadcast_in_dim3A_1798 : vector<16xi1>, vector<16xf32>
    %add3A_1800 = arith.addf %add3A_1745, %select_n3A_1799 : vector<16xf32>
    %ge3A_1801 = arith.cmpf oge, %div3A_1409, %div3A_1416 : vector<16xf32>
    %jit3A_1802 = arith.constant 1.000000e+00 : f32
    %jit3A_1803 = arith.constant 0.000000e+00 : f32
    %broadcast_in_dim3A_1804 = vector.broadcast %jit3A_1802 : f32 to vector<16xf32>
    %broadcast_in_dim3A_1805 = vector.broadcast %jit3A_1803 : f32 to vector<16xf32>
    %select_n3A_1806 = arith.select %ge3A_1801, %broadcast_in_dim3A_1804, %broadcast_in_dim3A_1805 : vector<16xi1>, vector<16xf32>
    %ge3A_1807 = arith.cmpf oge, %div3A_1410, %div3A_1416 : vector<16xf32>
    %jit3A_1808 = arith.constant 1.000000e+00 : f32
    %jit3A_1809 = arith.constant 0.000000e+00 : f32
    %broadcast_in_dim3A_1810 = vector.broadcast %jit3A_1808 : f32 to vector<16xf32>
    %broadcast_in_dim3A_1811 = vector.broadcast %jit3A_1809 : f32 to vector<16xf32>
    %select_n3A_1812 = arith.select %ge3A_1807, %broadcast_in_dim3A_1810, %broadcast_in_dim3A_1811 : vector<16xi1>, vector<16xf32>
    %add3A_1813 = arith.addf %select_n3A_1806, %select_n3A_1812 : vector<16xf32>
    %ge3A_1814 = arith.cmpf oge, %div3A_1411, %div3A_1416 : vector<16xf32>
    %jit3A_1815 = arith.constant 1.000000e+00 : f32
    %jit3A_1816 = arith.constant 0.000000e+00 : f32
    %broadcast_in_dim3A_1817 = vector.broadcast %jit3A_1815 : f32 to vector<16xf32>
    %broadcast_in_dim3A_1818 = vector.broadcast %jit3A_1816 : f32 to vector<16xf32>
    %select_n3A_1819 = arith.select %ge3A_1814, %broadcast_in_dim3A_1817, %broadcast_in_dim3A_1818 : vector<16xi1>, vector<16xf32>
    %add3A_1820 = arith.addf %add3A_1813, %select_n3A_1819 : vector<16xf32>
    %ge3A_1821 = arith.cmpf oge, %div3A_1412, %div3A_1416 : vector<16xf32>
    %jit3A_1822 = arith.constant 1.000000e+00 : f32
    %jit3A_1823 = arith.constant 0.000000e+00 : f32
    %broadcast_in_dim3A_1824 = vector.broadcast %jit3A_1822 : f32 to vector<16xf32>
    %broadcast_in_dim3A_1825 = vector.broadcast %jit3A_1823 : f32 to vector<16xf32>
    %select_n3A_1826 = arith.select %ge3A_1821, %broadcast_in_dim3A_1824, %broadcast_in_dim3A_1825 : vector<16xi1>, vector<16xf32>
    %add3A_1827 = arith.addf %add3A_1820, %select_n3A_1826 : vector<16xf32>
    %ge3A_1828 = arith.cmpf oge, %div3A_1413, %div3A_1416 : vector<16xf32>
    %jit3A_1829 = arith.constant 1.000000e+00 : f32
    %jit3A_1830 = arith.constant 0.000000e+00 : f32
    %broadcast_in_dim3A_1831 = vector.broadcast %jit3A_1829 : f32 to vector<16xf32>
    %broadcast_in_dim3A_1832 = vector.broadcast %jit3A_1830 : f32 to vector<16xf32>
    %select_n3A_1833 = arith.select %ge3A_1828, %broadcast_in_dim3A_1831, %broadcast_in_dim3A_1832 : vector<16xi1>, vector<16xf32>
    %add3A_1834 = arith.addf %add3A_1827, %select_n3A_1833 : vector<16xf32>
    %ge3A_1835 = arith.cmpf oge, %div3A_1414, %div3A_1416 : vector<16xf32>
    %jit3A_1836 = arith.constant 1.000000e+00 : f32
    %jit3A_1837 = arith.constant 0.000000e+00 : f32
    %broadcast_in_dim3A_1838 = vector.broadcast %jit3A_1836 : f32 to vector<16xf32>
    %broadcast_in_dim3A_1839 = vector.broadcast %jit3A_1837 : f32 to vector<16xf32>
    %select_n3A_1840 = arith.select %ge3A_1835, %broadcast_in_dim3A_1838, %broadcast_in_dim3A_1839 : vector<16xi1>, vector<16xf32>
    %add3A_1841 = arith.addf %add3A_1834, %select_n3A_1840 : vector<16xf32>
    %ge3A_1842 = arith.cmpf oge, %div3A_1415, %div3A_1416 : vector<16xf32>
    %jit3A_1843 = arith.constant 1.000000e+00 : f32
    %jit3A_1844 = arith.constant 0.000000e+00 : f32
    %broadcast_in_dim3A_1845 = vector.broadcast %jit3A_1843 : f32 to vector<16xf32>
    %broadcast_in_dim3A_1846 = vector.broadcast %jit3A_1844 : f32 to vector<16xf32>
    %select_n3A_1847 = arith.select %ge3A_1842, %broadcast_in_dim3A_1845, %broadcast_in_dim3A_1846 : vector<16xi1>, vector<16xf32>
    %add3A_1848 = arith.addf %add3A_1841, %select_n3A_1847 : vector<16xf32>
    %lt3A_1849 = arith.constant 5.000000e+00 : f32
    %lt3A_1850 = vector.broadcast %lt3A_1849 : f32 to vector<16xf32>
    %lt3A_1851 = arith.cmpf olt, %add3A_1848, %lt3A_1850 : vector<16xf32>
    %jit3A_1852 = arith.constant 0.000000e+00 : f32
    %broadcast_in_dim3A_1853 = vector.broadcast %jit3A_1852 : f32 to vector<16xf32>
    %select_n3A_1854 = arith.select %lt3A_1851, %div3A_1416, %broadcast_in_dim3A_1853 : vector<16xi1>, vector<16xf32>
    %add3A_1855 = arith.addf %add3A_1800, %select_n3A_1854 : vector<16xf32>
    %add3A_1856 = arith.constant 9.99999993E-9 : f32
    %add3A_1857 = vector.broadcast %add3A_1856 : f32 to vector<16xf32>
    %add3A_1858 = arith.addf %add3A_1855, %add3A_1857 : vector<16xf32>
    %div3A_1859 = arith.constant 1.000000e+00 : f32
    %div3A_1860 = vector.broadcast %div3A_1859 : f32 to vector<16xf32>
    %div3A_1861 = arith.divf %div3A_1860, %add3A_1858 : vector<16xf32>
    %mul3A_1862 = arith.mulf %select_n3A_1470, %div3A_1861 : vector<16xf32>
    %swap3A_1863 = arith.constant 0 : i32
    %swap3A_1864 = arith.index_cast %swap3A_1863 : i32 to index
    %swap3A_1865 = arith.constant 32 : index
    %swap3A_1866 = tpu.vector_load %arg5[%swap3A_1864, %swap3A_1865] {strides = array<i32>} : memref<8x64xf32, #tpu.memory_space<vmem>>, vector<1x16xf32>,
    %swap3A_1867 = vector.shape_cast %swap3A_1866 : vector<1x16xf32> to vector<16xf32>
    %swap3A_1868 = vector.shape_cast %mul3A_1862 : vector<16xf32> to vector<1x16xf32>
    tpu.vector_store %arg5[%swap3A_1864, %swap3A_1865], %swap3A_1868 {strides = array<i32>} : memref<8x64xf32, #tpu.memory_space<vmem>>, vector<1x16xf32>,
    %mul3A_1869 = arith.mulf %select_n3A_1524, %div3A_1861 : vector<16xf32>
    %swap3A_1870 = arith.constant 1 : i32
    %swap3A_1871 = arith.index_cast %swap3A_1870 : i32 to index
    %swap3A_1872 = arith.constant 32 : index
    %swap3A_1873 = tpu.vector_load %arg5[%swap3A_1871, %swap3A_1872] {strides = array<i32>} : memref<8x64xf32, #tpu.memory_space<vmem>>, vector<1x16xf32>,
    %swap3A_1874 = vector.shape_cast %swap3A_1873 : vector<1x16xf32> to vector<16xf32>
    %swap3A_1875 = vector.shape_cast %mul3A_1869 : vector<16xf32> to vector<1x16xf32>
    tpu.vector_store %arg5[%swap3A_1871, %swap3A_1872], %swap3A_1875 {strides = array<i32>} : memref<8x64xf32, #tpu.memory_space<vmem>>, vector<1x16xf32>,
    %mul3A_1876 = arith.mulf %select_n3A_1579, %div3A_1861 : vector<16xf32>
    %swap3A_1877 = arith.constant 2 : i32
    %swap3A_1878 = arith.index_cast %swap3A_1877 : i32 to index
    %swap3A_1879 = arith.constant 32 : index
    %swap3A_1880 = tpu.vector_load %arg5[%swap3A_1878, %swap3A_1879] {strides = array<i32>} : memref<8x64xf32, #tpu.memory_space<vmem>>, vector<1x16xf32>,
    %swap3A_1881 = vector.shape_cast %swap3A_1880 : vector<1x16xf32> to vector<16xf32>
    %swap3A_1882 = vector.shape_cast %mul3A_1876 : vector<16xf32> to vector<1x16xf32>
    tpu.vector_store %arg5[%swap3A_1878, %swap3A_1879], %swap3A_1882 {strides = array<i32>} : memref<8x64xf32, #tpu.memory_space<vmem>>, vector<1x16xf32>,
    %mul3A_1883 = arith.mulf %select_n3A_1634, %div3A_1861 : vector<16xf32>
    %swap3A_1884 = arith.constant 3 : i32
    %swap3A_1885 = arith.index_cast %swap3A_1884 : i32 to index
    %swap3A_1886 = arith.constant 32 : index
    %swap3A_1887 = tpu.vector_load %arg5[%swap3A_1885, %swap3A_1886] {strides = array<i32>} : memref<8x64xf32, #tpu.memory_space<vmem>>, vector<1x16xf32>,
    %swap3A_1888 = vector.shape_cast %swap3A_1887 : vector<1x16xf32> to vector<16xf32>
    %swap3A_1889 = vector.shape_cast %mul3A_1883 : vector<16xf32> to vector<1x16xf32>
    tpu.vector_store %arg5[%swap3A_1885, %swap3A_1886], %swap3A_1889 {strides = array<i32>} : memref<8x64xf32, #tpu.memory_space<vmem>>, vector<1x16xf32>,
    %mul3A_1890 = arith.mulf %select_n3A_1689, %div3A_1861 : vector<16xf32>
    %swap3A_1891 = arith.constant 4 : i32
    %swap3A_1892 = arith.index_cast %swap3A_1891 : i32 to index
    %swap3A_1893 = arith.constant 32 : index
    %swap3A_1894 = tpu.vector_load %arg5[%swap3A_1892, %swap3A_1893] {strides = array<i32>} : memref<8x64xf32, #tpu.memory_space<vmem>>, vector<1x16xf32>,
    %swap3A_1895 = vector.shape_cast %swap3A_1894 : vector<1x16xf32> to vector<16xf32>
    %swap3A_1896 = vector.shape_cast %mul3A_1890 : vector<16xf32> to vector<1x16xf32>
    tpu.vector_store %arg5[%swap3A_1892, %swap3A_1893], %swap3A_1896 {strides = array<i32>} : memref<8x64xf32, #tpu.memory_space<vmem>>, vector<1x16xf32>,
    %mul3A_1897 = arith.mulf %select_n3A_1744, %div3A_1861 : vector<16xf32>
    %swap3A_1898 = arith.constant 5 : i32
    %swap3A_1899 = arith.index_cast %swap3A_1898 : i32 to index
    %swap3A_1900 = arith.constant 32 : index
    %swap3A_1901 = tpu.vector_load %arg5[%swap3A_1899, %swap3A_1900] {strides = array<i32>} : memref<8x64xf32, #tpu.memory_space<vmem>>, vector<1x16xf32>,
    %swap3A_1902 = vector.shape_cast %swap3A_1901 : vector<1x16xf32> to vector<16xf32>
    %swap3A_1903 = vector.shape_cast %mul3A_1897 : vector<16xf32> to vector<1x16xf32>
    tpu.vector_store %arg5[%swap3A_1899, %swap3A_1900], %swap3A_1903 {strides = array<i32>} : memref<8x64xf32, #tpu.memory_space<vmem>>, vector<1x16xf32>,
    %mul3A_1904 = arith.mulf %select_n3A_1799, %div3A_1861 : vector<16xf32>
    %swap3A_1905 = arith.constant 6 : i32
    %swap3A_1906 = arith.index_cast %swap3A_1905 : i32 to index
    %swap3A_1907 = arith.constant 32 : index
    %swap3A_1908 = tpu.vector_load %arg5[%swap3A_1906, %swap3A_1907] {strides = array<i32>} : memref<8x64xf32, #tpu.memory_space<vmem>>, vector<1x16xf32>,
    %swap3A_1909 = vector.shape_cast %swap3A_1908 : vector<1x16xf32> to vector<16xf32>
    %swap3A_1910 = vector.shape_cast %mul3A_1904 : vector<16xf32> to vector<1x16xf32>
    tpu.vector_store %arg5[%swap3A_1906, %swap3A_1907], %swap3A_1910 {strides = array<i32>} : memref<8x64xf32, #tpu.memory_space<vmem>>, vector<1x16xf32>,
    %mul3A_1911 = arith.mulf %select_n3A_1854, %div3A_1861 : vector<16xf32>
    %swap3A_1912 = arith.constant 7 : i32
    %swap3A_1913 = arith.index_cast %swap3A_1912 : i32 to index
    %swap3A_1914 = arith.constant 32 : index
    %swap3A_1915 = tpu.vector_load %arg5[%swap3A_1913, %swap3A_1914] {strides = array<i32>} : memref<8x64xf32, #tpu.memory_space<vmem>>, vector<1x16xf32>,
    %swap3A_1916 = vector.shape_cast %swap3A_1915 : vector<1x16xf32> to vector<16xf32>
    %swap3A_1917 = vector.shape_cast %mul3A_1911 : vector<16xf32> to vector<1x16xf32>
    tpu.vector_store %arg5[%swap3A_1913, %swap3A_1914], %swap3A_1917 {strides = array<i32>} : memref<8x64xf32, #tpu.memory_space<vmem>>, vector<1x16xf32>,
    %get3A_1918 = arith.constant 0 : i32
    %get3A_1919 = arith.index_cast %get3A_1918 : i32 to index
    %get3A_1920 = arith.constant 48 : index
    %get3A_1921 = tpu.vector_load %arg4[%get3A_1919, %get3A_1920] {strides = array<i32>} : memref<8x64xf32, #tpu.memory_space<vmem>>, vector<1x16xf32>,
    %get3A_1922 = vector.shape_cast %get3A_1921 : vector<1x16xf32> to vector<16xf32>
    %get3A_1923 = arith.constant 1 : i32
    %get3A_1924 = arith.index_cast %get3A_1923 : i32 to index
    %get3A_1925 = arith.constant 48 : index
    %get3A_1926 = tpu.vector_load %arg4[%get3A_1924, %get3A_1925] {strides = array<i32>} : memref<8x64xf32, #tpu.memory_space<vmem>>, vector<1x16xf32>,
    %get3A_1927 = vector.shape_cast %get3A_1926 : vector<1x16xf32> to vector<16xf32>
    %get3A_1928 = arith.constant 2 : i32
    %get3A_1929 = arith.index_cast %get3A_1928 : i32 to index
    %get3A_1930 = arith.constant 48 : index
    %get3A_1931 = tpu.vector_load %arg4[%get3A_1929, %get3A_1930] {strides = array<i32>} : memref<8x64xf32, #tpu.memory_space<vmem>>, vector<1x16xf32>,
    %get3A_1932 = vector.shape_cast %get3A_1931 : vector<1x16xf32> to vector<16xf32>
    %get3A_1933 = arith.constant 3 : i32
    %get3A_1934 = arith.index_cast %get3A_1933 : i32 to index
    %get3A_1935 = arith.constant 48 : index
    %get3A_1936 = tpu.vector_load %arg4[%get3A_1934, %get3A_1935] {strides = array<i32>} : memref<8x64xf32, #tpu.memory_space<vmem>>, vector<1x16xf32>,
    %get3A_1937 = vector.shape_cast %get3A_1936 : vector<1x16xf32> to vector<16xf32>
    %get3A_1938 = arith.constant 4 : i32
    %get3A_1939 = arith.index_cast %get3A_1938 : i32 to index
    %get3A_1940 = arith.constant 48 : index
    %get3A_1941 = tpu.vector_load %arg4[%get3A_1939, %get3A_1940] {strides = array<i32>} : memref<8x64xf32, #tpu.memory_space<vmem>>, vector<1x16xf32>,
    %get3A_1942 = vector.shape_cast %get3A_1941 : vector<1x16xf32> to vector<16xf32>
    %get3A_1943 = arith.constant 5 : i32
    %get3A_1944 = arith.index_cast %get3A_1943 : i32 to index
    %get3A_1945 = arith.constant 48 : index
    %get3A_1946 = tpu.vector_load %arg4[%get3A_1944, %get3A_1945] {strides = array<i32>} : memref<8x64xf32, #tpu.memory_space<vmem>>, vector<1x16xf32>,
    %get3A_1947 = vector.shape_cast %get3A_1946 : vector<1x16xf32> to vector<16xf32>
    %get3A_1948 = arith.constant 6 : i32
    %get3A_1949 = arith.index_cast %get3A_1948 : i32 to index
    %get3A_1950 = arith.constant 48 : index
    %get3A_1951 = tpu.vector_load %arg4[%get3A_1949, %get3A_1950] {strides = array<i32>} : memref<8x64xf32, #tpu.memory_space<vmem>>, vector<1x16xf32>,
    %get3A_1952 = vector.shape_cast %get3A_1951 : vector<1x16xf32> to vector<16xf32>
    %get3A_1953 = arith.constant 7 : i32
    %get3A_1954 = arith.index_cast %get3A_1953 : i32 to index
    %get3A_1955 = arith.constant 48 : index
    %get3A_1956 = tpu.vector_load %arg4[%get3A_1954, %get3A_1955] {strides = array<i32>} : memref<8x64xf32, #tpu.memory_space<vmem>>, vector<1x16xf32>,
    %get3A_1957 = vector.shape_cast %get3A_1956 : vector<1x16xf32> to vector<16xf32>
    %max3A_1958 = arith.maximumf %get3A_1922, %get3A_1927 : vector<16xf32>
    %max3A_1959 = arith.maximumf %max3A_1958, %get3A_1932 : vector<16xf32>
    %max3A_1960 = arith.maximumf %max3A_1959, %get3A_1937 : vector<16xf32>
    %max3A_1961 = arith.maximumf %max3A_1960, %get3A_1942 : vector<16xf32>
    %max3A_1962 = arith.maximumf %max3A_1961, %get3A_1947 : vector<16xf32>
    %max3A_1963 = arith.maximumf %max3A_1962, %get3A_1952 : vector<16xf32>
    %max3A_1964 = arith.maximumf %max3A_1963, %get3A_1957 : vector<16xf32>
    %sub3A_1965 = arith.subf %get3A_1922, %max3A_1964 : vector<16xf32>
    %exp3A_1966 = math.exp %sub3A_1965 : vector<16xf32>
    %sub3A_1967 = arith.subf %get3A_1927, %max3A_1964 : vector<16xf32>
    %exp3A_1968 = math.exp %sub3A_1967 : vector<16xf32>
    %sub3A_1969 = arith.subf %get3A_1932, %max3A_1964 : vector<16xf32>
    %exp3A_1970 = math.exp %sub3A_1969 : vector<16xf32>
    %sub3A_1971 = arith.subf %get3A_1937, %max3A_1964 : vector<16xf32>
    %exp3A_1972 = math.exp %sub3A_1971 : vector<16xf32>
    %sub3A_1973 = arith.subf %get3A_1942, %max3A_1964 : vector<16xf32>
    %exp3A_1974 = math.exp %sub3A_1973 : vector<16xf32>
    %sub3A_1975 = arith.subf %get3A_1947, %max3A_1964 : vector<16xf32>
    %exp3A_1976 = math.exp %sub3A_1975 : vector<16xf32>
    %sub3A_1977 = arith.subf %get3A_1952, %max3A_1964 : vector<16xf32>
    %exp3A_1978 = math.exp %sub3A_1977 : vector<16xf32>
    %sub3A_1979 = arith.subf %get3A_1957, %max3A_1964 : vector<16xf32>
    %exp3A_1980 = math.exp %sub3A_1979 : vector<16xf32>
    %add3A_1981 = arith.addf %exp3A_1966, %exp3A_1968 : vector<16xf32>
    %add3A_1982 = arith.addf %add3A_1981, %exp3A_1970 : vector<16xf32>
    %add3A_1983 = arith.addf %add3A_1982, %exp3A_1972 : vector<16xf32>
    %add3A_1984 = arith.addf %add3A_1983, %exp3A_1974 : vector<16xf32>
    %add3A_1985 = arith.addf %add3A_1984, %exp3A_1976 : vector<16xf32>
    %add3A_1986 = arith.addf %add3A_1985, %exp3A_1978 : vector<16xf32>
    %add3A_1987 = arith.addf %add3A_1986, %exp3A_1980 : vector<16xf32>
    %div3A_1988 = arith.divf %exp3A_1966, %add3A_1987 : vector<16xf32>
    %div3A_1989 = arith.divf %exp3A_1968, %add3A_1987 : vector<16xf32>
    %div3A_1990 = arith.divf %exp3A_1970, %add3A_1987 : vector<16xf32>
    %div3A_1991 = arith.divf %exp3A_1972, %add3A_1987 : vector<16xf32>
    %div3A_1992 = arith.divf %exp3A_1974, %add3A_1987 : vector<16xf32>
    %div3A_1993 = arith.divf %exp3A_1976, %add3A_1987 : vector<16xf32>
    %div3A_1994 = arith.divf %exp3A_1978, %add3A_1987 : vector<16xf32>
    %div3A_1995 = arith.divf %exp3A_1980, %add3A_1987 : vector<16xf32>
    %gt3A_1996 = arith.cmpf ogt, %div3A_1989, %div3A_1988 : vector<16xf32>
    %jit3A_1997 = arith.constant 1.000000e+00 : f32
    %jit3A_1998 = arith.constant 0.000000e+00 : f32
    %broadcast_in_dim3A_1999 = vector.broadcast %jit3A_1997 : f32 to vector<16xf32>
    %broadcast_in_dim3A_2000 = vector.broadcast %jit3A_1998 : f32 to vector<16xf32>
    %select_n3A_2001 = arith.select %gt3A_1996, %broadcast_in_dim3A_1999, %broadcast_in_dim3A_2000 : vector<16xi1>, vector<16xf32>
    %gt3A_2002 = arith.cmpf ogt, %div3A_1990, %div3A_1988 : vector<16xf32>
    %jit3A_2003 = arith.constant 1.000000e+00 : f32
    %jit3A_2004 = arith.constant 0.000000e+00 : f32
    %broadcast_in_dim3A_2005 = vector.broadcast %jit3A_2003 : f32 to vector<16xf32>
    %broadcast_in_dim3A_2006 = vector.broadcast %jit3A_2004 : f32 to vector<16xf32>
    %select_n3A_2007 = arith.select %gt3A_2002, %broadcast_in_dim3A_2005, %broadcast_in_dim3A_2006 : vector<16xi1>, vector<16xf32>
    %add3A_2008 = arith.addf %select_n3A_2001, %select_n3A_2007 : vector<16xf32>
    %gt3A_2009 = arith.cmpf ogt, %div3A_1991, %div3A_1988 : vector<16xf32>
    %jit3A_2010 = arith.constant 1.000000e+00 : f32
    %jit3A_2011 = arith.constant 0.000000e+00 : f32
    %broadcast_in_dim3A_2012 = vector.broadcast %jit3A_2010 : f32 to vector<16xf32>
    %broadcast_in_dim3A_2013 = vector.broadcast %jit3A_2011 : f32 to vector<16xf32>
    %select_n3A_2014 = arith.select %gt3A_2009, %broadcast_in_dim3A_2012, %broadcast_in_dim3A_2013 : vector<16xi1>, vector<16xf32>
    %add3A_2015 = arith.addf %add3A_2008, %select_n3A_2014 : vector<16xf32>
    %gt3A_2016 = arith.cmpf ogt, %div3A_1992, %div3A_1988 : vector<16xf32>
    %jit3A_2017 = arith.constant 1.000000e+00 : f32
    %jit3A_2018 = arith.constant 0.000000e+00 : f32
    %broadcast_in_dim3A_2019 = vector.broadcast %jit3A_2017 : f32 to vector<16xf32>
    %broadcast_in_dim3A_2020 = vector.broadcast %jit3A_2018 : f32 to vector<16xf32>
    %select_n3A_2021 = arith.select %gt3A_2016, %broadcast_in_dim3A_2019, %broadcast_in_dim3A_2020 : vector<16xi1>, vector<16xf32>
    %add3A_2022 = arith.addf %add3A_2015, %select_n3A_2021 : vector<16xf32>
    %gt3A_2023 = arith.cmpf ogt, %div3A_1993, %div3A_1988 : vector<16xf32>
    %jit3A_2024 = arith.constant 1.000000e+00 : f32
    %jit3A_2025 = arith.constant 0.000000e+00 : f32
    %broadcast_in_dim3A_2026 = vector.broadcast %jit3A_2024 : f32 to vector<16xf32>
    %broadcast_in_dim3A_2027 = vector.broadcast %jit3A_2025 : f32 to vector<16xf32>
    %select_n3A_2028 = arith.select %gt3A_2023, %broadcast_in_dim3A_2026, %broadcast_in_dim3A_2027 : vector<16xi1>, vector<16xf32>
    %add3A_2029 = arith.addf %add3A_2022, %select_n3A_2028 : vector<16xf32>
    %gt3A_2030 = arith.cmpf ogt, %div3A_1994, %div3A_1988 : vector<16xf32>
    %jit3A_2031 = arith.constant 1.000000e+00 : f32
    %jit3A_2032 = arith.constant 0.000000e+00 : f32
    %broadcast_in_dim3A_2033 = vector.broadcast %jit3A_2031 : f32 to vector<16xf32>
    %broadcast_in_dim3A_2034 = vector.broadcast %jit3A_2032 : f32 to vector<16xf32>
    %select_n3A_2035 = arith.select %gt3A_2030, %broadcast_in_dim3A_2033, %broadcast_in_dim3A_2034 : vector<16xi1>, vector<16xf32>
    %add3A_2036 = arith.addf %add3A_2029, %select_n3A_2035 : vector<16xf32>
    %gt3A_2037 = arith.cmpf ogt, %div3A_1995, %div3A_1988 : vector<16xf32>
    %jit3A_2038 = arith.constant 1.000000e+00 : f32
    %jit3A_2039 = arith.constant 0.000000e+00 : f32
    %broadcast_in_dim3A_2040 = vector.broadcast %jit3A_2038 : f32 to vector<16xf32>
    %broadcast_in_dim3A_2041 = vector.broadcast %jit3A_2039 : f32 to vector<16xf32>
    %select_n3A_2042 = arith.select %gt3A_2037, %broadcast_in_dim3A_2040, %broadcast_in_dim3A_2041 : vector<16xi1>, vector<16xf32>
    %add3A_2043 = arith.addf %add3A_2036, %select_n3A_2042 : vector<16xf32>
    %lt3A_2044 = arith.constant 5.000000e+00 : f32
    %lt3A_2045 = vector.broadcast %lt3A_2044 : f32 to vector<16xf32>
    %lt3A_2046 = arith.cmpf olt, %add3A_2043, %lt3A_2045 : vector<16xf32>
    %jit3A_2047 = arith.constant 0.000000e+00 : f32
    %broadcast_in_dim3A_2048 = vector.broadcast %jit3A_2047 : f32 to vector<16xf32>
    %select_n3A_2049 = arith.select %lt3A_2046, %div3A_1988, %broadcast_in_dim3A_2048 : vector<16xi1>, vector<16xf32>
    %ge3A_2050 = arith.cmpf oge, %div3A_1988, %div3A_1989 : vector<16xf32>
    %jit3A_2051 = arith.constant 1.000000e+00 : f32
    %jit3A_2052 = arith.constant 0.000000e+00 : f32
    %broadcast_in_dim3A_2053 = vector.broadcast %jit3A_2051 : f32 to vector<16xf32>
    %broadcast_in_dim3A_2054 = vector.broadcast %jit3A_2052 : f32 to vector<16xf32>
    %select_n3A_2055 = arith.select %ge3A_2050, %broadcast_in_dim3A_2053, %broadcast_in_dim3A_2054 : vector<16xi1>, vector<16xf32>
    %gt3A_2056 = arith.cmpf ogt, %div3A_1990, %div3A_1989 : vector<16xf32>
    %jit3A_2057 = arith.constant 1.000000e+00 : f32
    %jit3A_2058 = arith.constant 0.000000e+00 : f32
    %broadcast_in_dim3A_2059 = vector.broadcast %jit3A_2057 : f32 to vector<16xf32>
    %broadcast_in_dim3A_2060 = vector.broadcast %jit3A_2058 : f32 to vector<16xf32>
    %select_n3A_2061 = arith.select %gt3A_2056, %broadcast_in_dim3A_2059, %broadcast_in_dim3A_2060 : vector<16xi1>, vector<16xf32>
    %add3A_2062 = arith.addf %select_n3A_2055, %select_n3A_2061 : vector<16xf32>
    %gt3A_2063 = arith.cmpf ogt, %div3A_1991, %div3A_1989 : vector<16xf32>
    %jit3A_2064 = arith.constant 1.000000e+00 : f32
    %jit3A_2065 = arith.constant 0.000000e+00 : f32
    %broadcast_in_dim3A_2066 = vector.broadcast %jit3A_2064 : f32 to vector<16xf32>
    %broadcast_in_dim3A_2067 = vector.broadcast %jit3A_2065 : f32 to vector<16xf32>
    %select_n3A_2068 = arith.select %gt3A_2063, %broadcast_in_dim3A_2066, %broadcast_in_dim3A_2067 : vector<16xi1>, vector<16xf32>
    %add3A_2069 = arith.addf %add3A_2062, %select_n3A_2068 : vector<16xf32>
    %gt3A_2070 = arith.cmpf ogt, %div3A_1992, %div3A_1989 : vector<16xf32>
    %jit3A_2071 = arith.constant 1.000000e+00 : f32
    %jit3A_2072 = arith.constant 0.000000e+00 : f32
    %broadcast_in_dim3A_2073 = vector.broadcast %jit3A_2071 : f32 to vector<16xf32>
    %broadcast_in_dim3A_2074 = vector.broadcast %jit3A_2072 : f32 to vector<16xf32>
    %select_n3A_2075 = arith.select %gt3A_2070, %broadcast_in_dim3A_2073, %broadcast_in_dim3A_2074 : vector<16xi1>, vector<16xf32>
    %add3A_2076 = arith.addf %add3A_2069, %select_n3A_2075 : vector<16xf32>
    %gt3A_2077 = arith.cmpf ogt, %div3A_1993, %div3A_1989 : vector<16xf32>
    %jit3A_2078 = arith.constant 1.000000e+00 : f32
    %jit3A_2079 = arith.constant 0.000000e+00 : f32
    %broadcast_in_dim3A_2080 = vector.broadcast %jit3A_2078 : f32 to vector<16xf32>
    %broadcast_in_dim3A_2081 = vector.broadcast %jit3A_2079 : f32 to vector<16xf32>
    %select_n3A_2082 = arith.select %gt3A_2077, %broadcast_in_dim3A_2080, %broadcast_in_dim3A_2081 : vector<16xi1>, vector<16xf32>
    %add3A_2083 = arith.addf %add3A_2076, %select_n3A_2082 : vector<16xf32>
    %gt3A_2084 = arith.cmpf ogt, %div3A_1994, %div3A_1989 : vector<16xf32>
    %jit3A_2085 = arith.constant 1.000000e+00 : f32
    %jit3A_2086 = arith.constant 0.000000e+00 : f32
    %broadcast_in_dim3A_2087 = vector.broadcast %jit3A_2085 : f32 to vector<16xf32>
    %broadcast_in_dim3A_2088 = vector.broadcast %jit3A_2086 : f32 to vector<16xf32>
    %select_n3A_2089 = arith.select %gt3A_2084, %broadcast_in_dim3A_2087, %broadcast_in_dim3A_2088 : vector<16xi1>, vector<16xf32>
    %add3A_2090 = arith.addf %add3A_2083, %select_n3A_2089 : vector<16xf32>
    %gt3A_2091 = arith.cmpf ogt, %div3A_1995, %div3A_1989 : vector<16xf32>
    %jit3A_2092 = arith.constant 1.000000e+00 : f32
    %jit3A_2093 = arith.constant 0.000000e+00 : f32
    %broadcast_in_dim3A_2094 = vector.broadcast %jit3A_2092 : f32 to vector<16xf32>
    %broadcast_in_dim3A_2095 = vector.broadcast %jit3A_2093 : f32 to vector<16xf32>
    %select_n3A_2096 = arith.select %gt3A_2091, %broadcast_in_dim3A_2094, %broadcast_in_dim3A_2095 : vector<16xi1>, vector<16xf32>
    %add3A_2097 = arith.addf %add3A_2090, %select_n3A_2096 : vector<16xf32>
    %lt3A_2098 = arith.constant 5.000000e+00 : f32
    %lt3A_2099 = vector.broadcast %lt3A_2098 : f32 to vector<16xf32>
    %lt3A_2100 = arith.cmpf olt, %add3A_2097, %lt3A_2099 : vector<16xf32>
    %jit3A_2101 = arith.constant 0.000000e+00 : f32
    %broadcast_in_dim3A_2102 = vector.broadcast %jit3A_2101 : f32 to vector<16xf32>
    %select_n3A_2103 = arith.select %lt3A_2100, %div3A_1989, %broadcast_in_dim3A_2102 : vector<16xi1>, vector<16xf32>
    %add3A_2104 = arith.addf %select_n3A_2049, %select_n3A_2103 : vector<16xf32>
    %ge3A_2105 = arith.cmpf oge, %div3A_1988, %div3A_1990 : vector<16xf32>
    %jit3A_2106 = arith.constant 1.000000e+00 : f32
    %jit3A_2107 = arith.constant 0.000000e+00 : f32
    %broadcast_in_dim3A_2108 = vector.broadcast %jit3A_2106 : f32 to vector<16xf32>
    %broadcast_in_dim3A_2109 = vector.broadcast %jit3A_2107 : f32 to vector<16xf32>
    %select_n3A_2110 = arith.select %ge3A_2105, %broadcast_in_dim3A_2108, %broadcast_in_dim3A_2109 : vector<16xi1>, vector<16xf32>
    %ge3A_2111 = arith.cmpf oge, %div3A_1989, %div3A_1990 : vector<16xf32>
    %jit3A_2112 = arith.constant 1.000000e+00 : f32
    %jit3A_2113 = arith.constant 0.000000e+00 : f32
    %broadcast_in_dim3A_2114 = vector.broadcast %jit3A_2112 : f32 to vector<16xf32>
    %broadcast_in_dim3A_2115 = vector.broadcast %jit3A_2113 : f32 to vector<16xf32>
    %select_n3A_2116 = arith.select %ge3A_2111, %broadcast_in_dim3A_2114, %broadcast_in_dim3A_2115 : vector<16xi1>, vector<16xf32>
    %add3A_2117 = arith.addf %select_n3A_2110, %select_n3A_2116 : vector<16xf32>
    %gt3A_2118 = arith.cmpf ogt, %div3A_1991, %div3A_1990 : vector<16xf32>
    %jit3A_2119 = arith.constant 1.000000e+00 : f32
    %jit3A_2120 = arith.constant 0.000000e+00 : f32
    %broadcast_in_dim3A_2121 = vector.broadcast %jit3A_2119 : f32 to vector<16xf32>
    %broadcast_in_dim3A_2122 = vector.broadcast %jit3A_2120 : f32 to vector<16xf32>
    %select_n3A_2123 = arith.select %gt3A_2118, %broadcast_in_dim3A_2121, %broadcast_in_dim3A_2122 : vector<16xi1>, vector<16xf32>
    %add3A_2124 = arith.addf %add3A_2117, %select_n3A_2123 : vector<16xf32>
    %gt3A_2125 = arith.cmpf ogt, %div3A_1992, %div3A_1990 : vector<16xf32>
    %jit3A_2126 = arith.constant 1.000000e+00 : f32
    %jit3A_2127 = arith.constant 0.000000e+00 : f32
    %broadcast_in_dim3A_2128 = vector.broadcast %jit3A_2126 : f32 to vector<16xf32>
    %broadcast_in_dim3A_2129 = vector.broadcast %jit3A_2127 : f32 to vector<16xf32>
    %select_n3A_2130 = arith.select %gt3A_2125, %broadcast_in_dim3A_2128, %broadcast_in_dim3A_2129 : vector<16xi1>, vector<16xf32>
    %add3A_2131 = arith.addf %add3A_2124, %select_n3A_2130 : vector<16xf32>
    %gt3A_2132 = arith.cmpf ogt, %div3A_1993, %div3A_1990 : vector<16xf32>
    %jit3A_2133 = arith.constant 1.000000e+00 : f32
    %jit3A_2134 = arith.constant 0.000000e+00 : f32
    %broadcast_in_dim3A_2135 = vector.broadcast %jit3A_2133 : f32 to vector<16xf32>
    %broadcast_in_dim3A_2136 = vector.broadcast %jit3A_2134 : f32 to vector<16xf32>
    %select_n3A_2137 = arith.select %gt3A_2132, %broadcast_in_dim3A_2135, %broadcast_in_dim3A_2136 : vector<16xi1>, vector<16xf32>
    %add3A_2138 = arith.addf %add3A_2131, %select_n3A_2137 : vector<16xf32>
    %gt3A_2139 = arith.cmpf ogt, %div3A_1994, %div3A_1990 : vector<16xf32>
    %jit3A_2140 = arith.constant 1.000000e+00 : f32
    %jit3A_2141 = arith.constant 0.000000e+00 : f32
    %broadcast_in_dim3A_2142 = vector.broadcast %jit3A_2140 : f32 to vector<16xf32>
    %broadcast_in_dim3A_2143 = vector.broadcast %jit3A_2141 : f32 to vector<16xf32>
    %select_n3A_2144 = arith.select %gt3A_2139, %broadcast_in_dim3A_2142, %broadcast_in_dim3A_2143 : vector<16xi1>, vector<16xf32>
    %add3A_2145 = arith.addf %add3A_2138, %select_n3A_2144 : vector<16xf32>
    %gt3A_2146 = arith.cmpf ogt, %div3A_1995, %div3A_1990 : vector<16xf32>
    %jit3A_2147 = arith.constant 1.000000e+00 : f32
    %jit3A_2148 = arith.constant 0.000000e+00 : f32
    %broadcast_in_dim3A_2149 = vector.broadcast %jit3A_2147 : f32 to vector<16xf32>
    %broadcast_in_dim3A_2150 = vector.broadcast %jit3A_2148 : f32 to vector<16xf32>
    %select_n3A_2151 = arith.select %gt3A_2146, %broadcast_in_dim3A_2149, %broadcast_in_dim3A_2150 : vector<16xi1>, vector<16xf32>
    %add3A_2152 = arith.addf %add3A_2145, %select_n3A_2151 : vector<16xf32>
    %lt3A_2153 = arith.constant 5.000000e+00 : f32
    %lt3A_2154 = vector.broadcast %lt3A_2153 : f32 to vector<16xf32>
    %lt3A_2155 = arith.cmpf olt, %add3A_2152, %lt3A_2154 : vector<16xf32>
    %jit3A_2156 = arith.constant 0.000000e+00 : f32
    %broadcast_in_dim3A_2157 = vector.broadcast %jit3A_2156 : f32 to vector<16xf32>
    %select_n3A_2158 = arith.select %lt3A_2155, %div3A_1990, %broadcast_in_dim3A_2157 : vector<16xi1>, vector<16xf32>
    %add3A_2159 = arith.addf %add3A_2104, %select_n3A_2158 : vector<16xf32>
    %ge3A_2160 = arith.cmpf oge, %div3A_1988, %div3A_1991 : vector<16xf32>
    %jit3A_2161 = arith.constant 1.000000e+00 : f32
    %jit3A_2162 = arith.constant 0.000000e+00 : f32
    %broadcast_in_dim3A_2163 = vector.broadcast %jit3A_2161 : f32 to vector<16xf32>
    %broadcast_in_dim3A_2164 = vector.broadcast %jit3A_2162 : f32 to vector<16xf32>
    %select_n3A_2165 = arith.select %ge3A_2160, %broadcast_in_dim3A_2163, %broadcast_in_dim3A_2164 : vector<16xi1>, vector<16xf32>
    %ge3A_2166 = arith.cmpf oge, %div3A_1989, %div3A_1991 : vector<16xf32>
    %jit3A_2167 = arith.constant 1.000000e+00 : f32
    %jit3A_2168 = arith.constant 0.000000e+00 : f32
    %broadcast_in_dim3A_2169 = vector.broadcast %jit3A_2167 : f32 to vector<16xf32>
    %broadcast_in_dim3A_2170 = vector.broadcast %jit3A_2168 : f32 to vector<16xf32>
    %select_n3A_2171 = arith.select %ge3A_2166, %broadcast_in_dim3A_2169, %broadcast_in_dim3A_2170 : vector<16xi1>, vector<16xf32>
    %add3A_2172 = arith.addf %select_n3A_2165, %select_n3A_2171 : vector<16xf32>
    %ge3A_2173 = arith.cmpf oge, %div3A_1990, %div3A_1991 : vector<16xf32>
    %jit3A_2174 = arith.constant 1.000000e+00 : f32
    %jit3A_2175 = arith.constant 0.000000e+00 : f32
    %broadcast_in_dim3A_2176 = vector.broadcast %jit3A_2174 : f32 to vector<16xf32>
    %broadcast_in_dim3A_2177 = vector.broadcast %jit3A_2175 : f32 to vector<16xf32>
    %select_n3A_2178 = arith.select %ge3A_2173, %broadcast_in_dim3A_2176, %broadcast_in_dim3A_2177 : vector<16xi1>, vector<16xf32>
    %add3A_2179 = arith.addf %add3A_2172, %select_n3A_2178 : vector<16xf32>
    %gt3A_2180 = arith.cmpf ogt, %div3A_1992, %div3A_1991 : vector<16xf32>
    %jit3A_2181 = arith.constant 1.000000e+00 : f32
    %jit3A_2182 = arith.constant 0.000000e+00 : f32
    %broadcast_in_dim3A_2183 = vector.broadcast %jit3A_2181 : f32 to vector<16xf32>
    %broadcast_in_dim3A_2184 = vector.broadcast %jit3A_2182 : f32 to vector<16xf32>
    %select_n3A_2185 = arith.select %gt3A_2180, %broadcast_in_dim3A_2183, %broadcast_in_dim3A_2184 : vector<16xi1>, vector<16xf32>
    %add3A_2186 = arith.addf %add3A_2179, %select_n3A_2185 : vector<16xf32>
    %gt3A_2187 = arith.cmpf ogt, %div3A_1993, %div3A_1991 : vector<16xf32>
    %jit3A_2188 = arith.constant 1.000000e+00 : f32
    %jit3A_2189 = arith.constant 0.000000e+00 : f32
    %broadcast_in_dim3A_2190 = vector.broadcast %jit3A_2188 : f32 to vector<16xf32>
    %broadcast_in_dim3A_2191 = vector.broadcast %jit3A_2189 : f32 to vector<16xf32>
    %select_n3A_2192 = arith.select %gt3A_2187, %broadcast_in_dim3A_2190, %broadcast_in_dim3A_2191 : vector<16xi1>, vector<16xf32>
    %add3A_2193 = arith.addf %add3A_2186, %select_n3A_2192 : vector<16xf32>
    %gt3A_2194 = arith.cmpf ogt, %div3A_1994, %div3A_1991 : vector<16xf32>
    %jit3A_2195 = arith.constant 1.000000e+00 : f32
    %jit3A_2196 = arith.constant 0.000000e+00 : f32
    %broadcast_in_dim3A_2197 = vector.broadcast %jit3A_2195 : f32 to vector<16xf32>
    %broadcast_in_dim3A_2198 = vector.broadcast %jit3A_2196 : f32 to vector<16xf32>
    %select_n3A_2199 = arith.select %gt3A_2194, %broadcast_in_dim3A_2197, %broadcast_in_dim3A_2198 : vector<16xi1>, vector<16xf32>
    %add3A_2200 = arith.addf %add3A_2193, %select_n3A_2199 : vector<16xf32>
    %gt3A_2201 = arith.cmpf ogt, %div3A_1995, %div3A_1991 : vector<16xf32>
    %jit3A_2202 = arith.constant 1.000000e+00 : f32
    %jit3A_2203 = arith.constant 0.000000e+00 : f32
    %broadcast_in_dim3A_2204 = vector.broadcast %jit3A_2202 : f32 to vector<16xf32>
    %broadcast_in_dim3A_2205 = vector.broadcast %jit3A_2203 : f32 to vector<16xf32>
    %select_n3A_2206 = arith.select %gt3A_2201, %broadcast_in_dim3A_2204, %broadcast_in_dim3A_2205 : vector<16xi1>, vector<16xf32>
    %add3A_2207 = arith.addf %add3A_2200, %select_n3A_2206 : vector<16xf32>
    %lt3A_2208 = arith.constant 5.000000e+00 : f32
    %lt3A_2209 = vector.broadcast %lt3A_2208 : f32 to vector<16xf32>
    %lt3A_2210 = arith.cmpf olt, %add3A_2207, %lt3A_2209 : vector<16xf32>
    %jit3A_2211 = arith.constant 0.000000e+00 : f32
    %broadcast_in_dim3A_2212 = vector.broadcast %jit3A_2211 : f32 to vector<16xf32>
    %select_n3A_2213 = arith.select %lt3A_2210, %div3A_1991, %broadcast_in_dim3A_2212 : vector<16xi1>, vector<16xf32>
    %add3A_2214 = arith.addf %add3A_2159, %select_n3A_2213 : vector<16xf32>
    %ge3A_2215 = arith.cmpf oge, %div3A_1988, %div3A_1992 : vector<16xf32>
    %jit3A_2216 = arith.constant 1.000000e+00 : f32
    %jit3A_2217 = arith.constant 0.000000e+00 : f32
    %broadcast_in_dim3A_2218 = vector.broadcast %jit3A_2216 : f32 to vector<16xf32>
    %broadcast_in_dim3A_2219 = vector.broadcast %jit3A_2217 : f32 to vector<16xf32>
    %select_n3A_2220 = arith.select %ge3A_2215, %broadcast_in_dim3A_2218, %broadcast_in_dim3A_2219 : vector<16xi1>, vector<16xf32>
    %ge3A_2221 = arith.cmpf oge, %div3A_1989, %div3A_1992 : vector<16xf32>
    %jit3A_2222 = arith.constant 1.000000e+00 : f32
    %jit3A_2223 = arith.constant 0.000000e+00 : f32
    %broadcast_in_dim3A_2224 = vector.broadcast %jit3A_2222 : f32 to vector<16xf32>
    %broadcast_in_dim3A_2225 = vector.broadcast %jit3A_2223 : f32 to vector<16xf32>
    %select_n3A_2226 = arith.select %ge3A_2221, %broadcast_in_dim3A_2224, %broadcast_in_dim3A_2225 : vector<16xi1>, vector<16xf32>
    %add3A_2227 = arith.addf %select_n3A_2220, %select_n3A_2226 : vector<16xf32>
    %ge3A_2228 = arith.cmpf oge, %div3A_1990, %div3A_1992 : vector<16xf32>
    %jit3A_2229 = arith.constant 1.000000e+00 : f32
    %jit3A_2230 = arith.constant 0.000000e+00 : f32
    %broadcast_in_dim3A_2231 = vector.broadcast %jit3A_2229 : f32 to vector<16xf32>
    %broadcast_in_dim3A_2232 = vector.broadcast %jit3A_2230 : f32 to vector<16xf32>
    %select_n3A_2233 = arith.select %ge3A_2228, %broadcast_in_dim3A_2231, %broadcast_in_dim3A_2232 : vector<16xi1>, vector<16xf32>
    %add3A_2234 = arith.addf %add3A_2227, %select_n3A_2233 : vector<16xf32>
    %ge3A_2235 = arith.cmpf oge, %div3A_1991, %div3A_1992 : vector<16xf32>
    %jit3A_2236 = arith.constant 1.000000e+00 : f32
    %jit3A_2237 = arith.constant 0.000000e+00 : f32
    %broadcast_in_dim3A_2238 = vector.broadcast %jit3A_2236 : f32 to vector<16xf32>
    %broadcast_in_dim3A_2239 = vector.broadcast %jit3A_2237 : f32 to vector<16xf32>
    %select_n3A_2240 = arith.select %ge3A_2235, %broadcast_in_dim3A_2238, %broadcast_in_dim3A_2239 : vector<16xi1>, vector<16xf32>
    %add3A_2241 = arith.addf %add3A_2234, %select_n3A_2240 : vector<16xf32>
    %gt3A_2242 = arith.cmpf ogt, %div3A_1993, %div3A_1992 : vector<16xf32>
    %jit3A_2243 = arith.constant 1.000000e+00 : f32
    %jit3A_2244 = arith.constant 0.000000e+00 : f32
    %broadcast_in_dim3A_2245 = vector.broadcast %jit3A_2243 : f32 to vector<16xf32>
    %broadcast_in_dim3A_2246 = vector.broadcast %jit3A_2244 : f32 to vector<16xf32>
    %select_n3A_2247 = arith.select %gt3A_2242, %broadcast_in_dim3A_2245, %broadcast_in_dim3A_2246 : vector<16xi1>, vector<16xf32>
    %add3A_2248 = arith.addf %add3A_2241, %select_n3A_2247 : vector<16xf32>
    %gt3A_2249 = arith.cmpf ogt, %div3A_1994, %div3A_1992 : vector<16xf32>
    %jit3A_2250 = arith.constant 1.000000e+00 : f32
    %jit3A_2251 = arith.constant 0.000000e+00 : f32
    %broadcast_in_dim3A_2252 = vector.broadcast %jit3A_2250 : f32 to vector<16xf32>
    %broadcast_in_dim3A_2253 = vector.broadcast %jit3A_2251 : f32 to vector<16xf32>
    %select_n3A_2254 = arith.select %gt3A_2249, %broadcast_in_dim3A_2252, %broadcast_in_dim3A_2253 : vector<16xi1>, vector<16xf32>
    %add3A_2255 = arith.addf %add3A_2248, %select_n3A_2254 : vector<16xf32>
    %gt3A_2256 = arith.cmpf ogt, %div3A_1995, %div3A_1992 : vector<16xf32>
    %jit3A_2257 = arith.constant 1.000000e+00 : f32
    %jit3A_2258 = arith.constant 0.000000e+00 : f32
    %broadcast_in_dim3A_2259 = vector.broadcast %jit3A_2257 : f32 to vector<16xf32>
    %broadcast_in_dim3A_2260 = vector.broadcast %jit3A_2258 : f32 to vector<16xf32>
    %select_n3A_2261 = arith.select %gt3A_2256, %broadcast_in_dim3A_2259, %broadcast_in_dim3A_2260 : vector<16xi1>, vector<16xf32>
    %add3A_2262 = arith.addf %add3A_2255, %select_n3A_2261 : vector<16xf32>
    %lt3A_2263 = arith.constant 5.000000e+00 : f32
    %lt3A_2264 = vector.broadcast %lt3A_2263 : f32 to vector<16xf32>
    %lt3A_2265 = arith.cmpf olt, %add3A_2262, %lt3A_2264 : vector<16xf32>
    %jit3A_2266 = arith.constant 0.000000e+00 : f32
    %broadcast_in_dim3A_2267 = vector.broadcast %jit3A_2266 : f32 to vector<16xf32>
    %select_n3A_2268 = arith.select %lt3A_2265, %div3A_1992, %broadcast_in_dim3A_2267 : vector<16xi1>, vector<16xf32>
    %add3A_2269 = arith.addf %add3A_2214, %select_n3A_2268 : vector<16xf32>
    %ge3A_2270 = arith.cmpf oge, %div3A_1988, %div3A_1993 : vector<16xf32>
    %jit3A_2271 = arith.constant 1.000000e+00 : f32
    %jit3A_2272 = arith.constant 0.000000e+00 : f32
    %broadcast_in_dim3A_2273 = vector.broadcast %jit3A_2271 : f32 to vector<16xf32>
    %broadcast_in_dim3A_2274 = vector.broadcast %jit3A_2272 : f32 to vector<16xf32>
    %select_n3A_2275 = arith.select %ge3A_2270, %broadcast_in_dim3A_2273, %broadcast_in_dim3A_2274 : vector<16xi1>, vector<16xf32>
    %ge3A_2276 = arith.cmpf oge, %div3A_1989, %div3A_1993 : vector<16xf32>
    %jit3A_2277 = arith.constant 1.000000e+00 : f32
    %jit3A_2278 = arith.constant 0.000000e+00 : f32
    %broadcast_in_dim3A_2279 = vector.broadcast %jit3A_2277 : f32 to vector<16xf32>
    %broadcast_in_dim3A_2280 = vector.broadcast %jit3A_2278 : f32 to vector<16xf32>
    %select_n3A_2281 = arith.select %ge3A_2276, %broadcast_in_dim3A_2279, %broadcast_in_dim3A_2280 : vector<16xi1>, vector<16xf32>
    %add3A_2282 = arith.addf %select_n3A_2275, %select_n3A_2281 : vector<16xf32>
    %ge3A_2283 = arith.cmpf oge, %div3A_1990, %div3A_1993 : vector<16xf32>
    %jit3A_2284 = arith.constant 1.000000e+00 : f32
    %jit3A_2285 = arith.constant 0.000000e+00 : f32
    %broadcast_in_dim3A_2286 = vector.broadcast %jit3A_2284 : f32 to vector<16xf32>
    %broadcast_in_dim3A_2287 = vector.broadcast %jit3A_2285 : f32 to vector<16xf32>
    %select_n3A_2288 = arith.select %ge3A_2283, %broadcast_in_dim3A_2286, %broadcast_in_dim3A_2287 : vector<16xi1>, vector<16xf32>
    %add3A_2289 = arith.addf %add3A_2282, %select_n3A_2288 : vector<16xf32>
    %ge3A_2290 = arith.cmpf oge, %div3A_1991, %div3A_1993 : vector<16xf32>
    %jit3A_2291 = arith.constant 1.000000e+00 : f32
    %jit3A_2292 = arith.constant 0.000000e+00 : f32
    %broadcast_in_dim3A_2293 = vector.broadcast %jit3A_2291 : f32 to vector<16xf32>
    %broadcast_in_dim3A_2294 = vector.broadcast %jit3A_2292 : f32 to vector<16xf32>
    %select_n3A_2295 = arith.select %ge3A_2290, %broadcast_in_dim3A_2293, %broadcast_in_dim3A_2294 : vector<16xi1>, vector<16xf32>
    %add3A_2296 = arith.addf %add3A_2289, %select_n3A_2295 : vector<16xf32>
    %ge3A_2297 = arith.cmpf oge, %div3A_1992, %div3A_1993 : vector<16xf32>
    %jit3A_2298 = arith.constant 1.000000e+00 : f32
    %jit3A_2299 = arith.constant 0.000000e+00 : f32
    %broadcast_in_dim3A_2300 = vector.broadcast %jit3A_2298 : f32 to vector<16xf32>
    %broadcast_in_dim3A_2301 = vector.broadcast %jit3A_2299 : f32 to vector<16xf32>
    %select_n3A_2302 = arith.select %ge3A_2297, %broadcast_in_dim3A_2300, %broadcast_in_dim3A_2301 : vector<16xi1>, vector<16xf32>
    %add3A_2303 = arith.addf %add3A_2296, %select_n3A_2302 : vector<16xf32>
    %gt3A_2304 = arith.cmpf ogt, %div3A_1994, %div3A_1993 : vector<16xf32>
    %jit3A_2305 = arith.constant 1.000000e+00 : f32
    %jit3A_2306 = arith.constant 0.000000e+00 : f32
    %broadcast_in_dim3A_2307 = vector.broadcast %jit3A_2305 : f32 to vector<16xf32>
    %broadcast_in_dim3A_2308 = vector.broadcast %jit3A_2306 : f32 to vector<16xf32>
    %select_n3A_2309 = arith.select %gt3A_2304, %broadcast_in_dim3A_2307, %broadcast_in_dim3A_2308 : vector<16xi1>, vector<16xf32>
    %add3A_2310 = arith.addf %add3A_2303, %select_n3A_2309 : vector<16xf32>
    %gt3A_2311 = arith.cmpf ogt, %div3A_1995, %div3A_1993 : vector<16xf32>
    %jit3A_2312 = arith.constant 1.000000e+00 : f32
    %jit3A_2313 = arith.constant 0.000000e+00 : f32
    %broadcast_in_dim3A_2314 = vector.broadcast %jit3A_2312 : f32 to vector<16xf32>
    %broadcast_in_dim3A_2315 = vector.broadcast %jit3A_2313 : f32 to vector<16xf32>
    %select_n3A_2316 = arith.select %gt3A_2311, %broadcast_in_dim3A_2314, %broadcast_in_dim3A_2315 : vector<16xi1>, vector<16xf32>
    %add3A_2317 = arith.addf %add3A_2310, %select_n3A_2316 : vector<16xf32>
    %lt3A_2318 = arith.constant 5.000000e+00 : f32
    %lt3A_2319 = vector.broadcast %lt3A_2318 : f32 to vector<16xf32>
    %lt3A_2320 = arith.cmpf olt, %add3A_2317, %lt3A_2319 : vector<16xf32>
    %jit3A_2321 = arith.constant 0.000000e+00 : f32
    %broadcast_in_dim3A_2322 = vector.broadcast %jit3A_2321 : f32 to vector<16xf32>
    %select_n3A_2323 = arith.select %lt3A_2320, %div3A_1993, %broadcast_in_dim3A_2322 : vector<16xi1>, vector<16xf32>
    %add3A_2324 = arith.addf %add3A_2269, %select_n3A_2323 : vector<16xf32>
    %ge3A_2325 = arith.cmpf oge, %div3A_1988, %div3A_1994 : vector<16xf32>
    %jit3A_2326 = arith.constant 1.000000e+00 : f32
    %jit3A_2327 = arith.constant 0.000000e+00 : f32
    %broadcast_in_dim3A_2328 = vector.broadcast %jit3A_2326 : f32 to vector<16xf32>
    %broadcast_in_dim3A_2329 = vector.broadcast %jit3A_2327 : f32 to vector<16xf32>
    %select_n3A_2330 = arith.select %ge3A_2325, %broadcast_in_dim3A_2328, %broadcast_in_dim3A_2329 : vector<16xi1>, vector<16xf32>
    %ge3A_2331 = arith.cmpf oge, %div3A_1989, %div3A_1994 : vector<16xf32>
    %jit3A_2332 = arith.constant 1.000000e+00 : f32
    %jit3A_2333 = arith.constant 0.000000e+00 : f32
    %broadcast_in_dim3A_2334 = vector.broadcast %jit3A_2332 : f32 to vector<16xf32>
    %broadcast_in_dim3A_2335 = vector.broadcast %jit3A_2333 : f32 to vector<16xf32>
    %select_n3A_2336 = arith.select %ge3A_2331, %broadcast_in_dim3A_2334, %broadcast_in_dim3A_2335 : vector<16xi1>, vector<16xf32>
    %add3A_2337 = arith.addf %select_n3A_2330, %select_n3A_2336 : vector<16xf32>
    %ge3A_2338 = arith.cmpf oge, %div3A_1990, %div3A_1994 : vector<16xf32>
    %jit3A_2339 = arith.constant 1.000000e+00 : f32
    %jit3A_2340 = arith.constant 0.000000e+00 : f32
    %broadcast_in_dim3A_2341 = vector.broadcast %jit3A_2339 : f32 to vector<16xf32>
    %broadcast_in_dim3A_2342 = vector.broadcast %jit3A_2340 : f32 to vector<16xf32>
    %select_n3A_2343 = arith.select %ge3A_2338, %broadcast_in_dim3A_2341, %broadcast_in_dim3A_2342 : vector<16xi1>, vector<16xf32>
    %add3A_2344 = arith.addf %add3A_2337, %select_n3A_2343 : vector<16xf32>
    %ge3A_2345 = arith.cmpf oge, %div3A_1991, %div3A_1994 : vector<16xf32>
    %jit3A_2346 = arith.constant 1.000000e+00 : f32
    %jit3A_2347 = arith.constant 0.000000e+00 : f32
    %broadcast_in_dim3A_2348 = vector.broadcast %jit3A_2346 : f32 to vector<16xf32>
    %broadcast_in_dim3A_2349 = vector.broadcast %jit3A_2347 : f32 to vector<16xf32>
    %select_n3A_2350 = arith.select %ge3A_2345, %broadcast_in_dim3A_2348, %broadcast_in_dim3A_2349 : vector<16xi1>, vector<16xf32>
    %add3A_2351 = arith.addf %add3A_2344, %select_n3A_2350 : vector<16xf32>
    %ge3A_2352 = arith.cmpf oge, %div3A_1992, %div3A_1994 : vector<16xf32>
    %jit3A_2353 = arith.constant 1.000000e+00 : f32
    %jit3A_2354 = arith.constant 0.000000e+00 : f32
    %broadcast_in_dim3A_2355 = vector.broadcast %jit3A_2353 : f32 to vector<16xf32>
    %broadcast_in_dim3A_2356 = vector.broadcast %jit3A_2354 : f32 to vector<16xf32>
    %select_n3A_2357 = arith.select %ge3A_2352, %broadcast_in_dim3A_2355, %broadcast_in_dim3A_2356 : vector<16xi1>, vector<16xf32>
    %add3A_2358 = arith.addf %add3A_2351, %select_n3A_2357 : vector<16xf32>
    %ge3A_2359 = arith.cmpf oge, %div3A_1993, %div3A_1994 : vector<16xf32>
    %jit3A_2360 = arith.constant 1.000000e+00 : f32
    %jit3A_2361 = arith.constant 0.000000e+00 : f32
    %broadcast_in_dim3A_2362 = vector.broadcast %jit3A_2360 : f32 to vector<16xf32>
    %broadcast_in_dim3A_2363 = vector.broadcast %jit3A_2361 : f32 to vector<16xf32>
    %select_n3A_2364 = arith.select %ge3A_2359, %broadcast_in_dim3A_2362, %broadcast_in_dim3A_2363 : vector<16xi1>, vector<16xf32>
    %add3A_2365 = arith.addf %add3A_2358, %select_n3A_2364 : vector<16xf32>
    %gt3A_2366 = arith.cmpf ogt, %div3A_1995, %div3A_1994 : vector<16xf32>
    %jit3A_2367 = arith.constant 1.000000e+00 : f32
    %jit3A_2368 = arith.constant 0.000000e+00 : f32
    %broadcast_in_dim3A_2369 = vector.broadcast %jit3A_2367 : f32 to vector<16xf32>
    %broadcast_in_dim3A_2370 = vector.broadcast %jit3A_2368 : f32 to vector<16xf32>
    %select_n3A_2371 = arith.select %gt3A_2366, %broadcast_in_dim3A_2369, %broadcast_in_dim3A_2370 : vector<16xi1>, vector<16xf32>
    %add3A_2372 = arith.addf %add3A_2365, %select_n3A_2371 : vector<16xf32>
    %lt3A_2373 = arith.constant 5.000000e+00 : f32
    %lt3A_2374 = vector.broadcast %lt3A_2373 : f32 to vector<16xf32>
    %lt3A_2375 = arith.cmpf olt, %add3A_2372, %lt3A_2374 : vector<16xf32>
    %jit3A_2376 = arith.constant 0.000000e+00 : f32
    %broadcast_in_dim3A_2377 = vector.broadcast %jit3A_2376 : f32 to vector<16xf32>
    %select_n3A_2378 = arith.select %lt3A_2375, %div3A_1994, %broadcast_in_dim3A_2377 : vector<16xi1>, vector<16xf32>
    %add3A_2379 = arith.addf %add3A_2324, %select_n3A_2378 : vector<16xf32>
    %ge3A_2380 = arith.cmpf oge, %div3A_1988, %div3A_1995 : vector<16xf32>
    %jit3A_2381 = arith.constant 1.000000e+00 : f32
    %jit3A_2382 = arith.constant 0.000000e+00 : f32
    %broadcast_in_dim3A_2383 = vector.broadcast %jit3A_2381 : f32 to vector<16xf32>
    %broadcast_in_dim3A_2384 = vector.broadcast %jit3A_2382 : f32 to vector<16xf32>
    %select_n3A_2385 = arith.select %ge3A_2380, %broadcast_in_dim3A_2383, %broadcast_in_dim3A_2384 : vector<16xi1>, vector<16xf32>
    %ge3A_2386 = arith.cmpf oge, %div3A_1989, %div3A_1995 : vector<16xf32>
    %jit3A_2387 = arith.constant 1.000000e+00 : f32
    %jit3A_2388 = arith.constant 0.000000e+00 : f32
    %broadcast_in_dim3A_2389 = vector.broadcast %jit3A_2387 : f32 to vector<16xf32>
    %broadcast_in_dim3A_2390 = vector.broadcast %jit3A_2388 : f32 to vector<16xf32>
    %select_n3A_2391 = arith.select %ge3A_2386, %broadcast_in_dim3A_2389, %broadcast_in_dim3A_2390 : vector<16xi1>, vector<16xf32>
    %add3A_2392 = arith.addf %select_n3A_2385, %select_n3A_2391 : vector<16xf32>
    %ge3A_2393 = arith.cmpf oge, %div3A_1990, %div3A_1995 : vector<16xf32>
    %jit3A_2394 = arith.constant 1.000000e+00 : f32
    %jit3A_2395 = arith.constant 0.000000e+00 : f32
    %broadcast_in_dim3A_2396 = vector.broadcast %jit3A_2394 : f32 to vector<16xf32>
    %broadcast_in_dim3A_2397 = vector.broadcast %jit3A_2395 : f32 to vector<16xf32>
    %select_n3A_2398 = arith.select %ge3A_2393, %broadcast_in_dim3A_2396, %broadcast_in_dim3A_2397 : vector<16xi1>, vector<16xf32>
    %add3A_2399 = arith.addf %add3A_2392, %select_n3A_2398 : vector<16xf32>
    %ge3A_2400 = arith.cmpf oge, %div3A_1991, %div3A_1995 : vector<16xf32>
    %jit3A_2401 = arith.constant 1.000000e+00 : f32
    %jit3A_2402 = arith.constant 0.000000e+00 : f32
    %broadcast_in_dim3A_2403 = vector.broadcast %jit3A_2401 : f32 to vector<16xf32>
    %broadcast_in_dim3A_2404 = vector.broadcast %jit3A_2402 : f32 to vector<16xf32>
    %select_n3A_2405 = arith.select %ge3A_2400, %broadcast_in_dim3A_2403, %broadcast_in_dim3A_2404 : vector<16xi1>, vector<16xf32>
    %add3A_2406 = arith.addf %add3A_2399, %select_n3A_2405 : vector<16xf32>
    %ge3A_2407 = arith.cmpf oge, %div3A_1992, %div3A_1995 : vector<16xf32>
    %jit3A_2408 = arith.constant 1.000000e+00 : f32
    %jit3A_2409 = arith.constant 0.000000e+00 : f32
    %broadcast_in_dim3A_2410 = vector.broadcast %jit3A_2408 : f32 to vector<16xf32>
    %broadcast_in_dim3A_2411 = vector.broadcast %jit3A_2409 : f32 to vector<16xf32>
    %select_n3A_2412 = arith.select %ge3A_2407, %broadcast_in_dim3A_2410, %broadcast_in_dim3A_2411 : vector<16xi1>, vector<16xf32>
    %add3A_2413 = arith.addf %add3A_2406, %select_n3A_2412 : vector<16xf32>
    %ge3A_2414 = arith.cmpf oge, %div3A_1993, %div3A_1995 : vector<16xf32>
    %jit3A_2415 = arith.constant 1.000000e+00 : f32
    %jit3A_2416 = arith.constant 0.000000e+00 : f32
    %broadcast_in_dim3A_2417 = vector.broadcast %jit3A_2415 : f32 to vector<16xf32>
    %broadcast_in_dim3A_2418 = vector.broadcast %jit3A_2416 : f32 to vector<16xf32>
    %select_n3A_2419 = arith.select %ge3A_2414, %broadcast_in_dim3A_2417, %broadcast_in_dim3A_2418 : vector<16xi1>, vector<16xf32>
    %add3A_2420 = arith.addf %add3A_2413, %select_n3A_2419 : vector<16xf32>
    %ge3A_2421 = arith.cmpf oge, %div3A_1994, %div3A_1995 : vector<16xf32>
    %jit3A_2422 = arith.constant 1.000000e+00 : f32
    %jit3A_2423 = arith.constant 0.000000e+00 : f32
    %broadcast_in_dim3A_2424 = vector.broadcast %jit3A_2422 : f32 to vector<16xf32>
    %broadcast_in_dim3A_2425 = vector.broadcast %jit3A_2423 : f32 to vector<16xf32>
    %select_n3A_2426 = arith.select %ge3A_2421, %broadcast_in_dim3A_2424, %broadcast_in_dim3A_2425 : vector<16xi1>, vector<16xf32>
    %add3A_2427 = arith.addf %add3A_2420, %select_n3A_2426 : vector<16xf32>
    %lt3A_2428 = arith.constant 5.000000e+00 : f32
    %lt3A_2429 = vector.broadcast %lt3A_2428 : f32 to vector<16xf32>
    %lt3A_2430 = arith.cmpf olt, %add3A_2427, %lt3A_2429 : vector<16xf32>
    %jit3A_2431 = arith.constant 0.000000e+00 : f32
    %broadcast_in_dim3A_2432 = vector.broadcast %jit3A_2431 : f32 to vector<16xf32>
    %select_n3A_2433 = arith.select %lt3A_2430, %div3A_1995, %broadcast_in_dim3A_2432 : vector<16xi1>, vector<16xf32>
    %add3A_2434 = arith.addf %add3A_2379, %select_n3A_2433 : vector<16xf32>
    %add3A_2435 = arith.constant 9.99999993E-9 : f32
    %add3A_2436 = vector.broadcast %add3A_2435 : f32 to vector<16xf32>
    %add3A_2437 = arith.addf %add3A_2434, %add3A_2436 : vector<16xf32>
    %div3A_2438 = arith.constant 1.000000e+00 : f32
    %div3A_2439 = vector.broadcast %div3A_2438 : f32 to vector<16xf32>
    %div3A_2440 = arith.divf %div3A_2439, %add3A_2437 : vector<16xf32>
    %mul3A_2441 = arith.mulf %select_n3A_2049, %div3A_2440 : vector<16xf32>
    %swap3A_2442 = arith.constant 0 : i32
    %swap3A_2443 = arith.index_cast %swap3A_2442 : i32 to index
    %swap3A_2444 = arith.constant 48 : index
    %swap3A_2445 = tpu.vector_load %arg5[%swap3A_2443, %swap3A_2444] {strides = array<i32>} : memref<8x64xf32, #tpu.memory_space<vmem>>, vector<1x16xf32>,
    %swap3A_2446 = vector.shape_cast %swap3A_2445 : vector<1x16xf32> to vector<16xf32>
    %swap3A_2447 = vector.shape_cast %mul3A_2441 : vector<16xf32> to vector<1x16xf32>
    tpu.vector_store %arg5[%swap3A_2443, %swap3A_2444], %swap3A_2447 {strides = array<i32>} : memref<8x64xf32, #tpu.memory_space<vmem>>, vector<1x16xf32>,
    %mul3A_2448 = arith.mulf %select_n3A_2103, %div3A_2440 : vector<16xf32>
    %swap3A_2449 = arith.constant 1 : i32
    %swap3A_2450 = arith.index_cast %swap3A_2449 : i32 to index
    %swap3A_2451 = arith.constant 48 : index
    %swap3A_2452 = tpu.vector_load %arg5[%swap3A_2450, %swap3A_2451] {strides = array<i32>} : memref<8x64xf32, #tpu.memory_space<vmem>>, vector<1x16xf32>,
    %swap3A_2453 = vector.shape_cast %swap3A_2452 : vector<1x16xf32> to vector<16xf32>
    %swap3A_2454 = vector.shape_cast %mul3A_2448 : vector<16xf32> to vector<1x16xf32>
    tpu.vector_store %arg5[%swap3A_2450, %swap3A_2451], %swap3A_2454 {strides = array<i32>} : memref<8x64xf32, #tpu.memory_space<vmem>>, vector<1x16xf32>,
    %mul3A_2455 = arith.mulf %select_n3A_2158, %div3A_2440 : vector<16xf32>
    %swap3A_2456 = arith.constant 2 : i32
    %swap3A_2457 = arith.index_cast %swap3A_2456 : i32 to index
    %swap3A_2458 = arith.constant 48 : index
    %swap3A_2459 = tpu.vector_load %arg5[%swap3A_2457, %swap3A_2458] {strides = array<i32>} : memref<8x64xf32, #tpu.memory_space<vmem>>, vector<1x16xf32>,
    %swap3A_2460 = vector.shape_cast %swap3A_2459 : vector<1x16xf32> to vector<16xf32>
    %swap3A_2461 = vector.shape_cast %mul3A_2455 : vector<16xf32> to vector<1x16xf32>
    tpu.vector_store %arg5[%swap3A_2457, %swap3A_2458], %swap3A_2461 {strides = array<i32>} : memref<8x64xf32, #tpu.memory_space<vmem>>, vector<1x16xf32>,
    %mul3A_2462 = arith.mulf %select_n3A_2213, %div3A_2440 : vector<16xf32>
    %swap3A_2463 = arith.constant 3 : i32
    %swap3A_2464 = arith.index_cast %swap3A_2463 : i32 to index
    %swap3A_2465 = arith.constant 48 : index
    %swap3A_2466 = tpu.vector_load %arg5[%swap3A_2464, %swap3A_2465] {strides = array<i32>} : memref<8x64xf32, #tpu.memory_space<vmem>>, vector<1x16xf32>,
    %swap3A_2467 = vector.shape_cast %swap3A_2466 : vector<1x16xf32> to vector<16xf32>
    %swap3A_2468 = vector.shape_cast %mul3A_2462 : vector<16xf32> to vector<1x16xf32>
    tpu.vector_store %arg5[%swap3A_2464, %swap3A_2465], %swap3A_2468 {strides = array<i32>} : memref<8x64xf32, #tpu.memory_space<vmem>>, vector<1x16xf32>,
    %mul3A_2469 = arith.mulf %select_n3A_2268, %div3A_2440 : vector<16xf32>
    %swap3A_2470 = arith.constant 4 : i32
    %swap3A_2471 = arith.index_cast %swap3A_2470 : i32 to index
    %swap3A_2472 = arith.constant 48 : index
    %swap3A_2473 = tpu.vector_load %arg5[%swap3A_2471, %swap3A_2472] {strides = array<i32>} : memref<8x64xf32, #tpu.memory_space<vmem>>, vector<1x16xf32>,
    %swap3A_2474 = vector.shape_cast %swap3A_2473 : vector<1x16xf32> to vector<16xf32>
    %swap3A_2475 = vector.shape_cast %mul3A_2469 : vector<16xf32> to vector<1x16xf32>
    tpu.vector_store %arg5[%swap3A_2471, %swap3A_2472], %swap3A_2475 {strides = array<i32>} : memref<8x64xf32, #tpu.memory_space<vmem>>, vector<1x16xf32>,
    %mul3A_2476 = arith.mulf %select_n3A_2323, %div3A_2440 : vector<16xf32>
    %swap3A_2477 = arith.constant 5 : i32
    %swap3A_2478 = arith.index_cast %swap3A_2477 : i32 to index
    %swap3A_2479 = arith.constant 48 : index
    %swap3A_2480 = tpu.vector_load %arg5[%swap3A_2478, %swap3A_2479] {strides = array<i32>} : memref<8x64xf32, #tpu.memory_space<vmem>>, vector<1x16xf32>,
    %swap3A_2481 = vector.shape_cast %swap3A_2480 : vector<1x16xf32> to vector<16xf32>
    %swap3A_2482 = vector.shape_cast %mul3A_2476 : vector<16xf32> to vector<1x16xf32>
    tpu.vector_store %arg5[%swap3A_2478, %swap3A_2479], %swap3A_2482 {strides = array<i32>} : memref<8x64xf32, #tpu.memory_space<vmem>>, vector<1x16xf32>,
    %mul3A_2483 = arith.mulf %select_n3A_2378, %div3A_2440 : vector<16xf32>
    %swap3A_2484 = arith.constant 6 : i32
    %swap3A_2485 = arith.index_cast %swap3A_2484 : i32 to index
    %swap3A_2486 = arith.constant 48 : index
    %swap3A_2487 = tpu.vector_load %arg5[%swap3A_2485, %swap3A_2486] {strides = array<i32>} : memref<8x64xf32, #tpu.memory_space<vmem>>, vector<1x16xf32>,
    %swap3A_2488 = vector.shape_cast %swap3A_2487 : vector<1x16xf32> to vector<16xf32>
    %swap3A_2489 = vector.shape_cast %mul3A_2483 : vector<16xf32> to vector<1x16xf32>
    tpu.vector_store %arg5[%swap3A_2485, %swap3A_2486], %swap3A_2489 {strides = array<i32>} : memref<8x64xf32, #tpu.memory_space<vmem>>, vector<1x16xf32>,
    %mul3A_2490 = arith.mulf %select_n3A_2433, %div3A_2440 : vector<16xf32>
    %swap3A_2491 = arith.constant 7 : i32
    %swap3A_2492 = arith.index_cast %swap3A_2491 : i32 to index
    %swap3A_2493 = arith.constant 48 : index
    %swap3A_2494 = tpu.vector_load %arg5[%swap3A_2492, %swap3A_2493] {strides = array<i32>} : memref<8x64xf32, #tpu.memory_space<vmem>>, vector<1x16xf32>,
    %swap3A_2495 = vector.shape_cast %swap3A_2494 : vector<1x16xf32> to vector<16xf32>
    %swap3A_2496 = vector.shape_cast %mul3A_2490 : vector<16xf32> to vector<1x16xf32>
    tpu.vector_store %arg5[%swap3A_2492, %swap3A_2493], %swap3A_2496 {strides = array<i32>} : memref<8x64xf32, #tpu.memory_space<vmem>>, vector<1x16xf32>,
    %dma_start3A_2497 = arith.constant 0 : i32
    %dma_start3A_2498 = arith.constant 0 : i32
    %dma_start3A_2499 = arith.constant 0 : i32
    %dma_start3A_2500 = tpu.memref_slice %arg5[%dma_start3A_2497, %dma_start3A_2499] : memref<8x64xf32, #tpu.memory_space<vmem>> -> memref<1x64xf32, #tpu.memory_space<vmem>>
    %dma_start3A_2501 = tpu.memref_squeeze %dma_start3A_2500 : memref<1x64xf32, #tpu.memory_space<vmem>> -> memref<64xf32, #tpu.memory_space<vmem>>
    %dma_start3A_2502 = tpu.memref_slice %arg3[%dma_start3A_2498, %mul3A_2] : memref<8x2048xf32, #tpu.memory_space<hbm>> -> memref<1x64xf32, #tpu.memory_space<hbm>>
    %dma_start3A_2503 = tpu.memref_squeeze %dma_start3A_2502 : memref<1x64xf32, #tpu.memory_space<hbm>> -> memref<64xf32, #tpu.memory_space<hbm>>
    %dma_start3A_2504 = tpu.memref_slice %arg3[%dma_start3A_2498, %mul3A_2] : memref<8x2048xf32, #tpu.memory_space<hbm>> -> memref<1x64xf32, #tpu.memory_space<hbm>>
    %dma_start3A_2505 = tpu.memref_squeeze %dma_start3A_2504 : memref<1x64xf32, #tpu.memory_space<hbm>> -> memref<64xf32, #tpu.memory_space<hbm>>
    %dma_start3A_2506 = arith.constant 0 : i32
    %dma_start3A_2507 = tpu.memref_slice %arg5[%dma_start3A_2497, %dma_start3A_2506] : memref<8x64xf32, #tpu.memory_space<vmem>> -> memref<1x64xf32, #tpu.memory_space<vmem>>
    %dma_start3A_2508 = tpu.memref_squeeze %dma_start3A_2507 : memref<1x64xf32, #tpu.memory_space<vmem>> -> memref<64xf32, #tpu.memory_space<vmem>>
    tpu.enqueue_dma source(%dma_start3A_2508 : memref<64xf32, #tpu.memory_space<vmem>>) target(%dma_start3A_2505 : memref<64xf32, #tpu.memory_space<hbm>>) target_semaphore(%arg6 : memref<!tpu.dma_semaphore, #tpu.memory_space<semaphore_mem>>)
    %dma_start3A_2509 = arith.constant 1 : i32
    %dma_start3A_2510 = arith.constant 1 : i32
    %dma_start3A_2511 = arith.constant 0 : i32
    %dma_start3A_2512 = tpu.memref_slice %arg5[%dma_start3A_2509, %dma_start3A_2511] : memref<8x64xf32, #tpu.memory_space<vmem>> -> memref<1x64xf32, #tpu.memory_space<vmem>>
    %dma_start3A_2513 = tpu.memref_squeeze %dma_start3A_2512 : memref<1x64xf32, #tpu.memory_space<vmem>> -> memref<64xf32, #tpu.memory_space<vmem>>
    %dma_start3A_2514 = tpu.memref_slice %arg3[%dma_start3A_2510, %mul3A_2] : memref<8x2048xf32, #tpu.memory_space<hbm>> -> memref<1x64xf32, #tpu.memory_space<hbm>>
    %dma_start3A_2515 = tpu.memref_squeeze %dma_start3A_2514 : memref<1x64xf32, #tpu.memory_space<hbm>> -> memref<64xf32, #tpu.memory_space<hbm>>
    %dma_start3A_2516 = tpu.memref_slice %arg3[%dma_start3A_2510, %mul3A_2] : memref<8x2048xf32, #tpu.memory_space<hbm>> -> memref<1x64xf32, #tpu.memory_space<hbm>>
    %dma_start3A_2517 = tpu.memref_squeeze %dma_start3A_2516 : memref<1x64xf32, #tpu.memory_space<hbm>> -> memref<64xf32, #tpu.memory_space<hbm>>
    %dma_start3A_2518 = arith.constant 0 : i32
    %dma_start3A_2519 = tpu.memref_slice %arg5[%dma_start3A_2509, %dma_start3A_2518] : memref<8x64xf32, #tpu.memory_space<vmem>> -> memref<1x64xf32, #tpu.memory_space<vmem>>
    %dma_start3A_2520 = tpu.memref_squeeze %dma_start3A_2519 : memref<1x64xf32, #tpu.memory_space<vmem>> -> memref<64xf32, #tpu.memory_space<vmem>>
    tpu.enqueue_dma source(%dma_start3A_2520 : memref<64xf32, #tpu.memory_space<vmem>>) target(%dma_start3A_2517 : memref<64xf32, #tpu.memory_space<hbm>>) target_semaphore(%arg6 : memref<!tpu.dma_semaphore, #tpu.memory_space<semaphore_mem>>)
    %dma_start3A_2521 = arith.constant 2 : i32
    %dma_start3A_2522 = arith.constant 2 : i32
    %dma_start3A_2523 = arith.constant 0 : i32
    %dma_start3A_2524 = tpu.memref_slice %arg5[%dma_start3A_2521, %dma_start3A_2523] : memref<8x64xf32, #tpu.memory_space<vmem>> -> memref<1x64xf32, #tpu.memory_space<vmem>>
    %dma_start3A_2525 = tpu.memref_squeeze %dma_start3A_2524 : memref<1x64xf32, #tpu.memory_space<vmem>> -> memref<64xf32, #tpu.memory_space<vmem>>
    %dma_start3A_2526 = tpu.memref_slice %arg3[%dma_start3A_2522, %mul3A_2] : memref<8x2048xf32, #tpu.memory_space<hbm>> -> memref<1x64xf32, #tpu.memory_space<hbm>>
    %dma_start3A_2527 = tpu.memref_squeeze %dma_start3A_2526 : memref<1x64xf32, #tpu.memory_space<hbm>> -> memref<64xf32, #tpu.memory_space<hbm>>
    %dma_start3A_2528 = tpu.memref_slice %arg3[%dma_start3A_2522, %mul3A_2] : memref<8x2048xf32, #tpu.memory_space<hbm>> -> memref<1x64xf32, #tpu.memory_space<hbm>>
    %dma_start3A_2529 = tpu.memref_squeeze %dma_start3A_2528 : memref<1x64xf32, #tpu.memory_space<hbm>> -> memref<64xf32, #tpu.memory_space<hbm>>
    %dma_start3A_2530 = arith.constant 0 : i32
    %dma_start3A_2531 = tpu.memref_slice %arg5[%dma_start3A_2521, %dma_start3A_2530] : memref<8x64xf32, #tpu.memory_space<vmem>> -> memref<1x64xf32, #tpu.memory_space<vmem>>
    %dma_start3A_2532 = tpu.memref_squeeze %dma_start3A_2531 : memref<1x64xf32, #tpu.memory_space<vmem>> -> memref<64xf32, #tpu.memory_space<vmem>>
    tpu.enqueue_dma source(%dma_start3A_2532 : memref<64xf32, #tpu.memory_space<vmem>>) target(%dma_start3A_2529 : memref<64xf32, #tpu.memory_space<hbm>>) target_semaphore(%arg6 : memref<!tpu.dma_semaphore, #tpu.memory_space<semaphore_mem>>)
    %dma_start3A_2533 = arith.constant 3 : i32
    %dma_start3A_2534 = arith.constant 3 : i32
    %dma_start3A_2535 = arith.constant 0 : i32
    %dma_start3A_2536 = tpu.memref_slice %arg5[%dma_start3A_2533, %dma_start3A_2535] : memref<8x64xf32, #tpu.memory_space<vmem>> -> memref<1x64xf32, #tpu.memory_space<vmem>>
    %dma_start3A_2537 = tpu.memref_squeeze %dma_start3A_2536 : memref<1x64xf32, #tpu.memory_space<vmem>> -> memref<64xf32, #tpu.memory_space<vmem>>
    %dma_start3A_2538 = tpu.memref_slice %arg3[%dma_start3A_2534, %mul3A_2] : memref<8x2048xf32, #tpu.memory_space<hbm>> -> memref<1x64xf32, #tpu.memory_space<hbm>>
    %dma_start3A_2539 = tpu.memref_squeeze %dma_start3A_2538 : memref<1x64xf32, #tpu.memory_space<hbm>> -> memref<64xf32, #tpu.memory_space<hbm>>
    %dma_start3A_2540 = tpu.memref_slice %arg3[%dma_start3A_2534, %mul3A_2] : memref<8x2048xf32, #tpu.memory_space<hbm>> -> memref<1x64xf32, #tpu.memory_space<hbm>>
    %dma_start3A_2541 = tpu.memref_squeeze %dma_start3A_2540 : memref<1x64xf32, #tpu.memory_space<hbm>> -> memref<64xf32, #tpu.memory_space<hbm>>
    %dma_start3A_2542 = arith.constant 0 : i32
    %dma_start3A_2543 = tpu.memref_slice %arg5[%dma_start3A_2533, %dma_start3A_2542] : memref<8x64xf32, #tpu.memory_space<vmem>> -> memref<1x64xf32, #tpu.memory_space<vmem>>
    %dma_start3A_2544 = tpu.memref_squeeze %dma_start3A_2543 : memref<1x64xf32, #tpu.memory_space<vmem>> -> memref<64xf32, #tpu.memory_space<vmem>>
    tpu.enqueue_dma source(%dma_start3A_2544 : memref<64xf32, #tpu.memory_space<vmem>>) target(%dma_start3A_2541 : memref<64xf32, #tpu.memory_space<hbm>>) target_semaphore(%arg6 : memref<!tpu.dma_semaphore, #tpu.memory_space<semaphore_mem>>)
    %dma_start3A_2545 = arith.constant 4 : i32
    %dma_start3A_2546 = arith.constant 4 : i32
    %dma_start3A_2547 = arith.constant 0 : i32
    %dma_start3A_2548 = tpu.memref_slice %arg5[%dma_start3A_2545, %dma_start3A_2547] : memref<8x64xf32, #tpu.memory_space<vmem>> -> memref<1x64xf32, #tpu.memory_space<vmem>>
    %dma_start3A_2549 = tpu.memref_squeeze %dma_start3A_2548 : memref<1x64xf32, #tpu.memory_space<vmem>> -> memref<64xf32, #tpu.memory_space<vmem>>
    %dma_start3A_2550 = tpu.memref_slice %arg3[%dma_start3A_2546, %mul3A_2] : memref<8x2048xf32, #tpu.memory_space<hbm>> -> memref<1x64xf32, #tpu.memory_space<hbm>>
    %dma_start3A_2551 = tpu.memref_squeeze %dma_start3A_2550 : memref<1x64xf32, #tpu.memory_space<hbm>> -> memref<64xf32, #tpu.memory_space<hbm>>
    %dma_start3A_2552 = tpu.memref_slice %arg3[%dma_start3A_2546, %mul3A_2] : memref<8x2048xf32, #tpu.memory_space<hbm>> -> memref<1x64xf32, #tpu.memory_space<hbm>>
    %dma_start3A_2553 = tpu.memref_squeeze %dma_start3A_2552 : memref<1x64xf32, #tpu.memory_space<hbm>> -> memref<64xf32, #tpu.memory_space<hbm>>
    %dma_start3A_2554 = arith.constant 0 : i32
    %dma_start3A_2555 = tpu.memref_slice %arg5[%dma_start3A_2545, %dma_start3A_2554] : memref<8x64xf32, #tpu.memory_space<vmem>> -> memref<1x64xf32, #tpu.memory_space<vmem>>
    %dma_start3A_2556 = tpu.memref_squeeze %dma_start3A_2555 : memref<1x64xf32, #tpu.memory_space<vmem>> -> memref<64xf32, #tpu.memory_space<vmem>>
    tpu.enqueue_dma source(%dma_start3A_2556 : memref<64xf32, #tpu.memory_space<vmem>>) target(%dma_start3A_2553 : memref<64xf32, #tpu.memory_space<hbm>>) target_semaphore(%arg6 : memref<!tpu.dma_semaphore, #tpu.memory_space<semaphore_mem>>)
    %dma_start3A_2557 = arith.constant 5 : i32
    %dma_start3A_2558 = arith.constant 5 : i32
    %dma_start3A_2559 = arith.constant 0 : i32
    %dma_start3A_2560 = tpu.memref_slice %arg5[%dma_start3A_2557, %dma_start3A_2559] : memref<8x64xf32, #tpu.memory_space<vmem>> -> memref<1x64xf32, #tpu.memory_space<vmem>>
    %dma_start3A_2561 = tpu.memref_squeeze %dma_start3A_2560 : memref<1x64xf32, #tpu.memory_space<vmem>> -> memref<64xf32, #tpu.memory_space<vmem>>
    %dma_start3A_2562 = tpu.memref_slice %arg3[%dma_start3A_2558, %mul3A_2] : memref<8x2048xf32, #tpu.memory_space<hbm>> -> memref<1x64xf32, #tpu.memory_space<hbm>>
    %dma_start3A_2563 = tpu.memref_squeeze %dma_start3A_2562 : memref<1x64xf32, #tpu.memory_space<hbm>> -> memref<64xf32, #tpu.memory_space<hbm>>
    %dma_start3A_2564 = tpu.memref_slice %arg3[%dma_start3A_2558, %mul3A_2] : memref<8x2048xf32, #tpu.memory_space<hbm>> -> memref<1x64xf32, #tpu.memory_space<hbm>>
    %dma_start3A_2565 = tpu.memref_squeeze %dma_start3A_2564 : memref<1x64xf32, #tpu.memory_space<hbm>> -> memref<64xf32, #tpu.memory_space<hbm>>
    %dma_start3A_2566 = arith.constant 0 : i32
    %dma_start3A_2567 = tpu.memref_slice %arg5[%dma_start3A_2557, %dma_start3A_2566] : memref<8x64xf32, #tpu.memory_space<vmem>> -> memref<1x64xf32, #tpu.memory_space<vmem>>
    %dma_start3A_2568 = tpu.memref_squeeze %dma_start3A_2567 : memref<1x64xf32, #tpu.memory_space<vmem>> -> memref<64xf32, #tpu.memory_space<vmem>>
    tpu.enqueue_dma source(%dma_start3A_2568 : memref<64xf32, #tpu.memory_space<vmem>>) target(%dma_start3A_2565 : memref<64xf32, #tpu.memory_space<hbm>>) target_semaphore(%arg6 : memref<!tpu.dma_semaphore, #tpu.memory_space<semaphore_mem>>)
    %dma_start3A_2569 = arith.constant 6 : i32
    %dma_start3A_2570 = arith.constant 6 : i32
    %dma_start3A_2571 = arith.constant 0 : i32
    %dma_start3A_2572 = tpu.memref_slice %arg5[%dma_start3A_2569, %dma_start3A_2571] : memref<8x64xf32, #tpu.memory_space<vmem>> -> memref<1x64xf32, #tpu.memory_space<vmem>>
    %dma_start3A_2573 = tpu.memref_squeeze %dma_start3A_2572 : memref<1x64xf32, #tpu.memory_space<vmem>> -> memref<64xf32, #tpu.memory_space<vmem>>
    %dma_start3A_2574 = tpu.memref_slice %arg3[%dma_start3A_2570, %mul3A_2] : memref<8x2048xf32, #tpu.memory_space<hbm>> -> memref<1x64xf32, #tpu.memory_space<hbm>>
    %dma_start3A_2575 = tpu.memref_squeeze %dma_start3A_2574 : memref<1x64xf32, #tpu.memory_space<hbm>> -> memref<64xf32, #tpu.memory_space<hbm>>
    %dma_start3A_2576 = tpu.memref_slice %arg3[%dma_start3A_2570, %mul3A_2] : memref<8x2048xf32, #tpu.memory_space<hbm>> -> memref<1x64xf32, #tpu.memory_space<hbm>>
    %dma_start3A_2577 = tpu.memref_squeeze %dma_start3A_2576 : memref<1x64xf32, #tpu.memory_space<hbm>> -> memref<64xf32, #tpu.memory_space<hbm>>
    %dma_start3A_2578 = arith.constant 0 : i32
    %dma_start3A_2579 = tpu.memref_slice %arg5[%dma_start3A_2569, %dma_start3A_2578] : memref<8x64xf32, #tpu.memory_space<vmem>> -> memref<1x64xf32, #tpu.memory_space<vmem>>
    %dma_start3A_2580 = tpu.memref_squeeze %dma_start3A_2579 : memref<1x64xf32, #tpu.memory_space<vmem>> -> memref<64xf32, #tpu.memory_space<vmem>>
    tpu.enqueue_dma source(%dma_start3A_2580 : memref<64xf32, #tpu.memory_space<vmem>>) target(%dma_start3A_2577 : memref<64xf32, #tpu.memory_space<hbm>>) target_semaphore(%arg6 : memref<!tpu.dma_semaphore, #tpu.memory_space<semaphore_mem>>)
    %dma_start3A_2581 = arith.constant 7 : i32
    %dma_start3A_2582 = arith.constant 7 : i32
    %dma_start3A_2583 = arith.constant 0 : i32
    %dma_start3A_2584 = tpu.memref_slice %arg5[%dma_start3A_2581, %dma_start3A_2583] : memref<8x64xf32, #tpu.memory_space<vmem>> -> memref<1x64xf32, #tpu.memory_space<vmem>>
    %dma_start3A_2585 = tpu.memref_squeeze %dma_start3A_2584 : memref<1x64xf32, #tpu.memory_space<vmem>> -> memref<64xf32, #tpu.memory_space<vmem>>
    %dma_start3A_2586 = tpu.memref_slice %arg3[%dma_start3A_2582, %mul3A_2] : memref<8x2048xf32, #tpu.memory_space<hbm>> -> memref<1x64xf32, #tpu.memory_space<hbm>>
    %dma_start3A_2587 = tpu.memref_squeeze %dma_start3A_2586 : memref<1x64xf32, #tpu.memory_space<hbm>> -> memref<64xf32, #tpu.memory_space<hbm>>
    %dma_start3A_2588 = tpu.memref_slice %arg3[%dma_start3A_2582, %mul3A_2] : memref<8x2048xf32, #tpu.memory_space<hbm>> -> memref<1x64xf32, #tpu.memory_space<hbm>>
    %dma_start3A_2589 = tpu.memref_squeeze %dma_start3A_2588 : memref<1x64xf32, #tpu.memory_space<hbm>> -> memref<64xf32, #tpu.memory_space<hbm>>
    %dma_start3A_2590 = arith.constant 0 : i32
    %dma_start3A_2591 = tpu.memref_slice %arg5[%dma_start3A_2581, %dma_start3A_2590] : memref<8x64xf32, #tpu.memory_space<vmem>> -> memref<1x64xf32, #tpu.memory_space<vmem>>
    %dma_start3A_2592 = tpu.memref_squeeze %dma_start3A_2591 : memref<1x64xf32, #tpu.memory_space<vmem>> -> memref<64xf32, #tpu.memory_space<vmem>>
    tpu.enqueue_dma source(%dma_start3A_2592 : memref<64xf32, #tpu.memory_space<vmem>>) target(%dma_start3A_2589 : memref<64xf32, #tpu.memory_space<hbm>>) target_semaphore(%arg6 : memref<!tpu.dma_semaphore, #tpu.memory_space<semaphore_mem>>)
    %dma_wait3A_2593 = arith.constant 0 : i32
    %dma_wait3A_2594 = arith.constant 0 : i32
    %dma_wait3A_2595 = arith.constant 0 : i32
    %dma_wait3A_2596 = tpu.memref_slice %arg5[%dma_wait3A_2593, %dma_wait3A_2595] : memref<8x64xf32, #tpu.memory_space<vmem>> -> memref<1x64xf32, #tpu.memory_space<vmem>>
    %dma_wait3A_2597 = tpu.memref_squeeze %dma_wait3A_2596 : memref<1x64xf32, #tpu.memory_space<vmem>> -> memref<64xf32, #tpu.memory_space<vmem>>
    %dma_wait3A_2598 = tpu.memref_slice %arg3[%dma_wait3A_2594, %mul3A_2] : memref<8x2048xf32, #tpu.memory_space<hbm>> -> memref<1x64xf32, #tpu.memory_space<hbm>>
    %dma_wait3A_2599 = tpu.memref_squeeze %dma_wait3A_2598 : memref<1x64xf32, #tpu.memory_space<hbm>> -> memref<64xf32, #tpu.memory_space<hbm>>
    %dma_wait3A_2600 = tpu.memref_slice %arg3[%dma_wait3A_2594, %mul3A_2] : memref<8x2048xf32, #tpu.memory_space<hbm>> -> memref<1x64xf32, #tpu.memory_space<hbm>>
    %dma_wait3A_2601 = tpu.memref_squeeze %dma_wait3A_2600 : memref<1x64xf32, #tpu.memory_space<hbm>> -> memref<64xf32, #tpu.memory_space<hbm>>
    %dma_wait3A_2602 = arith.constant 0 : i32
    %dma_wait3A_2603 = tpu.memref_slice %arg5[%dma_wait3A_2593, %dma_wait3A_2602] : memref<8x64xf32, #tpu.memory_space<vmem>> -> memref<1x64xf32, #tpu.memory_space<vmem>>
    %dma_wait3A_2604 = tpu.memref_squeeze %dma_wait3A_2603 : memref<1x64xf32, #tpu.memory_space<vmem>> -> memref<64xf32, #tpu.memory_space<vmem>>
    tpu.wait_dma2 semaphore(%arg6 : memref<!tpu.dma_semaphore, #tpu.memory_space<semaphore_mem>>) src(%dma_wait3A_2604 : memref<64xf32, #tpu.memory_space<vmem>>) dst(%dma_wait3A_2601 : memref<64xf32, #tpu.memory_space<hbm>>)
    %dma_wait3A_2605 = arith.constant 1 : i32
    %dma_wait3A_2606 = arith.constant 1 : i32
    %dma_wait3A_2607 = arith.constant 0 : i32
    %dma_wait3A_2608 = tpu.memref_slice %arg5[%dma_wait3A_2605, %dma_wait3A_2607] : memref<8x64xf32, #tpu.memory_space<vmem>> -> memref<1x64xf32, #tpu.memory_space<vmem>>
    %dma_wait3A_2609 = tpu.memref_squeeze %dma_wait3A_2608 : memref<1x64xf32, #tpu.memory_space<vmem>> -> memref<64xf32, #tpu.memory_space<vmem>>
    %dma_wait3A_2610 = tpu.memref_slice %arg3[%dma_wait3A_2606, %mul3A_2] : memref<8x2048xf32, #tpu.memory_space<hbm>> -> memref<1x64xf32, #tpu.memory_space<hbm>>
    %dma_wait3A_2611 = tpu.memref_squeeze %dma_wait3A_2610 : memref<1x64xf32, #tpu.memory_space<hbm>> -> memref<64xf32, #tpu.memory_space<hbm>>
    %dma_wait3A_2612 = tpu.memref_slice %arg3[%dma_wait3A_2606, %mul3A_2] : memref<8x2048xf32, #tpu.memory_space<hbm>> -> memref<1x64xf32, #tpu.memory_space<hbm>>
    %dma_wait3A_2613 = tpu.memref_squeeze %dma_wait3A_2612 : memref<1x64xf32, #tpu.memory_space<hbm>> -> memref<64xf32, #tpu.memory_space<hbm>>
    %dma_wait3A_2614 = arith.constant 0 : i32
    %dma_wait3A_2615 = tpu.memref_slice %arg5[%dma_wait3A_2605, %dma_wait3A_2614] : memref<8x64xf32, #tpu.memory_space<vmem>> -> memref<1x64xf32, #tpu.memory_space<vmem>>
    %dma_wait3A_2616 = tpu.memref_squeeze %dma_wait3A_2615 : memref<1x64xf32, #tpu.memory_space<vmem>> -> memref<64xf32, #tpu.memory_space<vmem>>
    tpu.wait_dma2 semaphore(%arg6 : memref<!tpu.dma_semaphore, #tpu.memory_space<semaphore_mem>>) src(%dma_wait3A_2616 : memref<64xf32, #tpu.memory_space<vmem>>) dst(%dma_wait3A_2613 : memref<64xf32, #tpu.memory_space<hbm>>)
    %dma_wait3A_2617 = arith.constant 2 : i32
    %dma_wait3A_2618 = arith.constant 2 : i32
    %dma_wait3A_2619 = arith.constant 0 : i32
    %dma_wait3A_2620 = tpu.memref_slice %arg5[%dma_wait3A_2617, %dma_wait3A_2619] : memref<8x64xf32, #tpu.memory_space<vmem>> -> memref<1x64xf32, #tpu.memory_space<vmem>>
    %dma_wait3A_2621 = tpu.memref_squeeze %dma_wait3A_2620 : memref<1x64xf32, #tpu.memory_space<vmem>> -> memref<64xf32, #tpu.memory_space<vmem>>
    %dma_wait3A_2622 = tpu.memref_slice %arg3[%dma_wait3A_2618, %mul3A_2] : memref<8x2048xf32, #tpu.memory_space<hbm>> -> memref<1x64xf32, #tpu.memory_space<hbm>>
    %dma_wait3A_2623 = tpu.memref_squeeze %dma_wait3A_2622 : memref<1x64xf32, #tpu.memory_space<hbm>> -> memref<64xf32, #tpu.memory_space<hbm>>
    %dma_wait3A_2624 = tpu.memref_slice %arg3[%dma_wait3A_2618, %mul3A_2] : memref<8x2048xf32, #tpu.memory_space<hbm>> -> memref<1x64xf32, #tpu.memory_space<hbm>>
    %dma_wait3A_2625 = tpu.memref_squeeze %dma_wait3A_2624 : memref<1x64xf32, #tpu.memory_space<hbm>> -> memref<64xf32, #tpu.memory_space<hbm>>
    %dma_wait3A_2626 = arith.constant 0 : i32
    %dma_wait3A_2627 = tpu.memref_slice %arg5[%dma_wait3A_2617, %dma_wait3A_2626] : memref<8x64xf32, #tpu.memory_space<vmem>> -> memref<1x64xf32, #tpu.memory_space<vmem>>
    %dma_wait3A_2628 = tpu.memref_squeeze %dma_wait3A_2627 : memref<1x64xf32, #tpu.memory_space<vmem>> -> memref<64xf32, #tpu.memory_space<vmem>>
    tpu.wait_dma2 semaphore(%arg6 : memref<!tpu.dma_semaphore, #tpu.memory_space<semaphore_mem>>) src(%dma_wait3A_2628 : memref<64xf32, #tpu.memory_space<vmem>>) dst(%dma_wait3A_2625 : memref<64xf32, #tpu.memory_space<hbm>>)
    %dma_wait3A_2629 = arith.constant 3 : i32
    %dma_wait3A_2630 = arith.constant 3 : i32
    %dma_wait3A_2631 = arith.constant 0 : i32
    %dma_wait3A_2632 = tpu.memref_slice %arg5[%dma_wait3A_2629, %dma_wait3A_2631] : memref<8x64xf32, #tpu.memory_space<vmem>> -> memref<1x64xf32, #tpu.memory_space<vmem>>
    %dma_wait3A_2633 = tpu.memref_squeeze %dma_wait3A_2632 : memref<1x64xf32, #tpu.memory_space<vmem>> -> memref<64xf32, #tpu.memory_space<vmem>>
    %dma_wait3A_2634 = tpu.memref_slice %arg3[%dma_wait3A_2630, %mul3A_2] : memref<8x2048xf32, #tpu.memory_space<hbm>> -> memref<1x64xf32, #tpu.memory_space<hbm>>
    %dma_wait3A_2635 = tpu.memref_squeeze %dma_wait3A_2634 : memref<1x64xf32, #tpu.memory_space<hbm>> -> memref<64xf32, #tpu.memory_space<hbm>>
    %dma_wait3A_2636 = tpu.memref_slice %arg3[%dma_wait3A_2630, %mul3A_2] : memref<8x2048xf32, #tpu.memory_space<hbm>> -> memref<1x64xf32, #tpu.memory_space<hbm>>
    %dma_wait3A_2637 = tpu.memref_squeeze %dma_wait3A_2636 : memref<1x64xf32, #tpu.memory_space<hbm>> -> memref<64xf32, #tpu.memory_space<hbm>>
    %dma_wait3A_2638 = arith.constant 0 : i32
    %dma_wait3A_2639 = tpu.memref_slice %arg5[%dma_wait3A_2629, %dma_wait3A_2638] : memref<8x64xf32, #tpu.memory_space<vmem>> -> memref<1x64xf32, #tpu.memory_space<vmem>>
    %dma_wait3A_2640 = tpu.memref_squeeze %dma_wait3A_2639 : memref<1x64xf32, #tpu.memory_space<vmem>> -> memref<64xf32, #tpu.memory_space<vmem>>
    tpu.wait_dma2 semaphore(%arg6 : memref<!tpu.dma_semaphore, #tpu.memory_space<semaphore_mem>>) src(%dma_wait3A_2640 : memref<64xf32, #tpu.memory_space<vmem>>) dst(%dma_wait3A_2637 : memref<64xf32, #tpu.memory_space<hbm>>)
    %dma_wait3A_2641 = arith.constant 4 : i32
    %dma_wait3A_2642 = arith.constant 4 : i32
    %dma_wait3A_2643 = arith.constant 0 : i32
    %dma_wait3A_2644 = tpu.memref_slice %arg5[%dma_wait3A_2641, %dma_wait3A_2643] : memref<8x64xf32, #tpu.memory_space<vmem>> -> memref<1x64xf32, #tpu.memory_space<vmem>>
    %dma_wait3A_2645 = tpu.memref_squeeze %dma_wait3A_2644 : memref<1x64xf32, #tpu.memory_space<vmem>> -> memref<64xf32, #tpu.memory_space<vmem>>
    %dma_wait3A_2646 = tpu.memref_slice %arg3[%dma_wait3A_2642, %mul3A_2] : memref<8x2048xf32, #tpu.memory_space<hbm>> -> memref<1x64xf32, #tpu.memory_space<hbm>>
    %dma_wait3A_2647 = tpu.memref_squeeze %dma_wait3A_2646 : memref<1x64xf32, #tpu.memory_space<hbm>> -> memref<64xf32, #tpu.memory_space<hbm>>
    %dma_wait3A_2648 = tpu.memref_slice %arg3[%dma_wait3A_2642, %mul3A_2] : memref<8x2048xf32, #tpu.memory_space<hbm>> -> memref<1x64xf32, #tpu.memory_space<hbm>>
    %dma_wait3A_2649 = tpu.memref_squeeze %dma_wait3A_2648 : memref<1x64xf32, #tpu.memory_space<hbm>> -> memref<64xf32, #tpu.memory_space<hbm>>
    %dma_wait3A_2650 = arith.constant 0 : i32
    %dma_wait3A_2651 = tpu.memref_slice %arg5[%dma_wait3A_2641, %dma_wait3A_2650] : memref<8x64xf32, #tpu.memory_space<vmem>> -> memref<1x64xf32, #tpu.memory_space<vmem>>
    %dma_wait3A_2652 = tpu.memref_squeeze %dma_wait3A_2651 : memref<1x64xf32, #tpu.memory_space<vmem>> -> memref<64xf32, #tpu.memory_space<vmem>>
    tpu.wait_dma2 semaphore(%arg6 : memref<!tpu.dma_semaphore, #tpu.memory_space<semaphore_mem>>) src(%dma_wait3A_2652 : memref<64xf32, #tpu.memory_space<vmem>>) dst(%dma_wait3A_2649 : memref<64xf32, #tpu.memory_space<hbm>>)
    %dma_wait3A_2653 = arith.constant 5 : i32
    %dma_wait3A_2654 = arith.constant 5 : i32
    %dma_wait3A_2655 = arith.constant 0 : i32
    %dma_wait3A_2656 = tpu.memref_slice %arg5[%dma_wait3A_2653, %dma_wait3A_2655] : memref<8x64xf32, #tpu.memory_space<vmem>> -> memref<1x64xf32, #tpu.memory_space<vmem>>
    %dma_wait3A_2657 = tpu.memref_squeeze %dma_wait3A_2656 : memref<1x64xf32, #tpu.memory_space<vmem>> -> memref<64xf32, #tpu.memory_space<vmem>>
    %dma_wait3A_2658 = tpu.memref_slice %arg3[%dma_wait3A_2654, %mul3A_2] : memref<8x2048xf32, #tpu.memory_space<hbm>> -> memref<1x64xf32, #tpu.memory_space<hbm>>
    %dma_wait3A_2659 = tpu.memref_squeeze %dma_wait3A_2658 : memref<1x64xf32, #tpu.memory_space<hbm>> -> memref<64xf32, #tpu.memory_space<hbm>>
    %dma_wait3A_2660 = tpu.memref_slice %arg3[%dma_wait3A_2654, %mul3A_2] : memref<8x2048xf32, #tpu.memory_space<hbm>> -> memref<1x64xf32, #tpu.memory_space<hbm>>
    %dma_wait3A_2661 = tpu.memref_squeeze %dma_wait3A_2660 : memref<1x64xf32, #tpu.memory_space<hbm>> -> memref<64xf32, #tpu.memory_space<hbm>>
    %dma_wait3A_2662 = arith.constant 0 : i32
    %dma_wait3A_2663 = tpu.memref_slice %arg5[%dma_wait3A_2653, %dma_wait3A_2662] : memref<8x64xf32, #tpu.memory_space<vmem>> -> memref<1x64xf32, #tpu.memory_space<vmem>>
    %dma_wait3A_2664 = tpu.memref_squeeze %dma_wait3A_2663 : memref<1x64xf32, #tpu.memory_space<vmem>> -> memref<64xf32, #tpu.memory_space<vmem>>
    tpu.wait_dma2 semaphore(%arg6 : memref<!tpu.dma_semaphore, #tpu.memory_space<semaphore_mem>>) src(%dma_wait3A_2664 : memref<64xf32, #tpu.memory_space<vmem>>) dst(%dma_wait3A_2661 : memref<64xf32, #tpu.memory_space<hbm>>)
    %dma_wait3A_2665 = arith.constant 6 : i32
    %dma_wait3A_2666 = arith.constant 6 : i32
    %dma_wait3A_2667 = arith.constant 0 : i32
    %dma_wait3A_2668 = tpu.memref_slice %arg5[%dma_wait3A_2665, %dma_wait3A_2667] : memref<8x64xf32, #tpu.memory_space<vmem>> -> memref<1x64xf32, #tpu.memory_space<vmem>>
    %dma_wait3A_2669 = tpu.memref_squeeze %dma_wait3A_2668 : memref<1x64xf32, #tpu.memory_space<vmem>> -> memref<64xf32, #tpu.memory_space<vmem>>
    %dma_wait3A_2670 = tpu.memref_slice %arg3[%dma_wait3A_2666, %mul3A_2] : memref<8x2048xf32, #tpu.memory_space<hbm>> -> memref<1x64xf32, #tpu.memory_space<hbm>>
    %dma_wait3A_2671 = tpu.memref_squeeze %dma_wait3A_2670 : memref<1x64xf32, #tpu.memory_space<hbm>> -> memref<64xf32, #tpu.memory_space<hbm>>
    %dma_wait3A_2672 = tpu.memref_slice %arg3[%dma_wait3A_2666, %mul3A_2] : memref<8x2048xf32, #tpu.memory_space<hbm>> -> memref<1x64xf32, #tpu.memory_space<hbm>>
    %dma_wait3A_2673 = tpu.memref_squeeze %dma_wait3A_2672 : memref<1x64xf32, #tpu.memory_space<hbm>> -> memref<64xf32, #tpu.memory_space<hbm>>
    %dma_wait3A_2674 = arith.constant 0 : i32
    %dma_wait3A_2675 = tpu.memref_slice %arg5[%dma_wait3A_2665, %dma_wait3A_2674] : memref<8x64xf32, #tpu.memory_space<vmem>> -> memref<1x64xf32, #tpu.memory_space<vmem>>
    %dma_wait3A_2676 = tpu.memref_squeeze %dma_wait3A_2675 : memref<1x64xf32, #tpu.memory_space<vmem>> -> memref<64xf32, #tpu.memory_space<vmem>>
    tpu.wait_dma2 semaphore(%arg6 : memref<!tpu.dma_semaphore, #tpu.memory_space<semaphore_mem>>) src(%dma_wait3A_2676 : memref<64xf32, #tpu.memory_space<vmem>>) dst(%dma_wait3A_2673 : memref<64xf32, #tpu.memory_space<hbm>>)
    %dma_wait3A_2677 = arith.constant 7 : i32
    %dma_wait3A_2678 = arith.constant 7 : i32
    %dma_wait3A_2679 = arith.constant 0 : i32
    %dma_wait3A_2680 = tpu.memref_slice %arg5[%dma_wait3A_2677, %dma_wait3A_2679] : memref<8x64xf32, #tpu.memory_space<vmem>> -> memref<1x64xf32, #tpu.memory_space<vmem>>
    %dma_wait3A_2681 = tpu.memref_squeeze %dma_wait3A_2680 : memref<1x64xf32, #tpu.memory_space<vmem>> -> memref<64xf32, #tpu.memory_space<vmem>>
    %dma_wait3A_2682 = tpu.memref_slice %arg3[%dma_wait3A_2678, %mul3A_2] : memref<8x2048xf32, #tpu.memory_space<hbm>> -> memref<1x64xf32, #tpu.memory_space<hbm>>
    %dma_wait3A_2683 = tpu.memref_squeeze %dma_wait3A_2682 : memref<1x64xf32, #tpu.memory_space<hbm>> -> memref<64xf32, #tpu.memory_space<hbm>>
    %dma_wait3A_2684 = tpu.memref_slice %arg3[%dma_wait3A_2678, %mul3A_2] : memref<8x2048xf32, #tpu.memory_space<hbm>> -> memref<1x64xf32, #tpu.memory_space<hbm>>
    %dma_wait3A_2685 = tpu.memref_squeeze %dma_wait3A_2684 : memref<1x64xf32, #tpu.memory_space<hbm>> -> memref<64xf32, #tpu.memory_space<hbm>>
    %dma_wait3A_2686 = arith.constant 0 : i32
    %dma_wait3A_2687 = tpu.memref_slice %arg5[%dma_wait3A_2677, %dma_wait3A_2686] : memref<8x64xf32, #tpu.memory_space<vmem>> -> memref<1x64xf32, #tpu.memory_space<vmem>>
    %dma_wait3A_2688 = tpu.memref_squeeze %dma_wait3A_2687 : memref<1x64xf32, #tpu.memory_space<vmem>> -> memref<64xf32, #tpu.memory_space<vmem>>
    tpu.wait_dma2 semaphore(%arg6 : memref<!tpu.dma_semaphore, #tpu.memory_space<semaphore_mem>>) src(%dma_wait3A_2688 : memref<64xf32, #tpu.memory_space<vmem>>) dst(%dma_wait3A_2685 : memref<64xf32, #tpu.memory_space<hbm>>)
    return
  }
}

module attributes {stable_mosaic.version = 14 : i64} {
  func.func @_scores_body(%arg0: memref<2048x1024xf32, #tpu.memory_space<vmem>>, %arg1: memref<1024x8xf32, #tpu.memory_space<vmem>>, %arg2: memref<1x8xf32, #tpu.memory_space<vmem>>, %arg3: memref<8x2048xf32, #tpu.memory_space<vmem>>) attributes {dimension_semantics = [], scalar_prefetch = 0 : i64, scratch_operands = 0 : i64, tpu.core_type = #tpu.core_type<tc>} {
    %get3A = arith.constant 0 : index
    %get3A_0 = arith.constant 0 : index
    %get3A_1 = vector.load %arg1[%get3A, %get3A_0] : memref<1024x8xf32, #tpu.memory_space<vmem>>, vector<1024x8xf32>
    %get3A_2 = arith.constant 0 : index
    %get3A_3 = arith.constant 0 : index
    %get3A_4 = vector.load %arg0[%get3A_2, %get3A_3] : memref<2048x1024xf32, #tpu.memory_space<vmem>>, vector<2048x1024xf32>
    %dot_general3A = arith.constant dense<0.000000e+00> : vector<8x2048xf32>
    %dot_general3A_5 = tpu.matmul %get3A_1, %get3A_4, %dot_general3A {dimension_numbers = #tpu.dot_dimension_numbers<[0], [1], [1], [0], [0, 1, 1, 0], [], []>, transpose_lhs_hint = false} : vector<1024x8xf32>, vector<2048x1024xf32>, vector<8x2048xf32> -> vector<8x2048xf32>
    %get3A_6 = arith.constant 0 : index
    %get3A_7 = arith.constant 0 : index
    %get3A_8 = vector.load %arg2[%get3A_6, %get3A_7] : memref<1x8xf32, #tpu.memory_space<vmem>>, vector<1x8xf32>
    %reshape3A = vector.shape_cast %get3A_8 : vector<1x8xf32> to vector<8x1xf32>
    %add3A = vector.broadcast %reshape3A : vector<8x1xf32> to vector<8x2048xf32>
    %add3A_9 = arith.addf %dot_general3A_5, %add3A : vector<8x2048xf32>
    %div3A = arith.constant 2.71828175 : f32
    %div3A_10 = vector.broadcast %div3A : f32 to vector<8x2048xf32>
    %div3A_11 = arith.divf %add3A_9, %div3A_10 : vector<8x2048xf32>
    %swap3A = arith.constant 0 : index
    %swap3A_12 = arith.constant 0 : index
    %swap3A_13 = vector.load %arg3[%swap3A, %swap3A_12] : memref<8x2048xf32, #tpu.memory_space<vmem>>, vector<8x2048xf32>
    tpu.vector_store %arg3[%swap3A, %swap3A_12], %div3A_11 {strides = array<i32>} : memref<8x2048xf32, #tpu.memory_space<vmem>>, vector<8x2048xf32>,
    return
  }
}

module attributes {stable_mosaic.version = 14 : i64} {
  func.func @_experts_body(%arg0: i32, %arg1: memref<2048x1024xf32, #tpu.memory_space<vmem>>, %arg2: memref<8x2048xf32, #tpu.memory_space<vmem>>, %arg3: memref<8x1024xf32, #tpu.memory_space<vmem>>, %arg4: memref<1x1024x1024xf32, #tpu.memory_space<vmem>>, %arg5: memref<1x1x1024xf32, #tpu.memory_space<vmem>>, %arg6: memref<1x1024x1024xf32, #tpu.memory_space<vmem>>, %arg7: memref<1x1x1024xf32, #tpu.memory_space<vmem>>, %arg8: memref<1x1024x1024xf32, #tpu.memory_space<vmem>>, %arg9: memref<1x1x1024xf32, #tpu.memory_space<vmem>>, %arg10: memref<2048x1024xf32, #tpu.memory_space<vmem>>) attributes {dimension_semantics = [#tpu.dimension_semantics<arbitrary>], iteration_bounds = array<i64: 8>, scalar_prefetch = 0 : i64, scratch_operands = 0 : i64, tpu.core_type = #tpu.core_type<tc>, window_params = [{pipeline_mode = #tpu.pipeline_mode<synchronous>, transform_indices = @transform_0, window_bounds = array<i64: 2048, 1024>}, {pipeline_mode = #tpu.pipeline_mode<synchronous>, transform_indices = @transform_1, window_bounds = array<i64: 8, 2048>}, {pipeline_mode = #tpu.pipeline_mode<synchronous>, transform_indices = @transform_2, window_bounds = array<i64: 8, 1024>}, {transform_indices = @transform_3, window_bounds = array<i64: 1, 1024, 1024>}, {transform_indices = @transform_4, window_bounds = array<i64: 1, 1, 1024>}, {transform_indices = @transform_5, window_bounds = array<i64: 1, 1024, 1024>}, {transform_indices = @transform_6, window_bounds = array<i64: 1, 1, 1024>}, {transform_indices = @transform_7, window_bounds = array<i64: 1, 1024, 1024>}, {transform_indices = @transform_8, window_bounds = array<i64: 1, 1, 1024>}, {pipeline_mode = #tpu.pipeline_mode<synchronous>, transform_indices = @transform_9, window_bounds = array<i64: 2048, 1024>}]} {
    %eq3A = arith.constant 0 : i32
    %eq3A_0 = arith.cmpi eq, %arg0, %eq3A : i32
    %convert_element_type3A = arith.extui %eq3A_0 : i1 to i32
    %cond3A = arith.constant 0 : i32
    %cond3A_1 = arith.cmpi ne, %convert_element_type3A, %cond3A : i32
    scf.if %cond3A_1 {
      %get3A_52 = arith.constant 0 : index
      %get3A_53 = arith.constant 0 : index
      %get3A_54 = vector.load %arg2[%get3A_52, %get3A_53] : memref<8x2048xf32, #tpu.memory_space<vmem>>, vector<8x2048xf32>
      %transpose3A_55 = tpu.transpose %get3A_54, [1, 0] : vector<8x2048xf32> -> vector<2048x8xf32>
      %get3A_56 = arith.constant 0 : index
      %get3A_57 = arith.constant 0 : index
      %get3A_58 = vector.load %arg3[%get3A_56, %get3A_57] : memref<8x1024xf32, #tpu.memory_space<vmem>>, vector<8x1024xf32>
      %dot_general3A_59 = arith.constant dense<0.000000e+00> : vector<2048x1024xf32>
      %dot_general3A_60 = tpu.matmul %transpose3A_55, %get3A_58, %dot_general3A_59 {dimension_numbers = #tpu.dot_dimension_numbers<[1], [0], [0], [1], [0, 0, 1, 1], [], []>, transpose_lhs_hint = false} : vector<2048x8xf32>, vector<8x1024xf32>, vector<2048x1024xf32> -> vector<2048x1024xf32>
      %swap3A_61 = arith.constant 0 : index
      %swap3A_62 = arith.constant 0 : index
      %swap3A_63 = vector.load %arg10[%swap3A_61, %swap3A_62] : memref<2048x1024xf32, #tpu.memory_space<vmem>>, vector<2048x1024xf32>
      tpu.vector_store %arg10[%swap3A_61, %swap3A_62], %dot_general3A_60 {strides = array<i32>} : memref<2048x1024xf32, #tpu.memory_space<vmem>>, vector<2048x1024xf32>,
    } else {
    }
    %get3A = arith.index_cast %arg0 : i32 to index
    %get3A_2 = arith.constant 0 : index
    %get3A_3 = vector.load %arg2[%get3A, %get3A_2] : memref<8x2048xf32, #tpu.memory_space<vmem>>, vector<1x2048xf32>
    %transpose3A = tpu.transpose %get3A_3, [1, 0] : vector<1x2048xf32> -> vector<2048x1xf32>
    %get3A_4 = arith.constant 0 : index
    %get3A_5 = arith.constant 0 : index
    %get3A_6 = vector.load %arg1[%get3A_4, %get3A_5] : memref<2048x1024xf32, #tpu.memory_space<vmem>>, vector<2048x1024xf32>
    %get3A_7 = arith.constant 0 : index
    %get3A_8 = arith.constant 0 : index
    %get3A_9 = arith.constant 0 : index
    %get3A_10 = vector.load %arg4[%get3A_7, %get3A_8, %get3A_9] : memref<1x1024x1024xf32, #tpu.memory_space<vmem>>, vector<1x1024x1024xf32>
    %get3A_11 = vector.shape_cast %get3A_10 : vector<1x1024x1024xf32> to vector<1024x1024xf32>
    %dot_general3A = arith.constant dense<0.000000e+00> : vector<2048x1024xf32>
    %dot_general3A_12 = tpu.matmul %get3A_6, %get3A_11, %dot_general3A {dimension_numbers = #tpu.dot_dimension_numbers<[1], [0], [0], [1], [0, 0, 1, 1], [], []>, transpose_lhs_hint = false} : vector<2048x1024xf32>, vector<1024x1024xf32>, vector<2048x1024xf32> -> vector<2048x1024xf32>
    %get3A_13 = arith.constant 0 : index
    %get3A_14 = arith.constant 0 : index
    %get3A_15 = arith.constant 0 : index
    %get3A_16 = vector.load %arg5[%get3A_13, %get3A_14, %get3A_15] : memref<1x1x1024xf32, #tpu.memory_space<vmem>>, vector<1x1x1024xf32>
    %get3A_17 = vector.shape_cast %get3A_16 : vector<1x1x1024xf32> to vector<1x1024xf32>
    %add3A = vector.broadcast %get3A_17 : vector<1x1024xf32> to vector<2048x1024xf32>
    %add3A_18 = arith.addf %dot_general3A_12, %add3A : vector<2048x1024xf32>
    %max3A = arith.constant 0.000000e+00 : f32
    %max3A_19 = vector.broadcast %max3A : f32 to vector<2048x1024xf32>
    %max3A_20 = arith.maximumf %add3A_18, %max3A_19 : vector<2048x1024xf32>
    %get3A_21 = arith.constant 0 : index
    %get3A_22 = arith.constant 0 : index
    %get3A_23 = arith.constant 0 : index
    %get3A_24 = vector.load %arg6[%get3A_21, %get3A_22, %get3A_23] : memref<1x1024x1024xf32, #tpu.memory_space<vmem>>, vector<1x1024x1024xf32>
    %get3A_25 = vector.shape_cast %get3A_24 : vector<1x1024x1024xf32> to vector<1024x1024xf32>
    %dot_general3A_26 = arith.constant dense<0.000000e+00> : vector<2048x1024xf32>
    %dot_general3A_27 = tpu.matmul %max3A_20, %get3A_25, %dot_general3A_26 {dimension_numbers = #tpu.dot_dimension_numbers<[1], [0], [0], [1], [0, 0, 1, 1], [], []>, transpose_lhs_hint = false} : vector<2048x1024xf32>, vector<1024x1024xf32>, vector<2048x1024xf32> -> vector<2048x1024xf32>
    %get3A_28 = arith.constant 0 : index
    %get3A_29 = arith.constant 0 : index
    %get3A_30 = arith.constant 0 : index
    %get3A_31 = vector.load %arg7[%get3A_28, %get3A_29, %get3A_30] : memref<1x1x1024xf32, #tpu.memory_space<vmem>>, vector<1x1x1024xf32>
    %get3A_32 = vector.shape_cast %get3A_31 : vector<1x1x1024xf32> to vector<1x1024xf32>
    %add3A_33 = vector.broadcast %get3A_32 : vector<1x1024xf32> to vector<2048x1024xf32>
    %add3A_34 = arith.addf %dot_general3A_27, %add3A_33 : vector<2048x1024xf32>
    %max3A_35 = arith.constant 0.000000e+00 : f32
    %max3A_36 = vector.broadcast %max3A_35 : f32 to vector<2048x1024xf32>
    %max3A_37 = arith.maximumf %add3A_34, %max3A_36 : vector<2048x1024xf32>
    %mul3A = vector.broadcast %transpose3A : vector<2048x1xf32> to vector<2048x1024xf32>
    %mul3A_38 = arith.mulf %max3A_37, %mul3A : vector<2048x1024xf32>
    %get3A_39 = arith.constant 0 : index
    %get3A_40 = arith.constant 0 : index
    %get3A_41 = vector.load %arg10[%get3A_39, %get3A_40] : memref<2048x1024xf32, #tpu.memory_space<vmem>>, vector<2048x1024xf32>
    %get3A_42 = arith.constant 0 : index
    %get3A_43 = arith.constant 0 : index
    %get3A_44 = arith.constant 0 : index
    %get3A_45 = vector.load %arg8[%get3A_42, %get3A_43, %get3A_44] : memref<1x1024x1024xf32, #tpu.memory_space<vmem>>, vector<1x1024x1024xf32>
    %get3A_46 = vector.shape_cast %get3A_45 : vector<1x1024x1024xf32> to vector<1024x1024xf32>
    %dot_general3A_47 = arith.constant dense<0.000000e+00> : vector<2048x1024xf32>
    %dot_general3A_48 = tpu.matmul %mul3A_38, %get3A_46, %dot_general3A_47 {dimension_numbers = #tpu.dot_dimension_numbers<[1], [0], [0], [1], [0, 0, 1, 1], [], []>, transpose_lhs_hint = false} : vector<2048x1024xf32>, vector<1024x1024xf32>, vector<2048x1024xf32> -> vector<2048x1024xf32>
    %add3A_49 = arith.addf %get3A_41, %dot_general3A_48 : vector<2048x1024xf32>
    %swap3A = arith.constant 0 : index
    %swap3A_50 = arith.constant 0 : index
    %swap3A_51 = vector.load %arg10[%swap3A, %swap3A_50] : memref<2048x1024xf32, #tpu.memory_space<vmem>>, vector<2048x1024xf32>
    tpu.vector_store %arg10[%swap3A, %swap3A_50], %add3A_49 {strides = array<i32>} : memref<2048x1024xf32, #tpu.memory_space<vmem>>, vector<2048x1024xf32>,
    return
  }
  func.func @transform_0(%arg0: i32) -> (i32, i32) {
    %c0_i32 = arith.constant 0 : i32
    %c0_i32_0 = arith.constant 0 : i32
    %c0_i32_1 = arith.constant 0 : i32
    return %c0_i32, %c0_i32_0 : i32, i32
  }
  func.func @transform_1(%arg0: i32) -> (i32, i32) {
    %c0_i32 = arith.constant 0 : i32
    %c0_i32_0 = arith.constant 0 : i32
    %c0_i32_1 = arith.constant 0 : i32
    return %c0_i32, %c0_i32_0 : i32, i32
  }
  func.func @transform_2(%arg0: i32) -> (i32, i32) {
    %c0_i32 = arith.constant 0 : i32
    %c0_i32_0 = arith.constant 0 : i32
    %c0_i32_1 = arith.constant 0 : i32
    return %c0_i32, %c0_i32_0 : i32, i32
  }
  func.func @transform_3(%arg0: i32) -> (i32, i32, i32) {
    %c0_i32 = arith.constant 0 : i32
    %c0_i32_0 = arith.constant 0 : i32
    %c0_i32_1 = arith.constant 0 : i32
    return %arg0, %c0_i32, %c0_i32_0 : i32, i32, i32
  }
  func.func @transform_4(%arg0: i32) -> (i32, i32, i32) {
    %c0_i32 = arith.constant 0 : i32
    %c0_i32_0 = arith.constant 0 : i32
    %c0_i32_1 = arith.constant 0 : i32
    return %arg0, %c0_i32, %c0_i32_0 : i32, i32, i32
  }
  func.func @transform_5(%arg0: i32) -> (i32, i32, i32) {
    %c0_i32 = arith.constant 0 : i32
    %c0_i32_0 = arith.constant 0 : i32
    %c0_i32_1 = arith.constant 0 : i32
    return %arg0, %c0_i32, %c0_i32_0 : i32, i32, i32
  }
  func.func @transform_6(%arg0: i32) -> (i32, i32, i32) {
    %c0_i32 = arith.constant 0 : i32
    %c0_i32_0 = arith.constant 0 : i32
    %c0_i32_1 = arith.constant 0 : i32
    return %arg0, %c0_i32, %c0_i32_0 : i32, i32, i32
  }
  func.func @transform_7(%arg0: i32) -> (i32, i32, i32) {
    %c0_i32 = arith.constant 0 : i32
    %c0_i32_0 = arith.constant 0 : i32
    %c0_i32_1 = arith.constant 0 : i32
    return %arg0, %c0_i32, %c0_i32_0 : i32, i32, i32
  }
  func.func @transform_8(%arg0: i32) -> (i32, i32, i32) {
    %c0_i32 = arith.constant 0 : i32
    %c0_i32_0 = arith.constant 0 : i32
    %c0_i32_1 = arith.constant 0 : i32
    return %arg0, %c0_i32, %c0_i32_0 : i32, i32, i32
  }
  func.func @transform_9(%arg0: i32) -> (i32, i32) {
    %c0_i32 = arith.constant 0 : i32
    %c0_i32_0 = arith.constant 0 : i32
    %c0_i32_1 = arith.constant 0 : i32
    return %c0_i32, %c0_i32_0 : i32, i32
  }
}

</mosaic_0001>

<sc_bundles>
// kernel: kernel.5.cloned.1.call-start
scs
__scs_entry_jumppad:
0x0: {  	(pc) =	sbr.rel $0x88, $3  }
0x1: {  	(tag) =	ssettag $0x0;
	lr =	simm.s32 $0x1  }
0x2: {  	[smem:$0x3F98] =	sst lr;
	_ =	strace $0xD0000000  }
0x3: {  	_ = 	snop  }
0x4: {  	_ = 	snop  }
0x5: {  	_ = 	snop  }
0x6: {  	_ = 	snop  }
0x7: {  	_ = 	snop  }
__scs_overlays_trampoline_lowered:
0x8: {  	[smem:$0x3FA7] =	sst s0  }
0x9: {  	[smem:$0x3FA8] =	sst s1  }
0xa: {  	[smem:$0x3FA9] =	sst s2  }
0xb: {  	[smem:$0x3FAA] =	sst s3  }
0xc: {  	[smem:$0x3FAB] =	sst s4  }
0xd: {  	[smem:$0x3FAC] =	sst s5  }
0xe: {  	[smem:$0x3FAD] =	sst s6  }
0xf: {  	[smem:$0x3FAE] =	sst s7  }
0x10: {  	[smem:$0x3FAF] =	sst s8  }
0x11: {  	[smem:$0x3FB0] =	sst s9;
	s0 =	simm.s32 @!p0 $0x0  }
0x12: {  	s1 =	sld [smem:$0x3F96];
	s0 =	simm.s32 @p0 $0x1  }
0x13: {  	[smem:$0x3FB1] =	sst s0;
	s0 =	simm.s32 @!p1 $0x0  }
0x14: {  	s2 =	sld [smem:$0x3F95];
	s0 =	simm.s32 @p1 $0x1  }
0x15: {  	[smem:$0x3FB2] =	sst s0;
	s0 =	simm.s32 @!p2 $0x0  }
0x16: {  	s3 =	sld [smem:$0x3FDB];
	s0 =	simm.s32 @p2 $0x1  }
0x17: {  	s4 =	simm.s32 $0x1BF5;
	[smem:$0x3FB4] =	sst s0  }
0x18: {  	s0 =	sld [smem:$0x3F97];
	_ =	swait.ge [sflag:s4], $0x0  }
0x19: {  	s7 =	sld [smem:$0x3F98]  }
0x1a: {  	s8 =	sadd.s32 $0xFFFFE003, lr  }
0x1b: {  	s9 =	sadd.s32 $0xFFFFFEF7, lr;
	s5 =	simm.s32 $0xFFFFFFFF;
	p2 =	slt.u32 s8, $0xFFFFF086  }
0x1c: {  	p1 =	slt.u32 s9, $0xF7A;
	s5 =	simm.s32 @!p2 $0x0  }
0x1d: {  	s5 =	simm.s32 @p1 $0x1;
	p0 =	seq.s32 s7, s2  }
0x1e: {  	s7 =	smul.u32 @!p0 $0xF7A, s2;
	p2 =	seq.s32 @!p0 s5, $0x0  }
0x1f: {  	s9 =	smul.u32 $0xF7A, s1;
	s8 =	simm.s32 @!p0 $0x1BF5;
	p2 =	por !p2, p0  }
0x20: {  	[sflag:s8] =	ssyncset.s32 @!p0 $0xFFFFF086;
	s6 =	sadd.s32 @!p0 s3, s7;
	s7 =	simm.s32 @!p0 $0x108  }
0x21: {  	s3 =	sadd.s32 s3, s9;
	s6 =	sadd.s32 @!p0 $0x88, s6;
	s7 =	simm.s32 @p2 $0x1082  }
0x22: {  	[simem:s7], [sflag:s8] =	dma.local @!p0 [hbm:s6], $0xF7A  }
0x23: {  	s9 =	sor.u32 $0xD0000000, s2;
	s6 =	simm.s32 $0x108;
	_ =	swait.ge @!p0 [sflag:s8], $0x0  }
0x24: {  	s3 =	sadd.s32 $0x88, s3;
	s6 =	simm.s32 @!p1 $0x1082;
	[sflag:s4] =	ssyncset.s32 $0xFFFFF086  }
0x25: {  	[simem:s6], [sflag:s4] =	dma.local [hbm:s3], $0xF7A  }
0x26: {  	[smem:$0x3F98] =	sst s1;
	(tag) =	ssettag s2;
	_ =	strace s9  }
0x27: {  	s1 =	sld [smem:$0x3FA8]  }
0x28: {  	s2 =	sld [smem:$0x3FA9]  }
0x29: {  	s4 =	sld [smem:$0x3FAB]  }
0x2a: {  	p0 =	seq.s32 s5, $0x0;
	s5 =	sld [smem:$0x3FAC]  }
0x2b: {  	s6 =	sld [smem:$0x3FAD]  }
0x2c: {  	s7 =	sld [smem:$0x3FAE]  }
0x2d: {  	s3 =	simm.s32 $0x108;
	s8 =	sld [smem:$0x3FAF]  }
0x2e: {  	s3 =	simm.s32 @!p0 $0x1082;
	s9 =	sld [smem:$0x3FB0]  }
0x2f: {  	lr =	sadd.s32 s0, s3;
	s0 =	sld [smem:$0x3FA7]  }
0x30: {  	s3 =	sld [smem:$0x3FAA]  }
0x31: {  	[smem:$0x3FB3] =	sst s10  }
0x32: {  	s10 =	sld [smem:$0x3FB1];
	_ =	sdelay $0x3  }
0x33: {  	p0 =	seq.s32 s10, $0x1;
	s10 =	sld [smem:$0x3FB3];
	_ =	sdelay $0x3  }
0x34: {  	[smem:$0x3FB3] =	sst s10  }
0x35: {  	s10 =	sld [smem:$0x3FB2];
	_ =	sdelay $0x3  }
0x36: {  	p1 =	seq.s32 s10, $0x1;
	s10 =	sld [smem:$0x3FB3];
	_ =	sdelay $0x3  }
0x37: {  	[smem:$0x3FB3] =	sst s10  }
0x38: {  	s10 =	sld [smem:$0x3FB4]  }
0x39: {  	_ = 	snop;
	(pc) =	sbr.ind lr, $3  }
0x3a: {  	_ = 	snop  }
0x3b: {  	_ = 	snop  }
0x3c: {  	p2 =	seq.s32 s10, $0x1;
	s10 =	sld [smem:$0x3FB3]  }
0x3d: {  	_ =	shalt  }
0x3e: {  	_ =	shalt  }
0x3f: {  	_ =	shalt  }
0x40: {  	_ =	shalt  }
0x41: {  	_ =	shalt  }
0x42: {  	_ =	shalt  }
0x43: {  	_ =	shalt  }
0x44: {  	_ =	shalt  }
0x45: {  	_ =	shalt  }
0x46: {  	_ =	shalt  }
0x47: {  	_ =	shalt  }
0x48: {  	_ =	shalt  }
0x49: {  	_ =	shalt  }
0x4a: {  	_ =	shalt  }
0x4b: {  	_ =	shalt  }
0x4c: {  	_ =	shalt  }
0x4d: {  	_ =	shalt  }
0x4e: {  	_ =	shalt  }
0x4f: {  	_ =	shalt  }
0x50: {  	_ =	shalt  }
0x51: {  	_ =	shalt  }
0x52: {  	_ =	shalt  }
0x53: {  	_ =	shalt  }
0x54: {  	_ =	shalt  }
0x55: {  	_ =	shalt  }
0x56: {  	_ =	shalt  }
0x57: {  	_ =	shalt  }
0x58: {  	_ =	shalt  }
0x59: {  	_ =	shalt  }
0x5a: {  	_ =	shalt  }
0x5b: {  	_ =	shalt  }
0x5c: {  	_ =	shalt  }
0x5d: {  	_ =	shalt  }
0x5e: {  	_ =	shalt  }
0x5f: {  	_ =	shalt  }
0x60: {  	_ =	shalt  }
0x61: {  	_ =	shalt  }
0x62: {  	_ =	shalt  }
0x63: {  	_ =	shalt  }
0x64: {  	_ =	shalt  }
0x65: {  	_ =	shalt  }
0x66: {  	_ =	shalt  }
0x67: {  	_ =	shalt  }
0x68: {  	_ =	shalt  }
0x69: {  	_ =	shalt  }
0x6a: {  	_ =	shalt  }
0x6b: {  	_ =	shalt  }
0x6c: {  	_ =	shalt  }
0x6d: {  	_ =	shalt  }
0x6e: {  	_ =	shalt  }
0x6f: {  	_ =	shalt  }
0x70: {  	_ =	shalt  }
0x71: {  	_ =	shalt  }
0x72: {  	_ =	shalt  }
0x73: {  	_ =	shalt  }
0x74: {  	_ =	shalt  }
0x75: {  	_ =	shalt  }
0x76: {  	_ =	shalt  }
0x77: {  	_ =	shalt  }
0x78: {  	_ =	shalt  }
0x79: {  	_ =	shalt  }
0x7a: {  	_ =	shalt  }
0x7b: {  	_ =	shalt  }
0x7c: {  	_ =	shalt  }
0x7d: {  	_ =	shalt  }
0x7e: {  	_ =	shalt  }
0x7f: {  	_ =	shalt  }
0x80: {  	_ =	shalt  }
0x81: {  	_ =	shalt  }
0x82: {  	_ =	shalt  }
0x83: {  	_ =	shalt  }
0x84: {  	_ =	shalt  }
0x85: {  	_ =	shalt  }
0x86: {  	_ =	shalt  }
0x87: {  	_ =	shalt  }
.Lfunc_end0:
.L_simem_size_0:
called_computation_lowered:
.L_overlay_start_0:
0x88: {  	s2 =	sld [smem:$0x3FD9]  }
0x89: {  	s3 =	sld [smem:$0x3FFE];
	_ =	sdelay $0x1  }
0x8a: {  	s1 =	srdreg.scid  }
0x8b: {  	s0 =	sand.u32 $0x1, s1  }
0x8c: {  	s17 =	sshll.u32 s0, $0xA;
	s2 =	sadd.s32 s3, s2  }
0x8d: {  	s2 =	sadd.s32 s2, s17  }
0x8e: {  	[smem:$0x3FBF] =	sst s2  }
0x8f: {  	_ = 	snop  }
0x90: {  	s2 =	sld [smem:$0x3FD0];
	(tm) =	ssettm $0x1  }
0x91: {  	s18 =	sld [smem:$0x3FFB];
	_ =	sdelay $0x3  }
0x92: {  	_ =	strace s18  }
0x93: {  	s3 =	sld [smem:$0x3FFC];
	_ =	sdelay $0x3  }
0x94: {  	_ =	strace s3  }
0x95: {  	s3 =	sld [smem:$0x3FFD];
	_ =	sdelay $0x3  }
0x96: {  	_ =	strace s3  }
0x97: {  	_ =	strace $0x8FFFFFFF  }
0x98: {  	s19 =	sld [smem:$0x3FDB];
	_ =	sdelay $0x1  }
0x99: {  	s4 =	simm.s32 $_scs_section_size  }
0x9a: {  	s5 =	simm.s32 $_size__tile_overlayer_lowered;
	s6 =	simm.s32 $_tile_overlayer_lowered  }
0x9b: {  	s22 =	simm.s32 $0x1BFF;
	s21 =	sshll.u32 s6, $0x1;
	s3 =	sadd.s32 s4, s19  }
0x9c: {  	s7 =	simm.s32 $0x0;
	s20 =	sshll.u32 s5, $0x1;
	s5 =	sadd.s32 s21, s3  }
0x9d: {  	[timem:s7], [sflag:s22] =	dma.local [hbm:s5], s20  }
0x9e: {  	_ =	swait.ge [sflag:s22], s20  }
0x9f: {  	s4 =	ssub.s32 $0x0, s20;
	[sflag:s22] =	ssyncset.done $0x0  }
0xa0: {  	[sflag:s22] =	ssyncadd.s32 s4;
	_ =	sdelay $0x1  }
0xa1: {  	s23 =	simm.s32 $0x1B8B  }
0xa2: {  	_ =	swait.ge [sflag:s23], $0x1  }
0xa3: {  	[sflag:s23] =	ssyncset.done $0x0  }
0xa4: {  	s25 =	simm.s32 $0x1B8E;
	s24 =	sld [smem:$0x3FFE];
	[sflag:s23] =	ssyncadd.s32 $0xFFFFFFFF  }
0xa5: {  	s26 =	simm.s32 $execute0_lowered;
	[smem:$0x3FD2] =	sst s25  }
0xa6: {  	s5 =	sshll.u32 s26, $0x1;
	_ =	strace $0x80000046;
	[dreg:$0x1] =	wrdreg $0xFFFFFFFF  }
0xa7: {  	s28 =	simm.s32 $_size_execute0_lowered;
	s3 =	sadd.s32 s3, s5;
	[dreg:$0x0] =	wrdreg $0x0  }
0xa8: {  	s5 =	sshll.u32 s28, $0x1;
	[dreg:$0x2] =	wrdreg s3  }
0xa9: {  	[dreg:$0x3] =	wrdreg s5  }
0xaa: {  	[dreg:$0x4] =	wrdreg $0xC0  }
0xab: {  	_ =	task [dreg:s7], $0x5FFFF  }
0xac: {  	[dreg:$0x1] =	wrdreg $0xFFFFFFFF  }
0xad: {  	[dreg:$0x0] =	wrdreg $0x60  }
0xae: {  	[dreg:$0x2] =	wrdreg s2  }
0xaf: {  	[dreg:$0x3] =	wrdreg s24  }
0xb0: {  	[dreg:$0x4] =	wrdreg $0x9  }
0xb1: {  	_ =	task.clear_ibuf [dreg:s7], $0x5FFFF;
	_ =	strace $0x90000046  }
0xb2: {  	s29 =	simm.s32 $0x9;
	_ =	strace $0x80000048  }
0xb3: {  	_ =	swait.ge [sflag:s29], $0x1  }
0xb4: {  	[sflag:s29] =	ssyncadd.s32 $0xFFFFFFFF  }
0xb5: {  	_ =	strace $0x90000048  }
0xb6: {  	_ =	sfence  }
0xb7: {  	s30 =	sld [smem:$0x0];
	_ =	sdelay $0x2  }
0xb8: {  	s31 =	sshll.u32 s1, $0xD;
	s1 =	sshrl.u32 s1, $0x2  }
0xb9: {  	s3 =	sand.u32 $0x4000, s31;
	s1 =	sadd.s32 s1, s30  }
0xba: {  	s0 =	sor.u32 s3, s0;
	s1 =	sshll.u32 s1, $0x11  }
0xbb: {  	s0 =	sor.u32 s1, s0  }
0xbc: {  	s0 =	sadd.s32 $0x8F2B, s0  }
0xbd: {  	[sflag:s0] =	ssyncadd.remote.s32 $0x1  }
0xbe: {  	_ =	sfence.sel $0xFFFF  }
0xbf: {  	[dreg:$0x0] =	wrdreg $0xFFFFFFFF;
	(pc) =	sbr.abs _section_cstart, $3  }
0xc0: {  	[dreg:$0x1] =	wrdreg $0xFFFFFFFF  }
0xc1: {  	_ =	task.clear_ibuf [dreg:s7], $0x2FFFF;
	_ =	strace $0x9FFFFFFF  }
0xc2: {  	(tm) =	ssettm $0x7FFFFFFF  }
0xc3: {  	_ =	shalt  }
tec
execute0_lowered:
.L_overlay_start_1:
0x0: {  	(tag) =	ssettag $0x1  }
0x1: {  	s0 =	rddreg [dreg:$0x0]  }
0x2: {  	s3 =	rddreg [dreg:$0x1];
	s2 =	simm.s32 $0x0  }
0x3: {  	s4 =	srdreg.scid;
	s1 =	stileid.u32;
	s18 =	simm.s32 $0x180  }
0x4: {  	s19 =	simm.s32 $0x200;
	s20 =	simm.s32 $0x280;
	s21 =	simm.s32 $0x300  }
0x5: {  	s28 =	simm.s32 $0x580;
	s29 =	simm.s32 $0x600;
	s30 =	simm.s32 $0x680  }
0x6: {  	s31 =	simm.s32 $0x700;
	[smem:$0x7FF] =	sst s2;
	s4 =	sand.u32 $0x1, s4  }
0x7: {  	s6 =	sshll.u32 s1, $0x7;
	s5 =	ssub.s32 $0x2, s4;
	s4 =	sshll.u32 s4, $0x3  }
0x8: {  	s14 =	sadd.s32 $0xA00, s3;
	s22 =	sshrl.u32 s5, $0x1;
	s7 =	sor.u32 s4, s6  }
0x9: {  	_ =	strace $0x80000047;
	s15 =	ssub.s32 s5, s22;
	s23 =	sadd.s32 s0, s7  }
0xa: {  	s8 =	sor.u32 $0x10, s7;
	s9 =	sor.u32 $0x20, s7;
	s10 =	sor.u32 $0x30, s7  }
0xb: {  	s11 =	sor.u32 $0x40, s7;
	s12 =	sor.u32 $0x50, s7;
	s13 =	sor.u32 $0x60, s7  }
0xc: {  	s16 =	sor.u32 $0x70, s7;
	s7 =	sadd.s32 s14, s7;
	s22 =	simm.s32 $0x380  }
0xd: {  	[dreg:$0x3] =	wrdreg s23;
	s24 =	sadd.s32 s0, s8;
	s25 =	sadd.s32 s0, s9  }
0xe: {  	s26 =	sadd.s32 s0, s10;
	s3 =	sadd.s32 s0, s11;
	s4 =	sadd.s32 s0, s12  }
0xf: {  	s5 =	sadd.s32 s0, s13;
	s6 =	sadd.s32 s0, s16;
	s8 =	sadd.s32 s14, s8  }
0x10: {  	s9 =	sadd.s32 s14, s9;
	s10 =	sadd.s32 s14, s10;
	s11 =	sadd.s32 s14, s11  }
0x11: {  	s12 =	sadd.s32 s14, s12;
	s13 =	sadd.s32 s14, s13;
	[dreg:$0x4] =	wrdreg s24  }
0x12: {  	s14 =	sadd.s32 s14, s16;
	s15 =	smax.u32 s15, $0x1;
	[dreg:$0x5] =	wrdreg s25  }
0x13: {  	s23 =	simm.s32 $0x1;
	s0 =	simm.s32 $0x780;
	[dreg:$0x6] =	wrdreg s26  }
0x14: {  	v0 =	vimm.f32 $0.0e+00;
	s24 =	simm.s32 $0x400;
	s25 =	simm.s32 $0x480;
	s26 =	simm.s32 $0x500  }
.LBB2_1:
0x15: {  	s1 =	rddreg [dreg:$0x3]  }
0x16: {  	[tilespmem:s2], [sflag:$0x1] =	stream.linear.gather [hbm4b:s1+s2], $0x40, $0x38;
	[tilespmem:$0x800] =	vst v63  }
0x17: {  	s16 =	rddreg [dreg:$0x4];
	s17 =	simm.s32 $0x80  }
0x18: {  	[tilespmem:s17], [sflag:$0x1] =	stream.linear.gather [hbm4b:s16+s2], $0x40, $0x38;
	[tilespmem:$0x800] =	vst v63  }
0x19: {  	s1 =	rddreg [dreg:$0x5];
	s17 =	simm.s32 $0x100  }
0x1a: {  	[tilespmem:s17], [sflag:$0x1] =	stream.linear.gather [hbm4b:s1+s2], $0x40, $0x38;
	[tilespmem:$0x800] =	vst v63  }
0x1b: {  	s16 =	rddreg [dreg:$0x6]  }
0x1c: {  	[tilespmem:s18], [sflag:$0x1] =	stream.linear.gather [hbm4b:s16+s2], $0x40, $0x38;
	[tilespmem:$0x800] =	vst v63  }
0x1d: {  	_ = 	snop  }
0x1e: {  	[tilespmem:s19], [sflag:$0x1] =	stream.linear.gather [hbm4b:s3+s2], $0x40, $0x38;
	[tilespmem:$0x800] =	vst v63  }
0x1f: {  	_ = 	snop  }
0x20: {  	[tilespmem:s20], [sflag:$0x1] =	stream.linear.gather [hbm4b:s4+s2], $0x40, $0x38;
	[tilespmem:$0x800] =	vst v63  }
0x21: {  	_ = 	snop  }
0x22: {  	[tilespmem:s21], [sflag:$0x1] =	stream.linear.gather [hbm4b:s5+s2], $0x40, $0x38;
	[tilespmem:$0x800] =	vst v63  }
0x23: {  	_ = 	snop  }
0x24: {  	[tilespmem:s22], [sflag:$0x1] =	stream.linear.gather [hbm4b:s6+s2], $0x40, $0x38;
	[tilespmem:$0x800] =	vst v63  }
0x25: {  	_ =	swait.ge [sflag:s23], $0x40  }
0x26: {  	[sflag:s23] =	ssyncset.done $0x0  }
0x27: {  	[sflag:s23] =	ssyncadd.s32 $0xFFFFFFC0  }
0x28: {  	_ =	swait.ge [sflag:s23], $0x40  }
0x29: {  	[sflag:s23] =	ssyncset.done $0x0  }
0x2a: {  	[sflag:s23] =	ssyncadd.s32 $0xFFFFFFC0  }
0x2b: {  	_ =	swait.ge [sflag:s23], $0x40  }
0x2c: {  	[sflag:s23] =	ssyncset.done $0x0  }
0x2d: {  	[sflag:s23] =	ssyncadd.s32 $0xFFFFFFC0  }
0x2e: {  	_ =	swait.ge [sflag:s23], $0x40  }
0x2f: {  	[sflag:s23] =	ssyncset.done $0x0  }
0x30: {  	[sflag:s23] =	ssyncadd.s32 $0xFFFFFFC0  }
0x31: {  	_ =	swait.ge [sflag:s23], $0x40  }
0x32: {  	[sflag:s23] =	ssyncset.done $0x0  }
0x33: {  	[sflag:s23] =	ssyncadd.s32 $0xFFFFFFC0  }
0x34: {  	_ =	swait.ge [sflag:s23], $0x40  }
0x35: {  	[sflag:s23] =	ssyncset.done $0x0  }
0x36: {  	[sflag:s23] =	ssyncadd.s32 $0xFFFFFFC0  }
0x37: {  	_ =	swait.ge [sflag:s23], $0x40  }
0x38: {  	[sflag:s23] =	ssyncset.done $0x0  }
0x39: {  	[sflag:s23] =	ssyncadd.s32 $0xFFFFFFC0  }
0x3a: {  	_ =	swait.ge [sflag:s23], $0x40  }
0x3b: {  	[sflag:s23] =	ssyncset.done $0x0  }
0x3c: {  	[sflag:s23] =	ssyncadd.s32 $0xFFFFFFC0  }
0x3d: {  	v1 =	vld [tilespmem:$0x0]  }
0x3e: {  	v2 =	vld [tilespmem:$0x80]  }
0x3f: {  	v3 =	vld [tilespmem:$0x100]  }
0x40: {  	v4 =	vld [tilespmem:$0x180]  }
0x41: {  	v5 =	vld [tilespmem:$0x200]  }
0x42: {  	v6 =	vld [tilespmem:$0x280]  }
0x43: {  	v7 =	vld [tilespmem:$0x300];
	v8 =	vmax.f32 v1, v2  }
0x44: {  	v9 =	vld [tilespmem:$0x380];
	v8 =	vmax.f32 v8, v3  }
0x45: {  	v8 =	vmax.f32 v8, v4  }
0x46: {  	v8 =	vmax.f32 v8, v5  }
0x47: {  	v8 =	vmax.f32 v8, v6  }
0x48: {  	v8 =	vmax.f32 v8, v7  }
0x49: {  	v8 =	vmax.f32 v8, v9  }
0x4a: {  	v1 =	vsub.f32 v1, v8  }
0x4b: {  	v2 =	vsub.f32 v2, v8  }
0x4c: {  	v1 =	vmul.f32 $1.442695020e+00, v1  }
0x4d: {  	v3 =	vsub.f32 v3, v8;
	v2 =	vmul.f32 $1.442695020e+00, v2  }
0x4e: {  	(erf) = vpow2.f32 v1  }
0x4f: {  	v1 =	vmul.f32 $1.442695020e+00, v3;
	(erf) = vpow2.f32 v2;
	v2 =	vsub.f32 v4, v8;
	_ =	sdelay $0x1  }
0x50: {  	(erf) = vpow2.f32 v1;
	v1 =	vmul.f32 $1.442695020e+00, v2;
	v2 =	vsub.f32 v5, v8;
	_ =	sdelay $0x1  }
0x51: {  	(erf) = vpow2.f32 v1;
	v1 =	vmul.f32 $1.442695020e+00, v2;
	v2 =	vsub.f32 v6, v8;
	_ =	sdelay $0x1  }
0x52: {  	(erf) = vpow2.f32 v1;
	v1 =	vmul.f32 $1.442695020e+00, v2;
	v2 =	vsub.f32 v7, v8;
	_ =	sdelay $0x1  }
0x53: {  	v3 =	vpop (erf);
	(erf) = vpow2.f32 v1;
	v1 =	vmul.f32 $1.442695020e+00, v2;
	v2 =	vsub.f32 v9, v8  }
0x54: {  	v58 =	vpop (erf)  }
0x55: {  	(erf) = vpow2.f32 v1;
	v1 =	vmul.f32 $1.442695020e+00, v2;
	v2 =	vadd.f32 v58, v3;
	_ =	sdelay $0x1  }
0x56: {  	v59 =	vpop (erf)  }
0x57: {  	(erf) = vpow2.f32 v1;
	v1 =	vadd.f32 v2, v59  }
0x58: {  	v2 =	vpop (erf)  }
0x59: {  	v1 =	vadd.f32 v1, v2  }
0x5a: {  	v60 =	vpop (erf)  }
0x5b: {  	v1 =	vadd.f32 v1, v60  }
0x5c: {  	v61 =	vpop (erf)  }
0x5d: {  	v1 =	vadd.f32 v1, v61  }
0x5e: {  	v62 =	vpop (erf)  }
0x5f: {  	v1 =	vadd.f32 v1, v62  }
0x60: {  	v14 =	vpop (erf)  }
0x61: {  	v1 =	vadd.f32 v1, v14;
	_ =	sdelay $0x1  }
0x62: {  	(erf) = vrcp.f32 v1;
	_ =	sdelay $0x8  }
0x63: {  	v1 =	vpop (erf)  }
0x64: {  	v12 =	vmul.f32 v1, v3;
	v13 =	vmul.f32 v1, v58  }
0x65: {  	v11 =	vmul.f32 v1, v59;
	v10 =	vmul.f32 v1, v2  }
0x66: {  	v63 =	vmul.f32 v1, v60;
	v6 =	vmul.f32 v1, v61  }
0x67: {  	v7 =	vmul.f32 v1, v62;
	v8 =	vmul.f32 v1, v14;
	vm0 =	vgt.f32 v13, v12  }
0x68: {  	vm1 =	vgt.f32 v11, v12;
	vm15 =	vgt.f32 v10, v12;
	vm4 =	vgt.f32 v63, v12  }
0x69: {  	vm5 =	vgt.f32 v6, v12;
	vm6 =	vge.f32 v12, v13;
	vm2 =	vgt.f32 v11, v13  }
0x6a: {  	vm7 =	vgt.f32 v7, v12;
	vm8 =	vgt.f32 v10, v13;
	vm9 =	vgt.f32 v8, v12  }
0x6b: {  	vm10 =	vgt.f32 v63, v13;
	vm11 =	vge.f32 v12, v11;
	vm12 =	vge.f32 v13, v11  }
0x6c: {  	vm13 =	vgt.f32 v6, v13;
	vm14 =	vgt.f32 v10, v11;
	v2 =	vsel vm0, $0x3F800000, v0  }
0x6d: {  	v3 =	vsel vm1, $0x3F800000, v0;
	v19 =	vsel vm2, $0x3F800000, v0;
	v20 =	vsel vm8, $0x3F800000, v0  }
0x6e: {  	v21 =	vsel vm10, $0x3F800000, v0;
	v22 =	vsel vm11, $0x3F800000, v0;
	v23 =	vsel vm12, $0x3F800000, v0  }
0x6f: {  	v24 =	vsel vm13, $0x3F800000, v0;
	v25 =	vsel vm14, $0x3F800000, v0;
	vm8 =	vgt.f32 v7, v11  }
0x70: {  	vm10 =	vge.f32 v13, v10;
	vm11 =	vgt.f32 v8, v11;
	vm12 =	vge.f32 v11, v10  }
0x71: {  	vm14 =	vgt.f32 v63, v10;
	v2 =	vadd.f32 v3, v2;
	v3 =	vsel vm15, $0x3F800000, v0  }
0x72: {  	v4 =	vadd.f32 v23, v22;
	vm15 =	vgt.f32 v7, v13;
	v28 =	vsel vm10, $0x3F800000, v0  }
0x73: {  	v29 =	vsel vm11, $0x3F800000, v0;
	v31 =	vsel vm14, $0x3F800000, v0;
	vm10 =	vge.f32 v10, v63  }
0x74: {  	vm11 =	vge.f32 v12, v6;
	vm14 =	vge.f32 v11, v6;
	v26 =	vsel vm15, $0x3F800000, v0  }
0x75: {  	v37 =	vsel vm10, $0x3F800000, v0;
	v38 =	vsel vm11, $0x3F800000, v0;
	v40 =	vsel vm14, $0x3F800000, v0  }
0x76: {  	vm10 =	vgt.f32 v8, v6;
	vm11 =	vge.f32 v12, v7;
	v2 =	vadd.f32 v2, v3  }
0x77: {  	v3 =	vsel vm4, $0x3F800000, v0;
	v4 =	vadd.f32 v4, v25;
	vm4 =	vgt.f32 v63, v11  }
0x78: {  	v47 =	vsel vm10, $0x3F800000, v0;
	v1 =	vadd.f32 v2, v3;
	v3 =	vsel vm6, $0x3F800000, v0  }
0x79: {  	v48 =	vsel vm11, $0x3F800000, v0;
	v2 =	vsel vm5, $0x3F800000, v0;
	v3 =	vadd.f32 v19, v3  }
0x7a: {  	vm10 =	vge.f32 v63, v8;
	vm11 =	vgt.f32 v8, v7;
	v1 =	vadd.f32 v1, v2  }
0x7b: {  	vm6 =	vgt.f32 v6, v11;
	v2 =	vsel vm7, $0x3F800000, v0;
	v3 =	vadd.f32 v3, v20  }
0x7c: {  	vm5 =	vgt.f32 v8, v13;
	v27 =	vsel vm6, $0x3F800000, v0;
	v1 =	vadd.f32 v1, v2  }
0x7d: {  	vm6 =	vge.f32 v13, v63;
	v2 =	vsel vm9, $0x3F800000, v0;
	v3 =	vadd.f32 v3, v21  }
0x7e: {  	v15 =	vsel vm6, $0x3F800000, v0;
	vm6 =	vgt.f32 v8, v63;
	v1 =	vadd.f32 v1, v2  }
0x7f: {  	v43 =	vsel vm6, $0x3F800000, v0;
	vm6 =	vge.f32 v11, v8;
	v3 =	vadd.f32 v3, v24  }
0x80: {  	vm9 =	vge.f32 v12, v10;
	vm7 =	vlt.f32 v1, $5.000000000e+00;
	v1 =	vsel vm5, $0x3F800000, v0  }
0x81: {  	vm5 =	vge.f32 v12, v63;
	v2 =	vadd.f32 v3, v26;
	v3 =	vsel vm4, $0x3F800000, v0  }
0x82: {  	vm4 =	vgt.f32 v6, v10;
	v34 =	vsel vm5, $0x3F800000, v0;
	v3 =	vadd.f32 v4, v3  }
0x83: {  	v33 =	vsel vm4, $0x3F800000, v0;
	v14 =	vadd.f32 v15, v34;
	vm4 =	vge.f32 v10, v6  }
0x84: {  	v1 =	vadd.f32 v2, v1;
	v42 =	vsel vm4, $0x3F800000, v0;
	v2 =	vadd.f32 v3, v27  }
0x85: {  	vm4 =	vge.f32 v13, v8;
	v3 =	vsel vm8, $0x3F800000, v0;
	vm8 =	vge.f32 v11, v63  }
0x86: {  	vm13 =	vlt.f32 v1, $5.000000000e+00;
	v2 =	vadd.f32 v2, v3;
	v3 =	vsel vm9, $0x3F800000, v0  }
0x87: {  	v1 =	vsel vm12, $0x3F800000, v0;
	v35 =	vsel vm8, $0x3F800000, v0;
	v3 =	vadd.f32 v28, v3  }
0x88: {  	vm12 =	vge.f32 v13, v6;
	vm8 =	vgt.f32 v7, v6;
	vm9 =	vgt.f32 v8, v10  }
0x89: {  	v14 =	vadd.f32 v14, v35;
	v39 =	vsel vm12, $0x3F800000, v0;
	v30 =	vadd.f32 v3, v1  }
0x8a: {  	v46 =	vsel vm8, $0x3F800000, v0;
	v15 =	vadd.f32 v39, v38;
	v2 =	vadd.f32 v2, v29  }
0x8b: {  	v36 =	vsel vm9, $0x3F800000, v0;
	v14 =	vadd.f32 v14, v37;
	v4 =	vadd.f32 v30, v31  }
0x8c: {  	v3 =	vnsel vm7, $0x0, v12;
	v1 =	vnsel vm13, $0x0, v13;
	vm7 =	vgt.f32 v7, v10  }
0x8d: {  	vm13 =	vgt.f32 v6, v63;
	v15 =	vadd.f32 v15, v40;
	v4 =	vadd.f32 v4, v33  }
0x8e: {  	vm15 =	vlt.f32 v2, $5.000000000e+00;
	v32 =	vadd.f32 v1, v3;
	v16 =	vsel vm7, $0x3F800000, v0  }
0x8f: {  	v17 =	vsel vm13, $0x3F800000, v0;
	vm7 =	vge.f32 v63, v6;
	v4 =	vadd.f32 v4, v16  }
0x90: {  	v2 =	vnsel vm15, $0x0, v11;
	v14 =	vadd.f32 v14, v17;
	vm15 =	vgt.f32 v7, v63  }
0x91: {  	v15 =	vadd.f32 v15, v42;
	v41 =	vsel vm15, $0x3F800000, v0;
	v4 =	vadd.f32 v4, v36  }
0x92: {  	vm12 =	vge.f32 v13, v7;
	v44 =	vsel vm7, $0x3F800000, v0;
	v14 =	vadd.f32 v14, v41  }
0x93: {  	v5 =	vadd.f32 v32, v2;
	v15 =	vadd.f32 v15, v44;
	vm5 =	vlt.f32 v4, $5.000000000e+00  }
0x94: {  	v49 =	vsel vm12, $0x3F800000, v0;
	v14 =	vadd.f32 v14, v43;
	v4 =	vnsel vm5, $0x0, v10  }
0x95: {  	vm15 =	vge.f32 v12, v8;
	v45 =	vadd.f32 v5, v4;
	v5 =	vadd.f32 v15, v46  }
0x96: {  	v13 =	vsel vm4, $0x3F800000, v0;
	vm13 =	vge.f32 v11, v7;
	v12 =	vsel vm15, $0x3F800000, v0  }
0x97: {  	vm9 =	vlt.f32 v14, $5.000000000e+00;
	v15 =	vadd.f32 v49, v48;
	v14 =	vadd.f32 v5, v47  }
0x98: {  	v53 =	vsel vm6, $0x3F800000, v0;
	v50 =	vsel vm13, $0x3F800000, v0;
	v12 =	vadd.f32 v13, v12  }
0x99: {  	v55 =	vld [tilespmem:$0x10];
	vm5 =	vge.f32 v10, v7;
	vm14 =	vlt.f32 v14, $5.000000000e+00;
	v14 =	vadd.f32 v15, v50  }
0x9a: {  	v57 =	vld [tilespmem:$0x90];
	vm8 =	vge.f32 v10, v8;
	v12 =	vadd.f32 v12, v53;
	v51 =	vsel vm5, $0x3F800000, v0  }
0x9b: {  	v59 =	vld [tilespmem:$0x110];
	v56 =	vsel vm8, $0x3F800000, v0;
	vm7 =	vge.f32 v63, v7;
	v52 =	vadd.f32 v14, v51  }
0x9c: {  	v60 =	vsel vm10, $0x3F800000, v0;
	v54 =	vsel vm7, $0x3F800000, v0;
	v12 =	vadd.f32 v12, v56  }
0x9d: {  	v61 =	vld [tilespmem:$0x190];
	v5 =	vnsel vm9, $0x0, v63;
	vm9 =	vge.f32 v6, v7;
	v11 =	vadd.f32 v52, v54  }
0x9e: {  	vm12 =	vge.f32 v6, v8;
	v12 =	vadd.f32 v12, v60;
	v58 =	vsel vm9, $0x3F800000, v0  }
0x9f: {  	v19 =	vmax.f32 v55, v57;
	v23 =	vsel vm12, $0x3F800000, v0;
	v63 =	vld [tilespmem:$0x210];
	v11 =	vadd.f32 v11, v58  }
0xa0: {  	v18 =	vld [tilespmem:$0x290];
	v62 =	vsel vm11, $0x3F800000, v0;
	v19 =	vmax.f32 v19, v59;
	v12 =	vadd.f32 v12, v23  }
0xa1: {  	v24 =	vld [tilespmem:$0x310];
	vm13 =	vge.f32 v7, v8;
	v16 =	vadd.f32 v45, v5;
	v11 =	vadd.f32 v11, v62  }
0xa2: {  	v21 =	vld [tilespmem:$0x390];
	v26 =	vmax.f32 v19, v61;
	v20 =	vsel vm13, $0x3F800000, v0;
	v6 =	vnsel vm14, $0x0, v6  }
0xa3: {  	v25 =	vadd.f32 v12, v20;
	v16 =	vadd.f32 v16, v6;
	vm14 =	vlt.f32 v11, $5.000000000e+00  }
0xa4: {  	v12 =	vmax.f32 v26, v63;
	v7 =	vnsel vm14, $0x0, v7  }
0xa5: {  	vm15 =	vlt.f32 v25, $5.000000000e+00;
	v27 =	vmax.f32 v12, v18;
	v16 =	vadd.f32 v16, v7  }
0xa6: {  	v8 =	vnsel vm15, $0x0, v8;
	v11 =	vmax.f32 v27, v24  }
0xa7: {  	v11 =	vmax.f32 v11, v21;
	v28 =	vadd.f32 v16, v8  }
0xa8: {  	v10 =	vsub.f32 v55, v11  }
0xa9: {  	v14 =	vsub.f32 v57, v11;
	v12 =	vadd.f32 $9.999999930e-09, v28  }
0xaa: {  	v10 =	vmul.f32 $1.442695020e+00, v10  }
0xab: {  	v9 =	vsub.f32 v59, v11;
	v29 =	vmul.f32 $1.442695020e+00, v14;
	(erf) = vrcp.f32 v12  }
0xac: {  	(erf) = vpow2.f32 v10  }
0xad: {  	v30 =	vsub.f32 v61, v11;
	v9 =	vmul.f32 $1.442695020e+00, v9;
	(erf) = vpow2.f32 v29;
	_ =	sdelay $0x1  }
0xae: {  	v32 =	vsub.f32 v63, v11;
	v31 =	vmul.f32 $1.442695020e+00, v30;
	(erf) = vpow2.f32 v9;
	_ =	sdelay $0x1  }
0xaf: {  	v34 =	vsub.f32 v18, v11;
	v33 =	vmul.f32 $1.442695020e+00, v32;
	(erf) = vpow2.f32 v31;
	_ =	sdelay $0x1  }
0xb0: {  	v35 =	vsub.f32 v24, v11;
	v10 =	vmul.f32 $1.442695020e+00, v34;
	(erf) = vpow2.f32 v33  }
0xb1: {  	v9 =	vpop (erf)  }
0xb2: {  	v11 =	vsub.f32 v21, v11;
	v37 =	vmul.f32 $1.442695020e+00, v35;
	v36 =	vpop (erf);
	(erf) = vpow2.f32 v10  }
0xb3: {  	v38 =	vpop (erf)  }
0xb4: {  	v39 =	vmul.f32 $1.442695020e+00, v11;
	(erf) = vpow2.f32 v37;
	v40 =	vadd.f32 v38, v36  }
0xb5: {  	v41 =	vpop (erf)  }
0xb6: {  	(erf) = vpow2.f32 v39;
	v42 =	vadd.f32 v40, v41  }
0xb7: {  	v43 =	vpop (erf)  }
0xb8: {  	v10 =	vadd.f32 v42, v43  }
0xb9: {  	v44 =	vpop (erf)  }
0xba: {  	v10 =	vadd.f32 v10, v44  }
0xbb: {  	v45 =	vpop (erf)  }
0xbc: {  	v10 =	vadd.f32 v10, v45  }
0xbd: {  	v46 =	vpop (erf)  }
0xbe: {  	v10 =	vadd.f32 v10, v46  }
0xbf: {  	v23 =	vpop (erf)  }
0xc0: {  	v10 =	vadd.f32 v10, v23;
	_ =	sdelay $0x1  }
0xc1: {  	(erf) = vrcp.f32 v10;
	_ =	sdelay $0x8  }
0xc2: {  	v10 =	vpop (erf)  }
0xc3: {  	v21 =	vmul.f32 v10, v36;
	v22 =	vmul.f32 v10, v38  }
0xc4: {  	v20 =	vmul.f32 v10, v41;
	v19 =	vmul.f32 v10, v43  }
0xc5: {  	v18 =	vmul.f32 v10, v44;
	v15 =	vmul.f32 v10, v45  }
0xc6: {  	v16 =	vmul.f32 v10, v46;
	v17 =	vmul.f32 v10, v23;
	vm4 =	vgt.f32 v22, v21  }
0xc7: {  	vm5 =	vgt.f32 v20, v21;
	vm6 =	vgt.f32 v19, v21;
	vm7 =	vgt.f32 v18, v21  }
0xc8: {  	vm8 =	vgt.f32 v15, v21;
	vm9 =	vge.f32 v21, v22;
	vm10 =	vgt.f32 v20, v22  }
0xc9: {  	vm11 =	vgt.f32 v16, v21;
	vm12 =	vgt.f32 v19, v22;
	vm13 =	vgt.f32 v17, v21  }
0xca: {  	vm14 =	vgt.f32 v18, v22;
	vm15 =	vge.f32 v21, v20;
	v47 =	vsel vm4, $0x3F800000, v0  }
0xcb: {  	v48 =	vsel vm5, $0x3F800000, v0;
	v49 =	vsel vm6, $0x3F800000, v0;
	v50 =	vsel vm7, $0x3F800000, v0  }
0xcc: {  	v52 =	vsel vm8, $0x3F800000, v0;
	v53 =	vsel vm9, $0x3F800000, v0;
	v54 =	vsel vm10, $0x3F800000, v0  }
0xcd: {  	v55 =	vsel vm11, $0x3F800000, v0;
	v56 =	vsel vm12, $0x3F800000, v0;
	v57 =	vsel vm13, $0x3F800000, v0  }
0xce: {  	v58 =	vsel vm14, $0x3F800000, v0;
	vm4 =	vge.f32 v22, v20;
	vm5 =	vgt.f32 v15, v22  }
0xcf: {  	v59 =	vsel vm15, $0x3F800000, v0;
	vm6 =	vgt.f32 v19, v20;
	vm7 =	vgt.f32 v16, v22  }
0xd0: {  	vm8 =	vgt.f32 v18, v20;
	vm9 =	vgt.f32 v17, v22;
	vm10 =	vgt.f32 v15, v20  }
0xd1: {  	vm12 =	vgt.f32 v16, v20;
	vm13 =	vge.f32 v21, v19;
	vm14 =	vge.f32 v22, v19  }
0xd2: {  	vm15 =	vgt.f32 v17, v20;
	v11 =	vadd.f32 v48, v47;
	v12 =	vadd.f32 v54, v53  }
0xd3: {  	v60 =	vsel vm4, $0x3F800000, v0;
	v61 =	vsel vm5, $0x3F800000, v0;
	v62 =	vsel vm6, $0x3F800000, v0  }
0xd4: {  	v63 =	vsel vm7, $0x3F800000, v0;
	v25 =	vsel vm8, $0x3F800000, v0;
	v26 =	vsel vm9, $0x3F800000, v0  }
0xd5: {  	v27 =	vsel vm10, $0x3F800000, v0;
	v29 =	vsel vm12, $0x3F800000, v0;
	v30 =	vsel vm13, $0x3F800000, v0  }
0xd6: {  	v31 =	vsel vm14, $0x3F800000, v0;
	vm4 =	vge.f32 v20, v19;
	v32 =	vsel vm15, $0x3F800000, v0  }
0xd7: {  	vm6 =	vgt.f32 v18, v19;
	vm8 =	vgt.f32 v15, v19;
	vm9 =	vge.f32 v21, v18  }
0xd8: {  	vm10 =	vge.f32 v22, v18;
	vm12 =	vge.f32 v20, v18;
	vm13 =	vgt.f32 v17, v19  }
0xd9: {  	vm14 =	vge.f32 v19, v18;
	vm15 =	vge.f32 v21, v15;
	v13 =	vadd.f32 v60, v59  }
0xda: {  	v33 =	vsel vm4, $0x3F800000, v0;
	v34 =	vsel vm6, $0x3F800000, v0;
	v37 =	vsel vm8, $0x3F800000, v0  }
0xdb: {  	v38 =	vsel vm9, $0x3F800000, v0;
	v39 =	vsel vm12, $0x3F800000, v0;
	v40 =	vsel vm13, $0x3F800000, v0  }
0xdc: {  	v41 =	vsel vm14, $0x3F800000, v0;
	vm4 =	vge.f32 v22, v15;
	v11 =	vadd.f32 v11, v49  }
0xdd: {  	v42 =	vsel vm15, $0x3F800000, v0;
	vm6 =	vge.f32 v20, v15;
	v12 =	vadd.f32 v12, v56  }
0xde: {  	vm8 =	vge.f32 v19, v15;
	vm12 =	vgt.f32 v16, v15;
	v51 =	vadd.f32 v11, v50  }
0xdf: {  	vm14 =	vgt.f32 v17, v15;
	vm15 =	vge.f32 v21, v16;
	v12 =	vadd.f32 v12, v58  }
0xe0: {  	v43 =	vsel vm4, $0x3F800000, v0;
	v44 =	vsel vm6, $0x3F800000, v0;
	v10 =	vadd.f32 v51, v52  }
0xe1: {  	v46 =	vsel vm8, $0x3F800000, v0;
	v13 =	vadd.f32 v13, v62;
	v12 =	vadd.f32 v12, v61  }
0xe2: {  	vm4 =	vge.f32 v22, v16;
	vm8 =	vge.f32 v22, v17;
	v10 =	vadd.f32 v10, v55  }
0xe3: {  	v53 =	vsel vm4, $0x3F800000, v0;
	v24 =	vadd.f32 v12, v63;
	v12 =	vadd.f32 v13, v25  }
0xe4: {  	vm4 =	vge.f32 v15, v17;
	v50 =	vsel vm12, $0x3F800000, v0;
	v10 =	vadd.f32 v10, v57  }
0xe5: {  	vm12 =	vge.f32 v19, v17;
	v51 =	vsel vm14, $0x3F800000, v0;
	v28 =	vadd.f32 v12, v27  }
0xe6: {  	v52 =	vsel vm15, $0x3F800000, v0;
	v12 =	vadd.f32 v31, v30;
	vm11 =	vlt.f32 v10, $5.000000000e+00  }
0xe7: {  	v10 =	vadd.f32 v24, v26;
	v11 =	vadd.f32 v28, v29;
	v24 =	vsel vm10, $0x3F800000, v0  }
0xe8: {  	v12 =	vadd.f32 v12, v33;
	vm10 =	vgt.f32 v17, v18;
	v23 =	vadd.f32 v24, v38  }
0xe9: {  	v24 =	vadd.f32 v43, v42;
	vm5 =	vlt.f32 v10, $5.000000000e+00;
	v13 =	vadd.f32 v11, v32  }
0xea: {  	v11 =	vnsel vm11, $0x0, v21;
	v35 =	vadd.f32 v12, v34;
	vm11 =	vgt.f32 v16, v19  }
0xeb: {  	v10 =	vnsel vm5, $0x0, v22;
	v25 =	vsel vm11, $0x3F800000, v0;
	v23 =	vadd.f32 v23, v39  }
0xec: {  	vm5 =	vgt.f32 v15, v18;
	vm7 =	vlt.f32 v13, $5.000000000e+00;
	v13 =	vadd.f32 v35, v37  }
0xed: {  	v24 =	vadd.f32 v24, v44;
	vm11 =	vge.f32 v18, v15;
	v23 =	vadd.f32 v23, v41  }
0xee: {  	v36 =	vadd.f32 v10, v11;
	v26 =	vsel vm5, $0x3F800000, v0;
	v13 =	vadd.f32 v13, v25  }
0xef: {  	v12 =	vnsel vm7, $0x0, v20;
	vm7 =	vgt.f32 v16, v18;
	v23 =	vadd.f32 v23, v26  }
0xf0: {  	v24 =	vadd.f32 v24, v46;
	v45 =	vsel vm7, $0x3F800000, v0;
	v13 =	vadd.f32 v13, v40  }
0xf1: {  	v47 =	vsel vm10, $0x3F800000, v0;
	v48 =	vsel vm11, $0x3F800000, v0;
	v23 =	vadd.f32 v23, v45  }
0xf2: {  	v14 =	vadd.f32 v36, v12;
	v24 =	vadd.f32 v24, v48;
	vm9 =	vlt.f32 v13, $5.000000000e+00  }
0xf3: {  	vm10 =	vge.f32 v20, v17;
	v13 =	vnsel vm9, $0x0, v19;
	v23 =	vadd.f32 v23, v47  }
0xf4: {  	vm7 =	vge.f32 v21, v17;
	v49 =	vadd.f32 v14, v13;
	v14 =	vadd.f32 v24, v50  }
0xf5: {  	v22 =	vsel vm8, $0x3F800000, v0;
	vm5 =	vge.f32 v20, v16;
	v21 =	vsel vm7, $0x3F800000, v0  }
0xf6: {  	v24 =	vadd.f32 v53, v52;
	vm13 =	vlt.f32 v23, $5.000000000e+00;
	v23 =	vadd.f32 v14, v51  }
0xf7: {  	v59 =	vld [tilespmem:$0x20];
	v57 =	vsel vm10, $0x3F800000, v0;
	v54 =	vsel vm5, $0x3F800000, v0;
	v21 =	vadd.f32 v22, v21  }
0xf8: {  	v61 =	vld [tilespmem:$0xA0];
	vm9 =	vge.f32 v19, v16;
	vm6 =	vlt.f32 v23, $5.000000000e+00;
	v23 =	vadd.f32 v24, v54  }
0xf9: {  	v60 =	vsel vm12, $0x3F800000, v0;
	v63 =	vld [tilespmem:$0x120];
	v21 =	vadd.f32 v21, v57;
	v55 =	vsel vm9, $0x3F800000, v0  }
0xfa: {  	vm14 =	vge.f32 v18, v17;
	vm11 =	vge.f32 v18, v16;
	v56 =	vadd.f32 v23, v55  }
0xfb: {  	vm15 =	vgt.f32 v17, v16;
	v58 =	vsel vm11, $0x3F800000, v0;
	v21 =	vadd.f32 v21, v60  }
0xfc: {  	v33 =	vld [tilespmem:$0x1A0];
	v14 =	vnsel vm13, $0x0, v18;
	vm13 =	vge.f32 v15, v16;
	v20 =	vadd.f32 v56, v58  }
0xfd: {  	v28 =	vmax.f32 v59, v61;
	v32 =	vsel vm14, $0x3F800000, v0;
	v62 =	vsel vm13, $0x3F800000, v0  }
0xfe: {  	v28 =	vmax.f32 v28, v63;
	v35 =	vld [tilespmem:$0x220];
	v21 =	vadd.f32 v21, v32;
	v20 =	vadd.f32 v20, v62  }
0xff: {  	v27 =	vld [tilespmem:$0x2A0];
	v34 =	vsel vm15, $0x3F800000, v0;
	v36 =	vsel vm4, $0x3F800000, v0;
	v25 =	vadd.f32 v49, v14  }
0x100: {  	v37 =	vld [tilespmem:$0x320];
	vm5 =	vge.f32 v16, v17;
	v21 =	vadd.f32 v21, v36;
	v20 =	vadd.f32 v20, v34  }
0x101: {  	v30 =	vld [tilespmem:$0x3A0];
	v39 =	vmax.f32 v28, v33;
	v29 =	vsel vm5, $0x3F800000, v0;
	v15 =	vnsel vm6, $0x0, v15  }
0x102: {  	v25 =	vadd.f32 v25, v15;
	v38 =	vadd.f32 v21, v29;
	vm6 =	vlt.f32 v20, $5.000000000e+00  }
0x103: {  	v21 =	vmax.f32 v39, v35;
	v16 =	vnsel vm6, $0x0, v16  }
0x104: {  	v40 =	vmax.f32 v21, v27;
	vm7 =	vlt.f32 v38, $5.000000000e+00;
	v25 =	vadd.f32 v25, v16  }
0x105: {  	v17 =	vnsel vm7, $0x0, v17;
	v20 =	vmax.f32 v40, v37  }
0x106: {  	v20 =	vmax.f32 v20, v30;
	v41 =	vadd.f32 v25, v17  }
0x107: {  	v19 =	vsub.f32 v59, v20  }
0x108: {  	v23 =	vsub.f32 v61, v20;
	v21 =	vadd.f32 $9.999999930e-09, v41  }
0x109: {  	v19 =	vmul.f32 $1.442695020e+00, v19  }
0x10a: {  	v18 =	vsub.f32 v63, v20;
	v42 =	vmul.f32 $1.442695020e+00, v23;
	(erf) = vrcp.f32 v21  }
0x10b: {  	(erf) = vpow2.f32 v19  }
0x10c: {  	v43 =	vsub.f32 v33, v20;
	v18 =	vmul.f32 $1.442695020e+00, v18;
	(erf) = vpow2.f32 v42;
	_ =	sdelay $0x1  }
0x10d: {  	v45 =	vsub.f32 v35, v20;
	v44 =	vmul.f32 $1.442695020e+00, v43;
	(erf) = vpow2.f32 v18;
	_ =	sdelay $0x1  }
0x10e: {  	v47 =	vsub.f32 v27, v20;
	v46 =	vmul.f32 $1.442695020e+00, v45;
	(erf) = vpow2.f32 v44;
	_ =	sdelay $0x1  }
0x10f: {  	v48 =	vsub.f32 v37, v20;
	v19 =	vmul.f32 $1.442695020e+00, v47;
	(erf) = vpow2.f32 v46  }
0x110: {  	v18 =	vpop (erf)  }
0x111: {  	v20 =	vsub.f32 v30, v20;
	v50 =	vmul.f32 $1.442695020e+00, v48;
	v49 =	vpop (erf);
	(erf) = vpow2.f32 v19  }
0x112: {  	v51 =	vpop (erf)  }
0x113: {  	v52 =	vmul.f32 $1.442695020e+00, v20;
	(erf) = vpow2.f32 v50;
	v53 =	vadd.f32 v51, v49  }
0x114: {  	v54 =	vpop (erf)  }
0x115: {  	(erf) = vpow2.f32 v52;
	v55 =	vadd.f32 v53, v54  }
0x116: {  	v56 =	vpop (erf)  }
0x117: {  	v19 =	vadd.f32 v55, v56  }
0x118: {  	v57 =	vpop (erf)  }
0x119: {  	v19 =	vadd.f32 v19, v57  }
0x11a: {  	v58 =	vpop (erf)  }
0x11b: {  	v19 =	vadd.f32 v19, v58  }
0x11c: {  	v59 =	vpop (erf)  }
0x11d: {  	v19 =	vadd.f32 v19, v59  }
0x11e: {  	v32 =	vpop (erf)  }
0x11f: {  	v19 =	vadd.f32 v19, v32;
	_ =	sdelay $0x1  }
0x120: {  	(erf) = vrcp.f32 v19;
	_ =	sdelay $0x8  }
0x121: {  	v19 =	vpop (erf)  }
0x122: {  	v30 =	vmul.f32 v19, v49;
	v31 =	vmul.f32 v19, v51  }
0x123: {  	v29 =	vmul.f32 v19, v54;
	v28 =	vmul.f32 v19, v56  }
0x124: {  	v27 =	vmul.f32 v19, v57;
	v24 =	vmul.f32 v19, v58  }
0x125: {  	v25 =	vmul.f32 v19, v59;
	v26 =	vmul.f32 v19, v32;
	vm8 =	vgt.f32 v31, v30  }
0x126: {  	vm9 =	vgt.f32 v29, v30;
	vm10 =	vgt.f32 v28, v30;
	vm11 =	vgt.f32 v27, v30  }
0x127: {  	vm12 =	vgt.f32 v24, v30;
	vm13 =	vge.f32 v30, v31;
	vm14 =	vgt.f32 v29, v31  }
0x128: {  	vm15 =	vgt.f32 v25, v30;
	vm4 =	vgt.f32 v28, v31;
	vm5 =	vgt.f32 v26, v30  }
0x129: {  	vm6 =	vgt.f32 v27, v31;
	vm7 =	vge.f32 v30, v29;
	v60 =	vsel vm8, $0x3F800000, v0  }
0x12a: {  	v61 =	vsel vm9, $0x3F800000, v0;
	v62 =	vsel vm10, $0x3F800000, v0;
	v63 =	vsel vm11, $0x3F800000, v0  }
0x12b: {  	v34 =	vsel vm12, $0x3F800000, v0;
	v35 =	vsel vm13, $0x3F800000, v0;
	v36 =	vsel vm14, $0x3F800000, v0  }
0x12c: {  	v37 =	vsel vm15, $0x3F800000, v0;
	v38 =	vsel vm4, $0x3F800000, v0;
	v39 =	vsel vm5, $0x3F800000, v0  }
0x12d: {  	v40 =	vsel vm6, $0x3F800000, v0;
	vm8 =	vge.f32 v31, v29;
	vm9 =	vgt.f32 v24, v31  }
0x12e: {  	v41 =	vsel vm7, $0x3F800000, v0;
	vm10 =	vgt.f32 v28, v29;
	vm11 =	vgt.f32 v25, v31  }
0x12f: {  	vm12 =	vgt.f32 v27, v29;
	vm13 =	vgt.f32 v26, v31;
	vm14 =	vgt.f32 v24, v29  }
0x130: {  	vm4 =	vgt.f32 v25, v29;
	vm5 =	vge.f32 v30, v28;
	vm6 =	vge.f32 v31, v28  }
0x131: {  	vm7 =	vgt.f32 v26, v29;
	v20 =	vadd.f32 v61, v60;
	v21 =	vadd.f32 v36, v35  }
0x132: {  	v42 =	vsel vm8, $0x3F800000, v0;
	v43 =	vsel vm9, $0x3F800000, v0;
	v44 =	vsel vm10, $0x3F800000, v0  }
0x133: {  	v45 =	vsel vm11, $0x3F800000, v0;
	v47 =	vsel vm12, $0x3F800000, v0;
	v48 =	vsel vm13, $0x3F800000, v0  }
0x134: {  	v49 =	vsel vm14, $0x3F800000, v0;
	v51 =	vsel vm4, $0x3F800000, v0;
	v52 =	vsel vm5, $0x3F800000, v0  }
0x135: {  	v53 =	vsel vm6, $0x3F800000, v0;
	vm8 =	vge.f32 v29, v28;
	v54 =	vsel vm7, $0x3F800000, v0  }
0x136: {  	vm10 =	vgt.f32 v27, v28;
	vm12 =	vgt.f32 v24, v28;
	vm13 =	vge.f32 v30, v27  }
0x137: {  	vm14 =	vge.f32 v31, v27;
	vm4 =	vge.f32 v29, v27;
	vm5 =	vgt.f32 v26, v28  }
0x138: {  	vm6 =	vge.f32 v28, v27;
	vm7 =	vge.f32 v30, v24;
	v22 =	vadd.f32 v42, v41  }
0x139: {  	v55 =	vsel vm8, $0x3F800000, v0;
	v56 =	vsel vm10, $0x3F800000, v0;
	v59 =	vsel vm12, $0x3F800000, v0  }
0x13a: {  	v60 =	vsel vm13, $0x3F800000, v0;
	v61 =	vsel vm4, $0x3F800000, v0;
	vm8 =	vge.f32 v31, v24  }
0x13b: {  	v36 =	vsel vm7, $0x3F800000, v0;
	vm10 =	vge.f32 v29, v24;
	vm12 =	vge.f32 v28, v24  }
0x13c: {  	vm4 =	vgt.f32 v25, v24;
	vm7 =	vge.f32 v30, v25;
	v20 =	vadd.f32 v20, v62  }
0x13d: {  	v21 =	vadd.f32 v21, v38;
	v62 =	vsel vm5, $0x3F800000, v0;
	v38 =	vsel vm10, $0x3F800000, v0  }
0x13e: {  	v22 =	vadd.f32 v22, v44;
	v44 =	vsel vm4, $0x3F800000, v0;
	v33 =	vadd.f32 v20, v63  }
0x13f: {  	vm4 =	vge.f32 v28, v26;
	v21 =	vadd.f32 v21, v40;
	v63 =	vsel vm6, $0x3F800000, v0  }
0x140: {  	v40 =	vsel vm12, $0x3F800000, v0;
	vm6 =	vgt.f32 v26, v24;
	v19 =	vadd.f32 v33, v34  }
0x141: {  	vm12 =	vge.f32 v31, v26;
	v21 =	vadd.f32 v21, v43;
	v33 =	vsel vm14, $0x3F800000, v0  }
0x142: {  	vm14 =	vgt.f32 v26, v27;
	v32 =	vadd.f32 v33, v60;
	v19 =	vadd.f32 v19, v37  }
0x143: {  	v46 =	vadd.f32 v21, v45;
	v21 =	vadd.f32 v22, v47;
	v37 =	vsel vm8, $0x3F800000, v0  }
0x144: {  	v41 =	vsel vm14, $0x3F800000, v0;
	v32 =	vadd.f32 v32, v61;
	v33 =	vadd.f32 v37, v36  }
0x145: {  	vm14 =	vge.f32 v29, v26;
	v50 =	vadd.f32 v21, v49;
	v21 =	vadd.f32 v53, v52  }
0x146: {  	v45 =	vsel vm6, $0x3F800000, v0;
	v19 =	vadd.f32 v19, v39;
	v32 =	vadd.f32 v32, v63  }
0x147: {  	vm8 =	vge.f32 v31, v25;
	v20 =	vadd.f32 v50, v51;
	v21 =	vadd.f32 v21, v55  }
0x148: {  	v33 =	vadd.f32 v33, v38;
	vm15 =	vlt.f32 v19, $5.000000000e+00;
	v19 =	vadd.f32 v46, v48  }
0x149: {  	vm6 =	vge.f32 v27, v26;
	v22 =	vadd.f32 v20, v54;
	v57 =	vadd.f32 v21, v56  }
0x14a: {  	v33 =	vadd.f32 v33, v40;
	vm9 =	vlt.f32 v19, $5.000000000e+00;
	v20 =	vnsel vm15, $0x0, v30  }
0x14b: {  	vm15 =	vgt.f32 v25, v28;
	vm11 =	vlt.f32 v22, $5.000000000e+00;
	v22 =	vadd.f32 v57, v59  }
0x14c: {  	v19 =	vnsel vm9, $0x0, v31;
	v34 =	vsel vm15, $0x3F800000, v0;
	vm9 =	vgt.f32 v24, v27  }
0x14d: {  	vm15 =	vge.f32 v27, v24;
	v35 =	vsel vm9, $0x3F800000, v0;
	v22 =	vadd.f32 v22, v34  }
0x14e: {  	v21 =	vnsel vm11, $0x0, v29;
	v32 =	vadd.f32 v32, v35;
	vm11 =	vgt.f32 v25, v27  }
0x14f: {  	v58 =	vadd.f32 v19, v20;
	v39 =	vsel vm11, $0x3F800000, v0;
	v22 =	vadd.f32 v22, v62  }
0x150: {  	v47 =	vsel vm8, $0x3F800000, v0;
	v42 =	vsel vm15, $0x3F800000, v0;
	v32 =	vadd.f32 v32, v39  }
0x151: {  	v33 =	vadd.f32 v33, v42;
	v23 =	vadd.f32 v58, v21;
	vm13 =	vlt.f32 v22, $5.000000000e+00  }
0x152: {  	v46 =	vsel vm7, $0x3F800000, v0;
	v32 =	vadd.f32 v32, v41;
	v22 =	vnsel vm13, $0x0, v28  }
0x153: {  	vm11 =	vge.f32 v30, v26;
	v43 =	vadd.f32 v23, v22;
	v23 =	vadd.f32 v33, v44  }
0x154: {  	v31 =	vsel vm12, $0x3F800000, v0;
	vm9 =	vge.f32 v29, v25;
	v30 =	vsel vm11, $0x3F800000, v0  }
0x155: {  	vm5 =	vlt.f32 v32, $5.000000000e+00;
	v33 =	vadd.f32 v47, v46;
	v32 =	vadd.f32 v23, v45  }
0x156: {  	v51 =	vsel vm14, $0x3F800000, v0;
	v48 =	vsel vm9, $0x3F800000, v0;
	v30 =	vadd.f32 v31, v30  }
0x157: {  	vm13 =	vge.f32 v28, v25;
	vm10 =	vlt.f32 v32, $5.000000000e+00;
	v32 =	vadd.f32 v33, v48  }
0x158: {  	vm8 =	vge.f32 v24, v26;
	v53 =	vld [tilespmem:$0x30];
	v30 =	vadd.f32 v30, v51;
	v49 =	vsel vm13, $0x3F800000, v0  }
0x159: {  	v55 =	vld [tilespmem:$0xB0];
	v54 =	vsel vm4, $0x3F800000, v0;
	vm15 =	vge.f32 v27, v25;
	v50 =	vadd.f32 v32, v49  }
0x15a: {  	vm7 =	vgt.f32 v26, v25;
	v57 =	vld [tilespmem:$0x130];
	v52 =	vsel vm15, $0x3F800000, v0;
	v30 =	vadd.f32 v30, v54  }
0x15b: {  	v59 =	vld [tilespmem:$0x1B0];
	v23 =	vnsel vm5, $0x0, v27;
	vm5 =	vge.f32 v24, v25;
	v29 =	vadd.f32 v50, v52  }
0x15c: {  	v60 =	vsel vm7, $0x3F800000, v0;
	v58 =	vsel vm6, $0x3F800000, v0;
	v56 =	vsel vm5, $0x3F800000, v0  }
0x15d: {  	v61 =	vld [tilespmem:$0x230];
	vm9 =	vge.f32 v25, v26;
	v30 =	vadd.f32 v30, v58;
	v29 =	vadd.f32 v29, v56  }
0x15e: {  	v36 =	vld [tilespmem:$0x2B0];
	v37 =	vmax.f32 v53, v55;
	v62 =	vsel vm8, $0x3F800000, v0;
	v34 =	vadd.f32 v43, v23  }
0x15f: {  	v63 =	vld [tilespmem:$0x330];
	v37 =	vmax.f32 v37, v57;
	v30 =	vadd.f32 v30, v62;
	v29 =	vadd.f32 v29, v60  }
0x160: {  	v38 =	vsel vm9, $0x3F800000, v0;
	v39 =	vld [tilespmem:$0x3B0];
	v40 =	vmax.f32 v37, v59;
	v24 =	vnsel vm10, $0x0, v24  }
0x161: {  	v34 =	vadd.f32 v34, v24;
	v38 =	vadd.f32 v30, v38;
	vm10 =	vlt.f32 v29, $5.000000000e+00  }
0x162: {  	v30 =	vmax.f32 v40, v61;
	v25 =	vnsel vm10, $0x0, v25  }
0x163: {  	v41 =	vmax.f32 v30, v36;
	vm11 =	vlt.f32 v38, $5.000000000e+00;
	v34 =	vadd.f32 v34, v25  }
0x164: {  	v26 =	vnsel vm11, $0x0, v26;
	v29 =	vmax.f32 v41, v63  }
0x165: {  	v29 =	vmax.f32 v29, v39;
	v42 =	vadd.f32 v34, v26  }
0x166: {  	v28 =	vsub.f32 v53, v29  }
0x167: {  	v32 =	vsub.f32 v55, v29;
	v30 =	vadd.f32 $9.999999930e-09, v42  }
0x168: {  	v28 =	vmul.f32 $1.442695020e+00, v28  }
0x169: {  	v27 =	vsub.f32 v57, v29;
	v43 =	vmul.f32 $1.442695020e+00, v32;
	(erf) = vrcp.f32 v30  }
0x16a: {  	(erf) = vpow2.f32 v28  }
0x16b: {  	v44 =	vsub.f32 v59, v29;
	v27 =	vmul.f32 $1.442695020e+00, v27;
	(erf) = vpow2.f32 v43;
	_ =	sdelay $0x1  }
0x16c: {  	v46 =	vsub.f32 v61, v29;
	v45 =	vmul.f32 $1.442695020e+00, v44;
	(erf) = vpow2.f32 v27;
	_ =	sdelay $0x1  }
0x16d: {  	v48 =	vsub.f32 v36, v29;
	v47 =	vmul.f32 $1.442695020e+00, v46;
	(erf) = vpow2.f32 v45;
	_ =	sdelay $0x1  }
0x16e: {  	v49 =	vsub.f32 v63, v29;
	v28 =	vmul.f32 $1.442695020e+00, v48;
	(erf) = vpow2.f32 v47  }
0x16f: {  	v27 =	vpop (erf)  }
0x170: {  	v29 =	vsub.f32 v39, v29;
	v51 =	vmul.f32 $1.442695020e+00, v49;
	(erf) = vpow2.f32 v28;
	v50 =	vpop (erf)  }
0x171: {  	v52 =	vpop (erf)  }
0x172: {  	v53 =	vmul.f32 $1.442695020e+00, v29;
	(erf) = vpow2.f32 v51;
	v54 =	vadd.f32 v52, v50  }
0x173: {  	v55 =	vpop (erf)  }
0x174: {  	(erf) = vpow2.f32 v53;
	v56 =	vadd.f32 v54, v55  }
0x175: {  	v57 =	vpop (erf)  }
0x176: {  	v28 =	vadd.f32 v56, v57  }
0x177: {  	v58 =	vpop (erf)  }
0x178: {  	v28 =	vadd.f32 v28, v58  }
0x179: {  	v59 =	vpop (erf)  }
0x17a: {  	v28 =	vadd.f32 v28, v59  }
0x17b: {  	v60 =	vpop (erf)  }
0x17c: {  	v28 =	vadd.f32 v28, v60  }
0x17d: {  	v40 =	vpop (erf)  }
0x17e: {  	v28 =	vadd.f32 v28, v40;
	_ =	sdelay $0x1  }
0x17f: {  	(erf) = vrcp.f32 v28;
	_ =	sdelay $0x7  }
0x180: {  	v3 =	vmul.f32 v9, v3;
	v1 =	vmul.f32 v9, v1  }
0x181: {  	v2 =	vmul.f32 v9, v2;
	v4 =	vmul.f32 v9, v4;
	v28 =	vpop (erf)  }
0x182: {  	v37 =	vmul.f32 v28, v50;
	v36 =	vmul.f32 v28, v52  }
0x183: {  	v35 =	vmul.f32 v28, v55;
	v33 =	vmul.f32 v28, v57  }
0x184: {  	v34 =	vmul.f32 v28, v58;
	v31 =	vmul.f32 v28, v59  }
0x185: {  	v5 =	vmul.f32 v9, v5;
	vm12 =	vgt.f32 v36, v37;
	vm13 =	vgt.f32 v35, v37  }
0x186: {  	vm14 =	vgt.f32 v33, v37;
	vm15 =	vgt.f32 v34, v37;
	vm4 =	vgt.f32 v31, v37  }
0x187: {  	vm5 =	vge.f32 v37, v36;
	vm6 =	vgt.f32 v35, v36;
	vm8 =	vgt.f32 v33, v36  }
0x188: {  	vm10 =	vgt.f32 v34, v36;
	vm11 =	vge.f32 v37, v35;
	v61 =	vsel vm12, $0x3F800000, v0  }
0x189: {  	v62 =	vsel vm13, $0x3F800000, v0;
	v63 =	vsel vm14, $0x3F800000, v0;
	v41 =	vsel vm15, $0x3F800000, v0  }
0x18a: {  	v42 =	vsel vm4, $0x3F800000, v0;
	v43 =	vsel vm5, $0x3F800000, v0;
	v44 =	vsel vm6, $0x3F800000, v0  }
0x18b: {  	v46 =	vsel vm8, $0x3F800000, v0;
	v48 =	vsel vm10, $0x3F800000, v0;
	vm12 =	vge.f32 v36, v35  }
0x18c: {  	vm13 =	vgt.f32 v31, v36;
	v49 =	vsel vm11, $0x3F800000, v0;
	vm14 =	vgt.f32 v33, v35  }
0x18d: {  	vm4 =	vgt.f32 v34, v35;
	vm6 =	vgt.f32 v31, v35;
	vm10 =	vge.f32 v37, v33  }
0x18e: {  	vm11 =	vge.f32 v36, v33;
	v29 =	vadd.f32 v62, v61;
	v32 =	vadd.f32 v44, v43  }
0x18f: {  	v50 =	vsel vm12, $0x3F800000, v0;
	v51 =	vsel vm13, $0x3F800000, v0;
	v52 =	vsel vm14, $0x3F800000, v0  }
0x190: {  	v54 =	vsel vm4, $0x3F800000, v0;
	v56 =	vsel vm6, $0x3F800000, v0;
	v58 =	vsel vm10, $0x3F800000, v0  }
0x191: {  	v59 =	vsel vm11, $0x3F800000, v0;
	vm13 =	vge.f32 v35, v33;
	vm14 =	vge.f32 v37, v34  }
0x192: {  	vm4 =	vgt.f32 v34, v33;
	vm6 =	vgt.f32 v31, v33;
	v38 =	vadd.f32 v50, v49  }
0x193: {  	v39 =	vadd.f32 v59, v58;
	v61 =	vsel vm13, $0x3F800000, v0;
	v29 =	vadd.f32 v29, v63  }
0x194: {  	v62 =	vsel vm14, $0x3F800000, v0;
	v32 =	vadd.f32 v32, v46;
	v38 =	vadd.f32 v38, v52  }
0x195: {  	vm14 =	vge.f32 v37, v31;
	v39 =	vadd.f32 v39, v61;
	v30 =	vadd.f32 v29, v41  }
0x196: {  	v29 =	vmul.f32 v28, v60;
	v28 =	vmul.f32 v28, v40;
	v32 =	vadd.f32 v32, v48  }
0x197: {  	v52 =	vsel vm14, $0x3F800000, v0;
	v38 =	vadd.f32 v38, v54;
	v30 =	vadd.f32 v30, v42  }
0x198: {  	vm7 =	vgt.f32 v29, v37;
	vm9 =	vgt.f32 v28, v37;
	v32 =	vadd.f32 v32, v51  }
0x199: {  	vm15 =	vgt.f32 v29, v36;
	vm5 =	vgt.f32 v28, v36;
	vm8 =	vgt.f32 v29, v35  }
0x19a: {  	vm12 =	vgt.f32 v28, v35;
	v42 =	vsel vm4, $0x3F800000, v0;
	vm11 =	vgt.f32 v28, v33  }
0x19b: {  	vm13 =	vgt.f32 v28, v34;
	vm14 =	vge.f32 v33, v29;
	v45 =	vsel vm7, $0x3F800000, v0  }
0x19c: {  	v47 =	vsel vm9, $0x3F800000, v0;
	v53 =	vsel vm15, $0x3F800000, v0;
	v55 =	vsel vm5, $0x3F800000, v0  }
0x19d: {  	v38 =	vadd.f32 v38, v56;
	v57 =	vsel vm8, $0x3F800000, v0;
	v60 =	vsel vm12, $0x3F800000, v0  }
0x19e: {  	vm15 =	vge.f32 v36, v34;
	vm5 =	vge.f32 v35, v34;
	v39 =	vadd.f32 v39, v42  }
0x19f: {  	vm8 =	vgt.f32 v29, v33;
	vm12 =	vgt.f32 v29, v34;
	v49 =	vsel vm11, $0x3F800000, v0  }
0x1a0: {  	v51 =	vsel vm13, $0x3F800000, v0;
	vm11 =	vgt.f32 v29, v31;
	vm13 =	vgt.f32 v28, v31  }
0x1a1: {  	v61 =	vsel vm14, $0x3F800000, v0;
	v30 =	vadd.f32 v30, v45;
	v32 =	vadd.f32 v32, v53  }
0x1a2: {  	v41 =	vsel vm15, $0x3F800000, v0;
	v63 =	vsel vm5, $0x3F800000, v0;
	v45 =	vsel vm6, $0x3F800000, v0  }
0x1a3: {  	v50 =	vsel vm12, $0x3F800000, v0;
	vm15 =	vge.f32 v36, v31;
	vm5 =	vge.f32 v35, v31  }
0x1a4: {  	v58 =	vsel vm11, $0x3F800000, v0;
	vm12 =	vge.f32 v35, v29;
	v38 =	vadd.f32 v38, v57  }
0x1a5: {  	vm11 =	vge.f32 v31, v28;
	v40 =	vadd.f32 v41, v62;
	v39 =	vadd.f32 v39, v45  }
0x1a6: {  	v53 =	vsel vm15, $0x3F800000, v0;
	v59 =	vsel vm12, $0x3F800000, v0;
	vm15 =	vge.f32 v34, v29  }
0x1a7: {  	v30 =	vadd.f32 v30, v47;
	v32 =	vadd.f32 v32, v55;
	v47 =	vsel vm8, $0x3F800000, v0  }
0x1a8: {  	v54 =	vadd.f32 v53, v52;
	v55 =	vsel vm5, $0x3F800000, v0;
	vm8 =	vge.f32 v34, v31  }
0x1a9: {  	v62 =	vsel vm15, $0x3F800000, v0;
	vm5 =	vge.f32 v36, v28;
	vm7 =	vlt.f32 v30, $5.000000000e+00  }
0x1aa: {  	v40 =	vadd.f32 v40, v63;
	v30 =	vnsel vm7, $0x0, v37;
	vm7 =	vge.f32 v33, v34  }
0x1ab: {  	v39 =	vadd.f32 v39, v47;
	vm9 =	vlt.f32 v32, $5.000000000e+00;
	v46 =	vsel vm7, $0x3F800000, v0  }
0x1ac: {  	v32 =	vnsel vm9, $0x0, v36;
	vm9 =	vgt.f32 v31, v34;
	v40 =	vadd.f32 v40, v46  }
0x1ad: {  	v38 =	vadd.f32 v38, v60;
	v39 =	vadd.f32 v39, v49;
	v48 =	vsel vm9, $0x3F800000, v0  }
0x1ae: {  	v43 =	vsel vm8, $0x3F800000, v0;
	v60 =	vsel vm13, $0x3F800000, v0;
	v40 =	vadd.f32 v40, v48  }
0x1af: {  	vm7 =	vge.f32 v33, v31;
	vm4 =	vlt.f32 v39, $5.000000000e+00;
	v39 =	vadd.f32 v54, v55  }
0x1b0: {  	vm10 =	vlt.f32 v38, $5.000000000e+00;
	v56 =	vsel vm7, $0x3F800000, v0;
	v40 =	vadd.f32 v40, v50  }
0x1b1: {  	v47 =	vsel vm5, $0x3F800000, v0;
	v38 =	vnsel vm10, $0x0, v35;
	v39 =	vadd.f32 v39, v56  }
0x1b2: {  	vm9 =	vge.f32 v37, v29;
	vm10 =	vge.f32 v36, v29;
	v40 =	vadd.f32 v40, v51  }
0x1b3: {  	v44 =	vsel vm9, $0x3F800000, v0;
	v57 =	vsel vm10, $0x3F800000, v0;
	v39 =	vadd.f32 v39, v43  }
0x1b4: {  	vm8 =	vgt.f32 v28, v29;
	vm6 =	vlt.f32 v40, $5.000000000e+00;
	v40 =	vadd.f32 v57, v44  }
0x1b5: {  	v41 =	vnsel vm4, $0x0, v33;
	vm4 =	vge.f32 v37, v28;
	v39 =	vadd.f32 v39, v58  }
0x1b6: {  	v52 =	vadd.f32 v32, v30;
	v45 =	vsel vm4, $0x3F800000, v0;
	v40 =	vadd.f32 v40, v59  }
0x1b7: {  	vm7 =	vge.f32 v35, v28;
	v63 =	vadd.f32 v39, v60;
	v39 =	vadd.f32 v47, v45  }
0x1b8: {  	vm9 =	vge.f32 v33, v28;
	v50 =	vsel vm7, $0x3F800000, v0;
	v40 =	vadd.f32 v40, v61  }
0x1b9: {  	vm10 =	vge.f32 v34, v28;
	v53 =	vsel vm9, $0x3F800000, v0;
	v36 =	vadd.f32 v39, v50  }
0x1ba: {  	v42 =	vnsel vm6, $0x0, v34;
	vm6 =	vge.f32 v31, v29;
	v46 =	vadd.f32 v40, v62  }
0x1bb: {  	v33 =	vadd.f32 v52, v38;
	v48 =	vsel vm6, $0x3F800000, v0;
	v54 =	vadd.f32 v36, v53  }
0x1bc: {  	vm13 =	vge.f32 v29, v28;
	v55 =	vsel vm10, $0x3F800000, v0;
	v49 =	vadd.f32 v46, v48  }
0x1bd: {  	[tilespmem:$0x400] =	vst v3;
	v33 =	vadd.f32 v33, v41;
	v51 =	vsel vm8, $0x3F800000, v0;
	v34 =	vadd.f32 v54, v55  }
0x1be: {  	[tilespmem:$0x480] =	vst v1;
	v56 =	vsel vm11, $0x3F800000, v0;
	v57 =	vsel vm13, $0x3F800000, v0;
	v3 =	vadd.f32 v49, v51  }
0x1bf: {  	[tilespmem:$0x500] =	vst v2;
	vm12 =	vlt.f32 v63, $5.000000000e+00;
	v2 =	vadd.f32 v33, v42;
	v1 =	vadd.f32 v34, v56  }
0x1c0: {  	[tilespmem:$0x580] =	vst v4;
	v31 =	vnsel vm12, $0x0, v31;
	vm14 =	vlt.f32 v3, $5.000000000e+00;
	v3 =	vmul.f32 v9, v6  }
0x1c1: {  	[tilespmem:$0x600] =	vst v5;
	v58 =	vmul.f32 v9, v7;
	v2 =	vadd.f32 v2, v31;
	v1 =	vadd.f32 v1, v57  }
0x1c2: {  	v59 =	vnsel vm14, $0x0, v29;
	[tilespmem:$0x680] =	vst v3;
	v3 =	vmul.f32 v9, v8  }
0x1c3: {  	[tilespmem:$0x700] =	vst v58;
	vm15 =	vlt.f32 v1, $5.000000000e+00;
	v1 =	vmul.f32 v18, v11;
	v2 =	vadd.f32 v2, v59  }
0x1c4: {  	v60 =	vmul.f32 v18, v10;
	[tilespmem:$0x780] =	vst v3;
	v3 =	vnsel vm15, $0x0, v28  }
0x1c5: {  	[tilespmem:$0x410] =	vst v1;
	v1 =	vmul.f32 v18, v12;
	v2 =	vadd.f32 v2, v3  }
0x1c6: {  	[tilespmem:$0x490] =	vst v60;
	v61 =	vmul.f32 v18, v13  }
0x1c7: {  	[tilespmem:$0x510] =	vst v1;
	v1 =	vmul.f32 v18, v14;
	v2 =	vadd.f32 $9.999999930e-09, v2  }
0x1c8: {  	[tilespmem:$0x590] =	vst v61;
	v62 =	vmul.f32 v18, v15  }
0x1c9: {  	[tilespmem:$0x610] =	vst v1;
	v1 =	vmul.f32 v18, v16;
	(erf) = vrcp.f32 v2  }
0x1ca: {  	[tilespmem:$0x690] =	vst v62;
	v2 =	vmul.f32 v18, v17  }
0x1cb: {  	[tilespmem:$0x710] =	vst v1;
	v1 =	vmul.f32 v27, v20  }
0x1cc: {  	[tilespmem:$0x790] =	vst v2;
	v2 =	vmul.f32 v27, v19  }
0x1cd: {  	[tilespmem:$0x420] =	vst v1;
	v1 =	vmul.f32 v27, v21  }
0x1ce: {  	[tilespmem:$0x4A0] =	vst v2;
	v2 =	vmul.f32 v27, v22  }
0x1cf: {  	[tilespmem:$0x520] =	vst v1;
	v1 =	vmul.f32 v27, v23  }
0x1d0: {  	[tilespmem:$0x5A0] =	vst v2;
	v2 =	vmul.f32 v27, v24  }
0x1d1: {  	[tilespmem:$0x620] =	vst v1;
	v1 =	vmul.f32 v27, v25  }
0x1d2: {  	[tilespmem:$0x6A0] =	vst v2;
	v2 =	vmul.f32 v27, v26;
	v63 =	vpop (erf)  }
0x1d3: {  	[tilespmem:$0x720] =	vst v1;
	v1 =	vmul.f32 v63, v30  }
0x1d4: {  	[tilespmem:$0x7A0] =	vst v2;
	v2 =	vmul.f32 v63, v32  }
0x1d5: {  	[tilespmem:$0x430] =	vst v1;
	v1 =	vmul.f32 v63, v38  }
0x1d6: {  	[tilespmem:$0x4B0] =	vst v2;
	v2 =	vmul.f32 v63, v41  }
0x1d7: {  	[tilespmem:$0x530] =	vst v1;
	v1 =	vmul.f32 v63, v42  }
0x1d8: {  	[tilespmem:$0x5B0] =	vst v2;
	v2 =	vmul.f32 v63, v31  }
0x1d9: {  	[tilespmem:$0x630] =	vst v1;
	v1 =	vmul.f32 v63, v59  }
0x1da: {  	[tilespmem:$0x6B0] =	vst v2;
	v2 =	vmul.f32 v63, v3  }
0x1db: {  	[tilespmem:$0x730] =	vst v1  }
0x1dc: {  	[tilespmem:$0x7B0] =	vst v2  }
0x1dd: {  	[hbm4b:s7+s2] =	stream.linear.scatter [tilespmem:s24], [sflag:$0x1], $0x40, $0x38;
	[tilespmem:$0x800] =	vst v63  }
0x1de: {  	_ = 	snop  }
0x1df: {  	[hbm4b:s8+s2] =	stream.linear.scatter [tilespmem:s25], [sflag:$0x1], $0x40, $0x38;
	[tilespmem:$0x800] =	vst v63  }
0x1e0: {  	_ = 	snop  }
0x1e1: {  	[hbm4b:s9+s2] =	stream.linear.scatter [tilespmem:s26], [sflag:$0x1], $0x40, $0x38;
	[tilespmem:$0x800] =	vst v63  }
0x1e2: {  	_ = 	snop  }
0x1e3: {  	[hbm4b:s10+s2] =	stream.linear.scatter [tilespmem:s28], [sflag:$0x1], $0x40, $0x38;
	[tilespmem:$0x800] =	vst v63  }
0x1e4: {  	_ = 	snop  }
0x1e5: {  	[hbm4b:s11+s2] =	stream.linear.scatter [tilespmem:s29], [sflag:$0x1], $0x40, $0x38;
	[tilespmem:$0x800] =	vst v63  }
0x1e6: {  	_ = 	snop  }
0x1e7: {  	[hbm4b:s12+s2] =	stream.linear.scatter [tilespmem:s30], [sflag:$0x1], $0x40, $0x38;
	[tilespmem:$0x800] =	vst v63  }
0x1e8: {  	_ = 	snop  }
0x1e9: {  	[hbm4b:s13+s2] =	stream.linear.scatter [tilespmem:s31], [sflag:$0x1], $0x40, $0x38;
	[tilespmem:$0x800] =	vst v63  }
0x1ea: {  	_ = 	snop  }
0x1eb: {  	[hbm4b:s14+s2] =	stream.linear.scatter [tilespmem:s0], [sflag:$0x1], $0x40, $0x38;
	[tilespmem:$0x800] =	vst v63  }
0x1ec: {  	_ =	swait.ge [sflag:s23], $0x40  }
0x1ed: {  	[sflag:s23] =	ssyncset.done $0x0  }
0x1ee: {  	[sflag:s23] =	ssyncadd.s32 $0xFFFFFFC0  }
0x1ef: {  	_ =	swait.ge [sflag:s23], $0x40  }
0x1f0: {  	[sflag:s23] =	ssyncset.done $0x0  }
0x1f1: {  	[sflag:s23] =	ssyncadd.s32 $0xFFFFFFC0  }
0x1f2: {  	_ =	swait.ge [sflag:s23], $0x40  }
0x1f3: {  	[sflag:s23] =	ssyncset.done $0x0  }
0x1f4: {  	[sflag:s23] =	ssyncadd.s32 $0xFFFFFFC0  }
0x1f5: {  	_ =	swait.ge [sflag:s23], $0x40  }
0x1f6: {  	[sflag:s23] =	ssyncset.done $0x0  }
0x1f7: {  	[sflag:s23] =	ssyncadd.s32 $0xFFFFFFC0  }
0x1f8: {  	_ =	swait.ge [sflag:s23], $0x40  }
0x1f9: {  	[sflag:s23] =	ssyncset.done $0x0  }
0x1fa: {  	[sflag:s23] =	ssyncadd.s32 $0xFFFFFFC0  }
0x1fb: {  	_ =	swait.ge [sflag:s23], $0x40  }
0x1fc: {  	[sflag:s23] =	ssyncset.done $0x0  }
0x1fd: {  	[sflag:s23] =	ssyncadd.s32 $0xFFFFFFC0  }
0x1fe: {  	p0 =	sne.s32 s15, $0x1;
	_ =	swait.ge [sflag:s23], $0x40  }
.Ltmp0:
0x1ff: {  	[sflag:s23] =	ssyncset.done $0x0;
	(pc) =	sbr.rel @p0 .LBB2_1-.Ltmp0, $4  }
0x200: {  	[sflag:s23] =	ssyncadd.s32 $0xFFFFFFC0  }
0x201: {  	_ =	swait.ge [sflag:s23], $0x40  }
0x202: {  	[sflag:s23] =	ssyncset.done $0x0  }
0x203: {  	s15 =	sadd.s32 $0xFFFFFFFF, s15;
	[sflag:s23] =	ssyncadd.s32 $0xFFFFFFC0  }
0x204: {  	_ =	sfence.sel $0x180000  }
0x205: {  	[bflag:$0x0] =	sbarrier.arrive $0xFFFF  }
0x206: {  	_ =	strace $0x90000047  }
0x207: {  	s0 =	stileid.u32;
	[bflag:$0x2] =	sbarrier.arrive $0xFFFF  }
0x208: {  	p0 =	sne.s32 s0, $0x0;
	s0 =	rddreg [dreg:$0x2]  }
0x209: {  	s0 =	sadd.s32 @!p0 $0x100000, s0  }
0x20a: {  	[sflag:s0] =	ssyncadd.tile.s32 @!p0 $0x1;
	_ =	shalt  }
.Lfunc_end2:
_tile_overlayer_lowered:
.L_overlay_start_2:
0x20b: {  	(tag) =	ssettag $0x2  }
0x20c: {  	s0 =	rddreg [dreg:$0x0];
	s2 =	stileid.u32  }
0x20d: {  	s1 =	rddreg [dreg:$0x1];
	p0 =	sne.s32 s2, $0x0  }
0x20e: {  	s3 =	rddreg [dreg:$0x2];
	[bflag:$0x3] =	sbarrier.arrive $0xFFFF;
	s2 =	simm.s32 @!p0 $0x1C02  }
0x20f: {  	[timem:s3], [sflag:s2] =	dma.local @!p0 [hbm:s0], s1  }
0x210: {  	s0 =	simm.s32 @!p0 $0x2  }
0x211: {  	_ =	swait.ge @!p0 [sflag:s0], s1  }
0x212: {  	s1 =	ssub.s32 @!p0 $0x0, s1;
	[sflag:s0] =	ssyncset.done @!p0 $0x0  }
0x213: {  	[sflag:s0] =	ssyncadd.s32 @!p0 s1  }
0x214: {  	[bflag:$0x3] =	sbarrier.arrive $0xFFFF  }
0x215: {  	_ =	shalt  }

</sc_bundles>
